<compile_context>
chip_gen: v7x
topology: tpu7x:2x2x1
jax: 0.10.2.dev20260603
libtpu: 0.0.44.dev20260713+nightly
codegen_flags: <defaults>
</compile_context>

<pallas_src>
import functools

import jax
import jax.numpy as jnp
from jax import lax
from jax.experimental import pallas as pl
from jax.experimental.pallas import tpu as pltpu
from jax.experimental.pallas import tpu_sc as plsc

RATIO = 0.5
NC, NS = 2, 16
NW = NC * NS
C_EDGE = 128
NB = 16
F32 = jnp.float32



def _sc_segsum(D, KI, PN, NH=1):
    rps = PN // NS
    NGH = KI // NH
    assert NGH * NH == KI and NGH % 2 == 0
    mesh = plsc.VectorSubcoreMesh(
        core_axis_name="c", subcore_axis_name="s", num_cores=NC, num_subcores=NS)

    @functools.partial(
        pl.kernel,
        out_type=jax.ShapeDtypeStruct((NC, PN, D), F32),
        mesh=mesh,
        compiler_params=pltpu.CompilerParams(use_tc_tiling_on_sc=False),
        scratch_types=[
            pltpu.VMEM((NGH, C_EDGE), jnp.int32),
            pltpu.VMEM((NGH, C_EDGE), jnp.int32),
            pltpu.VMEM((C_EDGE, D), F32),
            pltpu.VMEM((C_EDGE, D), F32),
            pltpu.VMEM_SHARED((PN, D), F32),
            pltpu.SemaphoreType.DMA,
            pltpu.SemaphoreType.DMA,
        ],
    )
    def k(table, srcp, dstp, zeros_h, out, srcv, dstv, rows0, rows1, acc,
          sem0, sem1):
        cid = lax.axis_index("c")
        sid = lax.axis_index("s")
        wid = sid * NC + cid
        pltpu.sync_copy(zeros_h.at[pl.ds(sid * rps, rps)],
                        acc.at[pl.ds(sid * rps, rps)])
        plsc.subcore_barrier()

        def body(p, carry):
            i = 2 * p
            pltpu.async_copy(table.at[srcv.at[i + 1]], rows1, sem1)
            pltpu.make_async_copy(table.at[pl.ds(0, C_EDGE)], rows0, sem0).wait()
            pltpu.sync_copy(rows0, acc.at[dstv.at[i]], add=True)

            @pl.when(i + 2 < NGH)
            def _():
                pltpu.async_copy(table.at[srcv.at[i + 2]], rows0, sem0)

            pltpu.make_async_copy(table.at[pl.ds(0, C_EDGE)], rows1, sem1).wait()
            pltpu.sync_copy(rows1, acc.at[dstv.at[i + 1]], add=True)
            return carry

        for hh in range(NH):
            pltpu.sync_copy(srcp.at[wid, pl.ds(hh * NGH, NGH)], srcv)
            pltpu.sync_copy(dstp.at[wid, pl.ds(hh * NGH, NGH)], dstv)
            pltpu.async_copy(table.at[srcv.at[0]], rows0, sem0)
            lax.fori_loop(0, NGH // 2, body, 0)

        plsc.subcore_barrier()
        pltpu.sync_copy(acc.at[pl.ds(sid * rps, rps)],
                        out.at[cid, pl.ds(sid * rps, rps)])

    return k


def _sc_histogram(KI, PN):
    D = NB
    rps = PN // NS
    mesh = plsc.VectorSubcoreMesh(
        core_axis_name="c", subcore_axis_name="s", num_cores=NC, num_subcores=NS)

    @functools.partial(
        pl.kernel,
        out_type=jax.ShapeDtypeStruct((NC, PN, D), F32),
        mesh=mesh,
        compiler_params=pltpu.CompilerParams(use_tc_tiling_on_sc=False),
        scratch_types=[
            pltpu.VMEM((KI, C_EDGE), jnp.int32),
            pltpu.VMEM((C_EDGE, D), F32),
            pltpu.VMEM_SHARED((PN, D), F32),
        ],
    )
    def k(ones_h, dstp, zeros_h, out, dstv, rows, acc):
        cid = lax.axis_index("c")
        sid = lax.axis_index("s")
        wid = sid * NC + cid
        pltpu.sync_copy(zeros_h.at[pl.ds(sid * rps, rps)],
                        acc.at[pl.ds(sid * rps, rps)])
        pltpu.sync_copy(dstp.at[wid], dstv)
        pltpu.sync_copy(ones_h.at[pl.ds(0, C_EDGE)], rows)
        plsc.subcore_barrier()

        def body(i, carry):
            pltpu.sync_copy(rows, acc.at[dstv.at[i]], add=True)
            return carry

        lax.fori_loop(0, KI, body, 0)
        plsc.subcore_barrier()
        pltpu.sync_copy(acc.at[pl.ds(sid * rps, rps)],
                        out.at[cid, pl.ds(sid * rps, rps)])

    return k



def _prep1_body(x_ref, w_ref, degp_ref, hs_ref):
    deg = degp_ref[0][:, :1] + degp_ref[1][:, :1] + 1.0
    dinv = lax.rsqrt(deg)
    hs_ref[...] = jnp.dot(x_ref[...], w_ref[...], preferred_element_type=F32) * dinv


def _prep2_body(h1_ref, w_ref, degp_ref, kept_ref, hs_ref):
    kept = kept_ref[...][:, :1]
    deg = jnp.where(kept > 0, degp_ref[0][:, :1] + degp_ref[1][:, :1] + 1.0, 1.0)
    dinv = lax.rsqrt(deg)
    hs_ref[...] = jnp.dot(h1_ref[...], w_ref[...], preferred_element_type=F32) * dinv


def _post1_body(pp_ref, hs_ref, degp_ref, b_ref, wsc_ref,
                h_ref, srel_ref, sroot_ref):
    deg = degp_ref[0][:, :1] + degp_ref[1][:, :1] + 1.0
    dinv = lax.rsqrt(deg)
    h = jnp.maximum(dinv * (pp_ref[0] + pp_ref[1] + hs_ref[...]) + b_ref[...], 0.0)
    h_ref[...] = h
    sb = jnp.dot(h, wsc_ref[...], preferred_element_type=F32)
    srel_ref[...] = jnp.broadcast_to(sb[:, :1], srel_ref.shape)
    sroot_ref[...] = jnp.broadcast_to(sb[:, 1:2], sroot_ref.shape)


def _post2_body(pp_ref, hs_ref, degp_ref, b_ref, wsc_ref, kept_ref,
                h_ref, srel_ref, sroot_ref):
    kept = kept_ref[...][:, :1]
    deg = jnp.where(kept > 0, degp_ref[0][:, :1] + degp_ref[1][:, :1] + 1.0, 1.0)
    dinv = lax.rsqrt(deg)
    h = jnp.maximum(dinv * (pp_ref[0] + pp_ref[1] + hs_ref[...]) + b_ref[...], 0.0)
    h = jnp.where(kept > 0, h, 0.0)
    h_ref[...] = h
    sb = jnp.dot(h, wsc_ref[...], preferred_element_type=F32)
    srel_ref[...] = jnp.broadcast_to(sb[:, :1], srel_ref.shape)
    sroot_ref[...] = jnp.broadcast_to(sb[:, 1:2], sroot_ref.shape)



def _make_sel_body(PN, with_elig):

    def select(aggT_ref, srootT_ref, batchT_ref, bs_ref, elig_ref,
               keptT_ref, cnt_ref):
        onehot = batchT_ref[...] == lax.broadcasted_iota(jnp.int32, (NB, PN), 0)
        if with_elig:
            onehot = onehot & (elig_ref[...] > 0)
        score = aggT_ref[0] + aggT_ref[1] + srootT_ref[...] + bs_ref[...]
        cnt = jnp.sum(onehot.astype(F32), axis=1, keepdims=True)
        kk = jnp.ceil(RATIO * cnt)
        u = lax.bitcast_convert_type(score, jnp.uint32)
        flip = jnp.where(u >> jnp.uint32(31) == jnp.uint32(1),
                         jnp.uint32(0xFFFFFFFF), jnp.uint32(0x80000000))
        key = u ^ flip

        def rbody(j, t):
            cand = t | jnp.left_shift(jnp.uint32(1), (31 - j).astype(jnp.uint32))
            c = jnp.sum(((key >= cand) & onehot).astype(F32), axis=1,
                        keepdims=True)
            return jnp.where(c >= kk, cand, t)

        V = lax.fori_loop(0, 32, rbody, jnp.zeros((NB, 1), jnp.uint32))
        gt = (key > V) & onehot
        eq = (key == V) & onehot
        m = kk - jnp.sum(gt.astype(F32), axis=1, keepdims=True)
        ridx = lax.broadcasted_iota(jnp.int32, (NB, PN), 1)

        def bbody(j, lohi):
            lo, hi = lohi
            mid = (lo + hi) // 2
            c = jnp.sum((eq & (ridx <= mid)).astype(F32), axis=1, keepdims=True)
            hit = c >= m
            return jnp.where(hit, lo, mid + 1), jnp.where(hit, mid, hi)

        _, J = lax.fori_loop(0, 14, bbody,
                             (jnp.zeros((NB, 1), jnp.int32),
                              jnp.full((NB, 1), PN - 1, jnp.int32)))
        kept = (gt | (eq & (ridx <= J))) & (kk >= 1.0)
        keptT_ref[...] = kept.astype(F32)
        ck = jnp.sum(kept.astype(F32), axis=1, keepdims=True)
        cnt_ref[...] = jnp.broadcast_to(ck, (NB, 128))

    if with_elig:
        def body(aggT_ref, srootT_ref, batchT_ref, bs_ref, elig_ref,
                 keptT_ref, cnt_ref):
            select(aggT_ref, srootT_ref, batchT_ref, bs_ref, elig_ref,
                   keptT_ref, cnt_ref)
    else:
        def body(aggT_ref, srootT_ref, batchT_ref, bs_ref,
                 keptT_ref, cnt_ref):
            select(aggT_ref, srootT_ref, batchT_ref, bs_ref, None,
                   keptT_ref, cnt_ref)
    return body



def _gate_pool_body(h_ref, aggp_ref, sroot_ref, bs_ref, keptn_ref,
                    h1_ref, kept16_ref, sums_ref, mx_ref):
    i = pl.program_id(0)
    score = aggp_ref[0] + aggp_ref[1] + sroot_ref[...] + bs_ref[...]
    kept_row = jnp.sum(keptn_ref[...], axis=1, keepdims=True)
    hg = h_ref[...] * (jnp.tanh(score[:, :1]) * kept_row)
    h1_ref[...] = hg
    kept16_ref[...] = jnp.broadcast_to(kept_row, kept16_ref.shape)
    part = lax.dot_general(keptn_ref[...], hg, (((0,), (0,)), ((), ())),
                           preferred_element_type=F32)
    neg = jnp.float32(-jnp.inf)
    rows = []
    for b in range(NB):
        maskb = keptn_ref[...][:, b:b + 1]
        rows.append(jnp.max(jnp.where(maskb > 0, hg, neg), axis=0, keepdims=True))
    tile_mx = jnp.concatenate(rows, axis=0)

    @pl.when(i == 0)
    def _():
        sums_ref[...] = part
        mx_ref[...] = tile_mx

    @pl.when(i > 0)
    def _():
        sums_ref[...] = sums_ref[...] + part
        mx_ref[...] = jnp.maximum(mx_ref[...], tile_mx)


def _pool2_body(h_ref, aggp_ref, sroot_ref, bs_ref, keptn_ref,
                sums_ref, mx_ref):
    i = pl.program_id(0)
    score = aggp_ref[0] + aggp_ref[1] + sroot_ref[...] + bs_ref[...]
    kept_row = jnp.sum(keptn_ref[...], axis=1, keepdims=True)
    hg = h_ref[...] * (jnp.tanh(score[:, :1]) * kept_row)
    part = lax.dot_general(keptn_ref[...], hg, (((0,), (0,)), ((), ())),
                           preferred_element_type=F32)
    neg = jnp.float32(-jnp.inf)
    rows = []
    for b in range(NB):
        maskb = keptn_ref[...][:, b:b + 1]
        rows.append(jnp.max(jnp.where(maskb > 0, hg, neg), axis=0, keepdims=True))
    tile_mx = jnp.concatenate(rows, axis=0)

    @pl.when(i == 0)
    def _():
        sums_ref[...] = part
        mx_ref[...] = tile_mx

    @pl.when(i > 0)
    def _():
        sums_ref[...] = sums_ref[...] + part
        mx_ref[...] = jnp.maximum(mx_ref[...], tile_mx)



def _head_body(sums1_ref, mx1_ref, cnt1_ref, sums2_ref, mx2_ref, cnt2_ref,
               w1a_ref, w1b_ref, b1_ref, w2_ref, b2_ref, w3_ref, b3_ref,
               logits_ref, probs_ref):
    c1 = cnt1_ref[...][:, :1]
    c2 = cnt2_ref[...][:, :1]
    mean1 = sums1_ref[...] / jnp.maximum(c1, 1.0)
    mean2 = sums2_ref[...] / jnp.maximum(c2, 1.0)
    mx1 = jnp.where(c1 > 0, mx1_ref[...], 0.0)
    mx2 = jnp.where(c2 > 0, mx2_ref[...], 0.0)
    zm = mean1 + mean2
    zx = mx1 + mx2
    z = jnp.maximum(
        jnp.dot(zm, w1a_ref[...], preferred_element_type=F32)
        + jnp.dot(zx, w1b_ref[...], preferred_element_type=F32)
        + b1_ref[...], 0.0)
    z = jnp.maximum(jnp.dot(z, w2_ref[...], preferred_element_type=F32)
                    + b2_ref[...], 0.0)
    logits = jnp.dot(z, w3_ref[...], preferred_element_type=F32) + b3_ref[...]
    logits_ref[...] = logits
    mmax = jnp.max(logits, axis=1, keepdims=True)
    e = jnp.exp(logits - mmax)
    probs_ref[...] = e / jnp.sum(e, axis=1, keepdims=True)



def kernel(x, edge_index, batch, label, W1, b1, Ws1_rel, bs1, Ws1_root, W2, b2,
           Ws2_rel, bs2, Ws2_root, lin1_W, lin1_b, lin2_W, lin2_b, lin3_W, lin3_b):
    N = x.shape[0]
    E = edge_index.shape[1]
    H = W1.shape[1]
    PN = ((N + 511) // 512) * 512
    KI = -(-E // (NW * C_EDGE))
    KI = KI + (KI % 2)
    Rb = 1024 if PN % 1024 == 0 else 512

    src = edge_index[0].astype(jnp.int32)
    dst = edge_index[1].astype(jnp.int32)
    pad_e = NW * KI * C_EDGE - E
    pad_dst = N + (jnp.arange(pad_e, dtype=jnp.int32) % (PN - N))
    srcp = jnp.concatenate([src, jnp.zeros((pad_e,), jnp.int32)]).reshape(NW, KI, C_EDGE)
    dstp = jnp.concatenate([dst, pad_dst]).reshape(NW, KI, C_EDGE)
    xp = jnp.pad(x, ((0, PN - N), (0, 0)))
    batch_pad = jnp.pad(batch.astype(jnp.int32), (0, PN - N), constant_values=NB)
    batch16 = jnp.broadcast_to(batch_pad[:, None], (PN, NB))
    batchT = jnp.broadcast_to(batch_pad[None, :], (NB, PN))
    ones16 = jnp.ones((PN, NB), F32)
    z16 = jnp.zeros((PN, NB), F32)
    z128 = jnp.zeros((PN, H), F32)
    wsc1 = jnp.concatenate([Ws1_rel, Ws1_root], axis=1)
    wsc2 = jnp.concatenate([Ws2_rel, Ws2_root], axis=1)

    seg16 = _sc_segsum(NB, KI, PN)
    seg128 = _sc_segsum(H, KI, PN, NH=2)

    full16 = pl.BlockSpec((2, Rb, NB), lambda i: (0, i, 0))
    row128 = pl.BlockSpec((Rb, H), lambda i: (i, 0))
    row16 = pl.BlockSpec((Rb, NB), lambda i: (i, 0))
    wspec = pl.BlockSpec((H, H), lambda i: (0, 0))
    w2spec = pl.BlockSpec((H, 2), lambda i: (0, 0))
    bspec = pl.BlockSpec((1, H), lambda i: (0, 0))
    b11spec = pl.BlockSpec((1, 1), lambda i: (0, 0))
    pp128 = pl.BlockSpec((2, Rb, H), lambda i: (0, i, 0))
    accspec = pl.BlockSpec((NB, H), lambda i: (0, 0))
    sds = jax.ShapeDtypeStruct
    grid = PN // Rb

    degp1 = _sc_histogram(KI, PN)(ones16, dstp, z16)
    hs1 = pl.pallas_call(
        _prep1_body, grid=(grid,), in_specs=[row128, wspec, full16],
        out_specs=row128, out_shape=sds((PN, H), F32))(xp, W1, degp1)
    featp1 = seg128(hs1, srcp, dstp, z128)
    h, srel16, sroot16 = pl.pallas_call(
        _post1_body, grid=(grid,),
        in_specs=[pp128, row128, full16, bspec, w2spec],
        out_specs=[row128, row16, row16],
        out_shape=[sds((PN, H), F32), sds((PN, NB), F32), sds((PN, NB), F32)])(
        featp1, hs1, degp1, b1.reshape(1, H), wsc1)
    aggp1 = seg16(srel16, srcp, dstp, z16)

    aggT_1 = jnp.stack([jnp.broadcast_to(aggp1[0, :, 0][None, :], (NB, PN)),
                        jnp.broadcast_to(aggp1[1, :, 0][None, :], (NB, PN))])
    srootT1 = jnp.broadcast_to(sroot16[:, 0][None, :], (NB, PN))
    keptT1, cnt1 = pl.pallas_call(
        _make_sel_body(PN, False),
        out_shape=[sds((NB, PN), F32), sds((NB, 128), F32)])(
        aggT_1, srootT1, batchT, bs1.reshape(1, 1))
    keptN1 = jnp.transpose(keptT1)
    h1, kept16, sums1, mx1 = pl.pallas_call(
        _gate_pool_body, grid=(grid,),
        in_specs=[row128, full16, row16, b11spec, row16],
        out_specs=[row128, row16, accspec, accspec],
        out_shape=[sds((PN, H), F32), sds((PN, NB), F32),
                   sds((NB, H), F32), sds((NB, H), F32)])(
        h, aggp1, sroot16, bs1.reshape(1, 1), keptN1)

    degp2 = seg16(kept16, srcp, dstp, z16)
    hs2 = pl.pallas_call(
        _prep2_body, grid=(grid,), in_specs=[row128, wspec, full16, row16],
        out_specs=row128, out_shape=sds((PN, H), F32))(h1, W2, degp2, kept16)
    featp2 = seg128(hs2, srcp, dstp, z128)
    h2, srel2, sroot2 = pl.pallas_call(
        _post2_body, grid=(grid,),
        in_specs=[pp128, row128, full16, bspec, w2spec, row16],
        out_specs=[row128, row16, row16],
        out_shape=[sds((PN, H), F32), sds((PN, NB), F32), sds((PN, NB), F32)])(
        featp2, hs2, degp2, b2.reshape(1, H), wsc2, kept16)
    aggp2 = seg16(srel2, srcp, dstp, z16)

    aggT_2 = jnp.stack([jnp.broadcast_to(aggp2[0, :, 0][None, :], (NB, PN)),
                        jnp.broadcast_to(aggp2[1, :, 0][None, :], (NB, PN))])
    srootT2 = jnp.broadcast_to(sroot2[:, 0][None, :], (NB, PN))
    keptT2, cnt2 = pl.pallas_call(
        _make_sel_body(PN, True),
        out_shape=[sds((NB, PN), F32), sds((NB, 128), F32)])(
        aggT_2, srootT2, batchT, bs2.reshape(1, 1), keptT1)
    keptN2 = jnp.transpose(keptT2)
    sums2, mx2 = pl.pallas_call(
        _pool2_body, grid=(grid,),
        in_specs=[row128, full16, row16, b11spec, row16],
        out_specs=[accspec, accspec],
        out_shape=[sds((NB, H), F32), sds((NB, H), F32)])(
        h2, aggp2, sroot2, bs2.reshape(1, 1), keptN2)

    C = lin3_W.shape[1]
    logits, probs = pl.pallas_call(
        _head_body,
        out_shape=[sds((NB, C), F32), sds((NB, C), F32)])(
        sums1, mx1, cnt1, sums2, mx2, cnt2,
        lin1_W[:H], lin1_W[H:], lin1_b.reshape(1, H), lin2_W,
        lin2_b.reshape(1, lin2_W.shape[1]), lin3_W, lin3_b.reshape(1, C))
    return (logits, probs, label)

# --- scband reference (transcript-rebuilt; emitter-appended) ---
"""Pipeline reference for scband-krag-classifier-584115552954 (READ-ONLY COPY).

The authoritative reference and input builder live on the scoring server;
editing this copy changes nothing except your own understanding.
"""

import jax, jax.numpy as jnp
import numpy as np

RATIO = 0.5

def gcn_conv(x, edge_index, W, b, edge_mask=None):
    N = x.shape[0]
    loop = jnp.arange(N, dtype=edge_index.dtype)
    src = jnp.concatenate([edge_index[0], loop])
    dst = jnp.concatenate([edge_index[1], loop])
    if edge_mask is not None:
        w = jnp.concatenate([edge_mask.astype(x.dtype), jnp.ones(N, x.dtype)])
    else:
        w = jnp.ones(src.shape[0], x.dtype)
    deg = jax.ops.segment_sum(w, dst, num_segments=N)
    dinv = jnp.where(deg > 0, deg ** -0.5, 0.0)
    norm = dinv[src] * dinv[dst]
    if edge_mask is not None:
        norm = norm * w
    h = x @ W
    out = jax.ops.segment_sum(h[src] * norm[:, None], dst, num_segments=N)
    return out + b

def graph_conv(x, edge_index, W_rel, b_rel, W_root, edge_mask=None):
    N = x.shape[0]
    msg = x[edge_index[0]]
    if edge_mask is not None:
        msg = msg * edge_mask.astype(x.dtype)[:, None]
    agg = jax.ops.segment_sum(msg, edge_index[1], num_segments=N)
    return agg @ W_rel + b_rel + x @ W_root

def topk_perm(score, batch, ratio, mask, num_groups):
    n = batch.shape[0]
    s = score.reshape(-1)
    order = jnp.argsort(-s, stable=True)
    dropped = (~mask).astype(jnp.int32)
    order = order[jnp.argsort(dropped[order], stable=True)]
    order = order[jnp.argsort(batch[order], stable=True)]
    cnt_all = jax.ops.segment_sum(jnp.ones((n,), batch.dtype), batch, num_segments=num_groups)
    start = jnp.cumsum(cnt_all) - cnt_all
    bperm = batch[order]
    rank = jnp.arange(n, dtype=batch.dtype) - start[bperm]
    cnt_kept = jax.ops.segment_sum(mask.astype(jnp.float32), batch, num_segments=num_groups)
    k = jnp.ceil(ratio * cnt_kept).astype(batch.dtype)
    keep = (rank < k[bperm]) & mask[order]
    return order, keep

def filter_adj(edge_index, perm, keep, n):
    pos = jnp.zeros((n,), dtype=edge_index.dtype).at[perm].set(
        jnp.arange(n, dtype=edge_index.dtype))
    src = pos[edge_index[0]]; dst = pos[edge_index[1]]
    emask = keep[src] & keep[dst]
    return jnp.stack([src, dst]), emask

def pools(x, batch, B, mask=None):
    if mask is None:
        ones = jnp.ones((x.shape[0],), x.dtype)
        xm = x
        mxin = x
    else:
        ones = mask.astype(x.dtype)
        xm = x * ones[:, None]
        mxin = jnp.where(mask[:, None], x, -jnp.inf)
    cnt = jax.ops.segment_sum(ones, batch, num_segments=B)
    mean = jax.ops.segment_sum(xm, batch, num_segments=B) / jnp.maximum(cnt, 1.0)[:, None]
    mx = jax.ops.segment_max(mxin, batch, num_segments=B)
    mx = jnp.where(cnt[:, None] > 0, mx, 0.0)
    return jnp.concatenate([mean, mx], axis=1)

def setup_inputs(seed: int = 0):
    key = jax.random.key(seed)
    ks = jax.random.split(key, 16)
    N, E, F, H, C, B = 10000, 320000, 128, 128, 10, 16
    x = jax.random.normal(ks[0], (N, F), jnp.float32)
    edge_index = jax.random.randint(ks[1], (2, E), 0, N, dtype=jnp.int64)
    batch = jnp.sort(jax.random.randint(ks[2], (N,), 0, B, dtype=jnp.int64))
    label = jax.random.randint(ks[3], (B,), 0, C, dtype=jnp.int64)
    def lin(k, i, o):
        return (jax.random.normal(k, (i, o), jnp.float32) / np.sqrt(i)).astype(jnp.float32)
    return {
        'x': x, 'edge_index': edge_index, 'batch': batch, 'label': label,
        'W1': lin(ks[4], F, H), 'b1': jnp.zeros((H,), jnp.float32),
        'Ws1_rel': lin(ks[5], H, 1), 'bs1': jnp.zeros((1,), jnp.float32), 'Ws1_root': lin(ks[6], H, 1),
        'W2': lin(ks[7], H, H), 'b2': jnp.zeros((H,), jnp.float32),
        'Ws2_rel': lin(ks[8], H, 1), 'bs2': jnp.zeros((1,), jnp.float32), 'Ws2_root': lin(ks[9], H, 1),
        'lin1_W': lin(ks[10], 2 * H, H), 'lin1_b': jnp.zeros((H,), jnp.float32),
        'lin2_W': lin(ks[11], H, H // 2), 'lin2_b': jnp.zeros((H // 2,), jnp.float32),
        'lin3_W': lin(ks[12], H // 2, C), 'lin3_b': jnp.zeros((C,), jnp.float32),
    }

def reference(x, edge_index, batch, label, W1, b1, Ws1_rel, bs1, Ws1_root, W2, b2, Ws2_rel, bs2, Ws2_root, lin1_W, lin1_b, lin2_W, lin2_b, lin3_W, lin3_b):
    B = label.shape[0]
    N = x.shape[0]
    # layer 1: GCNConv + SAGPooling (GraphConv scorer, tanh nonlinearity)
    h = jax.nn.relu(gcn_conv(x, edge_index, W1, b1))
    score = graph_conv(h, edge_index, Ws1_rel, bs1, Ws1_root).reshape(-1)
    mask0 = jnp.ones((N,), bool)
    perm1, keep1 = topk_perm(score, batch, RATIO, mask0, B)
    h1 = jnp.where(keep1[:, None], h[perm1] * jnp.tanh(score[perm1])[:, None], 0.0)
    ei1, emask1 = filter_adj(edge_index, perm1, keep1, N)
    batch1 = batch[perm1]
    emb1 = pools(h1, batch1, B, keep1)
    # layer 2
    h = jax.nn.relu(gcn_conv(h1, ei1, W2, b2, emask1))
    score2 = graph_conv(h, ei1, Ws2_rel, bs2, Ws2_root, emask1).reshape(-1)
    perm2, keep2 = topk_perm(score2, batch1, RATIO, keep1, B)
    h2 = jnp.where(keep2[:, None], h[perm2] * jnp.tanh(score2[perm2])[:, None], 0.0)
    batch2 = batch1[perm2]
    emb2 = pools(h2, batch2, B, keep2)
    z = emb1 + emb2
    z = jax.nn.relu(z @ lin1_W + lin1_b)
    # dropout is identity in eval mode
    z = jax.nn.relu(z @ lin2_W + lin2_b)
    logits = z @ lin3_W + lin3_b
    Y_prob = jax.nn.softmax(logits, axis=1)
    return (logits, Y_prob, label)

if __name__ == "__main__":
    import jax
    _d = setup_inputs()
    print(jax.jit(kernel)(*tuple(_d.values())))

</pallas_src>

<mosaic_0001>
#map = affine_map<(d0, d1) -> (0, 0)>
#map1 = affine_map<(d0, d1) -> (0, 0, 0)>
module attributes {stable_mosaic.version = 14 : i64} {
  func.func @k(%arg0: i32, %arg1: i32, %arg2: memref<10240x16xf32, #tpu.memory_space<hbm>>, %arg3: memref<32x80x128xi32, #tpu.memory_space<hbm>>, %arg4: memref<10240x16xf32, #tpu.memory_space<hbm>>, %arg5: memref<2x10240x16xf32, #tpu.memory_space<hbm>>, %arg6: memref<80x128xi32, #tpu.memory_space<vmem>>, %arg7: memref<128x16xf32, #tpu.memory_space<vmem>>, %arg8: memref<10240x16xf32, #tpu.memory_space<vmem_shared>>) attributes {dimension_semantics = [#tpu.dimension_semantics<core_parallel>, #tpu.dimension_semantics<subcore_parallel>], iteration_bounds = array<i64: 2, 16>, scalar_prefetch = 0 : i64, scratch_operands = 3 : i64, tpu.core_type = #tpu.core_type<sc_vector_subcore>, window_params = [{transform_indices = #map}, {transform_indices = #map1}, {transform_indices = #map}, {transform_indices = #map1}]} {
    %mul3A = arith.constant 2 : i32
    %mul3A_0 = arith.muli %arg1, %mul3A : i32
    %add3A = arith.addi %mul3A_0, %arg0 : i32
    %mul3A_1 = arith.constant 640 : i32
    %mul3A_2 = arith.muli %arg1, %mul3A_1 : i32
    %mul3A_3 = arith.constant 640 : i32
    %mul3A_4 = arith.muli %arg1, %mul3A_3 : i32
    "tpu.region"() ({
      %run_scoped3A = tpu.sem_alloc : memref<!tpu.dma_semaphore, #tpu.memory_space<semaphore_mem>>
      %dma_start3A = arith.constant 0 : i32
      %dma_start3A_15 = tpu.memref_slice %arg8[%mul3A_4, %dma_start3A] : memref<10240x16xf32, #tpu.memory_space<vmem_shared>> -> memref<640x16xf32, #tpu.memory_space<vmem_shared>>
      %dma_start3A_16 = arith.constant 0 : i32
      %dma_start3A_17 = tpu.memref_slice %arg4[%mul3A_2, %dma_start3A_16] : memref<10240x16xf32, #tpu.memory_space<hbm>> -> memref<640x16xf32, #tpu.memory_space<hbm>>
      tpu.enqueue_dma source(%dma_start3A_17 : memref<640x16xf32, #tpu.memory_space<hbm>>) target(%dma_start3A_15 : memref<640x16xf32, #tpu.memory_space<vmem_shared>>) target_semaphore(%run_scoped3A : memref<!tpu.dma_semaphore, #tpu.memory_space<semaphore_mem>>)
      %dma_wait3A = arith.constant 0 : i32
      %dma_wait3A_18 = tpu.memref_slice %arg8[%mul3A_4, %dma_wait3A] : memref<10240x16xf32, #tpu.memory_space<vmem_shared>> -> memref<640x16xf32, #tpu.memory_space<vmem_shared>>
      %dma_wait3A_19 = arith.constant 0 : i32
      %dma_wait3A_20 = tpu.memref_slice %arg4[%mul3A_2, %dma_wait3A_19] : memref<10240x16xf32, #tpu.memory_space<hbm>> -> memref<640x16xf32, #tpu.memory_space<hbm>>
      tpu.wait_dma2 semaphore(%run_scoped3A : memref<!tpu.dma_semaphore, #tpu.memory_space<semaphore_mem>>) src(%dma_wait3A_20 : memref<640x16xf32, #tpu.memory_space<hbm>>) dst(%dma_wait3A_18 : memref<640x16xf32, #tpu.memory_space<vmem_shared>>)
      tpu.yield
    }) : () -> ()
    "tpu.region"() ({
      %run_scoped3A = tpu.sem_alloc : memref<!tpu.dma_semaphore, #tpu.memory_space<semaphore_mem>>
      %dma_start3A = arith.constant 0 : i32
      %dma_start3A_15 = arith.constant 0 : i32
      %dma_start3A_16 = tpu.memref_slice %arg3[%add3A, %dma_start3A, %dma_start3A_15] : memref<32x80x128xi32, #tpu.memory_space<hbm>> -> memref<1x80x128xi32, #tpu.memory_space<hbm>>
      %dma_start3A_17 = tpu.memref_squeeze %dma_start3A_16 : memref<1x80x128xi32, #tpu.memory_space<hbm>> -> memref<80x128xi32, #tpu.memory_space<hbm>>
      %dma_start3A_18 = arith.constant 0 : i32
      %dma_start3A_19 = arith.constant 0 : i32
      %dma_start3A_20 = tpu.memref_slice %arg3[%add3A, %dma_start3A_18, %dma_start3A_19] : memref<32x80x128xi32, #tpu.memory_space<hbm>> -> memref<1x80x128xi32, #tpu.memory_space<hbm>>
      %dma_start3A_21 = tpu.memref_squeeze %dma_start3A_20 : memref<1x80x128xi32, #tpu.memory_space<hbm>> -> memref<80x128xi32, #tpu.memory_space<hbm>>
      tpu.enqueue_dma source(%dma_start3A_21 : memref<80x128xi32, #tpu.memory_space<hbm>>) target(%arg6 : memref<80x128xi32, #tpu.memory_space<vmem>>) target_semaphore(%run_scoped3A : memref<!tpu.dma_semaphore, #tpu.memory_space<semaphore_mem>>)
      %dma_wait3A = arith.constant 0 : i32
      %dma_wait3A_22 = arith.constant 0 : i32
      %dma_wait3A_23 = tpu.memref_slice %arg3[%add3A, %dma_wait3A, %dma_wait3A_22] : memref<32x80x128xi32, #tpu.memory_space<hbm>> -> memref<1x80x128xi32, #tpu.memory_space<hbm>>
      %dma_wait3A_24 = tpu.memref_squeeze %dma_wait3A_23 : memref<1x80x128xi32, #tpu.memory_space<hbm>> -> memref<80x128xi32, #tpu.memory_space<hbm>>
      %dma_wait3A_25 = arith.constant 0 : i32
      %dma_wait3A_26 = arith.constant 0 : i32
      %dma_wait3A_27 = tpu.memref_slice %arg3[%add3A, %dma_wait3A_25, %dma_wait3A_26] : memref<32x80x128xi32, #tpu.memory_space<hbm>> -> memref<1x80x128xi32, #tpu.memory_space<hbm>>
      %dma_wait3A_28 = tpu.memref_squeeze %dma_wait3A_27 : memref<1x80x128xi32, #tpu.memory_space<hbm>> -> memref<80x128xi32, #tpu.memory_space<hbm>>
      tpu.wait_dma2 semaphore(%run_scoped3A : memref<!tpu.dma_semaphore, #tpu.memory_space<semaphore_mem>>) src(%dma_wait3A_28 : memref<80x128xi32, #tpu.memory_space<hbm>>) dst(%arg6 : memref<80x128xi32, #tpu.memory_space<vmem>>)
      tpu.yield
    }) : () -> ()
    "tpu.region"() ({
      %run_scoped3A = tpu.sem_alloc : memref<!tpu.dma_semaphore, #tpu.memory_space<semaphore_mem>>
      %dma_start3A = arith.constant 0 : i32
      %dma_start3A_15 = arith.constant 0 : i32
      %dma_start3A_16 = tpu.memref_slice %arg2[%dma_start3A, %dma_start3A_15] : memref<10240x16xf32, #tpu.memory_space<hbm>> -> memref<128x16xf32, #tpu.memory_space<hbm>>
      %dma_start3A_17 = arith.constant 0 : i32
      %dma_start3A_18 = arith.constant 0 : i32
      %dma_start3A_19 = tpu.memref_slice %arg2[%dma_start3A_17, %dma_start3A_18] : memref<10240x16xf32, #tpu.memory_space<hbm>> -> memref<128x16xf32, #tpu.memory_space<hbm>>
      tpu.enqueue_dma source(%dma_start3A_19 : memref<128x16xf32, #tpu.memory_space<hbm>>) target(%arg7 : memref<128x16xf32, #tpu.memory_space<vmem>>) target_semaphore(%run_scoped3A : memref<!tpu.dma_semaphore, #tpu.memory_space<semaphore_mem>>)
      %dma_wait3A = arith.constant 0 : i32
      %dma_wait3A_20 = arith.constant 0 : i32
      %dma_wait3A_21 = tpu.memref_slice %arg2[%dma_wait3A, %dma_wait3A_20] : memref<10240x16xf32, #tpu.memory_space<hbm>> -> memref<128x16xf32, #tpu.memory_space<hbm>>
      %dma_wait3A_22 = arith.constant 0 : i32
      %dma_wait3A_23 = arith.constant 0 : i32
      %dma_wait3A_24 = tpu.memref_slice %arg2[%dma_wait3A_22, %dma_wait3A_23] : memref<10240x16xf32, #tpu.memory_space<hbm>> -> memref<128x16xf32, #tpu.memory_space<hbm>>
      tpu.wait_dma2 semaphore(%run_scoped3A : memref<!tpu.dma_semaphore, #tpu.memory_space<semaphore_mem>>) src(%dma_wait3A_24 : memref<128x16xf32, #tpu.memory_space<hbm>>) dst(%arg7 : memref<128x16xf32, #tpu.memory_space<vmem>>)
      tpu.yield
    }) : () -> ()
    %barrier3A = arith.constant 0 : index
    tpu.barrier barrier_id(%barrier3A)
    %scan3A = arith.constant 0 : i32
    %scan3A_5 = arith.constant 0 : i32
    %scan3A_6 = arith.constant 80 : i32
    %scan3A_7 = arith.addi %scan3A_5, %scan3A_6 : i32
    %scan3A_8 = arith.constant 1 : i32
    scf.for %scan3A_15 = %scan3A_5 to %scan3A_7 step %scan3A_8  : i32 {
      "tpu.region"() ({
        %run_scoped3A = tpu.sem_alloc : memref<!tpu.dma_semaphore, #tpu.memory_space<semaphore_mem>>
        %dma_start3A = arith.constant 0 : i32
        %dma_start3A_16 = tpu.memref_slice %arg6[%scan3A_15, %dma_start3A] : memref<80x128xi32, #tpu.memory_space<vmem>> -> memref<1x128xi32, #tpu.memory_space<vmem>>
        %dma_start3A_17 = tpu.memref_squeeze %dma_start3A_16 : memref<1x128xi32, #tpu.memory_space<vmem>> -> memref<128xi32, #tpu.memory_space<vmem>>
        %dma_start3A_18 = arith.constant 0 : i32
        %dma_start3A_19 = arith.constant 0 : i32
        %dma_start3A_20 = tpu.memref_slice %arg8[%dma_start3A_18, %dma_start3A_19] : memref<10240x16xf32, #tpu.memory_space<vmem_shared>> -> memref<10240x16xf32, #tpu.memory_space<vmem_shared>>
        tpu.enqueue_indirect_dma source(%arg7 : memref<128x16xf32, #tpu.memory_space<vmem>>) target(%dma_start3A_20 : memref<10240x16xf32, #tpu.memory_space<vmem_shared>>) offsets(%dma_start3A_17 : memref<128xi32, #tpu.memory_space<vmem>>) semaphore(%run_scoped3A : memref<!tpu.dma_semaphore, #tpu.memory_space<semaphore_mem>>) {add = true}
        %dma_wait3A = arith.constant 0 : i32
        %dma_wait3A_21 = tpu.memref_slice %arg6[%scan3A_15, %dma_wait3A] : memref<80x128xi32, #tpu.memory_space<vmem>> -> memref<1x128xi32, #tpu.memory_space<vmem>>
        %dma_wait3A_22 = tpu.memref_squeeze %dma_wait3A_21 : memref<1x128xi32, #tpu.memory_space<vmem>> -> memref<128xi32, #tpu.memory_space<vmem>>
        %dma_wait3A_23 = arith.constant 0 : i32
        %dma_wait3A_24 = arith.constant 0 : i32
        %dma_wait3A_25 = tpu.memref_slice %arg8[%dma_wait3A_23, %dma_wait3A_24] : memref<10240x16xf32, #tpu.memory_space<vmem_shared>> -> memref<10240x16xf32, #tpu.memory_space<vmem_shared>>
        tpu.wait_indirect_dma semaphore(%run_scoped3A : memref<!tpu.dma_semaphore, #tpu.memory_space<semaphore_mem>>) src(%arg7 : memref<128x16xf32, #tpu.memory_space<vmem>>) dst(%dma_wait3A_25 : memref<10240x16xf32, #tpu.memory_space<vmem_shared>>)
        tpu.yield
      }) : () -> ()
    }
    %scan3A_9 = arith.constant 80 : i32
    %barrier3A_10 = arith.constant 0 : index
    tpu.barrier barrier_id(%barrier3A_10)
    %mul3A_11 = arith.constant 640 : i32
    %mul3A_12 = arith.muli %arg1, %mul3A_11 : i32
    %mul3A_13 = arith.constant 640 : i32
    %mul3A_14 = arith.muli %arg1, %mul3A_13 : i32
    "tpu.region"() ({
      %run_scoped3A = tpu.sem_alloc : memref<!tpu.dma_semaphore, #tpu.memory_space<semaphore_mem>>
      %dma_start3A = arith.constant 0 : i32
      %dma_start3A_15 = tpu.memref_slice %arg5[%arg0, %mul3A_14, %dma_start3A] : memref<2x10240x16xf32, #tpu.memory_space<hbm>> -> memref<1x640x16xf32, #tpu.memory_space<hbm>>
      %dma_start3A_16 = tpu.memref_squeeze %dma_start3A_15 : memref<1x640x16xf32, #tpu.memory_space<hbm>> -> memref<640x16xf32, #tpu.memory_space<hbm>>
      %dma_start3A_17 = arith.constant 0 : i32
      %dma_start3A_18 = tpu.memref_slice %arg8[%mul3A_12, %dma_start3A_17] : memref<10240x16xf32, #tpu.memory_space<vmem_shared>> -> memref<640x16xf32, #tpu.memory_space<vmem_shared>>
      tpu.enqueue_dma source(%dma_start3A_18 : memref<640x16xf32, #tpu.memory_space<vmem_shared>>) target(%dma_start3A_16 : memref<640x16xf32, #tpu.memory_space<hbm>>) target_semaphore(%run_scoped3A : memref<!tpu.dma_semaphore, #tpu.memory_space<semaphore_mem>>)
      %dma_wait3A = arith.constant 0 : i32
      %dma_wait3A_19 = tpu.memref_slice %arg5[%arg0, %mul3A_14, %dma_wait3A] : memref<2x10240x16xf32, #tpu.memory_space<hbm>> -> memref<1x640x16xf32, #tpu.memory_space<hbm>>
      %dma_wait3A_20 = tpu.memref_squeeze %dma_wait3A_19 : memref<1x640x16xf32, #tpu.memory_space<hbm>> -> memref<640x16xf32, #tpu.memory_space<hbm>>
      %dma_wait3A_21 = arith.constant 0 : i32
      %dma_wait3A_22 = tpu.memref_slice %arg8[%mul3A_12, %dma_wait3A_21] : memref<10240x16xf32, #tpu.memory_space<vmem_shared>> -> memref<640x16xf32, #tpu.memory_space<vmem_shared>>
      tpu.wait_dma2 semaphore(%run_scoped3A : memref<!tpu.dma_semaphore, #tpu.memory_space<semaphore_mem>>) src(%dma_wait3A_22 : memref<640x16xf32, #tpu.memory_space<vmem_shared>>) dst(%dma_wait3A_20 : memref<640x16xf32, #tpu.memory_space<hbm>>)
      tpu.yield
    }) : () -> ()
    return
  }
}

#map = affine_map<(d0, d1) -> (0, 0)>
#map1 = affine_map<(d0, d1) -> (0, 0, 0)>
module attributes {stable_mosaic.version = 14 : i64} {
  func.func @k(%arg0: i32, %arg1: i32, %arg2: memref<10240x16xf32, #tpu.memory_space<hbm>>, %arg3: memref<32x80x128xi32, #tpu.memory_space<hbm>>, %arg4: memref<32x80x128xi32, #tpu.memory_space<hbm>>, %arg5: memref<10240x16xf32, #tpu.memory_space<hbm>>, %arg6: memref<2x10240x16xf32, #tpu.memory_space<hbm>>, %arg7: memref<80x128xi32, #tpu.memory_space<vmem>>, %arg8: memref<80x128xi32, #tpu.memory_space<vmem>>, %arg9: memref<128x16xf32, #tpu.memory_space<vmem>>, %arg10: memref<128x16xf32, #tpu.memory_space<vmem>>, %arg11: memref<10240x16xf32, #tpu.memory_space<vmem_shared>>, %arg12: memref<!tpu.dma_semaphore, #tpu.memory_space<semaphore_mem>>, %arg13: memref<!tpu.dma_semaphore, #tpu.memory_space<semaphore_mem>>) attributes {dimension_semantics = [#tpu.dimension_semantics<core_parallel>, #tpu.dimension_semantics<subcore_parallel>], iteration_bounds = array<i64: 2, 16>, scalar_prefetch = 0 : i64, scratch_operands = 7 : i64, tpu.core_type = #tpu.core_type<sc_vector_subcore>, window_params = [{transform_indices = #map}, {transform_indices = #map1}, {transform_indices = #map1}, {transform_indices = #map}, {transform_indices = #map1}]} {
    %mul3A = arith.constant 2 : i32
    %mul3A_0 = arith.muli %arg1, %mul3A : i32
    %add3A = arith.addi %mul3A_0, %arg0 : i32
    %mul3A_1 = arith.constant 640 : i32
    %mul3A_2 = arith.muli %arg1, %mul3A_1 : i32
    %mul3A_3 = arith.constant 640 : i32
    %mul3A_4 = arith.muli %arg1, %mul3A_3 : i32
    "tpu.region"() ({
      %run_scoped3A = tpu.sem_alloc : memref<!tpu.dma_semaphore, #tpu.memory_space<semaphore_mem>>
      %dma_start3A_21 = arith.constant 0 : i32
      %dma_start3A_22 = tpu.memref_slice %arg11[%mul3A_4, %dma_start3A_21] : memref<10240x16xf32, #tpu.memory_space<vmem_shared>> -> memref<640x16xf32, #tpu.memory_space<vmem_shared>>
      %dma_start3A_23 = arith.constant 0 : i32
      %dma_start3A_24 = tpu.memref_slice %arg5[%mul3A_2, %dma_start3A_23] : memref<10240x16xf32, #tpu.memory_space<hbm>> -> memref<640x16xf32, #tpu.memory_space<hbm>>
      tpu.enqueue_dma source(%dma_start3A_24 : memref<640x16xf32, #tpu.memory_space<hbm>>) target(%dma_start3A_22 : memref<640x16xf32, #tpu.memory_space<vmem_shared>>) target_semaphore(%run_scoped3A : memref<!tpu.dma_semaphore, #tpu.memory_space<semaphore_mem>>)
      %dma_wait3A = arith.constant 0 : i32
      %dma_wait3A_25 = tpu.memref_slice %arg11[%mul3A_4, %dma_wait3A] : memref<10240x16xf32, #tpu.memory_space<vmem_shared>> -> memref<640x16xf32, #tpu.memory_space<vmem_shared>>
      %dma_wait3A_26 = arith.constant 0 : i32
      %dma_wait3A_27 = tpu.memref_slice %arg5[%mul3A_2, %dma_wait3A_26] : memref<10240x16xf32, #tpu.memory_space<hbm>> -> memref<640x16xf32, #tpu.memory_space<hbm>>
      tpu.wait_dma2 semaphore(%run_scoped3A : memref<!tpu.dma_semaphore, #tpu.memory_space<semaphore_mem>>) src(%dma_wait3A_27 : memref<640x16xf32, #tpu.memory_space<hbm>>) dst(%dma_wait3A_25 : memref<640x16xf32, #tpu.memory_space<vmem_shared>>)
      tpu.yield
    }) : () -> ()
    %barrier3A = arith.constant 0 : index
    tpu.barrier barrier_id(%barrier3A)
    "tpu.region"() ({
      %run_scoped3A = tpu.sem_alloc : memref<!tpu.dma_semaphore, #tpu.memory_space<semaphore_mem>>
      %dma_start3A_21 = arith.constant 0 : i32
      %dma_start3A_22 = arith.constant 0 : i32
      %dma_start3A_23 = tpu.memref_slice %arg3[%add3A, %dma_start3A_21, %dma_start3A_22] : memref<32x80x128xi32, #tpu.memory_space<hbm>> -> memref<1x80x128xi32, #tpu.memory_space<hbm>>
      %dma_start3A_24 = tpu.memref_squeeze %dma_start3A_23 : memref<1x80x128xi32, #tpu.memory_space<hbm>> -> memref<80x128xi32, #tpu.memory_space<hbm>>
      %dma_start3A_25 = arith.constant 0 : i32
      %dma_start3A_26 = arith.constant 0 : i32
      %dma_start3A_27 = tpu.memref_slice %arg3[%add3A, %dma_start3A_25, %dma_start3A_26] : memref<32x80x128xi32, #tpu.memory_space<hbm>> -> memref<1x80x128xi32, #tpu.memory_space<hbm>>
      %dma_start3A_28 = tpu.memref_squeeze %dma_start3A_27 : memref<1x80x128xi32, #tpu.memory_space<hbm>> -> memref<80x128xi32, #tpu.memory_space<hbm>>
      tpu.enqueue_dma source(%dma_start3A_28 : memref<80x128xi32, #tpu.memory_space<hbm>>) target(%arg7 : memref<80x128xi32, #tpu.memory_space<vmem>>) target_semaphore(%run_scoped3A : memref<!tpu.dma_semaphore, #tpu.memory_space<semaphore_mem>>)
      %dma_wait3A = arith.constant 0 : i32
      %dma_wait3A_29 = arith.constant 0 : i32
      %dma_wait3A_30 = tpu.memref_slice %arg3[%add3A, %dma_wait3A, %dma_wait3A_29] : memref<32x80x128xi32, #tpu.memory_space<hbm>> -> memref<1x80x128xi32, #tpu.memory_space<hbm>>
      %dma_wait3A_31 = tpu.memref_squeeze %dma_wait3A_30 : memref<1x80x128xi32, #tpu.memory_space<hbm>> -> memref<80x128xi32, #tpu.memory_space<hbm>>
      %dma_wait3A_32 = arith.constant 0 : i32
      %dma_wait3A_33 = arith.constant 0 : i32
      %dma_wait3A_34 = tpu.memref_slice %arg3[%add3A, %dma_wait3A_32, %dma_wait3A_33] : memref<32x80x128xi32, #tpu.memory_space<hbm>> -> memref<1x80x128xi32, #tpu.memory_space<hbm>>
      %dma_wait3A_35 = tpu.memref_squeeze %dma_wait3A_34 : memref<1x80x128xi32, #tpu.memory_space<hbm>> -> memref<80x128xi32, #tpu.memory_space<hbm>>
      tpu.wait_dma2 semaphore(%run_scoped3A : memref<!tpu.dma_semaphore, #tpu.memory_space<semaphore_mem>>) src(%dma_wait3A_35 : memref<80x128xi32, #tpu.memory_space<hbm>>) dst(%arg7 : memref<80x128xi32, #tpu.memory_space<vmem>>)
      tpu.yield
    }) : () -> ()
    "tpu.region"() ({
      %run_scoped3A = tpu.sem_alloc : memref<!tpu.dma_semaphore, #tpu.memory_space<semaphore_mem>>
      %dma_start3A_21 = arith.constant 0 : i32
      %dma_start3A_22 = arith.constant 0 : i32
      %dma_start3A_23 = tpu.memref_slice %arg4[%add3A, %dma_start3A_21, %dma_start3A_22] : memref<32x80x128xi32, #tpu.memory_space<hbm>> -> memref<1x80x128xi32, #tpu.memory_space<hbm>>
      %dma_start3A_24 = tpu.memref_squeeze %dma_start3A_23 : memref<1x80x128xi32, #tpu.memory_space<hbm>> -> memref<80x128xi32, #tpu.memory_space<hbm>>
      %dma_start3A_25 = arith.constant 0 : i32
      %dma_start3A_26 = arith.constant 0 : i32
      %dma_start3A_27 = tpu.memref_slice %arg4[%add3A, %dma_start3A_25, %dma_start3A_26] : memref<32x80x128xi32, #tpu.memory_space<hbm>> -> memref<1x80x128xi32, #tpu.memory_space<hbm>>
      %dma_start3A_28 = tpu.memref_squeeze %dma_start3A_27 : memref<1x80x128xi32, #tpu.memory_space<hbm>> -> memref<80x128xi32, #tpu.memory_space<hbm>>
      tpu.enqueue_dma source(%dma_start3A_28 : memref<80x128xi32, #tpu.memory_space<hbm>>) target(%arg8 : memref<80x128xi32, #tpu.memory_space<vmem>>) target_semaphore(%run_scoped3A : memref<!tpu.dma_semaphore, #tpu.memory_space<semaphore_mem>>)
      %dma_wait3A = arith.constant 0 : i32
      %dma_wait3A_29 = arith.constant 0 : i32
      %dma_wait3A_30 = tpu.memref_slice %arg4[%add3A, %dma_wait3A, %dma_wait3A_29] : memref<32x80x128xi32, #tpu.memory_space<hbm>> -> memref<1x80x128xi32, #tpu.memory_space<hbm>>
      %dma_wait3A_31 = tpu.memref_squeeze %dma_wait3A_30 : memref<1x80x128xi32, #tpu.memory_space<hbm>> -> memref<80x128xi32, #tpu.memory_space<hbm>>
      %dma_wait3A_32 = arith.constant 0 : i32
      %dma_wait3A_33 = arith.constant 0 : i32
      %dma_wait3A_34 = tpu.memref_slice %arg4[%add3A, %dma_wait3A_32, %dma_wait3A_33] : memref<32x80x128xi32, #tpu.memory_space<hbm>> -> memref<1x80x128xi32, #tpu.memory_space<hbm>>
      %dma_wait3A_35 = tpu.memref_squeeze %dma_wait3A_34 : memref<1x80x128xi32, #tpu.memory_space<hbm>> -> memref<80x128xi32, #tpu.memory_space<hbm>>
      tpu.wait_dma2 semaphore(%run_scoped3A : memref<!tpu.dma_semaphore, #tpu.memory_space<semaphore_mem>>) src(%dma_wait3A_35 : memref<80x128xi32, #tpu.memory_space<hbm>>) dst(%arg8 : memref<80x128xi32, #tpu.memory_space<vmem>>)
      tpu.yield
    }) : () -> ()
    %dma_start3A = arith.constant 0 : i32
    %dma_start3A_5 = arith.constant 0 : i32
    %dma_start3A_6 = tpu.memref_slice %arg7[%dma_start3A, %dma_start3A_5] : memref<80x128xi32, #tpu.memory_space<vmem>> -> memref<1x128xi32, #tpu.memory_space<vmem>>
    %dma_start3A_7 = tpu.memref_squeeze %dma_start3A_6 : memref<1x128xi32, #tpu.memory_space<vmem>> -> memref<128xi32, #tpu.memory_space<vmem>>
    %dma_start3A_8 = arith.constant 0 : i32
    %dma_start3A_9 = arith.constant 0 : i32
    %dma_start3A_10 = tpu.memref_slice %arg2[%dma_start3A_8, %dma_start3A_9] : memref<10240x16xf32, #tpu.memory_space<hbm>> -> memref<10240x16xf32, #tpu.memory_space<hbm>>
    tpu.enqueue_indirect_dma source(%dma_start3A_10 : memref<10240x16xf32, #tpu.memory_space<hbm>>) target(%arg9 : memref<128x16xf32, #tpu.memory_space<vmem>>) offsets(%dma_start3A_7 : memref<128xi32, #tpu.memory_space<vmem>>) semaphore(%arg12 : memref<!tpu.dma_semaphore, #tpu.memory_space<semaphore_mem>>)
    %scan3A = arith.constant 0 : i32
    %scan3A_11 = arith.constant 0 : i32
    %scan3A_12 = arith.constant 40 : i32
    %scan3A_13 = arith.addi %scan3A_11, %scan3A_12 : i32
    %scan3A_14 = arith.constant 1 : i32
    scf.for %scan3A_21 = %scan3A_11 to %scan3A_13 step %scan3A_14  : i32 {
      %mul3A_22 = arith.constant 2 : i32
      %mul3A_23 = arith.muli %mul3A_22, %scan3A_21 : i32
      %add3A_24 = arith.constant 1 : i32
      %add3A_25 = arith.addi %mul3A_23, %add3A_24 : i32
      %dma_start3A_26 = arith.constant 0 : i32
      %dma_start3A_27 = tpu.memref_slice %arg7[%add3A_25, %dma_start3A_26] : memref<80x128xi32, #tpu.memory_space<vmem>> -> memref<1x128xi32, #tpu.memory_space<vmem>>
      %dma_start3A_28 = tpu.memref_squeeze %dma_start3A_27 : memref<1x128xi32, #tpu.memory_space<vmem>> -> memref<128xi32, #tpu.memory_space<vmem>>
      %dma_start3A_29 = arith.constant 0 : i32
      %dma_start3A_30 = arith.constant 0 : i32
      %dma_start3A_31 = tpu.memref_slice %arg2[%dma_start3A_29, %dma_start3A_30] : memref<10240x16xf32, #tpu.memory_space<hbm>> -> memref<10240x16xf32, #tpu.memory_space<hbm>>
      tpu.enqueue_indirect_dma source(%dma_start3A_31 : memref<10240x16xf32, #tpu.memory_space<hbm>>) target(%arg10 : memref<128x16xf32, #tpu.memory_space<vmem>>) offsets(%dma_start3A_28 : memref<128xi32, #tpu.memory_space<vmem>>) semaphore(%arg13 : memref<!tpu.dma_semaphore, #tpu.memory_space<semaphore_mem>>)
      %dma_wait3A = arith.constant 0 : i32
      %dma_wait3A_32 = arith.constant 0 : i32
      %dma_wait3A_33 = tpu.memref_slice %arg2[%dma_wait3A, %dma_wait3A_32] : memref<10240x16xf32, #tpu.memory_space<hbm>> -> memref<128x16xf32, #tpu.memory_space<hbm>>
      %dma_wait3A_34 = arith.constant 0 : i32
      %dma_wait3A_35 = arith.constant 0 : i32
      %dma_wait3A_36 = tpu.memref_slice %arg2[%dma_wait3A_34, %dma_wait3A_35] : memref<10240x16xf32, #tpu.memory_space<hbm>> -> memref<128x16xf32, #tpu.memory_space<hbm>>
      tpu.wait_dma2 semaphore(%arg12 : memref<!tpu.dma_semaphore, #tpu.memory_space<semaphore_mem>>) src(%dma_wait3A_36 : memref<128x16xf32, #tpu.memory_space<hbm>>) dst(%arg9 : memref<128x16xf32, #tpu.memory_space<vmem>>)
      "tpu.region"() ({
        %run_scoped3A = tpu.sem_alloc : memref<!tpu.dma_semaphore, #tpu.memory_space<semaphore_mem>>
        %dma_start3A_49 = arith.constant 0 : i32
        %dma_start3A_50 = tpu.memref_slice %arg8[%mul3A_23, %dma_start3A_49] : memref<80x128xi32, #tpu.memory_space<vmem>> -> memref<1x128xi32, #tpu.memory_space<vmem>>
        %dma_start3A_51 = tpu.memref_squeeze %dma_start3A_50 : memref<1x128xi32, #tpu.memory_space<vmem>> -> memref<128xi32, #tpu.memory_space<vmem>>
        %dma_start3A_52 = arith.constant 0 : i32
        %dma_start3A_53 = arith.constant 0 : i32
        %dma_start3A_54 = tpu.memref_slice %arg11[%dma_start3A_52, %dma_start3A_53] : memref<10240x16xf32, #tpu.memory_space<vmem_shared>> -> memref<10240x16xf32, #tpu.memory_space<vmem_shared>>
        tpu.enqueue_indirect_dma source(%arg9 : memref<128x16xf32, #tpu.memory_space<vmem>>) target(%dma_start3A_54 : memref<10240x16xf32, #tpu.memory_space<vmem_shared>>) offsets(%dma_start3A_51 : memref<128xi32, #tpu.memory_space<vmem>>) semaphore(%run_scoped3A : memref<!tpu.dma_semaphore, #tpu.memory_space<semaphore_mem>>) {add = true}
        %dma_wait3A_55 = arith.constant 0 : i32
        %dma_wait3A_56 = tpu.memref_slice %arg8[%mul3A_23, %dma_wait3A_55] : memref<80x128xi32, #tpu.memory_space<vmem>> -> memref<1x128xi32, #tpu.memory_space<vmem>>
        %dma_wait3A_57 = tpu.memref_squeeze %dma_wait3A_56 : memref<1x128xi32, #tpu.memory_space<vmem>> -> memref<128xi32, #tpu.memory_space<vmem>>
        %dma_wait3A_58 = arith.constant 0 : i32
        %dma_wait3A_59 = arith.constant 0 : i32
        %dma_wait3A_60 = tpu.memref_slice %arg11[%dma_wait3A_58, %dma_wait3A_59] : memref<10240x16xf32, #tpu.memory_space<vmem_shared>> -> memref<10240x16xf32, #tpu.memory_space<vmem_shared>>
        tpu.wait_indirect_dma semaphore(%run_scoped3A : memref<!tpu.dma_semaphore, #tpu.memory_space<semaphore_mem>>) src(%arg9 : memref<128x16xf32, #tpu.memory_space<vmem>>) dst(%dma_wait3A_60 : memref<10240x16xf32, #tpu.memory_space<vmem_shared>>)
        tpu.yield
      }) : () -> ()
      %add3A_37 = arith.constant 2 : i32
      %add3A_38 = arith.addi %mul3A_23, %add3A_37 : i32
      %lt3A = arith.constant 80 : i32
      %lt3A_39 = arith.cmpi slt, %add3A_38, %lt3A : i32
      %convert_element_type3A = arith.extui %lt3A_39 : i1 to i32
      %cond3A = arith.constant 0 : i32
      %cond3A_40 = arith.cmpi ne, %convert_element_type3A, %cond3A : i32
      scf.if %cond3A_40 {
        %add3A_49 = arith.constant 2 : i32
        %add3A_50 = arith.addi %mul3A_23, %add3A_49 : i32
        %dma_start3A_51 = arith.constant 0 : i32
        %dma_start3A_52 = tpu.memref_slice %arg7[%add3A_50, %dma_start3A_51] : memref<80x128xi32, #tpu.memory_space<vmem>> -> memref<1x128xi32, #tpu.memory_space<vmem>>
        %dma_start3A_53 = tpu.memref_squeeze %dma_start3A_52 : memref<1x128xi32, #tpu.memory_space<vmem>> -> memref<128xi32, #tpu.memory_space<vmem>>
        %dma_start3A_54 = arith.constant 0 : i32
        %dma_start3A_55 = arith.constant 0 : i32
        %dma_start3A_56 = tpu.memref_slice %arg2[%dma_start3A_54, %dma_start3A_55] : memref<10240x16xf32, #tpu.memory_space<hbm>> -> memref<10240x16xf32, #tpu.memory_space<hbm>>
        tpu.enqueue_indirect_dma source(%dma_start3A_56 : memref<10240x16xf32, #tpu.memory_space<hbm>>) target(%arg9 : memref<128x16xf32, #tpu.memory_space<vmem>>) offsets(%dma_start3A_53 : memref<128xi32, #tpu.memory_space<vmem>>) semaphore(%arg12 : memref<!tpu.dma_semaphore, #tpu.memory_space<semaphore_mem>>)
      } else {
      }
      %dma_wait3A_41 = arith.constant 0 : i32
      %dma_wait3A_42 = arith.constant 0 : i32
      %dma_wait3A_43 = tpu.memref_slice %arg2[%dma_wait3A_41, %dma_wait3A_42] : memref<10240x16xf32, #tpu.memory_space<hbm>> -> memref<128x16xf32, #tpu.memory_space<hbm>>
      %dma_wait3A_44 = arith.constant 0 : i32
      %dma_wait3A_45 = arith.constant 0 : i32
      %dma_wait3A_46 = tpu.memref_slice %arg2[%dma_wait3A_44, %dma_wait3A_45] : memref<10240x16xf32, #tpu.memory_space<hbm>> -> memref<128x16xf32, #tpu.memory_space<hbm>>
      tpu.wait_dma2 semaphore(%arg13 : memref<!tpu.dma_semaphore, #tpu.memory_space<semaphore_mem>>) src(%dma_wait3A_46 : memref<128x16xf32, #tpu.memory_space<hbm>>) dst(%arg10 : memref<128x16xf32, #tpu.memory_space<vmem>>)
      %add3A_47 = arith.constant 1 : i32
      %add3A_48 = arith.addi %mul3A_23, %add3A_47 : i32
      "tpu.region"() ({
        %run_scoped3A = tpu.sem_alloc : memref<!tpu.dma_semaphore, #tpu.memory_space<semaphore_mem>>
        %dma_start3A_49 = arith.constant 0 : i32
        %dma_start3A_50 = tpu.memref_slice %arg8[%add3A_48, %dma_start3A_49] : memref<80x128xi32, #tpu.memory_space<vmem>> -> memref<1x128xi32, #tpu.memory_space<vmem>>
        %dma_start3A_51 = tpu.memref_squeeze %dma_start3A_50 : memref<1x128xi32, #tpu.memory_space<vmem>> -> memref<128xi32, #tpu.memory_space<vmem>>
        %dma_start3A_52 = arith.constant 0 : i32
        %dma_start3A_53 = arith.constant 0 : i32
        %dma_start3A_54 = tpu.memref_slice %arg11[%dma_start3A_52, %dma_start3A_53] : memref<10240x16xf32, #tpu.memory_space<vmem_shared>> -> memref<10240x16xf32, #tpu.memory_space<vmem_shared>>
        tpu.enqueue_indirect_dma source(%arg10 : memref<128x16xf32, #tpu.memory_space<vmem>>) target(%dma_start3A_54 : memref<10240x16xf32, #tpu.memory_space<vmem_shared>>) offsets(%dma_start3A_51 : memref<128xi32, #tpu.memory_space<vmem>>) semaphore(%run_scoped3A : memref<!tpu.dma_semaphore, #tpu.memory_space<semaphore_mem>>) {add = true}
        %dma_wait3A_55 = arith.constant 0 : i32
        %dma_wait3A_56 = tpu.memref_slice %arg8[%add3A_48, %dma_wait3A_55] : memref<80x128xi32, #tpu.memory_space<vmem>> -> memref<1x128xi32, #tpu.memory_space<vmem>>
        %dma_wait3A_57 = tpu.memref_squeeze %dma_wait3A_56 : memref<1x128xi32, #tpu.memory_space<vmem>> -> memref<128xi32, #tpu.memory_space<vmem>>
        %dma_wait3A_58 = arith.constant 0 : i32
        %dma_wait3A_59 = arith.constant 0 : i32
        %dma_wait3A_60 = tpu.memref_slice %arg11[%dma_wait3A_58, %dma_wait3A_59] : memref<10240x16xf32, #tpu.memory_space<vmem_shared>> -> memref<10240x16xf32, #tpu.memory_space<vmem_shared>>
        tpu.wait_indirect_dma semaphore(%run_scoped3A : memref<!tpu.dma_semaphore, #tpu.memory_space<semaphore_mem>>) src(%arg10 : memref<128x16xf32, #tpu.memory_space<vmem>>) dst(%dma_wait3A_60 : memref<10240x16xf32, #tpu.memory_space<vmem_shared>>)
        tpu.yield
      }) : () -> ()
    }
    %scan3A_15 = arith.constant 40 : i32
    %barrier3A_16 = arith.constant 0 : index
    tpu.barrier barrier_id(%barrier3A_16)
    %mul3A_17 = arith.constant 640 : i32
    %mul3A_18 = arith.muli %arg1, %mul3A_17 : i32
    %mul3A_19 = arith.constant 640 : i32
    %mul3A_20 = arith.muli %arg1, %mul3A_19 : i32
    "tpu.region"() ({
      %run_scoped3A = tpu.sem_alloc : memref<!tpu.dma_semaphore, #tpu.memory_space<semaphore_mem>>
      %dma_start3A_21 = arith.constant 0 : i32
      %dma_start3A_22 = tpu.memref_slice %arg6[%arg0, %mul3A_20, %dma_start3A_21] : memref<2x10240x16xf32, #tpu.memory_space<hbm>> -> memref<1x640x16xf32, #tpu.memory_space<hbm>>
      %dma_start3A_23 = tpu.memref_squeeze %dma_start3A_22 : memref<1x640x16xf32, #tpu.memory_space<hbm>> -> memref<640x16xf32, #tpu.memory_space<hbm>>
      %dma_start3A_24 = arith.constant 0 : i32
      %dma_start3A_25 = tpu.memref_slice %arg11[%mul3A_18, %dma_start3A_24] : memref<10240x16xf32, #tpu.memory_space<vmem_shared>> -> memref<640x16xf32, #tpu.memory_space<vmem_shared>>
      tpu.enqueue_dma source(%dma_start3A_25 : memref<640x16xf32, #tpu.memory_space<vmem_shared>>) target(%dma_start3A_23 : memref<640x16xf32, #tpu.memory_space<hbm>>) target_semaphore(%run_scoped3A : memref<!tpu.dma_semaphore, #tpu.memory_space<semaphore_mem>>)
      %dma_wait3A = arith.constant 0 : i32
      %dma_wait3A_26 = tpu.memref_slice %arg6[%arg0, %mul3A_20, %dma_wait3A] : memref<2x10240x16xf32, #tpu.memory_space<hbm>> -> memref<1x640x16xf32, #tpu.memory_space<hbm>>
      %dma_wait3A_27 = tpu.memref_squeeze %dma_wait3A_26 : memref<1x640x16xf32, #tpu.memory_space<hbm>> -> memref<640x16xf32, #tpu.memory_space<hbm>>
      %dma_wait3A_28 = arith.constant 0 : i32
      %dma_wait3A_29 = tpu.memref_slice %arg11[%mul3A_18, %dma_wait3A_28] : memref<10240x16xf32, #tpu.memory_space<vmem_shared>> -> memref<640x16xf32, #tpu.memory_space<vmem_shared>>
      tpu.wait_dma2 semaphore(%run_scoped3A : memref<!tpu.dma_semaphore, #tpu.memory_space<semaphore_mem>>) src(%dma_wait3A_29 : memref<640x16xf32, #tpu.memory_space<vmem_shared>>) dst(%dma_wait3A_27 : memref<640x16xf32, #tpu.memory_space<hbm>>)
      tpu.yield
    }) : () -> ()
    return
  }
}

#map = affine_map<(d0, d1) -> (0, 0)>
#map1 = affine_map<(d0, d1) -> (0, 0, 0)>
module attributes {stable_mosaic.version = 14 : i64} {
  func.func @k(%arg0: i32, %arg1: i32, %arg2: memref<10240x128xf32, #tpu.memory_space<hbm>>, %arg3: memref<32x80x128xi32, #tpu.memory_space<hbm>>, %arg4: memref<32x80x128xi32, #tpu.memory_space<hbm>>, %arg5: memref<10240x128xf32, #tpu.memory_space<hbm>>, %arg6: memref<2x10240x128xf32, #tpu.memory_space<hbm>>, %arg7: memref<40x128xi32, #tpu.memory_space<vmem>>, %arg8: memref<40x128xi32, #tpu.memory_space<vmem>>, %arg9: memref<128x128xf32, #tpu.memory_space<vmem>>, %arg10: memref<128x128xf32, #tpu.memory_space<vmem>>, %arg11: memref<10240x128xf32, #tpu.memory_space<vmem_shared>>, %arg12: memref<!tpu.dma_semaphore, #tpu.memory_space<semaphore_mem>>, %arg13: memref<!tpu.dma_semaphore, #tpu.memory_space<semaphore_mem>>) attributes {dimension_semantics = [#tpu.dimension_semantics<core_parallel>, #tpu.dimension_semantics<subcore_parallel>], iteration_bounds = array<i64: 2, 16>, scalar_prefetch = 0 : i64, scratch_operands = 7 : i64, tpu.core_type = #tpu.core_type<sc_vector_subcore>, window_params = [{transform_indices = #map}, {transform_indices = #map1}, {transform_indices = #map1}, {transform_indices = #map}, {transform_indices = #map1}]} {
    %mul3A = arith.constant 2 : i32
    %mul3A_0 = arith.muli %arg1, %mul3A : i32
    %add3A = arith.addi %mul3A_0, %arg0 : i32
    %mul3A_1 = arith.constant 640 : i32
    %mul3A_2 = arith.muli %arg1, %mul3A_1 : i32
    %mul3A_3 = arith.constant 640 : i32
    %mul3A_4 = arith.muli %arg1, %mul3A_3 : i32
    "tpu.region"() ({
      %run_scoped3A = tpu.sem_alloc : memref<!tpu.dma_semaphore, #tpu.memory_space<semaphore_mem>>
      %dma_start3A_34 = arith.constant 0 : i32
      %dma_start3A_35 = tpu.memref_slice %arg11[%mul3A_4, %dma_start3A_34] : memref<10240x128xf32, #tpu.memory_space<vmem_shared>> -> memref<640x128xf32, #tpu.memory_space<vmem_shared>>
      %dma_start3A_36 = arith.constant 0 : i32
      %dma_start3A_37 = tpu.memref_slice %arg5[%mul3A_2, %dma_start3A_36] : memref<10240x128xf32, #tpu.memory_space<hbm>> -> memref<640x128xf32, #tpu.memory_space<hbm>>
      tpu.enqueue_dma source(%dma_start3A_37 : memref<640x128xf32, #tpu.memory_space<hbm>>) target(%dma_start3A_35 : memref<640x128xf32, #tpu.memory_space<vmem_shared>>) target_semaphore(%run_scoped3A : memref<!tpu.dma_semaphore, #tpu.memory_space<semaphore_mem>>)
      %dma_wait3A = arith.constant 0 : i32
      %dma_wait3A_38 = tpu.memref_slice %arg11[%mul3A_4, %dma_wait3A] : memref<10240x128xf32, #tpu.memory_space<vmem_shared>> -> memref<640x128xf32, #tpu.memory_space<vmem_shared>>
      %dma_wait3A_39 = arith.constant 0 : i32
      %dma_wait3A_40 = tpu.memref_slice %arg5[%mul3A_2, %dma_wait3A_39] : memref<10240x128xf32, #tpu.memory_space<hbm>> -> memref<640x128xf32, #tpu.memory_space<hbm>>
      tpu.wait_dma2 semaphore(%run_scoped3A : memref<!tpu.dma_semaphore, #tpu.memory_space<semaphore_mem>>) src(%dma_wait3A_40 : memref<640x128xf32, #tpu.memory_space<hbm>>) dst(%dma_wait3A_38 : memref<640x128xf32, #tpu.memory_space<vmem_shared>>)
      tpu.yield
    }) : () -> ()
    %barrier3A = arith.constant 0 : index
    tpu.barrier barrier_id(%barrier3A)
    "tpu.region"() ({
      %run_scoped3A = tpu.sem_alloc : memref<!tpu.dma_semaphore, #tpu.memory_space<semaphore_mem>>
      %dma_start3A_34 = arith.constant 0 : i32
      %dma_start3A_35 = arith.constant 0 : i32
      %dma_start3A_36 = tpu.memref_slice %arg3[%add3A, %dma_start3A_34, %dma_start3A_35] : memref<32x80x128xi32, #tpu.memory_space<hbm>> -> memref<1x40x128xi32, #tpu.memory_space<hbm>>
      %dma_start3A_37 = tpu.memref_squeeze %dma_start3A_36 : memref<1x40x128xi32, #tpu.memory_space<hbm>> -> memref<40x128xi32, #tpu.memory_space<hbm>>
      %dma_start3A_38 = arith.constant 0 : i32
      %dma_start3A_39 = arith.constant 0 : i32
      %dma_start3A_40 = tpu.memref_slice %arg3[%add3A, %dma_start3A_38, %dma_start3A_39] : memref<32x80x128xi32, #tpu.memory_space<hbm>> -> memref<1x40x128xi32, #tpu.memory_space<hbm>>
      %dma_start3A_41 = tpu.memref_squeeze %dma_start3A_40 : memref<1x40x128xi32, #tpu.memory_space<hbm>> -> memref<40x128xi32, #tpu.memory_space<hbm>>
      tpu.enqueue_dma source(%dma_start3A_41 : memref<40x128xi32, #tpu.memory_space<hbm>>) target(%arg7 : memref<40x128xi32, #tpu.memory_space<vmem>>) target_semaphore(%run_scoped3A : memref<!tpu.dma_semaphore, #tpu.memory_space<semaphore_mem>>)
      %dma_wait3A = arith.constant 0 : i32
      %dma_wait3A_42 = arith.constant 0 : i32
      %dma_wait3A_43 = tpu.memref_slice %arg3[%add3A, %dma_wait3A, %dma_wait3A_42] : memref<32x80x128xi32, #tpu.memory_space<hbm>> -> memref<1x40x128xi32, #tpu.memory_space<hbm>>
      %dma_wait3A_44 = tpu.memref_squeeze %dma_wait3A_43 : memref<1x40x128xi32, #tpu.memory_space<hbm>> -> memref<40x128xi32, #tpu.memory_space<hbm>>
      %dma_wait3A_45 = arith.constant 0 : i32
      %dma_wait3A_46 = arith.constant 0 : i32
      %dma_wait3A_47 = tpu.memref_slice %arg3[%add3A, %dma_wait3A_45, %dma_wait3A_46] : memref<32x80x128xi32, #tpu.memory_space<hbm>> -> memref<1x40x128xi32, #tpu.memory_space<hbm>>
      %dma_wait3A_48 = tpu.memref_squeeze %dma_wait3A_47 : memref<1x40x128xi32, #tpu.memory_space<hbm>> -> memref<40x128xi32, #tpu.memory_space<hbm>>
      tpu.wait_dma2 semaphore(%run_scoped3A : memref<!tpu.dma_semaphore, #tpu.memory_space<semaphore_mem>>) src(%dma_wait3A_48 : memref<40x128xi32, #tpu.memory_space<hbm>>) dst(%arg7 : memref<40x128xi32, #tpu.memory_space<vmem>>)
      tpu.yield
    }) : () -> ()
    "tpu.region"() ({
      %run_scoped3A = tpu.sem_alloc : memref<!tpu.dma_semaphore, #tpu.memory_space<semaphore_mem>>
      %dma_start3A_34 = arith.constant 0 : i32
      %dma_start3A_35 = arith.constant 0 : i32
      %dma_start3A_36 = tpu.memref_slice %arg4[%add3A, %dma_start3A_34, %dma_start3A_35] : memref<32x80x128xi32, #tpu.memory_space<hbm>> -> memref<1x40x128xi32, #tpu.memory_space<hbm>>
      %dma_start3A_37 = tpu.memref_squeeze %dma_start3A_36 : memref<1x40x128xi32, #tpu.memory_space<hbm>> -> memref<40x128xi32, #tpu.memory_space<hbm>>
      %dma_start3A_38 = arith.constant 0 : i32
      %dma_start3A_39 = arith.constant 0 : i32
      %dma_start3A_40 = tpu.memref_slice %arg4[%add3A, %dma_start3A_38, %dma_start3A_39] : memref<32x80x128xi32, #tpu.memory_space<hbm>> -> memref<1x40x128xi32, #tpu.memory_space<hbm>>
      %dma_start3A_41 = tpu.memref_squeeze %dma_start3A_40 : memref<1x40x128xi32, #tpu.memory_space<hbm>> -> memref<40x128xi32, #tpu.memory_space<hbm>>
      tpu.enqueue_dma source(%dma_start3A_41 : memref<40x128xi32, #tpu.memory_space<hbm>>) target(%arg8 : memref<40x128xi32, #tpu.memory_space<vmem>>) target_semaphore(%run_scoped3A : memref<!tpu.dma_semaphore, #tpu.memory_space<semaphore_mem>>)
      %dma_wait3A = arith.constant 0 : i32
      %dma_wait3A_42 = arith.constant 0 : i32
      %dma_wait3A_43 = tpu.memref_slice %arg4[%add3A, %dma_wait3A, %dma_wait3A_42] : memref<32x80x128xi32, #tpu.memory_space<hbm>> -> memref<1x40x128xi32, #tpu.memory_space<hbm>>
      %dma_wait3A_44 = tpu.memref_squeeze %dma_wait3A_43 : memref<1x40x128xi32, #tpu.memory_space<hbm>> -> memref<40x128xi32, #tpu.memory_space<hbm>>
      %dma_wait3A_45 = arith.constant 0 : i32
      %dma_wait3A_46 = arith.constant 0 : i32
      %dma_wait3A_47 = tpu.memref_slice %arg4[%add3A, %dma_wait3A_45, %dma_wait3A_46] : memref<32x80x128xi32, #tpu.memory_space<hbm>> -> memref<1x40x128xi32, #tpu.memory_space<hbm>>
      %dma_wait3A_48 = tpu.memref_squeeze %dma_wait3A_47 : memref<1x40x128xi32, #tpu.memory_space<hbm>> -> memref<40x128xi32, #tpu.memory_space<hbm>>
      tpu.wait_dma2 semaphore(%run_scoped3A : memref<!tpu.dma_semaphore, #tpu.memory_space<semaphore_mem>>) src(%dma_wait3A_48 : memref<40x128xi32, #tpu.memory_space<hbm>>) dst(%arg8 : memref<40x128xi32, #tpu.memory_space<vmem>>)
      tpu.yield
    }) : () -> ()
    %dma_start3A = arith.constant 0 : i32
    %dma_start3A_5 = arith.constant 0 : i32
    %dma_start3A_6 = tpu.memref_slice %arg7[%dma_start3A, %dma_start3A_5] : memref<40x128xi32, #tpu.memory_space<vmem>> -> memref<1x128xi32, #tpu.memory_space<vmem>>
    %dma_start3A_7 = tpu.memref_squeeze %dma_start3A_6 : memref<1x128xi32, #tpu.memory_space<vmem>> -> memref<128xi32, #tpu.memory_space<vmem>>
    %dma_start3A_8 = arith.constant 0 : i32
    %dma_start3A_9 = arith.constant 0 : i32
    %dma_start3A_10 = tpu.memref_slice %arg2[%dma_start3A_8, %dma_start3A_9] : memref<10240x128xf32, #tpu.memory_space<hbm>> -> memref<10240x128xf32, #tpu.memory_space<hbm>>
    tpu.enqueue_indirect_dma source(%dma_start3A_10 : memref<10240x128xf32, #tpu.memory_space<hbm>>) target(%arg9 : memref<128x128xf32, #tpu.memory_space<vmem>>) offsets(%dma_start3A_7 : memref<128xi32, #tpu.memory_space<vmem>>) semaphore(%arg12 : memref<!tpu.dma_semaphore, #tpu.memory_space<semaphore_mem>>)
    %scan3A = arith.constant 0 : i32
    %scan3A_11 = arith.constant 0 : i32
    %scan3A_12 = arith.constant 20 : i32
    %scan3A_13 = arith.addi %scan3A_11, %scan3A_12 : i32
    %scan3A_14 = arith.constant 1 : i32
    scf.for %scan3A_34 = %scan3A_11 to %scan3A_13 step %scan3A_14  : i32 {
      %mul3A_35 = arith.constant 2 : i32
      %mul3A_36 = arith.muli %mul3A_35, %scan3A_34 : i32
      %add3A_37 = arith.constant 1 : i32
      %add3A_38 = arith.addi %mul3A_36, %add3A_37 : i32
      %dma_start3A_39 = arith.constant 0 : i32
      %dma_start3A_40 = tpu.memref_slice %arg7[%add3A_38, %dma_start3A_39] : memref<40x128xi32, #tpu.memory_space<vmem>> -> memref<1x128xi32, #tpu.memory_space<vmem>>
      %dma_start3A_41 = tpu.memref_squeeze %dma_start3A_40 : memref<1x128xi32, #tpu.memory_space<vmem>> -> memref<128xi32, #tpu.memory_space<vmem>>
      %dma_start3A_42 = arith.constant 0 : i32
      %dma_start3A_43 = arith.constant 0 : i32
      %dma_start3A_44 = tpu.memref_slice %arg2[%dma_start3A_42, %dma_start3A_43] : memref<10240x128xf32, #tpu.memory_space<hbm>> -> memref<10240x128xf32, #tpu.memory_space<hbm>>
      tpu.enqueue_indirect_dma source(%dma_start3A_44 : memref<10240x128xf32, #tpu.memory_space<hbm>>) target(%arg10 : memref<128x128xf32, #tpu.memory_space<vmem>>) offsets(%dma_start3A_41 : memref<128xi32, #tpu.memory_space<vmem>>) semaphore(%arg13 : memref<!tpu.dma_semaphore, #tpu.memory_space<semaphore_mem>>)
      %dma_wait3A = arith.constant 0 : i32
      %dma_wait3A_45 = arith.constant 0 : i32
      %dma_wait3A_46 = tpu.memref_slice %arg2[%dma_wait3A, %dma_wait3A_45] : memref<10240x128xf32, #tpu.memory_space<hbm>> -> memref<128x128xf32, #tpu.memory_space<hbm>>
      %dma_wait3A_47 = arith.constant 0 : i32
      %dma_wait3A_48 = arith.constant 0 : i32
      %dma_wait3A_49 = tpu.memref_slice %arg2[%dma_wait3A_47, %dma_wait3A_48] : memref<10240x128xf32, #tpu.memory_space<hbm>> -> memref<128x128xf32, #tpu.memory_space<hbm>>
      tpu.wait_dma2 semaphore(%arg12 : memref<!tpu.dma_semaphore, #tpu.memory_space<semaphore_mem>>) src(%dma_wait3A_49 : memref<128x128xf32, #tpu.memory_space<hbm>>) dst(%arg9 : memref<128x128xf32, #tpu.memory_space<vmem>>)
      "tpu.region"() ({
        %run_scoped3A = tpu.sem_alloc : memref<!tpu.dma_semaphore, #tpu.memory_space<semaphore_mem>>
        %dma_start3A_62 = arith.constant 0 : i32
        %dma_start3A_63 = tpu.memref_slice %arg8[%mul3A_36, %dma_start3A_62] : memref<40x128xi32, #tpu.memory_space<vmem>> -> memref<1x128xi32, #tpu.memory_space<vmem>>
        %dma_start3A_64 = tpu.memref_squeeze %dma_start3A_63 : memref<1x128xi32, #tpu.memory_space<vmem>> -> memref<128xi32, #tpu.memory_space<vmem>>
        %dma_start3A_65 = arith.constant 0 : i32
        %dma_start3A_66 = arith.constant 0 : i32
        %dma_start3A_67 = tpu.memref_slice %arg11[%dma_start3A_65, %dma_start3A_66] : memref<10240x128xf32, #tpu.memory_space<vmem_shared>> -> memref<10240x128xf32, #tpu.memory_space<vmem_shared>>
        tpu.enqueue_indirect_dma source(%arg9 : memref<128x128xf32, #tpu.memory_space<vmem>>) target(%dma_start3A_67 : memref<10240x128xf32, #tpu.memory_space<vmem_shared>>) offsets(%dma_start3A_64 : memref<128xi32, #tpu.memory_space<vmem>>) semaphore(%run_scoped3A : memref<!tpu.dma_semaphore, #tpu.memory_space<semaphore_mem>>) {add = true}
        %dma_wait3A_68 = arith.constant 0 : i32
        %dma_wait3A_69 = tpu.memref_slice %arg8[%mul3A_36, %dma_wait3A_68] : memref<40x128xi32, #tpu.memory_space<vmem>> -> memref<1x128xi32, #tpu.memory_space<vmem>>
        %dma_wait3A_70 = tpu.memref_squeeze %dma_wait3A_69 : memref<1x128xi32, #tpu.memory_space<vmem>> -> memref<128xi32, #tpu.memory_space<vmem>>
        %dma_wait3A_71 = arith.constant 0 : i32
        %dma_wait3A_72 = arith.constant 0 : i32
        %dma_wait3A_73 = tpu.memref_slice %arg11[%dma_wait3A_71, %dma_wait3A_72] : memref<10240x128xf32, #tpu.memory_space<vmem_shared>> -> memref<10240x128xf32, #tpu.memory_space<vmem_shared>>
        tpu.wait_indirect_dma semaphore(%run_scoped3A : memref<!tpu.dma_semaphore, #tpu.memory_space<semaphore_mem>>) src(%arg9 : memref<128x128xf32, #tpu.memory_space<vmem>>) dst(%dma_wait3A_73 : memref<10240x128xf32, #tpu.memory_space<vmem_shared>>)
        tpu.yield
      }) : () -> ()
      %add3A_50 = arith.constant 2 : i32
      %add3A_51 = arith.addi %mul3A_36, %add3A_50 : i32
      %lt3A = arith.constant 40 : i32
      %lt3A_52 = arith.cmpi slt, %add3A_51, %lt3A : i32
      %convert_element_type3A = arith.extui %lt3A_52 : i1 to i32
      %cond3A = arith.constant 0 : i32
      %cond3A_53 = arith.cmpi ne, %convert_element_type3A, %cond3A : i32
      scf.if %cond3A_53 {
        %add3A_62 = arith.constant 2 : i32
        %add3A_63 = arith.addi %mul3A_36, %add3A_62 : i32
        %dma_start3A_64 = arith.constant 0 : i32
        %dma_start3A_65 = tpu.memref_slice %arg7[%add3A_63, %dma_start3A_64] : memref<40x128xi32, #tpu.memory_space<vmem>> -> memref<1x128xi32, #tpu.memory_space<vmem>>
        %dma_start3A_66 = tpu.memref_squeeze %dma_start3A_65 : memref<1x128xi32, #tpu.memory_space<vmem>> -> memref<128xi32, #tpu.memory_space<vmem>>
        %dma_start3A_67 = arith.constant 0 : i32
        %dma_start3A_68 = arith.constant 0 : i32
        %dma_start3A_69 = tpu.memref_slice %arg2[%dma_start3A_67, %dma_start3A_68] : memref<10240x128xf32, #tpu.memory_space<hbm>> -> memref<10240x128xf32, #tpu.memory_space<hbm>>
        tpu.enqueue_indirect_dma source(%dma_start3A_69 : memref<10240x128xf32, #tpu.memory_space<hbm>>) target(%arg9 : memref<128x128xf32, #tpu.memory_space<vmem>>) offsets(%dma_start3A_66 : memref<128xi32, #tpu.memory_space<vmem>>) semaphore(%arg12 : memref<!tpu.dma_semaphore, #tpu.memory_space<semaphore_mem>>)
      } else {
      }
      %dma_wait3A_54 = arith.constant 0 : i32
      %dma_wait3A_55 = arith.constant 0 : i32
      %dma_wait3A_56 = tpu.memref_slice %arg2[%dma_wait3A_54, %dma_wait3A_55] : memref<10240x128xf32, #tpu.memory_space<hbm>> -> memref<128x128xf32, #tpu.memory_space<hbm>>
      %dma_wait3A_57 = arith.constant 0 : i32
      %dma_wait3A_58 = arith.constant 0 : i32
      %dma_wait3A_59 = tpu.memref_slice %arg2[%dma_wait3A_57, %dma_wait3A_58] : memref<10240x128xf32, #tpu.memory_space<hbm>> -> memref<128x128xf32, #tpu.memory_space<hbm>>
      tpu.wait_dma2 semaphore(%arg13 : memref<!tpu.dma_semaphore, #tpu.memory_space<semaphore_mem>>) src(%dma_wait3A_59 : memref<128x128xf32, #tpu.memory_space<hbm>>) dst(%arg10 : memref<128x128xf32, #tpu.memory_space<vmem>>)
      %add3A_60 = arith.constant 1 : i32
      %add3A_61 = arith.addi %mul3A_36, %add3A_60 : i32
      "tpu.region"() ({
        %run_scoped3A = tpu.sem_alloc : memref<!tpu.dma_semaphore, #tpu.memory_space<semaphore_mem>>
        %dma_start3A_62 = arith.constant 0 : i32
        %dma_start3A_63 = tpu.memref_slice %arg8[%add3A_61, %dma_start3A_62] : memref<40x128xi32, #tpu.memory_space<vmem>> -> memref<1x128xi32, #tpu.memory_space<vmem>>
        %dma_start3A_64 = tpu.memref_squeeze %dma_start3A_63 : memref<1x128xi32, #tpu.memory_space<vmem>> -> memref<128xi32, #tpu.memory_space<vmem>>
        %dma_start3A_65 = arith.constant 0 : i32
        %dma_start3A_66 = arith.constant 0 : i32
        %dma_start3A_67 = tpu.memref_slice %arg11[%dma_start3A_65, %dma_start3A_66] : memref<10240x128xf32, #tpu.memory_space<vmem_shared>> -> memref<10240x128xf32, #tpu.memory_space<vmem_shared>>
        tpu.enqueue_indirect_dma source(%arg10 : memref<128x128xf32, #tpu.memory_space<vmem>>) target(%dma_start3A_67 : memref<10240x128xf32, #tpu.memory_space<vmem_shared>>) offsets(%dma_start3A_64 : memref<128xi32, #tpu.memory_space<vmem>>) semaphore(%run_scoped3A : memref<!tpu.dma_semaphore, #tpu.memory_space<semaphore_mem>>) {add = true}
        %dma_wait3A_68 = arith.constant 0 : i32
        %dma_wait3A_69 = tpu.memref_slice %arg8[%add3A_61, %dma_wait3A_68] : memref<40x128xi32, #tpu.memory_space<vmem>> -> memref<1x128xi32, #tpu.memory_space<vmem>>
        %dma_wait3A_70 = tpu.memref_squeeze %dma_wait3A_69 : memref<1x128xi32, #tpu.memory_space<vmem>> -> memref<128xi32, #tpu.memory_space<vmem>>
        %dma_wait3A_71 = arith.constant 0 : i32
        %dma_wait3A_72 = arith.constant 0 : i32
        %dma_wait3A_73 = tpu.memref_slice %arg11[%dma_wait3A_71, %dma_wait3A_72] : memref<10240x128xf32, #tpu.memory_space<vmem_shared>> -> memref<10240x128xf32, #tpu.memory_space<vmem_shared>>
        tpu.wait_indirect_dma semaphore(%run_scoped3A : memref<!tpu.dma_semaphore, #tpu.memory_space<semaphore_mem>>) src(%arg10 : memref<128x128xf32, #tpu.memory_space<vmem>>) dst(%dma_wait3A_73 : memref<10240x128xf32, #tpu.memory_space<vmem_shared>>)
        tpu.yield
      }) : () -> ()
    }
    %scan3A_15 = arith.constant 20 : i32
    "tpu.region"() ({
      %run_scoped3A = tpu.sem_alloc : memref<!tpu.dma_semaphore, #tpu.memory_space<semaphore_mem>>
      %dma_start3A_34 = arith.constant 40 : i32
      %dma_start3A_35 = arith.constant 0 : i32
      %dma_start3A_36 = tpu.memref_slice %arg3[%add3A, %dma_start3A_34, %dma_start3A_35] : memref<32x80x128xi32, #tpu.memory_space<hbm>> -> memref<1x40x128xi32, #tpu.memory_space<hbm>>
      %dma_start3A_37 = tpu.memref_squeeze %dma_start3A_36 : memref<1x40x128xi32, #tpu.memory_space<hbm>> -> memref<40x128xi32, #tpu.memory_space<hbm>>
      %dma_start3A_38 = arith.constant 40 : i32
      %dma_start3A_39 = arith.constant 0 : i32
      %dma_start3A_40 = tpu.memref_slice %arg3[%add3A, %dma_start3A_38, %dma_start3A_39] : memref<32x80x128xi32, #tpu.memory_space<hbm>> -> memref<1x40x128xi32, #tpu.memory_space<hbm>>
      %dma_start3A_41 = tpu.memref_squeeze %dma_start3A_40 : memref<1x40x128xi32, #tpu.memory_space<hbm>> -> memref<40x128xi32, #tpu.memory_space<hbm>>
      tpu.enqueue_dma source(%dma_start3A_41 : memref<40x128xi32, #tpu.memory_space<hbm>>) target(%arg7 : memref<40x128xi32, #tpu.memory_space<vmem>>) target_semaphore(%run_scoped3A : memref<!tpu.dma_semaphore, #tpu.memory_space<semaphore_mem>>)
      %dma_wait3A = arith.constant 40 : i32
      %dma_wait3A_42 = arith.constant 0 : i32
      %dma_wait3A_43 = tpu.memref_slice %arg3[%add3A, %dma_wait3A, %dma_wait3A_42] : memref<32x80x128xi32, #tpu.memory_space<hbm>> -> memref<1x40x128xi32, #tpu.memory_space<hbm>>
      %dma_wait3A_44 = tpu.memref_squeeze %dma_wait3A_43 : memref<1x40x128xi32, #tpu.memory_space<hbm>> -> memref<40x128xi32, #tpu.memory_space<hbm>>
      %dma_wait3A_45 = arith.constant 40 : i32
      %dma_wait3A_46 = arith.constant 0 : i32
      %dma_wait3A_47 = tpu.memref_slice %arg3[%add3A, %dma_wait3A_45, %dma_wait3A_46] : memref<32x80x128xi32, #tpu.memory_space<hbm>> -> memref<1x40x128xi32, #tpu.memory_space<hbm>>
      %dma_wait3A_48 = tpu.memref_squeeze %dma_wait3A_47 : memref<1x40x128xi32, #tpu.memory_space<hbm>> -> memref<40x128xi32, #tpu.memory_space<hbm>>
      tpu.wait_dma2 semaphore(%run_scoped3A : memref<!tpu.dma_semaphore, #tpu.memory_space<semaphore_mem>>) src(%dma_wait3A_48 : memref<40x128xi32, #tpu.memory_space<hbm>>) dst(%arg7 : memref<40x128xi32, #tpu.memory_space<vmem>>)
      tpu.yield
    }) : () -> ()
    "tpu.region"() ({
      %run_scoped3A = tpu.sem_alloc : memref<!tpu.dma_semaphore, #tpu.memory_space<semaphore_mem>>
      %dma_start3A_34 = arith.constant 40 : i32
      %dma_start3A_35 = arith.constant 0 : i32
      %dma_start3A_36 = tpu.memref_slice %arg4[%add3A, %dma_start3A_34, %dma_start3A_35] : memref<32x80x128xi32, #tpu.memory_space<hbm>> -> memref<1x40x128xi32, #tpu.memory_space<hbm>>
      %dma_start3A_37 = tpu.memref_squeeze %dma_start3A_36 : memref<1x40x128xi32, #tpu.memory_space<hbm>> -> memref<40x128xi32, #tpu.memory_space<hbm>>
      %dma_start3A_38 = arith.constant 40 : i32
      %dma_start3A_39 = arith.constant 0 : i32
      %dma_start3A_40 = tpu.memref_slice %arg4[%add3A, %dma_start3A_38, %dma_start3A_39] : memref<32x80x128xi32, #tpu.memory_space<hbm>> -> memref<1x40x128xi32, #tpu.memory_space<hbm>>
      %dma_start3A_41 = tpu.memref_squeeze %dma_start3A_40 : memref<1x40x128xi32, #tpu.memory_space<hbm>> -> memref<40x128xi32, #tpu.memory_space<hbm>>
      tpu.enqueue_dma source(%dma_start3A_41 : memref<40x128xi32, #tpu.memory_space<hbm>>) target(%arg8 : memref<40x128xi32, #tpu.memory_space<vmem>>) target_semaphore(%run_scoped3A : memref<!tpu.dma_semaphore, #tpu.memory_space<semaphore_mem>>)
      %dma_wait3A = arith.constant 40 : i32
      %dma_wait3A_42 = arith.constant 0 : i32
      %dma_wait3A_43 = tpu.memref_slice %arg4[%add3A, %dma_wait3A, %dma_wait3A_42] : memref<32x80x128xi32, #tpu.memory_space<hbm>> -> memref<1x40x128xi32, #tpu.memory_space<hbm>>
      %dma_wait3A_44 = tpu.memref_squeeze %dma_wait3A_43 : memref<1x40x128xi32, #tpu.memory_space<hbm>> -> memref<40x128xi32, #tpu.memory_space<hbm>>
      %dma_wait3A_45 = arith.constant 40 : i32
      %dma_wait3A_46 = arith.constant 0 : i32
      %dma_wait3A_47 = tpu.memref_slice %arg4[%add3A, %dma_wait3A_45, %dma_wait3A_46] : memref<32x80x128xi32, #tpu.memory_space<hbm>> -> memref<1x40x128xi32, #tpu.memory_space<hbm>>
      %dma_wait3A_48 = tpu.memref_squeeze %dma_wait3A_47 : memref<1x40x128xi32, #tpu.memory_space<hbm>> -> memref<40x128xi32, #tpu.memory_space<hbm>>
      tpu.wait_dma2 semaphore(%run_scoped3A : memref<!tpu.dma_semaphore, #tpu.memory_space<semaphore_mem>>) src(%dma_wait3A_48 : memref<40x128xi32, #tpu.memory_space<hbm>>) dst(%arg8 : memref<40x128xi32, #tpu.memory_space<vmem>>)
      tpu.yield
    }) : () -> ()
    %dma_start3A_16 = arith.constant 0 : i32
    %dma_start3A_17 = arith.constant 0 : i32
    %dma_start3A_18 = tpu.memref_slice %arg7[%dma_start3A_16, %dma_start3A_17] : memref<40x128xi32, #tpu.memory_space<vmem>> -> memref<1x128xi32, #tpu.memory_space<vmem>>
    %dma_start3A_19 = tpu.memref_squeeze %dma_start3A_18 : memref<1x128xi32, #tpu.memory_space<vmem>> -> memref<128xi32, #tpu.memory_space<vmem>>
    %dma_start3A_20 = arith.constant 0 : i32
    %dma_start3A_21 = arith.constant 0 : i32
    %dma_start3A_22 = tpu.memref_slice %arg2[%dma_start3A_20, %dma_start3A_21] : memref<10240x128xf32, #tpu.memory_space<hbm>> -> memref<10240x128xf32, #tpu.memory_space<hbm>>
    tpu.enqueue_indirect_dma source(%dma_start3A_22 : memref<10240x128xf32, #tpu.memory_space<hbm>>) target(%arg9 : memref<128x128xf32, #tpu.memory_space<vmem>>) offsets(%dma_start3A_19 : memref<128xi32, #tpu.memory_space<vmem>>) semaphore(%arg12 : memref<!tpu.dma_semaphore, #tpu.memory_space<semaphore_mem>>)
    %scan3A_23 = arith.constant 0 : i32
    %scan3A_24 = arith.constant 0 : i32
    %scan3A_25 = arith.constant 20 : i32
    %scan3A_26 = arith.addi %scan3A_24, %scan3A_25 : i32
    %scan3A_27 = arith.constant 1 : i32
    scf.for %scan3A_34 = %scan3A_24 to %scan3A_26 step %scan3A_27  : i32 {
      %mul3A_35 = arith.constant 2 : i32
      %mul3A_36 = arith.muli %mul3A_35, %scan3A_34 : i32
      %add3A_37 = arith.constant 1 : i32
      %add3A_38 = arith.addi %mul3A_36, %add3A_37 : i32
      %dma_start3A_39 = arith.constant 0 : i32
      %dma_start3A_40 = tpu.memref_slice %arg7[%add3A_38, %dma_start3A_39] : memref<40x128xi32, #tpu.memory_space<vmem>> -> memref<1x128xi32, #tpu.memory_space<vmem>>
      %dma_start3A_41 = tpu.memref_squeeze %dma_start3A_40 : memref<1x128xi32, #tpu.memory_space<vmem>> -> memref<128xi32, #tpu.memory_space<vmem>>
      %dma_start3A_42 = arith.constant 0 : i32
      %dma_start3A_43 = arith.constant 0 : i32
      %dma_start3A_44 = tpu.memref_slice %arg2[%dma_start3A_42, %dma_start3A_43] : memref<10240x128xf32, #tpu.memory_space<hbm>> -> memref<10240x128xf32, #tpu.memory_space<hbm>>
      tpu.enqueue_indirect_dma source(%dma_start3A_44 : memref<10240x128xf32, #tpu.memory_space<hbm>>) target(%arg10 : memref<128x128xf32, #tpu.memory_space<vmem>>) offsets(%dma_start3A_41 : memref<128xi32, #tpu.memory_space<vmem>>) semaphore(%arg13 : memref<!tpu.dma_semaphore, #tpu.memory_space<semaphore_mem>>)
      %dma_wait3A = arith.constant 0 : i32
      %dma_wait3A_45 = arith.constant 0 : i32
      %dma_wait3A_46 = tpu.memref_slice %arg2[%dma_wait3A, %dma_wait3A_45] : memref<10240x128xf32, #tpu.memory_space<hbm>> -> memref<128x128xf32, #tpu.memory_space<hbm>>
      %dma_wait3A_47 = arith.constant 0 : i32
      %dma_wait3A_48 = arith.constant 0 : i32
      %dma_wait3A_49 = tpu.memref_slice %arg2[%dma_wait3A_47, %dma_wait3A_48] : memref<10240x128xf32, #tpu.memory_space<hbm>> -> memref<128x128xf32, #tpu.memory_space<hbm>>
      tpu.wait_dma2 semaphore(%arg12 : memref<!tpu.dma_semaphore, #tpu.memory_space<semaphore_mem>>) src(%dma_wait3A_49 : memref<128x128xf32, #tpu.memory_space<hbm>>) dst(%arg9 : memref<128x128xf32, #tpu.memory_space<vmem>>)
      "tpu.region"() ({
        %run_scoped3A = tpu.sem_alloc : memref<!tpu.dma_semaphore, #tpu.memory_space<semaphore_mem>>
        %dma_start3A_62 = arith.constant 0 : i32
        %dma_start3A_63 = tpu.memref_slice %arg8[%mul3A_36, %dma_start3A_62] : memref<40x128xi32, #tpu.memory_space<vmem>> -> memref<1x128xi32, #tpu.memory_space<vmem>>
        %dma_start3A_64 = tpu.memref_squeeze %dma_start3A_63 : memref<1x128xi32, #tpu.memory_space<vmem>> -> memref<128xi32, #tpu.memory_space<vmem>>
        %dma_start3A_65 = arith.constant 0 : i32
        %dma_start3A_66 = arith.constant 0 : i32
        %dma_start3A_67 = tpu.memref_slice %arg11[%dma_start3A_65, %dma_start3A_66] : memref<10240x128xf32, #tpu.memory_space<vmem_shared>> -> memref<10240x128xf32, #tpu.memory_space<vmem_shared>>
        tpu.enqueue_indirect_dma source(%arg9 : memref<128x128xf32, #tpu.memory_space<vmem>>) target(%dma_start3A_67 : memref<10240x128xf32, #tpu.memory_space<vmem_shared>>) offsets(%dma_start3A_64 : memref<128xi32, #tpu.memory_space<vmem>>) semaphore(%run_scoped3A : memref<!tpu.dma_semaphore, #tpu.memory_space<semaphore_mem>>) {add = true}
        %dma_wait3A_68 = arith.constant 0 : i32
        %dma_wait3A_69 = tpu.memref_slice %arg8[%mul3A_36, %dma_wait3A_68] : memref<40x128xi32, #tpu.memory_space<vmem>> -> memref<1x128xi32, #tpu.memory_space<vmem>>
        %dma_wait3A_70 = tpu.memref_squeeze %dma_wait3A_69 : memref<1x128xi32, #tpu.memory_space<vmem>> -> memref<128xi32, #tpu.memory_space<vmem>>
        %dma_wait3A_71 = arith.constant 0 : i32
        %dma_wait3A_72 = arith.constant 0 : i32
        %dma_wait3A_73 = tpu.memref_slice %arg11[%dma_wait3A_71, %dma_wait3A_72] : memref<10240x128xf32, #tpu.memory_space<vmem_shared>> -> memref<10240x128xf32, #tpu.memory_space<vmem_shared>>
        tpu.wait_indirect_dma semaphore(%run_scoped3A : memref<!tpu.dma_semaphore, #tpu.memory_space<semaphore_mem>>) src(%arg9 : memref<128x128xf32, #tpu.memory_space<vmem>>) dst(%dma_wait3A_73 : memref<10240x128xf32, #tpu.memory_space<vmem_shared>>)
        tpu.yield
      }) : () -> ()
      %add3A_50 = arith.constant 2 : i32
      %add3A_51 = arith.addi %mul3A_36, %add3A_50 : i32
      %lt3A = arith.constant 40 : i32
      %lt3A_52 = arith.cmpi slt, %add3A_51, %lt3A : i32
      %convert_element_type3A = arith.extui %lt3A_52 : i1 to i32
      %cond3A = arith.constant 0 : i32
      %cond3A_53 = arith.cmpi ne, %convert_element_type3A, %cond3A : i32
      scf.if %cond3A_53 {
        %add3A_62 = arith.constant 2 : i32
        %add3A_63 = arith.addi %mul3A_36, %add3A_62 : i32
        %dma_start3A_64 = arith.constant 0 : i32
        %dma_start3A_65 = tpu.memref_slice %arg7[%add3A_63, %dma_start3A_64] : memref<40x128xi32, #tpu.memory_space<vmem>> -> memref<1x128xi32, #tpu.memory_space<vmem>>
        %dma_start3A_66 = tpu.memref_squeeze %dma_start3A_65 : memref<1x128xi32, #tpu.memory_space<vmem>> -> memref<128xi32, #tpu.memory_space<vmem>>
        %dma_start3A_67 = arith.constant 0 : i32
        %dma_start3A_68 = arith.constant 0 : i32
        %dma_start3A_69 = tpu.memref_slice %arg2[%dma_start3A_67, %dma_start3A_68] : memref<10240x128xf32, #tpu.memory_space<hbm>> -> memref<10240x128xf32, #tpu.memory_space<hbm>>
        tpu.enqueue_indirect_dma source(%dma_start3A_69 : memref<10240x128xf32, #tpu.memory_space<hbm>>) target(%arg9 : memref<128x128xf32, #tpu.memory_space<vmem>>) offsets(%dma_start3A_66 : memref<128xi32, #tpu.memory_space<vmem>>) semaphore(%arg12 : memref<!tpu.dma_semaphore, #tpu.memory_space<semaphore_mem>>)
      } else {
      }
      %dma_wait3A_54 = arith.constant 0 : i32
      %dma_wait3A_55 = arith.constant 0 : i32
      %dma_wait3A_56 = tpu.memref_slice %arg2[%dma_wait3A_54, %dma_wait3A_55] : memref<10240x128xf32, #tpu.memory_space<hbm>> -> memref<128x128xf32, #tpu.memory_space<hbm>>
      %dma_wait3A_57 = arith.constant 0 : i32
      %dma_wait3A_58 = arith.constant 0 : i32
      %dma_wait3A_59 = tpu.memref_slice %arg2[%dma_wait3A_57, %dma_wait3A_58] : memref<10240x128xf32, #tpu.memory_space<hbm>> -> memref<128x128xf32, #tpu.memory_space<hbm>>
      tpu.wait_dma2 semaphore(%arg13 : memref<!tpu.dma_semaphore, #tpu.memory_space<semaphore_mem>>) src(%dma_wait3A_59 : memref<128x128xf32, #tpu.memory_space<hbm>>) dst(%arg10 : memref<128x128xf32, #tpu.memory_space<vmem>>)
      %add3A_60 = arith.constant 1 : i32
      %add3A_61 = arith.addi %mul3A_36, %add3A_60 : i32
      "tpu.region"() ({
        %run_scoped3A = tpu.sem_alloc : memref<!tpu.dma_semaphore, #tpu.memory_space<semaphore_mem>>
        %dma_start3A_62 = arith.constant 0 : i32
        %dma_start3A_63 = tpu.memref_slice %arg8[%add3A_61, %dma_start3A_62] : memref<40x128xi32, #tpu.memory_space<vmem>> -> memref<1x128xi32, #tpu.memory_space<vmem>>
        %dma_start3A_64 = tpu.memref_squeeze %dma_start3A_63 : memref<1x128xi32, #tpu.memory_space<vmem>> -> memref<128xi32, #tpu.memory_space<vmem>>
        %dma_start3A_65 = arith.constant 0 : i32
        %dma_start3A_66 = arith.constant 0 : i32
        %dma_start3A_67 = tpu.memref_slice %arg11[%dma_start3A_65, %dma_start3A_66] : memref<10240x128xf32, #tpu.memory_space<vmem_shared>> -> memref<10240x128xf32, #tpu.memory_space<vmem_shared>>
        tpu.enqueue_indirect_dma source(%arg10 : memref<128x128xf32, #tpu.memory_space<vmem>>) target(%dma_start3A_67 : memref<10240x128xf32, #tpu.memory_space<vmem_shared>>) offsets(%dma_start3A_64 : memref<128xi32, #tpu.memory_space<vmem>>) semaphore(%run_scoped3A : memref<!tpu.dma_semaphore, #tpu.memory_space<semaphore_mem>>) {add = true}
        %dma_wait3A_68 = arith.constant 0 : i32
        %dma_wait3A_69 = tpu.memref_slice %arg8[%add3A_61, %dma_wait3A_68] : memref<40x128xi32, #tpu.memory_space<vmem>> -> memref<1x128xi32, #tpu.memory_space<vmem>>
        %dma_wait3A_70 = tpu.memref_squeeze %dma_wait3A_69 : memref<1x128xi32, #tpu.memory_space<vmem>> -> memref<128xi32, #tpu.memory_space<vmem>>
        %dma_wait3A_71 = arith.constant 0 : i32
        %dma_wait3A_72 = arith.constant 0 : i32
        %dma_wait3A_73 = tpu.memref_slice %arg11[%dma_wait3A_71, %dma_wait3A_72] : memref<10240x128xf32, #tpu.memory_space<vmem_shared>> -> memref<10240x128xf32, #tpu.memory_space<vmem_shared>>
        tpu.wait_indirect_dma semaphore(%run_scoped3A : memref<!tpu.dma_semaphore, #tpu.memory_space<semaphore_mem>>) src(%arg10 : memref<128x128xf32, #tpu.memory_space<vmem>>) dst(%dma_wait3A_73 : memref<10240x128xf32, #tpu.memory_space<vmem_shared>>)
        tpu.yield
      }) : () -> ()
    }
    %scan3A_28 = arith.constant 20 : i32
    %barrier3A_29 = arith.constant 0 : index
    tpu.barrier barrier_id(%barrier3A_29)
    %mul3A_30 = arith.constant 640 : i32
    %mul3A_31 = arith.muli %arg1, %mul3A_30 : i32
    %mul3A_32 = arith.constant 640 : i32
    %mul3A_33 = arith.muli %arg1, %mul3A_32 : i32
    "tpu.region"() ({
      %run_scoped3A = tpu.sem_alloc : memref<!tpu.dma_semaphore, #tpu.memory_space<semaphore_mem>>
      %dma_start3A_34 = arith.constant 0 : i32
      %dma_start3A_35 = tpu.memref_slice %arg6[%arg0, %mul3A_33, %dma_start3A_34] : memref<2x10240x128xf32, #tpu.memory_space<hbm>> -> memref<1x640x128xf32, #tpu.memory_space<hbm>>
      %dma_start3A_36 = tpu.memref_squeeze %dma_start3A_35 : memref<1x640x128xf32, #tpu.memory_space<hbm>> -> memref<640x128xf32, #tpu.memory_space<hbm>>
      %dma_start3A_37 = arith.constant 0 : i32
      %dma_start3A_38 = tpu.memref_slice %arg11[%mul3A_31, %dma_start3A_37] : memref<10240x128xf32, #tpu.memory_space<vmem_shared>> -> memref<640x128xf32, #tpu.memory_space<vmem_shared>>
      tpu.enqueue_dma source(%dma_start3A_38 : memref<640x128xf32, #tpu.memory_space<vmem_shared>>) target(%dma_start3A_36 : memref<640x128xf32, #tpu.memory_space<hbm>>) target_semaphore(%run_scoped3A : memref<!tpu.dma_semaphore, #tpu.memory_space<semaphore_mem>>)
      %dma_wait3A = arith.constant 0 : i32
      %dma_wait3A_39 = tpu.memref_slice %arg6[%arg0, %mul3A_33, %dma_wait3A] : memref<2x10240x128xf32, #tpu.memory_space<hbm>> -> memref<1x640x128xf32, #tpu.memory_space<hbm>>
      %dma_wait3A_40 = tpu.memref_squeeze %dma_wait3A_39 : memref<1x640x128xf32, #tpu.memory_space<hbm>> -> memref<640x128xf32, #tpu.memory_space<hbm>>
      %dma_wait3A_41 = arith.constant 0 : i32
      %dma_wait3A_42 = tpu.memref_slice %arg11[%mul3A_31, %dma_wait3A_41] : memref<10240x128xf32, #tpu.memory_space<vmem_shared>> -> memref<640x128xf32, #tpu.memory_space<vmem_shared>>
      tpu.wait_dma2 semaphore(%run_scoped3A : memref<!tpu.dma_semaphore, #tpu.memory_space<semaphore_mem>>) src(%dma_wait3A_42 : memref<640x128xf32, #tpu.memory_space<vmem_shared>>) dst(%dma_wait3A_40 : memref<640x128xf32, #tpu.memory_space<hbm>>)
      tpu.yield
    }) : () -> ()
    return
  }
}

#map = affine_map<(d0, d1) -> (0, 0)>
#map1 = affine_map<(d0, d1) -> (0, 0, 0)>
module attributes {stable_mosaic.version = 14 : i64} {
  func.func @k(%arg0: i32, %arg1: i32, %arg2: memref<10240x16xf32, #tpu.memory_space<hbm>>, %arg3: memref<32x80x128xi32, #tpu.memory_space<hbm>>, %arg4: memref<32x80x128xi32, #tpu.memory_space<hbm>>, %arg5: memref<10240x16xf32, #tpu.memory_space<hbm>>, %arg6: memref<2x10240x16xf32, #tpu.memory_space<hbm>>, %arg7: memref<80x128xi32, #tpu.memory_space<vmem>>, %arg8: memref<80x128xi32, #tpu.memory_space<vmem>>, %arg9: memref<128x16xf32, #tpu.memory_space<vmem>>, %arg10: memref<128x16xf32, #tpu.memory_space<vmem>>, %arg11: memref<10240x16xf32, #tpu.memory_space<vmem_shared>>, %arg12: memref<!tpu.dma_semaphore, #tpu.memory_space<semaphore_mem>>, %arg13: memref<!tpu.dma_semaphore, #tpu.memory_space<semaphore_mem>>) attributes {dimension_semantics = [#tpu.dimension_semantics<core_parallel>, #tpu.dimension_semantics<subcore_parallel>], iteration_bounds = array<i64: 2, 16>, scalar_prefetch = 0 : i64, scratch_operands = 7 : i64, tpu.core_type = #tpu.core_type<sc_vector_subcore>, window_params = [{transform_indices = #map}, {transform_indices = #map1}, {transform_indices = #map1}, {transform_indices = #map}, {transform_indices = #map1}]} {
    %mul3A = arith.constant 2 : i32
    %mul3A_0 = arith.muli %arg1, %mul3A : i32
    %add3A = arith.addi %mul3A_0, %arg0 : i32
    %mul3A_1 = arith.constant 640 : i32
    %mul3A_2 = arith.muli %arg1, %mul3A_1 : i32
    %mul3A_3 = arith.constant 640 : i32
    %mul3A_4 = arith.muli %arg1, %mul3A_3 : i32
    "tpu.region"() ({
      %run_scoped3A = tpu.sem_alloc : memref<!tpu.dma_semaphore, #tpu.memory_space<semaphore_mem>>
      %dma_start3A_21 = arith.constant 0 : i32
      %dma_start3A_22 = tpu.memref_slice %arg11[%mul3A_4, %dma_start3A_21] : memref<10240x16xf32, #tpu.memory_space<vmem_shared>> -> memref<640x16xf32, #tpu.memory_space<vmem_shared>>
      %dma_start3A_23 = arith.constant 0 : i32
      %dma_start3A_24 = tpu.memref_slice %arg5[%mul3A_2, %dma_start3A_23] : memref<10240x16xf32, #tpu.memory_space<hbm>> -> memref<640x16xf32, #tpu.memory_space<hbm>>
      tpu.enqueue_dma source(%dma_start3A_24 : memref<640x16xf32, #tpu.memory_space<hbm>>) target(%dma_start3A_22 : memref<640x16xf32, #tpu.memory_space<vmem_shared>>) target_semaphore(%run_scoped3A : memref<!tpu.dma_semaphore, #tpu.memory_space<semaphore_mem>>)
      %dma_wait3A = arith.constant 0 : i32
      %dma_wait3A_25 = tpu.memref_slice %arg11[%mul3A_4, %dma_wait3A] : memref<10240x16xf32, #tpu.memory_space<vmem_shared>> -> memref<640x16xf32, #tpu.memory_space<vmem_shared>>
      %dma_wait3A_26 = arith.constant 0 : i32
      %dma_wait3A_27 = tpu.memref_slice %arg5[%mul3A_2, %dma_wait3A_26] : memref<10240x16xf32, #tpu.memory_space<hbm>> -> memref<640x16xf32, #tpu.memory_space<hbm>>
      tpu.wait_dma2 semaphore(%run_scoped3A : memref<!tpu.dma_semaphore, #tpu.memory_space<semaphore_mem>>) src(%dma_wait3A_27 : memref<640x16xf32, #tpu.memory_space<hbm>>) dst(%dma_wait3A_25 : memref<640x16xf32, #tpu.memory_space<vmem_shared>>)
      tpu.yield
    }) : () -> ()
    %barrier3A = arith.constant 0 : index
    tpu.barrier barrier_id(%barrier3A)
    "tpu.region"() ({
      %run_scoped3A = tpu.sem_alloc : memref<!tpu.dma_semaphore, #tpu.memory_space<semaphore_mem>>
      %dma_start3A_21 = arith.constant 0 : i32
      %dma_start3A_22 = arith.constant 0 : i32
      %dma_start3A_23 = tpu.memref_slice %arg3[%add3A, %dma_start3A_21, %dma_start3A_22] : memref<32x80x128xi32, #tpu.memory_space<hbm>> -> memref<1x80x128xi32, #tpu.memory_space<hbm>>
      %dma_start3A_24 = tpu.memref_squeeze %dma_start3A_23 : memref<1x80x128xi32, #tpu.memory_space<hbm>> -> memref<80x128xi32, #tpu.memory_space<hbm>>
      %dma_start3A_25 = arith.constant 0 : i32
      %dma_start3A_26 = arith.constant 0 : i32
      %dma_start3A_27 = tpu.memref_slice %arg3[%add3A, %dma_start3A_25, %dma_start3A_26] : memref<32x80x128xi32, #tpu.memory_space<hbm>> -> memref<1x80x128xi32, #tpu.memory_space<hbm>>
      %dma_start3A_28 = tpu.memref_squeeze %dma_start3A_27 : memref<1x80x128xi32, #tpu.memory_space<hbm>> -> memref<80x128xi32, #tpu.memory_space<hbm>>
      tpu.enqueue_dma source(%dma_start3A_28 : memref<80x128xi32, #tpu.memory_space<hbm>>) target(%arg7 : memref<80x128xi32, #tpu.memory_space<vmem>>) target_semaphore(%run_scoped3A : memref<!tpu.dma_semaphore, #tpu.memory_space<semaphore_mem>>)
      %dma_wait3A = arith.constant 0 : i32
      %dma_wait3A_29 = arith.constant 0 : i32
      %dma_wait3A_30 = tpu.memref_slice %arg3[%add3A, %dma_wait3A, %dma_wait3A_29] : memref<32x80x128xi32, #tpu.memory_space<hbm>> -> memref<1x80x128xi32, #tpu.memory_space<hbm>>
      %dma_wait3A_31 = tpu.memref_squeeze %dma_wait3A_30 : memref<1x80x128xi32, #tpu.memory_space<hbm>> -> memref<80x128xi32, #tpu.memory_space<hbm>>
      %dma_wait3A_32 = arith.constant 0 : i32
      %dma_wait3A_33 = arith.constant 0 : i32
      %dma_wait3A_34 = tpu.memref_slice %arg3[%add3A, %dma_wait3A_32, %dma_wait3A_33] : memref<32x80x128xi32, #tpu.memory_space<hbm>> -> memref<1x80x128xi32, #tpu.memory_space<hbm>>
      %dma_wait3A_35 = tpu.memref_squeeze %dma_wait3A_34 : memref<1x80x128xi32, #tpu.memory_space<hbm>> -> memref<80x128xi32, #tpu.memory_space<hbm>>
      tpu.wait_dma2 semaphore(%run_scoped3A : memref<!tpu.dma_semaphore, #tpu.memory_space<semaphore_mem>>) src(%dma_wait3A_35 : memref<80x128xi32, #tpu.memory_space<hbm>>) dst(%arg7 : memref<80x128xi32, #tpu.memory_space<vmem>>)
      tpu.yield
    }) : () -> ()
    "tpu.region"() ({
      %run_scoped3A = tpu.sem_alloc : memref<!tpu.dma_semaphore, #tpu.memory_space<semaphore_mem>>
      %dma_start3A_21 = arith.constant 0 : i32
      %dma_start3A_22 = arith.constant 0 : i32
      %dma_start3A_23 = tpu.memref_slice %arg4[%add3A, %dma_start3A_21, %dma_start3A_22] : memref<32x80x128xi32, #tpu.memory_space<hbm>> -> memref<1x80x128xi32, #tpu.memory_space<hbm>>
      %dma_start3A_24 = tpu.memref_squeeze %dma_start3A_23 : memref<1x80x128xi32, #tpu.memory_space<hbm>> -> memref<80x128xi32, #tpu.memory_space<hbm>>
      %dma_start3A_25 = arith.constant 0 : i32
      %dma_start3A_26 = arith.constant 0 : i32
      %dma_start3A_27 = tpu.memref_slice %arg4[%add3A, %dma_start3A_25, %dma_start3A_26] : memref<32x80x128xi32, #tpu.memory_space<hbm>> -> memref<1x80x128xi32, #tpu.memory_space<hbm>>
      %dma_start3A_28 = tpu.memref_squeeze %dma_start3A_27 : memref<1x80x128xi32, #tpu.memory_space<hbm>> -> memref<80x128xi32, #tpu.memory_space<hbm>>
      tpu.enqueue_dma source(%dma_start3A_28 : memref<80x128xi32, #tpu.memory_space<hbm>>) target(%arg8 : memref<80x128xi32, #tpu.memory_space<vmem>>) target_semaphore(%run_scoped3A : memref<!tpu.dma_semaphore, #tpu.memory_space<semaphore_mem>>)
      %dma_wait3A = arith.constant 0 : i32
      %dma_wait3A_29 = arith.constant 0 : i32
      %dma_wait3A_30 = tpu.memref_slice %arg4[%add3A, %dma_wait3A, %dma_wait3A_29] : memref<32x80x128xi32, #tpu.memory_space<hbm>> -> memref<1x80x128xi32, #tpu.memory_space<hbm>>
      %dma_wait3A_31 = tpu.memref_squeeze %dma_wait3A_30 : memref<1x80x128xi32, #tpu.memory_space<hbm>> -> memref<80x128xi32, #tpu.memory_space<hbm>>
      %dma_wait3A_32 = arith.constant 0 : i32
      %dma_wait3A_33 = arith.constant 0 : i32
      %dma_wait3A_34 = tpu.memref_slice %arg4[%add3A, %dma_wait3A_32, %dma_wait3A_33] : memref<32x80x128xi32, #tpu.memory_space<hbm>> -> memref<1x80x128xi32, #tpu.memory_space<hbm>>
      %dma_wait3A_35 = tpu.memref_squeeze %dma_wait3A_34 : memref<1x80x128xi32, #tpu.memory_space<hbm>> -> memref<80x128xi32, #tpu.memory_space<hbm>>
      tpu.wait_dma2 semaphore(%run_scoped3A : memref<!tpu.dma_semaphore, #tpu.memory_space<semaphore_mem>>) src(%dma_wait3A_35 : memref<80x128xi32, #tpu.memory_space<hbm>>) dst(%arg8 : memref<80x128xi32, #tpu.memory_space<vmem>>)
      tpu.yield
    }) : () -> ()
    %dma_start3A = arith.constant 0 : i32
    %dma_start3A_5 = arith.constant 0 : i32
    %dma_start3A_6 = tpu.memref_slice %arg7[%dma_start3A, %dma_start3A_5] : memref<80x128xi32, #tpu.memory_space<vmem>> -> memref<1x128xi32, #tpu.memory_space<vmem>>
    %dma_start3A_7 = tpu.memref_squeeze %dma_start3A_6 : memref<1x128xi32, #tpu.memory_space<vmem>> -> memref<128xi32, #tpu.memory_space<vmem>>
    %dma_start3A_8 = arith.constant 0 : i32
    %dma_start3A_9 = arith.constant 0 : i32
    %dma_start3A_10 = tpu.memref_slice %arg2[%dma_start3A_8, %dma_start3A_9] : memref<10240x16xf32, #tpu.memory_space<hbm>> -> memref<10240x16xf32, #tpu.memory_space<hbm>>
    tpu.enqueue_indirect_dma source(%dma_start3A_10 : memref<10240x16xf32, #tpu.memory_space<hbm>>) target(%arg9 : memref<128x16xf32, #tpu.memory_space<vmem>>) offsets(%dma_start3A_7 : memref<128xi32, #tpu.memory_space<vmem>>) semaphore(%arg12 : memref<!tpu.dma_semaphore, #tpu.memory_space<semaphore_mem>>)
    %scan3A = arith.constant 0 : i32
    %scan3A_11 = arith.constant 0 : i32
    %scan3A_12 = arith.constant 40 : i32
    %scan3A_13 = arith.addi %scan3A_11, %scan3A_12 : i32
    %scan3A_14 = arith.constant 1 : i32
    scf.for %scan3A_21 = %scan3A_11 to %scan3A_13 step %scan3A_14  : i32 {
      %mul3A_22 = arith.constant 2 : i32
      %mul3A_23 = arith.muli %mul3A_22, %scan3A_21 : i32
      %add3A_24 = arith.constant 1 : i32
      %add3A_25 = arith.addi %mul3A_23, %add3A_24 : i32
      %dma_start3A_26 = arith.constant 0 : i32
      %dma_start3A_27 = tpu.memref_slice %arg7[%add3A_25, %dma_start3A_26] : memref<80x128xi32, #tpu.memory_space<vmem>> -> memref<1x128xi32, #tpu.memory_space<vmem>>
      %dma_start3A_28 = tpu.memref_squeeze %dma_start3A_27 : memref<1x128xi32, #tpu.memory_space<vmem>> -> memref<128xi32, #tpu.memory_space<vmem>>
      %dma_start3A_29 = arith.constant 0 : i32
      %dma_start3A_30 = arith.constant 0 : i32
      %dma_start3A_31 = tpu.memref_slice %arg2[%dma_start3A_29, %dma_start3A_30] : memref<10240x16xf32, #tpu.memory_space<hbm>> -> memref<10240x16xf32, #tpu.memory_space<hbm>>
      tpu.enqueue_indirect_dma source(%dma_start3A_31 : memref<10240x16xf32, #tpu.memory_space<hbm>>) target(%arg10 : memref<128x16xf32, #tpu.memory_space<vmem>>) offsets(%dma_start3A_28 : memref<128xi32, #tpu.memory_space<vmem>>) semaphore(%arg13 : memref<!tpu.dma_semaphore, #tpu.memory_space<semaphore_mem>>)
      %dma_wait3A = arith.constant 0 : i32
      %dma_wait3A_32 = arith.constant 0 : i32
      %dma_wait3A_33 = tpu.memref_slice %arg2[%dma_wait3A, %dma_wait3A_32] : memref<10240x16xf32, #tpu.memory_space<hbm>> -> memref<128x16xf32, #tpu.memory_space<hbm>>
      %dma_wait3A_34 = arith.constant 0 : i32
      %dma_wait3A_35 = arith.constant 0 : i32
      %dma_wait3A_36 = tpu.memref_slice %arg2[%dma_wait3A_34, %dma_wait3A_35] : memref<10240x16xf32, #tpu.memory_space<hbm>> -> memref<128x16xf32, #tpu.memory_space<hbm>>
      tpu.wait_dma2 semaphore(%arg12 : memref<!tpu.dma_semaphore, #tpu.memory_space<semaphore_mem>>) src(%dma_wait3A_36 : memref<128x16xf32, #tpu.memory_space<hbm>>) dst(%arg9 : memref<128x16xf32, #tpu.memory_space<vmem>>)
      "tpu.region"() ({
        %run_scoped3A = tpu.sem_alloc : memref<!tpu.dma_semaphore, #tpu.memory_space<semaphore_mem>>
        %dma_start3A_49 = arith.constant 0 : i32
        %dma_start3A_50 = tpu.memref_slice %arg8[%mul3A_23, %dma_start3A_49] : memref<80x128xi32, #tpu.memory_space<vmem>> -> memref<1x128xi32, #tpu.memory_space<vmem>>
        %dma_start3A_51 = tpu.memref_squeeze %dma_start3A_50 : memref<1x128xi32, #tpu.memory_space<vmem>> -> memref<128xi32, #tpu.memory_space<vmem>>
        %dma_start3A_52 = arith.constant 0 : i32
        %dma_start3A_53 = arith.constant 0 : i32
        %dma_start3A_54 = tpu.memref_slice %arg11[%dma_start3A_52, %dma_start3A_53] : memref<10240x16xf32, #tpu.memory_space<vmem_shared>> -> memref<10240x16xf32, #tpu.memory_space<vmem_shared>>
        tpu.enqueue_indirect_dma source(%arg9 : memref<128x16xf32, #tpu.memory_space<vmem>>) target(%dma_start3A_54 : memref<10240x16xf32, #tpu.memory_space<vmem_shared>>) offsets(%dma_start3A_51 : memref<128xi32, #tpu.memory_space<vmem>>) semaphore(%run_scoped3A : memref<!tpu.dma_semaphore, #tpu.memory_space<semaphore_mem>>) {add = true}
        %dma_wait3A_55 = arith.constant 0 : i32
        %dma_wait3A_56 = tpu.memref_slice %arg8[%mul3A_23, %dma_wait3A_55] : memref<80x128xi32, #tpu.memory_space<vmem>> -> memref<1x128xi32, #tpu.memory_space<vmem>>
        %dma_wait3A_57 = tpu.memref_squeeze %dma_wait3A_56 : memref<1x128xi32, #tpu.memory_space<vmem>> -> memref<128xi32, #tpu.memory_space<vmem>>
        %dma_wait3A_58 = arith.constant 0 : i32
        %dma_wait3A_59 = arith.constant 0 : i32
        %dma_wait3A_60 = tpu.memref_slice %arg11[%dma_wait3A_58, %dma_wait3A_59] : memref<10240x16xf32, #tpu.memory_space<vmem_shared>> -> memref<10240x16xf32, #tpu.memory_space<vmem_shared>>
        tpu.wait_indirect_dma semaphore(%run_scoped3A : memref<!tpu.dma_semaphore, #tpu.memory_space<semaphore_mem>>) src(%arg9 : memref<128x16xf32, #tpu.memory_space<vmem>>) dst(%dma_wait3A_60 : memref<10240x16xf32, #tpu.memory_space<vmem_shared>>)
        tpu.yield
      }) : () -> ()
      %add3A_37 = arith.constant 2 : i32
      %add3A_38 = arith.addi %mul3A_23, %add3A_37 : i32
      %lt3A = arith.constant 80 : i32
      %lt3A_39 = arith.cmpi slt, %add3A_38, %lt3A : i32
      %convert_element_type3A = arith.extui %lt3A_39 : i1 to i32
      %cond3A = arith.constant 0 : i32
      %cond3A_40 = arith.cmpi ne, %convert_element_type3A, %cond3A : i32
      scf.if %cond3A_40 {
        %add3A_49 = arith.constant 2 : i32
        %add3A_50 = arith.addi %mul3A_23, %add3A_49 : i32
        %dma_start3A_51 = arith.constant 0 : i32
        %dma_start3A_52 = tpu.memref_slice %arg7[%add3A_50, %dma_start3A_51] : memref<80x128xi32, #tpu.memory_space<vmem>> -> memref<1x128xi32, #tpu.memory_space<vmem>>
        %dma_start3A_53 = tpu.memref_squeeze %dma_start3A_52 : memref<1x128xi32, #tpu.memory_space<vmem>> -> memref<128xi32, #tpu.memory_space<vmem>>
        %dma_start3A_54 = arith.constant 0 : i32
        %dma_start3A_55 = arith.constant 0 : i32
        %dma_start3A_56 = tpu.memref_slice %arg2[%dma_start3A_54, %dma_start3A_55] : memref<10240x16xf32, #tpu.memory_space<hbm>> -> memref<10240x16xf32, #tpu.memory_space<hbm>>
        tpu.enqueue_indirect_dma source(%dma_start3A_56 : memref<10240x16xf32, #tpu.memory_space<hbm>>) target(%arg9 : memref<128x16xf32, #tpu.memory_space<vmem>>) offsets(%dma_start3A_53 : memref<128xi32, #tpu.memory_space<vmem>>) semaphore(%arg12 : memref<!tpu.dma_semaphore, #tpu.memory_space<semaphore_mem>>)
      } else {
      }
      %dma_wait3A_41 = arith.constant 0 : i32
      %dma_wait3A_42 = arith.constant 0 : i32
      %dma_wait3A_43 = tpu.memref_slice %arg2[%dma_wait3A_41, %dma_wait3A_42] : memref<10240x16xf32, #tpu.memory_space<hbm>> -> memref<128x16xf32, #tpu.memory_space<hbm>>
      %dma_wait3A_44 = arith.constant 0 : i32
      %dma_wait3A_45 = arith.constant 0 : i32
      %dma_wait3A_46 = tpu.memref_slice %arg2[%dma_wait3A_44, %dma_wait3A_45] : memref<10240x16xf32, #tpu.memory_space<hbm>> -> memref<128x16xf32, #tpu.memory_space<hbm>>
      tpu.wait_dma2 semaphore(%arg13 : memref<!tpu.dma_semaphore, #tpu.memory_space<semaphore_mem>>) src(%dma_wait3A_46 : memref<128x16xf32, #tpu.memory_space<hbm>>) dst(%arg10 : memref<128x16xf32, #tpu.memory_space<vmem>>)
      %add3A_47 = arith.constant 1 : i32
      %add3A_48 = arith.addi %mul3A_23, %add3A_47 : i32
      "tpu.region"() ({
        %run_scoped3A = tpu.sem_alloc : memref<!tpu.dma_semaphore, #tpu.memory_space<semaphore_mem>>
        %dma_start3A_49 = arith.constant 0 : i32
        %dma_start3A_50 = tpu.memref_slice %arg8[%add3A_48, %dma_start3A_49] : memref<80x128xi32, #tpu.memory_space<vmem>> -> memref<1x128xi32, #tpu.memory_space<vmem>>
        %dma_start3A_51 = tpu.memref_squeeze %dma_start3A_50 : memref<1x128xi32, #tpu.memory_space<vmem>> -> memref<128xi32, #tpu.memory_space<vmem>>
        %dma_start3A_52 = arith.constant 0 : i32
        %dma_start3A_53 = arith.constant 0 : i32
        %dma_start3A_54 = tpu.memref_slice %arg11[%dma_start3A_52, %dma_start3A_53] : memref<10240x16xf32, #tpu.memory_space<vmem_shared>> -> memref<10240x16xf32, #tpu.memory_space<vmem_shared>>
        tpu.enqueue_indirect_dma source(%arg10 : memref<128x16xf32, #tpu.memory_space<vmem>>) target(%dma_start3A_54 : memref<10240x16xf32, #tpu.memory_space<vmem_shared>>) offsets(%dma_start3A_51 : memref<128xi32, #tpu.memory_space<vmem>>) semaphore(%run_scoped3A : memref<!tpu.dma_semaphore, #tpu.memory_space<semaphore_mem>>) {add = true}
        %dma_wait3A_55 = arith.constant 0 : i32
        %dma_wait3A_56 = tpu.memref_slice %arg8[%add3A_48, %dma_wait3A_55] : memref<80x128xi32, #tpu.memory_space<vmem>> -> memref<1x128xi32, #tpu.memory_space<vmem>>
        %dma_wait3A_57 = tpu.memref_squeeze %dma_wait3A_56 : memref<1x128xi32, #tpu.memory_space<vmem>> -> memref<128xi32, #tpu.memory_space<vmem>>
        %dma_wait3A_58 = arith.constant 0 : i32
        %dma_wait3A_59 = arith.constant 0 : i32
        %dma_wait3A_60 = tpu.memref_slice %arg11[%dma_wait3A_58, %dma_wait3A_59] : memref<10240x16xf32, #tpu.memory_space<vmem_shared>> -> memref<10240x16xf32, #tpu.memory_space<vmem_shared>>
        tpu.wait_indirect_dma semaphore(%run_scoped3A : memref<!tpu.dma_semaphore, #tpu.memory_space<semaphore_mem>>) src(%arg10 : memref<128x16xf32, #tpu.memory_space<vmem>>) dst(%dma_wait3A_60 : memref<10240x16xf32, #tpu.memory_space<vmem_shared>>)
        tpu.yield
      }) : () -> ()
    }
    %scan3A_15 = arith.constant 40 : i32
    %barrier3A_16 = arith.constant 0 : index
    tpu.barrier barrier_id(%barrier3A_16)
    %mul3A_17 = arith.constant 640 : i32
    %mul3A_18 = arith.muli %arg1, %mul3A_17 : i32
    %mul3A_19 = arith.constant 640 : i32
    %mul3A_20 = arith.muli %arg1, %mul3A_19 : i32
    "tpu.region"() ({
      %run_scoped3A = tpu.sem_alloc : memref<!tpu.dma_semaphore, #tpu.memory_space<semaphore_mem>>
      %dma_start3A_21 = arith.constant 0 : i32
      %dma_start3A_22 = tpu.memref_slice %arg6[%arg0, %mul3A_20, %dma_start3A_21] : memref<2x10240x16xf32, #tpu.memory_space<hbm>> -> memref<1x640x16xf32, #tpu.memory_space<hbm>>
      %dma_start3A_23 = tpu.memref_squeeze %dma_start3A_22 : memref<1x640x16xf32, #tpu.memory_space<hbm>> -> memref<640x16xf32, #tpu.memory_space<hbm>>
      %dma_start3A_24 = arith.constant 0 : i32
      %dma_start3A_25 = tpu.memref_slice %arg11[%mul3A_18, %dma_start3A_24] : memref<10240x16xf32, #tpu.memory_space<vmem_shared>> -> memref<640x16xf32, #tpu.memory_space<vmem_shared>>
      tpu.enqueue_dma source(%dma_start3A_25 : memref<640x16xf32, #tpu.memory_space<vmem_shared>>) target(%dma_start3A_23 : memref<640x16xf32, #tpu.memory_space<hbm>>) target_semaphore(%run_scoped3A : memref<!tpu.dma_semaphore, #tpu.memory_space<semaphore_mem>>)
      %dma_wait3A = arith.constant 0 : i32
      %dma_wait3A_26 = tpu.memref_slice %arg6[%arg0, %mul3A_20, %dma_wait3A] : memref<2x10240x16xf32, #tpu.memory_space<hbm>> -> memref<1x640x16xf32, #tpu.memory_space<hbm>>
      %dma_wait3A_27 = tpu.memref_squeeze %dma_wait3A_26 : memref<1x640x16xf32, #tpu.memory_space<hbm>> -> memref<640x16xf32, #tpu.memory_space<hbm>>
      %dma_wait3A_28 = arith.constant 0 : i32
      %dma_wait3A_29 = tpu.memref_slice %arg11[%mul3A_18, %dma_wait3A_28] : memref<10240x16xf32, #tpu.memory_space<vmem_shared>> -> memref<640x16xf32, #tpu.memory_space<vmem_shared>>
      tpu.wait_dma2 semaphore(%run_scoped3A : memref<!tpu.dma_semaphore, #tpu.memory_space<semaphore_mem>>) src(%dma_wait3A_29 : memref<640x16xf32, #tpu.memory_space<vmem_shared>>) dst(%dma_wait3A_27 : memref<640x16xf32, #tpu.memory_space<hbm>>)
      tpu.yield
    }) : () -> ()
    return
  }
}

#map = affine_map<(d0, d1) -> (0, 0)>
#map1 = affine_map<(d0, d1) -> (0, 0, 0)>
module attributes {stable_mosaic.version = 14 : i64} {
  func.func @k(%arg0: i32, %arg1: i32, %arg2: memref<10240x128xf32, #tpu.memory_space<hbm>>, %arg3: memref<32x80x128xi32, #tpu.memory_space<hbm>>, %arg4: memref<32x80x128xi32, #tpu.memory_space<hbm>>, %arg5: memref<10240x128xf32, #tpu.memory_space<hbm>>, %arg6: memref<2x10240x128xf32, #tpu.memory_space<hbm>>, %arg7: memref<40x128xi32, #tpu.memory_space<vmem>>, %arg8: memref<40x128xi32, #tpu.memory_space<vmem>>, %arg9: memref<128x128xf32, #tpu.memory_space<vmem>>, %arg10: memref<128x128xf32, #tpu.memory_space<vmem>>, %arg11: memref<10240x128xf32, #tpu.memory_space<vmem_shared>>, %arg12: memref<!tpu.dma_semaphore, #tpu.memory_space<semaphore_mem>>, %arg13: memref<!tpu.dma_semaphore, #tpu.memory_space<semaphore_mem>>) attributes {dimension_semantics = [#tpu.dimension_semantics<core_parallel>, #tpu.dimension_semantics<subcore_parallel>], iteration_bounds = array<i64: 2, 16>, scalar_prefetch = 0 : i64, scratch_operands = 7 : i64, tpu.core_type = #tpu.core_type<sc_vector_subcore>, window_params = [{transform_indices = #map}, {transform_indices = #map1}, {transform_indices = #map1}, {transform_indices = #map}, {transform_indices = #map1}]} {
    %mul3A = arith.constant 2 : i32
    %mul3A_0 = arith.muli %arg1, %mul3A : i32
    %add3A = arith.addi %mul3A_0, %arg0 : i32
    %mul3A_1 = arith.constant 640 : i32
    %mul3A_2 = arith.muli %arg1, %mul3A_1 : i32
    %mul3A_3 = arith.constant 640 : i32
    %mul3A_4 = arith.muli %arg1, %mul3A_3 : i32
    "tpu.region"() ({
      %run_scoped3A = tpu.sem_alloc : memref<!tpu.dma_semaphore, #tpu.memory_space<semaphore_mem>>
      %dma_start3A_34 = arith.constant 0 : i32
      %dma_start3A_35 = tpu.memref_slice %arg11[%mul3A_4, %dma_start3A_34] : memref<10240x128xf32, #tpu.memory_space<vmem_shared>> -> memref<640x128xf32, #tpu.memory_space<vmem_shared>>
      %dma_start3A_36 = arith.constant 0 : i32
      %dma_start3A_37 = tpu.memref_slice %arg5[%mul3A_2, %dma_start3A_36] : memref<10240x128xf32, #tpu.memory_space<hbm>> -> memref<640x128xf32, #tpu.memory_space<hbm>>
      tpu.enqueue_dma source(%dma_start3A_37 : memref<640x128xf32, #tpu.memory_space<hbm>>) target(%dma_start3A_35 : memref<640x128xf32, #tpu.memory_space<vmem_shared>>) target_semaphore(%run_scoped3A : memref<!tpu.dma_semaphore, #tpu.memory_space<semaphore_mem>>)
      %dma_wait3A = arith.constant 0 : i32
      %dma_wait3A_38 = tpu.memref_slice %arg11[%mul3A_4, %dma_wait3A] : memref<10240x128xf32, #tpu.memory_space<vmem_shared>> -> memref<640x128xf32, #tpu.memory_space<vmem_shared>>
      %dma_wait3A_39 = arith.constant 0 : i32
      %dma_wait3A_40 = tpu.memref_slice %arg5[%mul3A_2, %dma_wait3A_39] : memref<10240x128xf32, #tpu.memory_space<hbm>> -> memref<640x128xf32, #tpu.memory_space<hbm>>
      tpu.wait_dma2 semaphore(%run_scoped3A : memref<!tpu.dma_semaphore, #tpu.memory_space<semaphore_mem>>) src(%dma_wait3A_40 : memref<640x128xf32, #tpu.memory_space<hbm>>) dst(%dma_wait3A_38 : memref<640x128xf32, #tpu.memory_space<vmem_shared>>)
      tpu.yield
    }) : () -> ()
    %barrier3A = arith.constant 0 : index
    tpu.barrier barrier_id(%barrier3A)
    "tpu.region"() ({
      %run_scoped3A = tpu.sem_alloc : memref<!tpu.dma_semaphore, #tpu.memory_space<semaphore_mem>>
      %dma_start3A_34 = arith.constant 0 : i32
      %dma_start3A_35 = arith.constant 0 : i32
      %dma_start3A_36 = tpu.memref_slice %arg3[%add3A, %dma_start3A_34, %dma_start3A_35] : memref<32x80x128xi32, #tpu.memory_space<hbm>> -> memref<1x40x128xi32, #tpu.memory_space<hbm>>
      %dma_start3A_37 = tpu.memref_squeeze %dma_start3A_36 : memref<1x40x128xi32, #tpu.memory_space<hbm>> -> memref<40x128xi32, #tpu.memory_space<hbm>>
      %dma_start3A_38 = arith.constant 0 : i32
      %dma_start3A_39 = arith.constant 0 : i32
      %dma_start3A_40 = tpu.memref_slice %arg3[%add3A, %dma_start3A_38, %dma_start3A_39] : memref<32x80x128xi32, #tpu.memory_space<hbm>> -> memref<1x40x128xi32, #tpu.memory_space<hbm>>
      %dma_start3A_41 = tpu.memref_squeeze %dma_start3A_40 : memref<1x40x128xi32, #tpu.memory_space<hbm>> -> memref<40x128xi32, #tpu.memory_space<hbm>>
      tpu.enqueue_dma source(%dma_start3A_41 : memref<40x128xi32, #tpu.memory_space<hbm>>) target(%arg7 : memref<40x128xi32, #tpu.memory_space<vmem>>) target_semaphore(%run_scoped3A : memref<!tpu.dma_semaphore, #tpu.memory_space<semaphore_mem>>)
      %dma_wait3A = arith.constant 0 : i32
      %dma_wait3A_42 = arith.constant 0 : i32
      %dma_wait3A_43 = tpu.memref_slice %arg3[%add3A, %dma_wait3A, %dma_wait3A_42] : memref<32x80x128xi32, #tpu.memory_space<hbm>> -> memref<1x40x128xi32, #tpu.memory_space<hbm>>
      %dma_wait3A_44 = tpu.memref_squeeze %dma_wait3A_43 : memref<1x40x128xi32, #tpu.memory_space<hbm>> -> memref<40x128xi32, #tpu.memory_space<hbm>>
      %dma_wait3A_45 = arith.constant 0 : i32
      %dma_wait3A_46 = arith.constant 0 : i32
      %dma_wait3A_47 = tpu.memref_slice %arg3[%add3A, %dma_wait3A_45, %dma_wait3A_46] : memref<32x80x128xi32, #tpu.memory_space<hbm>> -> memref<1x40x128xi32, #tpu.memory_space<hbm>>
      %dma_wait3A_48 = tpu.memref_squeeze %dma_wait3A_47 : memref<1x40x128xi32, #tpu.memory_space<hbm>> -> memref<40x128xi32, #tpu.memory_space<hbm>>
      tpu.wait_dma2 semaphore(%run_scoped3A : memref<!tpu.dma_semaphore, #tpu.memory_space<semaphore_mem>>) src(%dma_wait3A_48 : memref<40x128xi32, #tpu.memory_space<hbm>>) dst(%arg7 : memref<40x128xi32, #tpu.memory_space<vmem>>)
      tpu.yield
    }) : () -> ()
    "tpu.region"() ({
      %run_scoped3A = tpu.sem_alloc : memref<!tpu.dma_semaphore, #tpu.memory_space<semaphore_mem>>
      %dma_start3A_34 = arith.constant 0 : i32
      %dma_start3A_35 = arith.constant 0 : i32
      %dma_start3A_36 = tpu.memref_slice %arg4[%add3A, %dma_start3A_34, %dma_start3A_35] : memref<32x80x128xi32, #tpu.memory_space<hbm>> -> memref<1x40x128xi32, #tpu.memory_space<hbm>>
      %dma_start3A_37 = tpu.memref_squeeze %dma_start3A_36 : memref<1x40x128xi32, #tpu.memory_space<hbm>> -> memref<40x128xi32, #tpu.memory_space<hbm>>
      %dma_start3A_38 = arith.constant 0 : i32
      %dma_start3A_39 = arith.constant 0 : i32
      %dma_start3A_40 = tpu.memref_slice %arg4[%add3A, %dma_start3A_38, %dma_start3A_39] : memref<32x80x128xi32, #tpu.memory_space<hbm>> -> memref<1x40x128xi32, #tpu.memory_space<hbm>>
      %dma_start3A_41 = tpu.memref_squeeze %dma_start3A_40 : memref<1x40x128xi32, #tpu.memory_space<hbm>> -> memref<40x128xi32, #tpu.memory_space<hbm>>
      tpu.enqueue_dma source(%dma_start3A_41 : memref<40x128xi32, #tpu.memory_space<hbm>>) target(%arg8 : memref<40x128xi32, #tpu.memory_space<vmem>>) target_semaphore(%run_scoped3A : memref<!tpu.dma_semaphore, #tpu.memory_space<semaphore_mem>>)
      %dma_wait3A = arith.constant 0 : i32
      %dma_wait3A_42 = arith.constant 0 : i32
      %dma_wait3A_43 = tpu.memref_slice %arg4[%add3A, %dma_wait3A, %dma_wait3A_42] : memref<32x80x128xi32, #tpu.memory_space<hbm>> -> memref<1x40x128xi32, #tpu.memory_space<hbm>>
      %dma_wait3A_44 = tpu.memref_squeeze %dma_wait3A_43 : memref<1x40x128xi32, #tpu.memory_space<hbm>> -> memref<40x128xi32, #tpu.memory_space<hbm>>
      %dma_wait3A_45 = arith.constant 0 : i32
      %dma_wait3A_46 = arith.constant 0 : i32
      %dma_wait3A_47 = tpu.memref_slice %arg4[%add3A, %dma_wait3A_45, %dma_wait3A_46] : memref<32x80x128xi32, #tpu.memory_space<hbm>> -> memref<1x40x128xi32, #tpu.memory_space<hbm>>
      %dma_wait3A_48 = tpu.memref_squeeze %dma_wait3A_47 : memref<1x40x128xi32, #tpu.memory_space<hbm>> -> memref<40x128xi32, #tpu.memory_space<hbm>>
      tpu.wait_dma2 semaphore(%run_scoped3A : memref<!tpu.dma_semaphore, #tpu.memory_space<semaphore_mem>>) src(%dma_wait3A_48 : memref<40x128xi32, #tpu.memory_space<hbm>>) dst(%arg8 : memref<40x128xi32, #tpu.memory_space<vmem>>)
      tpu.yield
    }) : () -> ()
    %dma_start3A = arith.constant 0 : i32
    %dma_start3A_5 = arith.constant 0 : i32
    %dma_start3A_6 = tpu.memref_slice %arg7[%dma_start3A, %dma_start3A_5] : memref<40x128xi32, #tpu.memory_space<vmem>> -> memref<1x128xi32, #tpu.memory_space<vmem>>
    %dma_start3A_7 = tpu.memref_squeeze %dma_start3A_6 : memref<1x128xi32, #tpu.memory_space<vmem>> -> memref<128xi32, #tpu.memory_space<vmem>>
    %dma_start3A_8 = arith.constant 0 : i32
    %dma_start3A_9 = arith.constant 0 : i32
    %dma_start3A_10 = tpu.memref_slice %arg2[%dma_start3A_8, %dma_start3A_9] : memref<10240x128xf32, #tpu.memory_space<hbm>> -> memref<10240x128xf32, #tpu.memory_space<hbm>>
    tpu.enqueue_indirect_dma source(%dma_start3A_10 : memref<10240x128xf32, #tpu.memory_space<hbm>>) target(%arg9 : memref<128x128xf32, #tpu.memory_space<vmem>>) offsets(%dma_start3A_7 : memref<128xi32, #tpu.memory_space<vmem>>) semaphore(%arg12 : memref<!tpu.dma_semaphore, #tpu.memory_space<semaphore_mem>>)
    %scan3A = arith.constant 0 : i32
    %scan3A_11 = arith.constant 0 : i32
    %scan3A_12 = arith.constant 20 : i32
    %scan3A_13 = arith.addi %scan3A_11, %scan3A_12 : i32
    %scan3A_14 = arith.constant 1 : i32
    scf.for %scan3A_34 = %scan3A_11 to %scan3A_13 step %scan3A_14  : i32 {
      %mul3A_35 = arith.constant 2 : i32
      %mul3A_36 = arith.muli %mul3A_35, %scan3A_34 : i32
      %add3A_37 = arith.constant 1 : i32
      %add3A_38 = arith.addi %mul3A_36, %add3A_37 : i32
      %dma_start3A_39 = arith.constant 0 : i32
      %dma_start3A_40 = tpu.memref_slice %arg7[%add3A_38, %dma_start3A_39] : memref<40x128xi32, #tpu.memory_space<vmem>> -> memref<1x128xi32, #tpu.memory_space<vmem>>
      %dma_start3A_41 = tpu.memref_squeeze %dma_start3A_40 : memref<1x128xi32, #tpu.memory_space<vmem>> -> memref<128xi32, #tpu.memory_space<vmem>>
      %dma_start3A_42 = arith.constant 0 : i32
      %dma_start3A_43 = arith.constant 0 : i32
      %dma_start3A_44 = tpu.memref_slice %arg2[%dma_start3A_42, %dma_start3A_43] : memref<10240x128xf32, #tpu.memory_space<hbm>> -> memref<10240x128xf32, #tpu.memory_space<hbm>>
      tpu.enqueue_indirect_dma source(%dma_start3A_44 : memref<10240x128xf32, #tpu.memory_space<hbm>>) target(%arg10 : memref<128x128xf32, #tpu.memory_space<vmem>>) offsets(%dma_start3A_41 : memref<128xi32, #tpu.memory_space<vmem>>) semaphore(%arg13 : memref<!tpu.dma_semaphore, #tpu.memory_space<semaphore_mem>>)
      %dma_wait3A = arith.constant 0 : i32
      %dma_wait3A_45 = arith.constant 0 : i32
      %dma_wait3A_46 = tpu.memref_slice %arg2[%dma_wait3A, %dma_wait3A_45] : memref<10240x128xf32, #tpu.memory_space<hbm>> -> memref<128x128xf32, #tpu.memory_space<hbm>>
      %dma_wait3A_47 = arith.constant 0 : i32
      %dma_wait3A_48 = arith.constant 0 : i32
      %dma_wait3A_49 = tpu.memref_slice %arg2[%dma_wait3A_47, %dma_wait3A_48] : memref<10240x128xf32, #tpu.memory_space<hbm>> -> memref<128x128xf32, #tpu.memory_space<hbm>>
      tpu.wait_dma2 semaphore(%arg12 : memref<!tpu.dma_semaphore, #tpu.memory_space<semaphore_mem>>) src(%dma_wait3A_49 : memref<128x128xf32, #tpu.memory_space<hbm>>) dst(%arg9 : memref<128x128xf32, #tpu.memory_space<vmem>>)
      "tpu.region"() ({
        %run_scoped3A = tpu.sem_alloc : memref<!tpu.dma_semaphore, #tpu.memory_space<semaphore_mem>>
        %dma_start3A_62 = arith.constant 0 : i32
        %dma_start3A_63 = tpu.memref_slice %arg8[%mul3A_36, %dma_start3A_62] : memref<40x128xi32, #tpu.memory_space<vmem>> -> memref<1x128xi32, #tpu.memory_space<vmem>>
        %dma_start3A_64 = tpu.memref_squeeze %dma_start3A_63 : memref<1x128xi32, #tpu.memory_space<vmem>> -> memref<128xi32, #tpu.memory_space<vmem>>
        %dma_start3A_65 = arith.constant 0 : i32
        %dma_start3A_66 = arith.constant 0 : i32
        %dma_start3A_67 = tpu.memref_slice %arg11[%dma_start3A_65, %dma_start3A_66] : memref<10240x128xf32, #tpu.memory_space<vmem_shared>> -> memref<10240x128xf32, #tpu.memory_space<vmem_shared>>
        tpu.enqueue_indirect_dma source(%arg9 : memref<128x128xf32, #tpu.memory_space<vmem>>) target(%dma_start3A_67 : memref<10240x128xf32, #tpu.memory_space<vmem_shared>>) offsets(%dma_start3A_64 : memref<128xi32, #tpu.memory_space<vmem>>) semaphore(%run_scoped3A : memref<!tpu.dma_semaphore, #tpu.memory_space<semaphore_mem>>) {add = true}
        %dma_wait3A_68 = arith.constant 0 : i32
        %dma_wait3A_69 = tpu.memref_slice %arg8[%mul3A_36, %dma_wait3A_68] : memref<40x128xi32, #tpu.memory_space<vmem>> -> memref<1x128xi32, #tpu.memory_space<vmem>>
        %dma_wait3A_70 = tpu.memref_squeeze %dma_wait3A_69 : memref<1x128xi32, #tpu.memory_space<vmem>> -> memref<128xi32, #tpu.memory_space<vmem>>
        %dma_wait3A_71 = arith.constant 0 : i32
        %dma_wait3A_72 = arith.constant 0 : i32
        %dma_wait3A_73 = tpu.memref_slice %arg11[%dma_wait3A_71, %dma_wait3A_72] : memref<10240x128xf32, #tpu.memory_space<vmem_shared>> -> memref<10240x128xf32, #tpu.memory_space<vmem_shared>>
        tpu.wait_indirect_dma semaphore(%run_scoped3A : memref<!tpu.dma_semaphore, #tpu.memory_space<semaphore_mem>>) src(%arg9 : memref<128x128xf32, #tpu.memory_space<vmem>>) dst(%dma_wait3A_73 : memref<10240x128xf32, #tpu.memory_space<vmem_shared>>)
        tpu.yield
      }) : () -> ()
      %add3A_50 = arith.constant 2 : i32
      %add3A_51 = arith.addi %mul3A_36, %add3A_50 : i32
      %lt3A = arith.constant 40 : i32
      %lt3A_52 = arith.cmpi slt, %add3A_51, %lt3A : i32
      %convert_element_type3A = arith.extui %lt3A_52 : i1 to i32
      %cond3A = arith.constant 0 : i32
      %cond3A_53 = arith.cmpi ne, %convert_element_type3A, %cond3A : i32
      scf.if %cond3A_53 {
        %add3A_62 = arith.constant 2 : i32
        %add3A_63 = arith.addi %mul3A_36, %add3A_62 : i32
        %dma_start3A_64 = arith.constant 0 : i32
        %dma_start3A_65 = tpu.memref_slice %arg7[%add3A_63, %dma_start3A_64] : memref<40x128xi32, #tpu.memory_space<vmem>> -> memref<1x128xi32, #tpu.memory_space<vmem>>
        %dma_start3A_66 = tpu.memref_squeeze %dma_start3A_65 : memref<1x128xi32, #tpu.memory_space<vmem>> -> memref<128xi32, #tpu.memory_space<vmem>>
        %dma_start3A_67 = arith.constant 0 : i32
        %dma_start3A_68 = arith.constant 0 : i32
        %dma_start3A_69 = tpu.memref_slice %arg2[%dma_start3A_67, %dma_start3A_68] : memref<10240x128xf32, #tpu.memory_space<hbm>> -> memref<10240x128xf32, #tpu.memory_space<hbm>>
        tpu.enqueue_indirect_dma source(%dma_start3A_69 : memref<10240x128xf32, #tpu.memory_space<hbm>>) target(%arg9 : memref<128x128xf32, #tpu.memory_space<vmem>>) offsets(%dma_start3A_66 : memref<128xi32, #tpu.memory_space<vmem>>) semaphore(%arg12 : memref<!tpu.dma_semaphore, #tpu.memory_space<semaphore_mem>>)
      } else {
      }
      %dma_wait3A_54 = arith.constant 0 : i32
      %dma_wait3A_55 = arith.constant 0 : i32
      %dma_wait3A_56 = tpu.memref_slice %arg2[%dma_wait3A_54, %dma_wait3A_55] : memref<10240x128xf32, #tpu.memory_space<hbm>> -> memref<128x128xf32, #tpu.memory_space<hbm>>
      %dma_wait3A_57 = arith.constant 0 : i32
      %dma_wait3A_58 = arith.constant 0 : i32
      %dma_wait3A_59 = tpu.memref_slice %arg2[%dma_wait3A_57, %dma_wait3A_58] : memref<10240x128xf32, #tpu.memory_space<hbm>> -> memref<128x128xf32, #tpu.memory_space<hbm>>
      tpu.wait_dma2 semaphore(%arg13 : memref<!tpu.dma_semaphore, #tpu.memory_space<semaphore_mem>>) src(%dma_wait3A_59 : memref<128x128xf32, #tpu.memory_space<hbm>>) dst(%arg10 : memref<128x128xf32, #tpu.memory_space<vmem>>)
      %add3A_60 = arith.constant 1 : i32
      %add3A_61 = arith.addi %mul3A_36, %add3A_60 : i32
      "tpu.region"() ({
        %run_scoped3A = tpu.sem_alloc : memref<!tpu.dma_semaphore, #tpu.memory_space<semaphore_mem>>
        %dma_start3A_62 = arith.constant 0 : i32
        %dma_start3A_63 = tpu.memref_slice %arg8[%add3A_61, %dma_start3A_62] : memref<40x128xi32, #tpu.memory_space<vmem>> -> memref<1x128xi32, #tpu.memory_space<vmem>>
        %dma_start3A_64 = tpu.memref_squeeze %dma_start3A_63 : memref<1x128xi32, #tpu.memory_space<vmem>> -> memref<128xi32, #tpu.memory_space<vmem>>
        %dma_start3A_65 = arith.constant 0 : i32
        %dma_start3A_66 = arith.constant 0 : i32
        %dma_start3A_67 = tpu.memref_slice %arg11[%dma_start3A_65, %dma_start3A_66] : memref<10240x128xf32, #tpu.memory_space<vmem_shared>> -> memref<10240x128xf32, #tpu.memory_space<vmem_shared>>
        tpu.enqueue_indirect_dma source(%arg10 : memref<128x128xf32, #tpu.memory_space<vmem>>) target(%dma_start3A_67 : memref<10240x128xf32, #tpu.memory_space<vmem_shared>>) offsets(%dma_start3A_64 : memref<128xi32, #tpu.memory_space<vmem>>) semaphore(%run_scoped3A : memref<!tpu.dma_semaphore, #tpu.memory_space<semaphore_mem>>) {add = true}
        %dma_wait3A_68 = arith.constant 0 : i32
        %dma_wait3A_69 = tpu.memref_slice %arg8[%add3A_61, %dma_wait3A_68] : memref<40x128xi32, #tpu.memory_space<vmem>> -> memref<1x128xi32, #tpu.memory_space<vmem>>
        %dma_wait3A_70 = tpu.memref_squeeze %dma_wait3A_69 : memref<1x128xi32, #tpu.memory_space<vmem>> -> memref<128xi32, #tpu.memory_space<vmem>>
        %dma_wait3A_71 = arith.constant 0 : i32
        %dma_wait3A_72 = arith.constant 0 : i32
        %dma_wait3A_73 = tpu.memref_slice %arg11[%dma_wait3A_71, %dma_wait3A_72] : memref<10240x128xf32, #tpu.memory_space<vmem_shared>> -> memref<10240x128xf32, #tpu.memory_space<vmem_shared>>
        tpu.wait_indirect_dma semaphore(%run_scoped3A : memref<!tpu.dma_semaphore, #tpu.memory_space<semaphore_mem>>) src(%arg10 : memref<128x128xf32, #tpu.memory_space<vmem>>) dst(%dma_wait3A_73 : memref<10240x128xf32, #tpu.memory_space<vmem_shared>>)
        tpu.yield
      }) : () -> ()
    }
    %scan3A_15 = arith.constant 20 : i32
    "tpu.region"() ({
      %run_scoped3A = tpu.sem_alloc : memref<!tpu.dma_semaphore, #tpu.memory_space<semaphore_mem>>
      %dma_start3A_34 = arith.constant 40 : i32
      %dma_start3A_35 = arith.constant 0 : i32
      %dma_start3A_36 = tpu.memref_slice %arg3[%add3A, %dma_start3A_34, %dma_start3A_35] : memref<32x80x128xi32, #tpu.memory_space<hbm>> -> memref<1x40x128xi32, #tpu.memory_space<hbm>>
      %dma_start3A_37 = tpu.memref_squeeze %dma_start3A_36 : memref<1x40x128xi32, #tpu.memory_space<hbm>> -> memref<40x128xi32, #tpu.memory_space<hbm>>
      %dma_start3A_38 = arith.constant 40 : i32
      %dma_start3A_39 = arith.constant 0 : i32
      %dma_start3A_40 = tpu.memref_slice %arg3[%add3A, %dma_start3A_38, %dma_start3A_39] : memref<32x80x128xi32, #tpu.memory_space<hbm>> -> memref<1x40x128xi32, #tpu.memory_space<hbm>>
      %dma_start3A_41 = tpu.memref_squeeze %dma_start3A_40 : memref<1x40x128xi32, #tpu.memory_space<hbm>> -> memref<40x128xi32, #tpu.memory_space<hbm>>
      tpu.enqueue_dma source(%dma_start3A_41 : memref<40x128xi32, #tpu.memory_space<hbm>>) target(%arg7 : memref<40x128xi32, #tpu.memory_space<vmem>>) target_semaphore(%run_scoped3A : memref<!tpu.dma_semaphore, #tpu.memory_space<semaphore_mem>>)
      %dma_wait3A = arith.constant 40 : i32
      %dma_wait3A_42 = arith.constant 0 : i32
      %dma_wait3A_43 = tpu.memref_slice %arg3[%add3A, %dma_wait3A, %dma_wait3A_42] : memref<32x80x128xi32, #tpu.memory_space<hbm>> -> memref<1x40x128xi32, #tpu.memory_space<hbm>>
      %dma_wait3A_44 = tpu.memref_squeeze %dma_wait3A_43 : memref<1x40x128xi32, #tpu.memory_space<hbm>> -> memref<40x128xi32, #tpu.memory_space<hbm>>
      %dma_wait3A_45 = arith.constant 40 : i32
      %dma_wait3A_46 = arith.constant 0 : i32
      %dma_wait3A_47 = tpu.memref_slice %arg3[%add3A, %dma_wait3A_45, %dma_wait3A_46] : memref<32x80x128xi32, #tpu.memory_space<hbm>> -> memref<1x40x128xi32, #tpu.memory_space<hbm>>
      %dma_wait3A_48 = tpu.memref_squeeze %dma_wait3A_47 : memref<1x40x128xi32, #tpu.memory_space<hbm>> -> memref<40x128xi32, #tpu.memory_space<hbm>>
      tpu.wait_dma2 semaphore(%run_scoped3A : memref<!tpu.dma_semaphore, #tpu.memory_space<semaphore_mem>>) src(%dma_wait3A_48 : memref<40x128xi32, #tpu.memory_space<hbm>>) dst(%arg7 : memref<40x128xi32, #tpu.memory_space<vmem>>)
      tpu.yield
    }) : () -> ()
    "tpu.region"() ({
      %run_scoped3A = tpu.sem_alloc : memref<!tpu.dma_semaphore, #tpu.memory_space<semaphore_mem>>
      %dma_start3A_34 = arith.constant 40 : i32
      %dma_start3A_35 = arith.constant 0 : i32
      %dma_start3A_36 = tpu.memref_slice %arg4[%add3A, %dma_start3A_34, %dma_start3A_35] : memref<32x80x128xi32, #tpu.memory_space<hbm>> -> memref<1x40x128xi32, #tpu.memory_space<hbm>>
      %dma_start3A_37 = tpu.memref_squeeze %dma_start3A_36 : memref<1x40x128xi32, #tpu.memory_space<hbm>> -> memref<40x128xi32, #tpu.memory_space<hbm>>
      %dma_start3A_38 = arith.constant 40 : i32
      %dma_start3A_39 = arith.constant 0 : i32
      %dma_start3A_40 = tpu.memref_slice %arg4[%add3A, %dma_start3A_38, %dma_start3A_39] : memref<32x80x128xi32, #tpu.memory_space<hbm>> -> memref<1x40x128xi32, #tpu.memory_space<hbm>>
      %dma_start3A_41 = tpu.memref_squeeze %dma_start3A_40 : memref<1x40x128xi32, #tpu.memory_space<hbm>> -> memref<40x128xi32, #tpu.memory_space<hbm>>
      tpu.enqueue_dma source(%dma_start3A_41 : memref<40x128xi32, #tpu.memory_space<hbm>>) target(%arg8 : memref<40x128xi32, #tpu.memory_space<vmem>>) target_semaphore(%run_scoped3A : memref<!tpu.dma_semaphore, #tpu.memory_space<semaphore_mem>>)
      %dma_wait3A = arith.constant 40 : i32
      %dma_wait3A_42 = arith.constant 0 : i32
      %dma_wait3A_43 = tpu.memref_slice %arg4[%add3A, %dma_wait3A, %dma_wait3A_42] : memref<32x80x128xi32, #tpu.memory_space<hbm>> -> memref<1x40x128xi32, #tpu.memory_space<hbm>>
      %dma_wait3A_44 = tpu.memref_squeeze %dma_wait3A_43 : memref<1x40x128xi32, #tpu.memory_space<hbm>> -> memref<40x128xi32, #tpu.memory_space<hbm>>
      %dma_wait3A_45 = arith.constant 40 : i32
      %dma_wait3A_46 = arith.constant 0 : i32
      %dma_wait3A_47 = tpu.memref_slice %arg4[%add3A, %dma_wait3A_45, %dma_wait3A_46] : memref<32x80x128xi32, #tpu.memory_space<hbm>> -> memref<1x40x128xi32, #tpu.memory_space<hbm>>
      %dma_wait3A_48 = tpu.memref_squeeze %dma_wait3A_47 : memref<1x40x128xi32, #tpu.memory_space<hbm>> -> memref<40x128xi32, #tpu.memory_space<hbm>>
      tpu.wait_dma2 semaphore(%run_scoped3A : memref<!tpu.dma_semaphore, #tpu.memory_space<semaphore_mem>>) src(%dma_wait3A_48 : memref<40x128xi32, #tpu.memory_space<hbm>>) dst(%arg8 : memref<40x128xi32, #tpu.memory_space<vmem>>)
      tpu.yield
    }) : () -> ()
    %dma_start3A_16 = arith.constant 0 : i32
    %dma_start3A_17 = arith.constant 0 : i32
    %dma_start3A_18 = tpu.memref_slice %arg7[%dma_start3A_16, %dma_start3A_17] : memref<40x128xi32, #tpu.memory_space<vmem>> -> memref<1x128xi32, #tpu.memory_space<vmem>>
    %dma_start3A_19 = tpu.memref_squeeze %dma_start3A_18 : memref<1x128xi32, #tpu.memory_space<vmem>> -> memref<128xi32, #tpu.memory_space<vmem>>
    %dma_start3A_20 = arith.constant 0 : i32
    %dma_start3A_21 = arith.constant 0 : i32
    %dma_start3A_22 = tpu.memref_slice %arg2[%dma_start3A_20, %dma_start3A_21] : memref<10240x128xf32, #tpu.memory_space<hbm>> -> memref<10240x128xf32, #tpu.memory_space<hbm>>
    tpu.enqueue_indirect_dma source(%dma_start3A_22 : memref<10240x128xf32, #tpu.memory_space<hbm>>) target(%arg9 : memref<128x128xf32, #tpu.memory_space<vmem>>) offsets(%dma_start3A_19 : memref<128xi32, #tpu.memory_space<vmem>>) semaphore(%arg12 : memref<!tpu.dma_semaphore, #tpu.memory_space<semaphore_mem>>)
    %scan3A_23 = arith.constant 0 : i32
    %scan3A_24 = arith.constant 0 : i32
    %scan3A_25 = arith.constant 20 : i32
    %scan3A_26 = arith.addi %scan3A_24, %scan3A_25 : i32
    %scan3A_27 = arith.constant 1 : i32
    scf.for %scan3A_34 = %scan3A_24 to %scan3A_26 step %scan3A_27  : i32 {
      %mul3A_35 = arith.constant 2 : i32
      %mul3A_36 = arith.muli %mul3A_35, %scan3A_34 : i32
      %add3A_37 = arith.constant 1 : i32
      %add3A_38 = arith.addi %mul3A_36, %add3A_37 : i32
      %dma_start3A_39 = arith.constant 0 : i32
      %dma_start3A_40 = tpu.memref_slice %arg7[%add3A_38, %dma_start3A_39] : memref<40x128xi32, #tpu.memory_space<vmem>> -> memref<1x128xi32, #tpu.memory_space<vmem>>
      %dma_start3A_41 = tpu.memref_squeeze %dma_start3A_40 : memref<1x128xi32, #tpu.memory_space<vmem>> -> memref<128xi32, #tpu.memory_space<vmem>>
      %dma_start3A_42 = arith.constant 0 : i32
      %dma_start3A_43 = arith.constant 0 : i32
      %dma_start3A_44 = tpu.memref_slice %arg2[%dma_start3A_42, %dma_start3A_43] : memref<10240x128xf32, #tpu.memory_space<hbm>> -> memref<10240x128xf32, #tpu.memory_space<hbm>>
      tpu.enqueue_indirect_dma source(%dma_start3A_44 : memref<10240x128xf32, #tpu.memory_space<hbm>>) target(%arg10 : memref<128x128xf32, #tpu.memory_space<vmem>>) offsets(%dma_start3A_41 : memref<128xi32, #tpu.memory_space<vmem>>) semaphore(%arg13 : memref<!tpu.dma_semaphore, #tpu.memory_space<semaphore_mem>>)
      %dma_wait3A = arith.constant 0 : i32
      %dma_wait3A_45 = arith.constant 0 : i32
      %dma_wait3A_46 = tpu.memref_slice %arg2[%dma_wait3A, %dma_wait3A_45] : memref<10240x128xf32, #tpu.memory_space<hbm>> -> memref<128x128xf32, #tpu.memory_space<hbm>>
      %dma_wait3A_47 = arith.constant 0 : i32
      %dma_wait3A_48 = arith.constant 0 : i32
      %dma_wait3A_49 = tpu.memref_slice %arg2[%dma_wait3A_47, %dma_wait3A_48] : memref<10240x128xf32, #tpu.memory_space<hbm>> -> memref<128x128xf32, #tpu.memory_space<hbm>>
      tpu.wait_dma2 semaphore(%arg12 : memref<!tpu.dma_semaphore, #tpu.memory_space<semaphore_mem>>) src(%dma_wait3A_49 : memref<128x128xf32, #tpu.memory_space<hbm>>) dst(%arg9 : memref<128x128xf32, #tpu.memory_space<vmem>>)
      "tpu.region"() ({
        %run_scoped3A = tpu.sem_alloc : memref<!tpu.dma_semaphore, #tpu.memory_space<semaphore_mem>>
        %dma_start3A_62 = arith.constant 0 : i32
        %dma_start3A_63 = tpu.memref_slice %arg8[%mul3A_36, %dma_start3A_62] : memref<40x128xi32, #tpu.memory_space<vmem>> -> memref<1x128xi32, #tpu.memory_space<vmem>>
        %dma_start3A_64 = tpu.memref_squeeze %dma_start3A_63 : memref<1x128xi32, #tpu.memory_space<vmem>> -> memref<128xi32, #tpu.memory_space<vmem>>
        %dma_start3A_65 = arith.constant 0 : i32
        %dma_start3A_66 = arith.constant 0 : i32
        %dma_start3A_67 = tpu.memref_slice %arg11[%dma_start3A_65, %dma_start3A_66] : memref<10240x128xf32, #tpu.memory_space<vmem_shared>> -> memref<10240x128xf32, #tpu.memory_space<vmem_shared>>
        tpu.enqueue_indirect_dma source(%arg9 : memref<128x128xf32, #tpu.memory_space<vmem>>) target(%dma_start3A_67 : memref<10240x128xf32, #tpu.memory_space<vmem_shared>>) offsets(%dma_start3A_64 : memref<128xi32, #tpu.memory_space<vmem>>) semaphore(%run_scoped3A : memref<!tpu.dma_semaphore, #tpu.memory_space<semaphore_mem>>) {add = true}
        %dma_wait3A_68 = arith.constant 0 : i32
        %dma_wait3A_69 = tpu.memref_slice %arg8[%mul3A_36, %dma_wait3A_68] : memref<40x128xi32, #tpu.memory_space<vmem>> -> memref<1x128xi32, #tpu.memory_space<vmem>>
        %dma_wait3A_70 = tpu.memref_squeeze %dma_wait3A_69 : memref<1x128xi32, #tpu.memory_space<vmem>> -> memref<128xi32, #tpu.memory_space<vmem>>
        %dma_wait3A_71 = arith.constant 0 : i32
        %dma_wait3A_72 = arith.constant 0 : i32
        %dma_wait3A_73 = tpu.memref_slice %arg11[%dma_wait3A_71, %dma_wait3A_72] : memref<10240x128xf32, #tpu.memory_space<vmem_shared>> -> memref<10240x128xf32, #tpu.memory_space<vmem_shared>>
        tpu.wait_indirect_dma semaphore(%run_scoped3A : memref<!tpu.dma_semaphore, #tpu.memory_space<semaphore_mem>>) src(%arg9 : memref<128x128xf32, #tpu.memory_space<vmem>>) dst(%dma_wait3A_73 : memref<10240x128xf32, #tpu.memory_space<vmem_shared>>)
        tpu.yield
      }) : () -> ()
      %add3A_50 = arith.constant 2 : i32
      %add3A_51 = arith.addi %mul3A_36, %add3A_50 : i32
      %lt3A = arith.constant 40 : i32
      %lt3A_52 = arith.cmpi slt, %add3A_51, %lt3A : i32
      %convert_element_type3A = arith.extui %lt3A_52 : i1 to i32
      %cond3A = arith.constant 0 : i32
      %cond3A_53 = arith.cmpi ne, %convert_element_type3A, %cond3A : i32
      scf.if %cond3A_53 {
        %add3A_62 = arith.constant 2 : i32
        %add3A_63 = arith.addi %mul3A_36, %add3A_62 : i32
        %dma_start3A_64 = arith.constant 0 : i32
        %dma_start3A_65 = tpu.memref_slice %arg7[%add3A_63, %dma_start3A_64] : memref<40x128xi32, #tpu.memory_space<vmem>> -> memref<1x128xi32, #tpu.memory_space<vmem>>
        %dma_start3A_66 = tpu.memref_squeeze %dma_start3A_65 : memref<1x128xi32, #tpu.memory_space<vmem>> -> memref<128xi32, #tpu.memory_space<vmem>>
        %dma_start3A_67 = arith.constant 0 : i32
        %dma_start3A_68 = arith.constant 0 : i32
        %dma_start3A_69 = tpu.memref_slice %arg2[%dma_start3A_67, %dma_start3A_68] : memref<10240x128xf32, #tpu.memory_space<hbm>> -> memref<10240x128xf32, #tpu.memory_space<hbm>>
        tpu.enqueue_indirect_dma source(%dma_start3A_69 : memref<10240x128xf32, #tpu.memory_space<hbm>>) target(%arg9 : memref<128x128xf32, #tpu.memory_space<vmem>>) offsets(%dma_start3A_66 : memref<128xi32, #tpu.memory_space<vmem>>) semaphore(%arg12 : memref<!tpu.dma_semaphore, #tpu.memory_space<semaphore_mem>>)
      } else {
      }
      %dma_wait3A_54 = arith.constant 0 : i32
      %dma_wait3A_55 = arith.constant 0 : i32
      %dma_wait3A_56 = tpu.memref_slice %arg2[%dma_wait3A_54, %dma_wait3A_55] : memref<10240x128xf32, #tpu.memory_space<hbm>> -> memref<128x128xf32, #tpu.memory_space<hbm>>
      %dma_wait3A_57 = arith.constant 0 : i32
      %dma_wait3A_58 = arith.constant 0 : i32
      %dma_wait3A_59 = tpu.memref_slice %arg2[%dma_wait3A_57, %dma_wait3A_58] : memref<10240x128xf32, #tpu.memory_space<hbm>> -> memref<128x128xf32, #tpu.memory_space<hbm>>
      tpu.wait_dma2 semaphore(%arg13 : memref<!tpu.dma_semaphore, #tpu.memory_space<semaphore_mem>>) src(%dma_wait3A_59 : memref<128x128xf32, #tpu.memory_space<hbm>>) dst(%arg10 : memref<128x128xf32, #tpu.memory_space<vmem>>)
      %add3A_60 = arith.constant 1 : i32
      %add3A_61 = arith.addi %mul3A_36, %add3A_60 : i32
      "tpu.region"() ({
        %run_scoped3A = tpu.sem_alloc : memref<!tpu.dma_semaphore, #tpu.memory_space<semaphore_mem>>
        %dma_start3A_62 = arith.constant 0 : i32
        %dma_start3A_63 = tpu.memref_slice %arg8[%add3A_61, %dma_start3A_62] : memref<40x128xi32, #tpu.memory_space<vmem>> -> memref<1x128xi32, #tpu.memory_space<vmem>>
        %dma_start3A_64 = tpu.memref_squeeze %dma_start3A_63 : memref<1x128xi32, #tpu.memory_space<vmem>> -> memref<128xi32, #tpu.memory_space<vmem>>
        %dma_start3A_65 = arith.constant 0 : i32
        %dma_start3A_66 = arith.constant 0 : i32
        %dma_start3A_67 = tpu.memref_slice %arg11[%dma_start3A_65, %dma_start3A_66] : memref<10240x128xf32, #tpu.memory_space<vmem_shared>> -> memref<10240x128xf32, #tpu.memory_space<vmem_shared>>
        tpu.enqueue_indirect_dma source(%arg10 : memref<128x128xf32, #tpu.memory_space<vmem>>) target(%dma_start3A_67 : memref<10240x128xf32, #tpu.memory_space<vmem_shared>>) offsets(%dma_start3A_64 : memref<128xi32, #tpu.memory_space<vmem>>) semaphore(%run_scoped3A : memref<!tpu.dma_semaphore, #tpu.memory_space<semaphore_mem>>) {add = true}
        %dma_wait3A_68 = arith.constant 0 : i32
        %dma_wait3A_69 = tpu.memref_slice %arg8[%add3A_61, %dma_wait3A_68] : memref<40x128xi32, #tpu.memory_space<vmem>> -> memref<1x128xi32, #tpu.memory_space<vmem>>
        %dma_wait3A_70 = tpu.memref_squeeze %dma_wait3A_69 : memref<1x128xi32, #tpu.memory_space<vmem>> -> memref<128xi32, #tpu.memory_space<vmem>>
        %dma_wait3A_71 = arith.constant 0 : i32
        %dma_wait3A_72 = arith.constant 0 : i32
        %dma_wait3A_73 = tpu.memref_slice %arg11[%dma_wait3A_71, %dma_wait3A_72] : memref<10240x128xf32, #tpu.memory_space<vmem_shared>> -> memref<10240x128xf32, #tpu.memory_space<vmem_shared>>
        tpu.wait_indirect_dma semaphore(%run_scoped3A : memref<!tpu.dma_semaphore, #tpu.memory_space<semaphore_mem>>) src(%arg10 : memref<128x128xf32, #tpu.memory_space<vmem>>) dst(%dma_wait3A_73 : memref<10240x128xf32, #tpu.memory_space<vmem_shared>>)
        tpu.yield
      }) : () -> ()
    }
    %scan3A_28 = arith.constant 20 : i32
    %barrier3A_29 = arith.constant 0 : index
    tpu.barrier barrier_id(%barrier3A_29)
    %mul3A_30 = arith.constant 640 : i32
    %mul3A_31 = arith.muli %arg1, %mul3A_30 : i32
    %mul3A_32 = arith.constant 640 : i32
    %mul3A_33 = arith.muli %arg1, %mul3A_32 : i32
    "tpu.region"() ({
      %run_scoped3A = tpu.sem_alloc : memref<!tpu.dma_semaphore, #tpu.memory_space<semaphore_mem>>
      %dma_start3A_34 = arith.constant 0 : i32
      %dma_start3A_35 = tpu.memref_slice %arg6[%arg0, %mul3A_33, %dma_start3A_34] : memref<2x10240x128xf32, #tpu.memory_space<hbm>> -> memref<1x640x128xf32, #tpu.memory_space<hbm>>
      %dma_start3A_36 = tpu.memref_squeeze %dma_start3A_35 : memref<1x640x128xf32, #tpu.memory_space<hbm>> -> memref<640x128xf32, #tpu.memory_space<hbm>>
      %dma_start3A_37 = arith.constant 0 : i32
      %dma_start3A_38 = tpu.memref_slice %arg11[%mul3A_31, %dma_start3A_37] : memref<10240x128xf32, #tpu.memory_space<vmem_shared>> -> memref<640x128xf32, #tpu.memory_space<vmem_shared>>
      tpu.enqueue_dma source(%dma_start3A_38 : memref<640x128xf32, #tpu.memory_space<vmem_shared>>) target(%dma_start3A_36 : memref<640x128xf32, #tpu.memory_space<hbm>>) target_semaphore(%run_scoped3A : memref<!tpu.dma_semaphore, #tpu.memory_space<semaphore_mem>>)
      %dma_wait3A = arith.constant 0 : i32
      %dma_wait3A_39 = tpu.memref_slice %arg6[%arg0, %mul3A_33, %dma_wait3A] : memref<2x10240x128xf32, #tpu.memory_space<hbm>> -> memref<1x640x128xf32, #tpu.memory_space<hbm>>
      %dma_wait3A_40 = tpu.memref_squeeze %dma_wait3A_39 : memref<1x640x128xf32, #tpu.memory_space<hbm>> -> memref<640x128xf32, #tpu.memory_space<hbm>>
      %dma_wait3A_41 = arith.constant 0 : i32
      %dma_wait3A_42 = tpu.memref_slice %arg11[%mul3A_31, %dma_wait3A_41] : memref<10240x128xf32, #tpu.memory_space<vmem_shared>> -> memref<640x128xf32, #tpu.memory_space<vmem_shared>>
      tpu.wait_dma2 semaphore(%run_scoped3A : memref<!tpu.dma_semaphore, #tpu.memory_space<semaphore_mem>>) src(%dma_wait3A_42 : memref<640x128xf32, #tpu.memory_space<vmem_shared>>) dst(%dma_wait3A_40 : memref<640x128xf32, #tpu.memory_space<hbm>>)
      tpu.yield
    }) : () -> ()
    return
  }
}

#map = affine_map<(d0, d1) -> (0, 0)>
#map1 = affine_map<(d0, d1) -> (0, 0, 0)>
module attributes {stable_mosaic.version = 14 : i64} {
  func.func @k(%arg0: i32, %arg1: i32, %arg2: memref<10240x16xf32, #tpu.memory_space<hbm>>, %arg3: memref<32x80x128xi32, #tpu.memory_space<hbm>>, %arg4: memref<32x80x128xi32, #tpu.memory_space<hbm>>, %arg5: memref<10240x16xf32, #tpu.memory_space<hbm>>, %arg6: memref<2x10240x16xf32, #tpu.memory_space<hbm>>, %arg7: memref<80x128xi32, #tpu.memory_space<vmem>>, %arg8: memref<80x128xi32, #tpu.memory_space<vmem>>, %arg9: memref<128x16xf32, #tpu.memory_space<vmem>>, %arg10: memref<128x16xf32, #tpu.memory_space<vmem>>, %arg11: memref<10240x16xf32, #tpu.memory_space<vmem_shared>>, %arg12: memref<!tpu.dma_semaphore, #tpu.memory_space<semaphore_mem>>, %arg13: memref<!tpu.dma_semaphore, #tpu.memory_space<semaphore_mem>>) attributes {dimension_semantics = [#tpu.dimension_semantics<core_parallel>, #tpu.dimension_semantics<subcore_parallel>], iteration_bounds = array<i64: 2, 16>, scalar_prefetch = 0 : i64, scratch_operands = 7 : i64, tpu.core_type = #tpu.core_type<sc_vector_subcore>, window_params = [{transform_indices = #map}, {transform_indices = #map1}, {transform_indices = #map1}, {transform_indices = #map}, {transform_indices = #map1}]} {
    %mul3A = arith.constant 2 : i32
    %mul3A_0 = arith.muli %arg1, %mul3A : i32
    %add3A = arith.addi %mul3A_0, %arg0 : i32
    %mul3A_1 = arith.constant 640 : i32
    %mul3A_2 = arith.muli %arg1, %mul3A_1 : i32
    %mul3A_3 = arith.constant 640 : i32
    %mul3A_4 = arith.muli %arg1, %mul3A_3 : i32
    "tpu.region"() ({
      %run_scoped3A = tpu.sem_alloc : memref<!tpu.dma_semaphore, #tpu.memory_space<semaphore_mem>>
      %dma_start3A_21 = arith.constant 0 : i32
      %dma_start3A_22 = tpu.memref_slice %arg11[%mul3A_4, %dma_start3A_21] : memref<10240x16xf32, #tpu.memory_space<vmem_shared>> -> memref<640x16xf32, #tpu.memory_space<vmem_shared>>
      %dma_start3A_23 = arith.constant 0 : i32
      %dma_start3A_24 = tpu.memref_slice %arg5[%mul3A_2, %dma_start3A_23] : memref<10240x16xf32, #tpu.memory_space<hbm>> -> memref<640x16xf32, #tpu.memory_space<hbm>>
      tpu.enqueue_dma source(%dma_start3A_24 : memref<640x16xf32, #tpu.memory_space<hbm>>) target(%dma_start3A_22 : memref<640x16xf32, #tpu.memory_space<vmem_shared>>) target_semaphore(%run_scoped3A : memref<!tpu.dma_semaphore, #tpu.memory_space<semaphore_mem>>)
      %dma_wait3A = arith.constant 0 : i32
      %dma_wait3A_25 = tpu.memref_slice %arg11[%mul3A_4, %dma_wait3A] : memref<10240x16xf32, #tpu.memory_space<vmem_shared>> -> memref<640x16xf32, #tpu.memory_space<vmem_shared>>
      %dma_wait3A_26 = arith.constant 0 : i32
      %dma_wait3A_27 = tpu.memref_slice %arg5[%mul3A_2, %dma_wait3A_26] : memref<10240x16xf32, #tpu.memory_space<hbm>> -> memref<640x16xf32, #tpu.memory_space<hbm>>
      tpu.wait_dma2 semaphore(%run_scoped3A : memref<!tpu.dma_semaphore, #tpu.memory_space<semaphore_mem>>) src(%dma_wait3A_27 : memref<640x16xf32, #tpu.memory_space<hbm>>) dst(%dma_wait3A_25 : memref<640x16xf32, #tpu.memory_space<vmem_shared>>)
      tpu.yield
    }) : () -> ()
    %barrier3A = arith.constant 0 : index
    tpu.barrier barrier_id(%barrier3A)
    "tpu.region"() ({
      %run_scoped3A = tpu.sem_alloc : memref<!tpu.dma_semaphore, #tpu.memory_space<semaphore_mem>>
      %dma_start3A_21 = arith.constant 0 : i32
      %dma_start3A_22 = arith.constant 0 : i32
      %dma_start3A_23 = tpu.memref_slice %arg3[%add3A, %dma_start3A_21, %dma_start3A_22] : memref<32x80x128xi32, #tpu.memory_space<hbm>> -> memref<1x80x128xi32, #tpu.memory_space<hbm>>
      %dma_start3A_24 = tpu.memref_squeeze %dma_start3A_23 : memref<1x80x128xi32, #tpu.memory_space<hbm>> -> memref<80x128xi32, #tpu.memory_space<hbm>>
      %dma_start3A_25 = arith.constant 0 : i32
      %dma_start3A_26 = arith.constant 0 : i32
      %dma_start3A_27 = tpu.memref_slice %arg3[%add3A, %dma_start3A_25, %dma_start3A_26] : memref<32x80x128xi32, #tpu.memory_space<hbm>> -> memref<1x80x128xi32, #tpu.memory_space<hbm>>
      %dma_start3A_28 = tpu.memref_squeeze %dma_start3A_27 : memref<1x80x128xi32, #tpu.memory_space<hbm>> -> memref<80x128xi32, #tpu.memory_space<hbm>>
      tpu.enqueue_dma source(%dma_start3A_28 : memref<80x128xi32, #tpu.memory_space<hbm>>) target(%arg7 : memref<80x128xi32, #tpu.memory_space<vmem>>) target_semaphore(%run_scoped3A : memref<!tpu.dma_semaphore, #tpu.memory_space<semaphore_mem>>)
      %dma_wait3A = arith.constant 0 : i32
      %dma_wait3A_29 = arith.constant 0 : i32
      %dma_wait3A_30 = tpu.memref_slice %arg3[%add3A, %dma_wait3A, %dma_wait3A_29] : memref<32x80x128xi32, #tpu.memory_space<hbm>> -> memref<1x80x128xi32, #tpu.memory_space<hbm>>
      %dma_wait3A_31 = tpu.memref_squeeze %dma_wait3A_30 : memref<1x80x128xi32, #tpu.memory_space<hbm>> -> memref<80x128xi32, #tpu.memory_space<hbm>>
      %dma_wait3A_32 = arith.constant 0 : i32
      %dma_wait3A_33 = arith.constant 0 : i32
      %dma_wait3A_34 = tpu.memref_slice %arg3[%add3A, %dma_wait3A_32, %dma_wait3A_33] : memref<32x80x128xi32, #tpu.memory_space<hbm>> -> memref<1x80x128xi32, #tpu.memory_space<hbm>>
      %dma_wait3A_35 = tpu.memref_squeeze %dma_wait3A_34 : memref<1x80x128xi32, #tpu.memory_space<hbm>> -> memref<80x128xi32, #tpu.memory_space<hbm>>
      tpu.wait_dma2 semaphore(%run_scoped3A : memref<!tpu.dma_semaphore, #tpu.memory_space<semaphore_mem>>) src(%dma_wait3A_35 : memref<80x128xi32, #tpu.memory_space<hbm>>) dst(%arg7 : memref<80x128xi32, #tpu.memory_space<vmem>>)
      tpu.yield
    }) : () -> ()
    "tpu.region"() ({
      %run_scoped3A = tpu.sem_alloc : memref<!tpu.dma_semaphore, #tpu.memory_space<semaphore_mem>>
      %dma_start3A_21 = arith.constant 0 : i32
      %dma_start3A_22 = arith.constant 0 : i32
      %dma_start3A_23 = tpu.memref_slice %arg4[%add3A, %dma_start3A_21, %dma_start3A_22] : memref<32x80x128xi32, #tpu.memory_space<hbm>> -> memref<1x80x128xi32, #tpu.memory_space<hbm>>
      %dma_start3A_24 = tpu.memref_squeeze %dma_start3A_23 : memref<1x80x128xi32, #tpu.memory_space<hbm>> -> memref<80x128xi32, #tpu.memory_space<hbm>>
      %dma_start3A_25 = arith.constant 0 : i32
      %dma_start3A_26 = arith.constant 0 : i32
      %dma_start3A_27 = tpu.memref_slice %arg4[%add3A, %dma_start3A_25, %dma_start3A_26] : memref<32x80x128xi32, #tpu.memory_space<hbm>> -> memref<1x80x128xi32, #tpu.memory_space<hbm>>
      %dma_start3A_28 = tpu.memref_squeeze %dma_start3A_27 : memref<1x80x128xi32, #tpu.memory_space<hbm>> -> memref<80x128xi32, #tpu.memory_space<hbm>>
      tpu.enqueue_dma source(%dma_start3A_28 : memref<80x128xi32, #tpu.memory_space<hbm>>) target(%arg8 : memref<80x128xi32, #tpu.memory_space<vmem>>) target_semaphore(%run_scoped3A : memref<!tpu.dma_semaphore, #tpu.memory_space<semaphore_mem>>)
      %dma_wait3A = arith.constant 0 : i32
      %dma_wait3A_29 = arith.constant 0 : i32
      %dma_wait3A_30 = tpu.memref_slice %arg4[%add3A, %dma_wait3A, %dma_wait3A_29] : memref<32x80x128xi32, #tpu.memory_space<hbm>> -> memref<1x80x128xi32, #tpu.memory_space<hbm>>
      %dma_wait3A_31 = tpu.memref_squeeze %dma_wait3A_30 : memref<1x80x128xi32, #tpu.memory_space<hbm>> -> memref<80x128xi32, #tpu.memory_space<hbm>>
      %dma_wait3A_32 = arith.constant 0 : i32
      %dma_wait3A_33 = arith.constant 0 : i32
      %dma_wait3A_34 = tpu.memref_slice %arg4[%add3A, %dma_wait3A_32, %dma_wait3A_33] : memref<32x80x128xi32, #tpu.memory_space<hbm>> -> memref<1x80x128xi32, #tpu.memory_space<hbm>>
      %dma_wait3A_35 = tpu.memref_squeeze %dma_wait3A_34 : memref<1x80x128xi32, #tpu.memory_space<hbm>> -> memref<80x128xi32, #tpu.memory_space<hbm>>
      tpu.wait_dma2 semaphore(%run_scoped3A : memref<!tpu.dma_semaphore, #tpu.memory_space<semaphore_mem>>) src(%dma_wait3A_35 : memref<80x128xi32, #tpu.memory_space<hbm>>) dst(%arg8 : memref<80x128xi32, #tpu.memory_space<vmem>>)
      tpu.yield
    }) : () -> ()
    %dma_start3A = arith.constant 0 : i32
    %dma_start3A_5 = arith.constant 0 : i32
    %dma_start3A_6 = tpu.memref_slice %arg7[%dma_start3A, %dma_start3A_5] : memref<80x128xi32, #tpu.memory_space<vmem>> -> memref<1x128xi32, #tpu.memory_space<vmem>>
    %dma_start3A_7 = tpu.memref_squeeze %dma_start3A_6 : memref<1x128xi32, #tpu.memory_space<vmem>> -> memref<128xi32, #tpu.memory_space<vmem>>
    %dma_start3A_8 = arith.constant 0 : i32
    %dma_start3A_9 = arith.constant 0 : i32
    %dma_start3A_10 = tpu.memref_slice %arg2[%dma_start3A_8, %dma_start3A_9] : memref<10240x16xf32, #tpu.memory_space<hbm>> -> memref<10240x16xf32, #tpu.memory_space<hbm>>
    tpu.enqueue_indirect_dma source(%dma_start3A_10 : memref<10240x16xf32, #tpu.memory_space<hbm>>) target(%arg9 : memref<128x16xf32, #tpu.memory_space<vmem>>) offsets(%dma_start3A_7 : memref<128xi32, #tpu.memory_space<vmem>>) semaphore(%arg12 : memref<!tpu.dma_semaphore, #tpu.memory_space<semaphore_mem>>)
    %scan3A = arith.constant 0 : i32
    %scan3A_11 = arith.constant 0 : i32
    %scan3A_12 = arith.constant 40 : i32
    %scan3A_13 = arith.addi %scan3A_11, %scan3A_12 : i32
    %scan3A_14 = arith.constant 1 : i32
    scf.for %scan3A_21 = %scan3A_11 to %scan3A_13 step %scan3A_14  : i32 {
      %mul3A_22 = arith.constant 2 : i32
      %mul3A_23 = arith.muli %mul3A_22, %scan3A_21 : i32
      %add3A_24 = arith.constant 1 : i32
      %add3A_25 = arith.addi %mul3A_23, %add3A_24 : i32
      %dma_start3A_26 = arith.constant 0 : i32
      %dma_start3A_27 = tpu.memref_slice %arg7[%add3A_25, %dma_start3A_26] : memref<80x128xi32, #tpu.memory_space<vmem>> -> memref<1x128xi32, #tpu.memory_space<vmem>>
      %dma_start3A_28 = tpu.memref_squeeze %dma_start3A_27 : memref<1x128xi32, #tpu.memory_space<vmem>> -> memref<128xi32, #tpu.memory_space<vmem>>
      %dma_start3A_29 = arith.constant 0 : i32
      %dma_start3A_30 = arith.constant 0 : i32
      %dma_start3A_31 = tpu.memref_slice %arg2[%dma_start3A_29, %dma_start3A_30] : memref<10240x16xf32, #tpu.memory_space<hbm>> -> memref<10240x16xf32, #tpu.memory_space<hbm>>
      tpu.enqueue_indirect_dma source(%dma_start3A_31 : memref<10240x16xf32, #tpu.memory_space<hbm>>) target(%arg10 : memref<128x16xf32, #tpu.memory_space<vmem>>) offsets(%dma_start3A_28 : memref<128xi32, #tpu.memory_space<vmem>>) semaphore(%arg13 : memref<!tpu.dma_semaphore, #tpu.memory_space<semaphore_mem>>)
      %dma_wait3A = arith.constant 0 : i32
      %dma_wait3A_32 = arith.constant 0 : i32
      %dma_wait3A_33 = tpu.memref_slice %arg2[%dma_wait3A, %dma_wait3A_32] : memref<10240x16xf32, #tpu.memory_space<hbm>> -> memref<128x16xf32, #tpu.memory_space<hbm>>
      %dma_wait3A_34 = arith.constant 0 : i32
      %dma_wait3A_35 = arith.constant 0 : i32
      %dma_wait3A_36 = tpu.memref_slice %arg2[%dma_wait3A_34, %dma_wait3A_35] : memref<10240x16xf32, #tpu.memory_space<hbm>> -> memref<128x16xf32, #tpu.memory_space<hbm>>
      tpu.wait_dma2 semaphore(%arg12 : memref<!tpu.dma_semaphore, #tpu.memory_space<semaphore_mem>>) src(%dma_wait3A_36 : memref<128x16xf32, #tpu.memory_space<hbm>>) dst(%arg9 : memref<128x16xf32, #tpu.memory_space<vmem>>)
      "tpu.region"() ({
        %run_scoped3A = tpu.sem_alloc : memref<!tpu.dma_semaphore, #tpu.memory_space<semaphore_mem>>
        %dma_start3A_49 = arith.constant 0 : i32
        %dma_start3A_50 = tpu.memref_slice %arg8[%mul3A_23, %dma_start3A_49] : memref<80x128xi32, #tpu.memory_space<vmem>> -> memref<1x128xi32, #tpu.memory_space<vmem>>
        %dma_start3A_51 = tpu.memref_squeeze %dma_start3A_50 : memref<1x128xi32, #tpu.memory_space<vmem>> -> memref<128xi32, #tpu.memory_space<vmem>>
        %dma_start3A_52 = arith.constant 0 : i32
        %dma_start3A_53 = arith.constant 0 : i32
        %dma_start3A_54 = tpu.memref_slice %arg11[%dma_start3A_52, %dma_start3A_53] : memref<10240x16xf32, #tpu.memory_space<vmem_shared>> -> memref<10240x16xf32, #tpu.memory_space<vmem_shared>>
        tpu.enqueue_indirect_dma source(%arg9 : memref<128x16xf32, #tpu.memory_space<vmem>>) target(%dma_start3A_54 : memref<10240x16xf32, #tpu.memory_space<vmem_shared>>) offsets(%dma_start3A_51 : memref<128xi32, #tpu.memory_space<vmem>>) semaphore(%run_scoped3A : memref<!tpu.dma_semaphore, #tpu.memory_space<semaphore_mem>>) {add = true}
        %dma_wait3A_55 = arith.constant 0 : i32
        %dma_wait3A_56 = tpu.memref_slice %arg8[%mul3A_23, %dma_wait3A_55] : memref<80x128xi32, #tpu.memory_space<vmem>> -> memref<1x128xi32, #tpu.memory_space<vmem>>
        %dma_wait3A_57 = tpu.memref_squeeze %dma_wait3A_56 : memref<1x128xi32, #tpu.memory_space<vmem>> -> memref<128xi32, #tpu.memory_space<vmem>>
        %dma_wait3A_58 = arith.constant 0 : i32
        %dma_wait3A_59 = arith.constant 0 : i32
        %dma_wait3A_60 = tpu.memref_slice %arg11[%dma_wait3A_58, %dma_wait3A_59] : memref<10240x16xf32, #tpu.memory_space<vmem_shared>> -> memref<10240x16xf32, #tpu.memory_space<vmem_shared>>
        tpu.wait_indirect_dma semaphore(%run_scoped3A : memref<!tpu.dma_semaphore, #tpu.memory_space<semaphore_mem>>) src(%arg9 : memref<128x16xf32, #tpu.memory_space<vmem>>) dst(%dma_wait3A_60 : memref<10240x16xf32, #tpu.memory_space<vmem_shared>>)
        tpu.yield
      }) : () -> ()
      %add3A_37 = arith.constant 2 : i32
      %add3A_38 = arith.addi %mul3A_23, %add3A_37 : i32
      %lt3A = arith.constant 80 : i32
      %lt3A_39 = arith.cmpi slt, %add3A_38, %lt3A : i32
      %convert_element_type3A = arith.extui %lt3A_39 : i1 to i32
      %cond3A = arith.constant 0 : i32
      %cond3A_40 = arith.cmpi ne, %convert_element_type3A, %cond3A : i32
      scf.if %cond3A_40 {
        %add3A_49 = arith.constant 2 : i32
        %add3A_50 = arith.addi %mul3A_23, %add3A_49 : i32
        %dma_start3A_51 = arith.constant 0 : i32
        %dma_start3A_52 = tpu.memref_slice %arg7[%add3A_50, %dma_start3A_51] : memref<80x128xi32, #tpu.memory_space<vmem>> -> memref<1x128xi32, #tpu.memory_space<vmem>>
        %dma_start3A_53 = tpu.memref_squeeze %dma_start3A_52 : memref<1x128xi32, #tpu.memory_space<vmem>> -> memref<128xi32, #tpu.memory_space<vmem>>
        %dma_start3A_54 = arith.constant 0 : i32
        %dma_start3A_55 = arith.constant 0 : i32
        %dma_start3A_56 = tpu.memref_slice %arg2[%dma_start3A_54, %dma_start3A_55] : memref<10240x16xf32, #tpu.memory_space<hbm>> -> memref<10240x16xf32, #tpu.memory_space<hbm>>
        tpu.enqueue_indirect_dma source(%dma_start3A_56 : memref<10240x16xf32, #tpu.memory_space<hbm>>) target(%arg9 : memref<128x16xf32, #tpu.memory_space<vmem>>) offsets(%dma_start3A_53 : memref<128xi32, #tpu.memory_space<vmem>>) semaphore(%arg12 : memref<!tpu.dma_semaphore, #tpu.memory_space<semaphore_mem>>)
      } else {
      }
      %dma_wait3A_41 = arith.constant 0 : i32
      %dma_wait3A_42 = arith.constant 0 : i32
      %dma_wait3A_43 = tpu.memref_slice %arg2[%dma_wait3A_41, %dma_wait3A_42] : memref<10240x16xf32, #tpu.memory_space<hbm>> -> memref<128x16xf32, #tpu.memory_space<hbm>>
      %dma_wait3A_44 = arith.constant 0 : i32
      %dma_wait3A_45 = arith.constant 0 : i32
      %dma_wait3A_46 = tpu.memref_slice %arg2[%dma_wait3A_44, %dma_wait3A_45] : memref<10240x16xf32, #tpu.memory_space<hbm>> -> memref<128x16xf32, #tpu.memory_space<hbm>>
      tpu.wait_dma2 semaphore(%arg13 : memref<!tpu.dma_semaphore, #tpu.memory_space<semaphore_mem>>) src(%dma_wait3A_46 : memref<128x16xf32, #tpu.memory_space<hbm>>) dst(%arg10 : memref<128x16xf32, #tpu.memory_space<vmem>>)
      %add3A_47 = arith.constant 1 : i32
      %add3A_48 = arith.addi %mul3A_23, %add3A_47 : i32
      "tpu.region"() ({
        %run_scoped3A = tpu.sem_alloc : memref<!tpu.dma_semaphore, #tpu.memory_space<semaphore_mem>>
        %dma_start3A_49 = arith.constant 0 : i32
        %dma_start3A_50 = tpu.memref_slice %arg8[%add3A_48, %dma_start3A_49] : memref<80x128xi32, #tpu.memory_space<vmem>> -> memref<1x128xi32, #tpu.memory_space<vmem>>
        %dma_start3A_51 = tpu.memref_squeeze %dma_start3A_50 : memref<1x128xi32, #tpu.memory_space<vmem>> -> memref<128xi32, #tpu.memory_space<vmem>>
        %dma_start3A_52 = arith.constant 0 : i32
        %dma_start3A_53 = arith.constant 0 : i32
        %dma_start3A_54 = tpu.memref_slice %arg11[%dma_start3A_52, %dma_start3A_53] : memref<10240x16xf32, #tpu.memory_space<vmem_shared>> -> memref<10240x16xf32, #tpu.memory_space<vmem_shared>>
        tpu.enqueue_indirect_dma source(%arg10 : memref<128x16xf32, #tpu.memory_space<vmem>>) target(%dma_start3A_54 : memref<10240x16xf32, #tpu.memory_space<vmem_shared>>) offsets(%dma_start3A_51 : memref<128xi32, #tpu.memory_space<vmem>>) semaphore(%run_scoped3A : memref<!tpu.dma_semaphore, #tpu.memory_space<semaphore_mem>>) {add = true}
        %dma_wait3A_55 = arith.constant 0 : i32
        %dma_wait3A_56 = tpu.memref_slice %arg8[%add3A_48, %dma_wait3A_55] : memref<80x128xi32, #tpu.memory_space<vmem>> -> memref<1x128xi32, #tpu.memory_space<vmem>>
        %dma_wait3A_57 = tpu.memref_squeeze %dma_wait3A_56 : memref<1x128xi32, #tpu.memory_space<vmem>> -> memref<128xi32, #tpu.memory_space<vmem>>
        %dma_wait3A_58 = arith.constant 0 : i32
        %dma_wait3A_59 = arith.constant 0 : i32
        %dma_wait3A_60 = tpu.memref_slice %arg11[%dma_wait3A_58, %dma_wait3A_59] : memref<10240x16xf32, #tpu.memory_space<vmem_shared>> -> memref<10240x16xf32, #tpu.memory_space<vmem_shared>>
        tpu.wait_indirect_dma semaphore(%run_scoped3A : memref<!tpu.dma_semaphore, #tpu.memory_space<semaphore_mem>>) src(%arg10 : memref<128x16xf32, #tpu.memory_space<vmem>>) dst(%dma_wait3A_60 : memref<10240x16xf32, #tpu.memory_space<vmem_shared>>)
        tpu.yield
      }) : () -> ()
    }
    %scan3A_15 = arith.constant 40 : i32
    %barrier3A_16 = arith.constant 0 : index
    tpu.barrier barrier_id(%barrier3A_16)
    %mul3A_17 = arith.constant 640 : i32
    %mul3A_18 = arith.muli %arg1, %mul3A_17 : i32
    %mul3A_19 = arith.constant 640 : i32
    %mul3A_20 = arith.muli %arg1, %mul3A_19 : i32
    "tpu.region"() ({
      %run_scoped3A = tpu.sem_alloc : memref<!tpu.dma_semaphore, #tpu.memory_space<semaphore_mem>>
      %dma_start3A_21 = arith.constant 0 : i32
      %dma_start3A_22 = tpu.memref_slice %arg6[%arg0, %mul3A_20, %dma_start3A_21] : memref<2x10240x16xf32, #tpu.memory_space<hbm>> -> memref<1x640x16xf32, #tpu.memory_space<hbm>>
      %dma_start3A_23 = tpu.memref_squeeze %dma_start3A_22 : memref<1x640x16xf32, #tpu.memory_space<hbm>> -> memref<640x16xf32, #tpu.memory_space<hbm>>
      %dma_start3A_24 = arith.constant 0 : i32
      %dma_start3A_25 = tpu.memref_slice %arg11[%mul3A_18, %dma_start3A_24] : memref<10240x16xf32, #tpu.memory_space<vmem_shared>> -> memref<640x16xf32, #tpu.memory_space<vmem_shared>>
      tpu.enqueue_dma source(%dma_start3A_25 : memref<640x16xf32, #tpu.memory_space<vmem_shared>>) target(%dma_start3A_23 : memref<640x16xf32, #tpu.memory_space<hbm>>) target_semaphore(%run_scoped3A : memref<!tpu.dma_semaphore, #tpu.memory_space<semaphore_mem>>)
      %dma_wait3A = arith.constant 0 : i32
      %dma_wait3A_26 = tpu.memref_slice %arg6[%arg0, %mul3A_20, %dma_wait3A] : memref<2x10240x16xf32, #tpu.memory_space<hbm>> -> memref<1x640x16xf32, #tpu.memory_space<hbm>>
      %dma_wait3A_27 = tpu.memref_squeeze %dma_wait3A_26 : memref<1x640x16xf32, #tpu.memory_space<hbm>> -> memref<640x16xf32, #tpu.memory_space<hbm>>
      %dma_wait3A_28 = arith.constant 0 : i32
      %dma_wait3A_29 = tpu.memref_slice %arg11[%mul3A_18, %dma_wait3A_28] : memref<10240x16xf32, #tpu.memory_space<vmem_shared>> -> memref<640x16xf32, #tpu.memory_space<vmem_shared>>
      tpu.wait_dma2 semaphore(%run_scoped3A : memref<!tpu.dma_semaphore, #tpu.memory_space<semaphore_mem>>) src(%dma_wait3A_29 : memref<640x16xf32, #tpu.memory_space<vmem_shared>>) dst(%dma_wait3A_27 : memref<640x16xf32, #tpu.memory_space<hbm>>)
      tpu.yield
    }) : () -> ()
    return
  }
}

module attributes {stable_mosaic.version = 14 : i64} {
  func.func @_prep1_body(%arg0: i32, %arg1: memref<1024x128xf32, #tpu.memory_space<vmem>>, %arg2: memref<128x128xf32, #tpu.memory_space<vmem>>, %arg3: memref<2x1024x16xf32, #tpu.memory_space<vmem>>, %arg4: memref<1024x128xf32, #tpu.memory_space<vmem>>) attributes {dimension_semantics = [#tpu.dimension_semantics<arbitrary>], iteration_bounds = array<i64: 10>, scalar_prefetch = 0 : i64, scratch_operands = 0 : i64, tpu.core_type = #tpu.core_type<tc>, window_params = [{transform_indices = @transform_0, window_bounds = array<i64: 1024, 128>}, {pipeline_mode = #tpu.pipeline_mode<synchronous>, transform_indices = @transform_1, window_bounds = array<i64: 128, 128>}, {transform_indices = @transform_2, window_bounds = array<i64: 2, 1024, 16>}, {transform_indices = @transform_3, window_bounds = array<i64: 1024, 128>}]} {
    %get3A = arith.constant 0 : index
    %get3A_0 = arith.constant 0 : index
    %get3A_1 = arith.constant 0 : index
    %get3A_2 = vector.load %arg3[%get3A, %get3A_0, %get3A_1] : memref<2x1024x16xf32, #tpu.memory_space<vmem>>, vector<1x1024x16xf32>
    %get3A_3 = vector.shape_cast %get3A_2 : vector<1x1024x16xf32> to vector<1024x16xf32>
    %slice3A = vector.extract_strided_slice %get3A_3 {offsets = [0, 0], sizes = [1024, 1], strides = [1, 1]} : vector<1024x16xf32> to vector<1024x1xf32>
    %get3A_4 = arith.constant 1 : index
    %get3A_5 = arith.constant 0 : index
    %get3A_6 = arith.constant 0 : index
    %get3A_7 = vector.load %arg3[%get3A_4, %get3A_5, %get3A_6] : memref<2x1024x16xf32, #tpu.memory_space<vmem>>, vector<1x1024x16xf32>
    %get3A_8 = vector.shape_cast %get3A_7 : vector<1x1024x16xf32> to vector<1024x16xf32>
    %slice3A_9 = vector.extract_strided_slice %get3A_8 {offsets = [0, 0], sizes = [1024, 1], strides = [1, 1]} : vector<1024x16xf32> to vector<1024x1xf32>
    %add3A = arith.addf %slice3A, %slice3A_9 : vector<1024x1xf32>
    %add3A_10 = arith.constant 1.000000e+00 : f32
    %add3A_11 = vector.broadcast %add3A_10 : f32 to vector<1024x1xf32>
    %add3A_12 = arith.addf %add3A, %add3A_11 : vector<1024x1xf32>
    %rsqrt3A = math.rsqrt %add3A_12 : vector<1024x1xf32>
    %get3A_13 = arith.constant 0 : index
    %get3A_14 = arith.constant 0 : index
    %get3A_15 = vector.load %arg1[%get3A_13, %get3A_14] : memref<1024x128xf32, #tpu.memory_space<vmem>>, vector<1024x128xf32>
    %get3A_16 = arith.constant 0 : index
    %get3A_17 = arith.constant 0 : index
    %get3A_18 = vector.load %arg2[%get3A_16, %get3A_17] : memref<128x128xf32, #tpu.memory_space<vmem>>, vector<128x128xf32>
    %dot_general3A = arith.constant dense<0.000000e+00> : vector<1024x128xf32>
    %dot_general3A_19 = tpu.matmul %get3A_15, %get3A_18, %dot_general3A {dimension_numbers = #tpu.dot_dimension_numbers<[1], [0], [0], [1], [0, 0, 1, 1], [], []>, transpose_lhs_hint = false} : vector<1024x128xf32>, vector<128x128xf32>, vector<1024x128xf32> -> vector<1024x128xf32>
    %mul3A = vector.broadcast %rsqrt3A : vector<1024x1xf32> to vector<1024x128xf32>
    %mul3A_20 = arith.mulf %dot_general3A_19, %mul3A : vector<1024x128xf32>
    %swap3A = arith.constant 0 : index
    %swap3A_21 = arith.constant 0 : index
    %swap3A_22 = vector.load %arg4[%swap3A, %swap3A_21] : memref<1024x128xf32, #tpu.memory_space<vmem>>, vector<1024x128xf32>
    tpu.vector_store %arg4[%swap3A, %swap3A_21], %mul3A_20 {strides = array<i32>} : memref<1024x128xf32, #tpu.memory_space<vmem>>, vector<1024x128xf32>,
    return
  }
  func.func @transform_0(%arg0: i32) -> (i32, i32) {
    %c0_i32 = arith.constant 0 : i32
    %c0_i32_0 = arith.constant 0 : i32
    return %arg0, %c0_i32 : i32, i32
  }
  func.func @transform_1(%arg0: i32) -> (i32, i32) {
    %c0_i32 = arith.constant 0 : i32
    %c0_i32_0 = arith.constant 0 : i32
    %c0_i32_1 = arith.constant 0 : i32
    return %c0_i32, %c0_i32_0 : i32, i32
  }
  func.func @transform_2(%arg0: i32) -> (i32, i32, i32) {
    %c0_i32 = arith.constant 0 : i32
    %c0_i32_0 = arith.constant 0 : i32
    %c0_i32_1 = arith.constant 0 : i32
    return %c0_i32, %arg0, %c0_i32_0 : i32, i32, i32
  }
  func.func @transform_3(%arg0: i32) -> (i32, i32) {
    %c0_i32 = arith.constant 0 : i32
    %c0_i32_0 = arith.constant 0 : i32
    return %arg0, %c0_i32 : i32, i32
  }
}

module attributes {stable_mosaic.version = 14 : i64} {
  func.func @_post1_body(%arg0: i32, %arg1: memref<2x1024x128xf32, #tpu.memory_space<vmem>>, %arg2: memref<1024x128xf32, #tpu.memory_space<vmem>>, %arg3: memref<2x1024x16xf32, #tpu.memory_space<vmem>>, %arg4: memref<1x128xf32, #tpu.memory_space<vmem>>, %arg5: memref<128x2xf32, #tpu.memory_space<vmem>>, %arg6: memref<1024x128xf32, #tpu.memory_space<vmem>>, %arg7: memref<1024x16xf32, #tpu.memory_space<vmem>>, %arg8: memref<1024x16xf32, #tpu.memory_space<vmem>>) attributes {dimension_semantics = [#tpu.dimension_semantics<arbitrary>], iteration_bounds = array<i64: 10>, scalar_prefetch = 0 : i64, scratch_operands = 0 : i64, tpu.core_type = #tpu.core_type<tc>, window_params = [{transform_indices = @transform_0, window_bounds = array<i64: 2, 1024, 128>}, {transform_indices = @transform_1, window_bounds = array<i64: 1024, 128>}, {transform_indices = @transform_2, window_bounds = array<i64: 2, 1024, 16>}, {pipeline_mode = #tpu.pipeline_mode<synchronous>, transform_indices = @transform_3, window_bounds = array<i64: 1, 128>}, {pipeline_mode = #tpu.pipeline_mode<synchronous>, transform_indices = @transform_4, window_bounds = array<i64: 128, 2>}, {transform_indices = @transform_5, window_bounds = array<i64: 1024, 128>}, {transform_indices = @transform_6, window_bounds = array<i64: 1024, 16>}, {transform_indices = @transform_7, window_bounds = array<i64: 1024, 16>}]} {
    %get3A = arith.constant 0 : index
    %get3A_0 = arith.constant 0 : index
    %get3A_1 = arith.constant 0 : index
    %get3A_2 = vector.load %arg3[%get3A, %get3A_0, %get3A_1] : memref<2x1024x16xf32, #tpu.memory_space<vmem>>, vector<1x1024x16xf32>
    %get3A_3 = vector.shape_cast %get3A_2 : vector<1x1024x16xf32> to vector<1024x16xf32>
    %slice3A = vector.extract_strided_slice %get3A_3 {offsets = [0, 0], sizes = [1024, 1], strides = [1, 1]} : vector<1024x16xf32> to vector<1024x1xf32>
    %get3A_4 = arith.constant 1 : index
    %get3A_5 = arith.constant 0 : index
    %get3A_6 = arith.constant 0 : index
    %get3A_7 = vector.load %arg3[%get3A_4, %get3A_5, %get3A_6] : memref<2x1024x16xf32, #tpu.memory_space<vmem>>, vector<1x1024x16xf32>
    %get3A_8 = vector.shape_cast %get3A_7 : vector<1x1024x16xf32> to vector<1024x16xf32>
    %slice3A_9 = vector.extract_strided_slice %get3A_8 {offsets = [0, 0], sizes = [1024, 1], strides = [1, 1]} : vector<1024x16xf32> to vector<1024x1xf32>
    %add3A = arith.addf %slice3A, %slice3A_9 : vector<1024x1xf32>
    %add3A_10 = arith.constant 1.000000e+00 : f32
    %add3A_11 = vector.broadcast %add3A_10 : f32 to vector<1024x1xf32>
    %add3A_12 = arith.addf %add3A, %add3A_11 : vector<1024x1xf32>
    %rsqrt3A = math.rsqrt %add3A_12 : vector<1024x1xf32>
    %get3A_13 = arith.constant 0 : index
    %get3A_14 = arith.constant 0 : index
    %get3A_15 = arith.constant 0 : index
    %get3A_16 = vector.load %arg1[%get3A_13, %get3A_14, %get3A_15] : memref<2x1024x128xf32, #tpu.memory_space<vmem>>, vector<1x1024x128xf32>
    %get3A_17 = vector.shape_cast %get3A_16 : vector<1x1024x128xf32> to vector<1024x128xf32>
    %get3A_18 = arith.constant 1 : index
    %get3A_19 = arith.constant 0 : index
    %get3A_20 = arith.constant 0 : index
    %get3A_21 = vector.load %arg1[%get3A_18, %get3A_19, %get3A_20] : memref<2x1024x128xf32, #tpu.memory_space<vmem>>, vector<1x1024x128xf32>
    %get3A_22 = vector.shape_cast %get3A_21 : vector<1x1024x128xf32> to vector<1024x128xf32>
    %add3A_23 = arith.addf %get3A_17, %get3A_22 : vector<1024x128xf32>
    %get3A_24 = arith.constant 0 : index
    %get3A_25 = arith.constant 0 : index
    %get3A_26 = vector.load %arg2[%get3A_24, %get3A_25] : memref<1024x128xf32, #tpu.memory_space<vmem>>, vector<1024x128xf32>
    %add3A_27 = arith.addf %add3A_23, %get3A_26 : vector<1024x128xf32>
    %mul3A = vector.broadcast %rsqrt3A : vector<1024x1xf32> to vector<1024x128xf32>
    %mul3A_28 = arith.mulf %mul3A, %add3A_27 : vector<1024x128xf32>
    %get3A_29 = arith.constant 0 : index
    %get3A_30 = arith.constant 0 : index
    %get3A_31 = vector.load %arg4[%get3A_29, %get3A_30] : memref<1x128xf32, #tpu.memory_space<vmem>>, vector<1x128xf32>
    %add3A_32 = vector.broadcast %get3A_31 : vector<1x128xf32> to vector<1024x128xf32>
    %add3A_33 = arith.addf %mul3A_28, %add3A_32 : vector<1024x128xf32>
    %max3A = arith.constant 0.000000e+00 : f32
    %max3A_34 = vector.broadcast %max3A : f32 to vector<1024x128xf32>
    %max3A_35 = arith.maximumf %add3A_33, %max3A_34 : vector<1024x128xf32>
    %swap3A = arith.constant 0 : index
    %swap3A_36 = arith.constant 0 : index
    %swap3A_37 = vector.load %arg6[%swap3A, %swap3A_36] : memref<1024x128xf32, #tpu.memory_space<vmem>>, vector<1024x128xf32>
    tpu.vector_store %arg6[%swap3A, %swap3A_36], %max3A_35 {strides = array<i32>} : memref<1024x128xf32, #tpu.memory_space<vmem>>, vector<1024x128xf32>,
    %get3A_38 = arith.constant 0 : index
    %get3A_39 = arith.constant 0 : index
    %get3A_40 = vector.load %arg5[%get3A_38, %get3A_39] : memref<128x2xf32, #tpu.memory_space<vmem>>, vector<128x2xf32>
    %dot_general3A = arith.constant dense<0.000000e+00> : vector<1024x2xf32>
    %dot_general3A_41 = tpu.matmul %max3A_35, %get3A_40, %dot_general3A {dimension_numbers = #tpu.dot_dimension_numbers<[1], [0], [0], [1], [0, 0, 1, 1], [], []>, transpose_lhs_hint = false} : vector<1024x128xf32>, vector<128x2xf32>, vector<1024x2xf32> -> vector<1024x2xf32>
    %slice3A_42 = vector.extract_strided_slice %dot_general3A_41 {offsets = [0, 0], sizes = [1024, 1], strides = [1, 1]} : vector<1024x2xf32> to vector<1024x1xf32>
    %broadcast_in_dim3A = vector.shape_cast %slice3A_42 : vector<1024x1xf32> to vector<1024x1xf32>
    %broadcast_in_dim3A_43 = vector.broadcast %broadcast_in_dim3A : vector<1024x1xf32> to vector<1024x16xf32>
    %swap3A_44 = arith.constant 0 : index
    %swap3A_45 = arith.constant 0 : index
    %swap3A_46 = vector.load %arg7[%swap3A_44, %swap3A_45] : memref<1024x16xf32, #tpu.memory_space<vmem>>, vector<1024x16xf32>
    tpu.vector_store %arg7[%swap3A_44, %swap3A_45], %broadcast_in_dim3A_43 {strides = array<i32>} : memref<1024x16xf32, #tpu.memory_space<vmem>>, vector<1024x16xf32>,
    %slice3A_47 = vector.extract_strided_slice %dot_general3A_41 {offsets = [0, 1], sizes = [1024, 1], strides = [1, 1]} : vector<1024x2xf32> to vector<1024x1xf32>
    %broadcast_in_dim3A_48 = vector.shape_cast %slice3A_47 : vector<1024x1xf32> to vector<1024x1xf32>
    %broadcast_in_dim3A_49 = vector.broadcast %broadcast_in_dim3A_48 : vector<1024x1xf32> to vector<1024x16xf32>
    %swap3A_50 = arith.constant 0 : index
    %swap3A_51 = arith.constant 0 : index
    %swap3A_52 = vector.load %arg8[%swap3A_50, %swap3A_51] : memref<1024x16xf32, #tpu.memory_space<vmem>>, vector<1024x16xf32>
    tpu.vector_store %arg8[%swap3A_50, %swap3A_51], %broadcast_in_dim3A_49 {strides = array<i32>} : memref<1024x16xf32, #tpu.memory_space<vmem>>, vector<1024x16xf32>,
    return
  }
  func.func @transform_0(%arg0: i32) -> (i32, i32, i32) {
    %c0_i32 = arith.constant 0 : i32
    %c0_i32_0 = arith.constant 0 : i32
    %c0_i32_1 = arith.constant 0 : i32
    return %c0_i32, %arg0, %c0_i32_0 : i32, i32, i32
  }
  func.func @transform_1(%arg0: i32) -> (i32, i32) {
    %c0_i32 = arith.constant 0 : i32
    %c0_i32_0 = arith.constant 0 : i32
    return %arg0, %c0_i32 : i32, i32
  }
  func.func @transform_2(%arg0: i32) -> (i32, i32, i32) {
    %c0_i32 = arith.constant 0 : i32
    %c0_i32_0 = arith.constant 0 : i32
    %c0_i32_1 = arith.constant 0 : i32
    return %c0_i32, %arg0, %c0_i32_0 : i32, i32, i32
  }
  func.func @transform_3(%arg0: i32) -> (i32, i32) {
    %c0_i32 = arith.constant 0 : i32
    %c0_i32_0 = arith.constant 0 : i32
    %c0_i32_1 = arith.constant 0 : i32
    return %c0_i32, %c0_i32_0 : i32, i32
  }
  func.func @transform_4(%arg0: i32) -> (i32, i32) {
    %c0_i32 = arith.constant 0 : i32
    %c0_i32_0 = arith.constant 0 : i32
    %c0_i32_1 = arith.constant 0 : i32
    return %c0_i32, %c0_i32_0 : i32, i32
  }
  func.func @transform_5(%arg0: i32) -> (i32, i32) {
    %c0_i32 = arith.constant 0 : i32
    %c0_i32_0 = arith.constant 0 : i32
    return %arg0, %c0_i32 : i32, i32
  }
  func.func @transform_6(%arg0: i32) -> (i32, i32) {
    %c0_i32 = arith.constant 0 : i32
    %c0_i32_0 = arith.constant 0 : i32
    return %arg0, %c0_i32 : i32, i32
  }
  func.func @transform_7(%arg0: i32) -> (i32, i32) {
    %c0_i32 = arith.constant 0 : i32
    %c0_i32_0 = arith.constant 0 : i32
    return %arg0, %c0_i32 : i32, i32
  }
}

module attributes {stable_mosaic.version = 14 : i64} {
  func.func @body(%arg0: memref<2x16x10240xf32, #tpu.memory_space<vmem>>, %arg1: memref<16x10240xf32, #tpu.memory_space<vmem>>, %arg2: memref<16x10240xi32, #tpu.memory_space<vmem>>, %arg3: memref<1x1xf32, #tpu.memory_space<vmem>>, %arg4: memref<16x10240xf32, #tpu.memory_space<vmem>>, %arg5: memref<16x128xf32, #tpu.memory_space<vmem>>) attributes {dimension_semantics = [], scalar_prefetch = 0 : i64, scratch_operands = 0 : i64, tpu.core_type = #tpu.core_type<tc>} {
    %get3A = arith.constant 0 : index
    %get3A_0 = arith.constant 0 : index
    %get3A_1 = vector.load %arg2[%get3A, %get3A_0] : memref<16x10240xi32, #tpu.memory_space<vmem>>, vector<16x10240xi32>
    %iota3A = tpu.iota {dimensions = array<i32: 0>} : vector<16x10240xi32>
    %eq3A = arith.cmpi eq, %get3A_1, %iota3A : vector<16x10240xi32>
    %get3A_2 = arith.constant 0 : index
    %get3A_3 = arith.constant 0 : index
    %get3A_4 = arith.constant 0 : index
    %get3A_5 = vector.load %arg0[%get3A_2, %get3A_3, %get3A_4] : memref<2x16x10240xf32, #tpu.memory_space<vmem>>, vector<1x16x10240xf32>
    %get3A_6 = vector.shape_cast %get3A_5 : vector<1x16x10240xf32> to vector<16x10240xf32>
    %get3A_7 = arith.constant 1 : index
    %get3A_8 = arith.constant 0 : index
    %get3A_9 = arith.constant 0 : index
    %get3A_10 = vector.load %arg0[%get3A_7, %get3A_8, %get3A_9] : memref<2x16x10240xf32, #tpu.memory_space<vmem>>, vector<1x16x10240xf32>
    %get3A_11 = vector.shape_cast %get3A_10 : vector<1x16x10240xf32> to vector<16x10240xf32>
    %add3A = arith.addf %get3A_6, %get3A_11 : vector<16x10240xf32>
    %get3A_12 = arith.constant 0 : index
    %get3A_13 = arith.constant 0 : index
    %get3A_14 = vector.load %arg1[%get3A_12, %get3A_13] : memref<16x10240xf32, #tpu.memory_space<vmem>>, vector<16x10240xf32>
    %add3A_15 = arith.addf %add3A, %get3A_14 : vector<16x10240xf32>
    %get3A_16 = arith.constant 0 : index
    %get3A_17 = arith.constant 0 : index
    %get3A_18 = vector.load %arg3[%get3A_16, %get3A_17] : memref<1x1xf32, #tpu.memory_space<vmem>>, vector<1x1xf32>
    %add3A_19 = vector.broadcast %get3A_18 : vector<1x1xf32> to vector<16x10240xf32>
    %add3A_20 = arith.addf %add3A_15, %add3A_19 : vector<16x10240xf32>
    %convert_element_type3A = arith.extui %eq3A : vector<16x10240xi1> to vector<16x10240xi32>
    %convert_element_type3A_21 = arith.sitofp %convert_element_type3A : vector<16x10240xi32> to vector<16x10240xf32>
    %reduce_sum3A = arith.constant dense<0.000000e+00> : vector<16xf32>
    %reduce_sum3A_22 = vector.multi_reduction <add>, %convert_element_type3A_21, %reduce_sum3A [1] : vector<16x10240xf32> to vector<16xf32>
    %broadcast_in_dim3A = vector.shape_cast %reduce_sum3A_22 : vector<16xf32> to vector<16x1xf32>
    %mul3A = arith.constant 5.000000e-01 : f32
    %mul3A_23 = vector.broadcast %mul3A : f32 to vector<16x1xf32>
    %mul3A_24 = arith.mulf %mul3A_23, %broadcast_in_dim3A : vector<16x1xf32>
    %ceil3A = math.ceil %mul3A_24 : vector<16x1xf32>
    %bitcast_convert_type3A = tpu.bitcast %add3A_20 : vector<16x10240xf32> -> vector<16x10240xi32>
    %shift_right_logical3A = arith.constant 31 : i32
    %shift_right_logical3A_25 = vector.broadcast %shift_right_logical3A : i32 to vector<16x10240xi32>
    %shift_right_logical3A_26 = arith.shrui %bitcast_convert_type3A, %shift_right_logical3A_25 : vector<16x10240xi32>
    %eq3A_27 = arith.constant 1 : i32
    %eq3A_28 = vector.broadcast %eq3A_27 : i32 to vector<16x10240xi32>
    %eq3A_29 = arith.cmpi eq, %shift_right_logical3A_26, %eq3A_28 : vector<16x10240xi32>
    %jit3A = arith.constant -1 : i32
    %jit3A_30 = arith.constant -2147483648 : i32
    %broadcast_in_dim3A_31 = vector.broadcast %jit3A : i32 to vector<16x10240xi32>
    %broadcast_in_dim3A_32 = vector.broadcast %jit3A_30 : i32 to vector<16x10240xi32>
    %select_n3A = arith.select %eq3A_29, %broadcast_in_dim3A_31, %broadcast_in_dim3A_32 : vector<16x10240xi1>, vector<16x10240xi32>
    %xor3A = arith.xori %bitcast_convert_type3A, %select_n3A : vector<16x10240xi32>
    %broadcast_in_dim3A_33 = arith.constant 0 : i32
    %broadcast_in_dim3A_34 = vector.broadcast %broadcast_in_dim3A_33 : i32 to vector<16x1xi32>
    %scan3A = arith.constant 0 : i32
    %scan3A_35 = arith.constant 32 : i32
    %scan3A_36 = arith.addi %scan3A, %scan3A_35 : i32
    %scan3A_37 = arith.constant 1 : i32
    %scan3A_38 = scf.for %scan3A_79 = %scan3A to %scan3A_36 step %scan3A_37 iter_args(%scan3A_80 = %broadcast_in_dim3A_34) -> (vector<16x1xi32>)  : i32 {
      %sub3A_81 = arith.constant 31 : i32
      %sub3A_82 = arith.subi %sub3A_81, %scan3A_79 : i32
      %shift_left3A = arith.constant 1 : i32
      %shift_left3A_83 = arith.shli %shift_left3A, %sub3A_82 : i32
      %or3A_84 = vector.broadcast %shift_left3A_83 : i32 to vector<16x1xi32>
      %or3A_85 = arith.ori %scan3A_80, %or3A_84 : vector<16x1xi32>
      %ge3A_86 = vector.broadcast %or3A_85 : vector<16x1xi32> to vector<16x10240xi32>
      %ge3A_87 = arith.cmpi uge, %xor3A, %ge3A_86 : vector<16x10240xi32>
      %and3A_88 = arith.andi %ge3A_87, %eq3A : vector<16x10240xi1>
      %convert_element_type3A_89 = arith.extui %and3A_88 : vector<16x10240xi1> to vector<16x10240xi32>
      %convert_element_type3A_90 = arith.sitofp %convert_element_type3A_89 : vector<16x10240xi32> to vector<16x10240xf32>
      %reduce_sum3A_91 = arith.constant dense<0.000000e+00> : vector<16xf32>
      %reduce_sum3A_92 = vector.multi_reduction <add>, %convert_element_type3A_90, %reduce_sum3A_91 [1] : vector<16x10240xf32> to vector<16xf32>
      %broadcast_in_dim3A_93 = vector.shape_cast %reduce_sum3A_92 : vector<16xf32> to vector<16x1xf32>
      %ge3A_94 = arith.cmpf oge, %broadcast_in_dim3A_93, %ceil3A : vector<16x1xf32>
      %select_n3A_95 = arith.select %ge3A_94, %or3A_85, %scan3A_80 : vector<16x1xi1>, vector<16x1xi32>
      scf.yield %select_n3A_95 : vector<16x1xi32>
    }
    %scan3A_39 = arith.constant 32 : i32
    %gt3A = vector.broadcast %scan3A_38 : vector<16x1xi32> to vector<16x10240xi32>
    %gt3A_40 = arith.cmpi ugt, %xor3A, %gt3A : vector<16x10240xi32>
    %and3A = arith.andi %gt3A_40, %eq3A : vector<16x10240xi1>
    %eq3A_41 = vector.broadcast %scan3A_38 : vector<16x1xi32> to vector<16x10240xi32>
    %eq3A_42 = arith.cmpi eq, %xor3A, %eq3A_41 : vector<16x10240xi32>
    %and3A_43 = arith.andi %eq3A_42, %eq3A : vector<16x10240xi1>
    %convert_element_type3A_44 = arith.extui %and3A : vector<16x10240xi1> to vector<16x10240xi32>
    %convert_element_type3A_45 = arith.sitofp %convert_element_type3A_44 : vector<16x10240xi32> to vector<16x10240xf32>
    %reduce_sum3A_46 = arith.constant dense<0.000000e+00> : vector<16xf32>
    %reduce_sum3A_47 = vector.multi_reduction <add>, %convert_element_type3A_45, %reduce_sum3A_46 [1] : vector<16x10240xf32> to vector<16xf32>
    %broadcast_in_dim3A_48 = vector.shape_cast %reduce_sum3A_47 : vector<16xf32> to vector<16x1xf32>
    %sub3A = arith.subf %ceil3A, %broadcast_in_dim3A_48 : vector<16x1xf32>
    %iota3A_49 = tpu.iota {dimensions = array<i32: 1>} : vector<16x10240xi32>
    %broadcast_in_dim3A_50 = arith.constant 0 : i32
    %broadcast_in_dim3A_51 = vector.broadcast %broadcast_in_dim3A_50 : i32 to vector<16x1xi32>
    %broadcast_in_dim3A_52 = arith.constant 10239 : i32
    %broadcast_in_dim3A_53 = vector.broadcast %broadcast_in_dim3A_52 : i32 to vector<16x1xi32>
    %scan3A_54 = arith.constant 0 : i32
    %scan3A_55 = arith.constant 14 : i32
    %scan3A_56 = arith.addi %scan3A_54, %scan3A_55 : i32
    %scan3A_57 = arith.constant 1 : i32
    %scan3A_58:2 = scf.for %scan3A_79 = %scan3A_54 to %scan3A_56 step %scan3A_57 iter_args(%scan3A_80 = %broadcast_in_dim3A_51, %scan3A_81 = %broadcast_in_dim3A_53) -> (vector<16x1xi32>, vector<16x1xi32>)  : i32 {
      %add3A_82 = arith.addi %scan3A_80, %scan3A_81 : vector<16x1xi32>
      %jit3A_83 = arith.constant 2 : i32
      %div3A = vector.broadcast %jit3A_83 : i32 to vector<16x1xi32>
      %div3A_84 = arith.divsi %add3A_82, %div3A : vector<16x1xi32>
      %sign3A = arith.constant 0 : i32
      %sign3A_85 = vector.broadcast %sign3A : i32 to vector<16x1xi32>
      %sign3A_86 = arith.cmpi sgt, %add3A_82, %sign3A_85 : vector<16x1xi32>
      %sign3A_87 = arith.extui %sign3A_86 : vector<16x1xi1> to vector<16x1xi32>
      %sign3A_88 = arith.constant 0 : i32
      %sign3A_89 = vector.broadcast %sign3A_88 : i32 to vector<16x1xi32>
      %sign3A_90 = arith.cmpi slt, %add3A_82, %sign3A_89 : vector<16x1xi32>
      %sign3A_91 = arith.extui %sign3A_90 : vector<16x1xi1> to vector<16x1xi32>
      %sign3A_92 = arith.subi %sign3A_87, %sign3A_91 : vector<16x1xi32>
      %sign3A_93 = arith.constant 0 : i32
      %sign3A_94 = arith.cmpi sgt, %jit3A_83, %sign3A_93 : i32
      %sign3A_95 = arith.extui %sign3A_94 : i1 to i32
      %sign3A_96 = arith.constant 0 : i32
      %sign3A_97 = arith.cmpi slt, %jit3A_83, %sign3A_96 : i32
      %sign3A_98 = arith.extui %sign3A_97 : i1 to i32
      %sign3A_99 = arith.subi %sign3A_95, %sign3A_98 : i32
      %ne3A = vector.broadcast %sign3A_99 : i32 to vector<16x1xi32>
      %ne3A_100 = arith.cmpi ne, %sign3A_92, %ne3A : vector<16x1xi32>
      %rem3A = vector.broadcast %jit3A_83 : i32 to vector<16x1xi32>
      %rem3A_101 = arith.remsi %add3A_82, %rem3A : vector<16x1xi32>
      %ne3A_102 = arith.constant 0 : i32
      %ne3A_103 = vector.broadcast %ne3A_102 : i32 to vector<16x1xi32>
      %ne3A_104 = arith.cmpi ne, %rem3A_101, %ne3A_103 : vector<16x1xi32>
      %and3A_105 = arith.andi %ne3A_100, %ne3A_104 : vector<16x1xi1>
      %sub3A_106 = arith.constant 1 : i32
      %sub3A_107 = vector.broadcast %sub3A_106 : i32 to vector<16x1xi32>
      %sub3A_108 = arith.subi %div3A_84, %sub3A_107 : vector<16x1xi32>
      %select_n3A_109 = arith.select %and3A_105, %sub3A_108, %div3A_84 : vector<16x1xi1>, vector<16x1xi32>
      %le3A_110 = vector.broadcast %select_n3A_109 : vector<16x1xi32> to vector<16x10240xi32>
      %le3A_111 = arith.cmpi sle, %iota3A_49, %le3A_110 : vector<16x10240xi32>
      %and3A_112 = arith.andi %and3A_43, %le3A_111 : vector<16x10240xi1>
      %convert_element_type3A_113 = arith.extui %and3A_112 : vector<16x10240xi1> to vector<16x10240xi32>
      %convert_element_type3A_114 = arith.sitofp %convert_element_type3A_113 : vector<16x10240xi32> to vector<16x10240xf32>
      %reduce_sum3A_115 = arith.constant dense<0.000000e+00> : vector<16xf32>
      %reduce_sum3A_116 = vector.multi_reduction <add>, %convert_element_type3A_114, %reduce_sum3A_115 [1] : vector<16x10240xf32> to vector<16xf32>
      %broadcast_in_dim3A_117 = vector.shape_cast %reduce_sum3A_116 : vector<16xf32> to vector<16x1xf32>
      %ge3A_118 = arith.cmpf oge, %broadcast_in_dim3A_117, %sub3A : vector<16x1xf32>
      %add3A_119 = arith.constant 1 : i32
      %add3A_120 = vector.broadcast %add3A_119 : i32 to vector<16x1xi32>
      %add3A_121 = arith.addi %select_n3A_109, %add3A_120 : vector<16x1xi32>
      %select_n3A_122 = arith.select %ge3A_118, %scan3A_80, %add3A_121 : vector<16x1xi1>, vector<16x1xi32>
      %select_n3A_123 = arith.select %ge3A_118, %select_n3A_109, %scan3A_81 : vector<16x1xi1>, vector<16x1xi32>
      scf.yield %select_n3A_122, %select_n3A_123 : vector<16x1xi32>, vector<16x1xi32>
    }
    %le3A = vector.broadcast %scan3A_58#1 : vector<16x1xi32> to vector<16x10240xi32>
    %le3A_59 = arith.cmpi sle, %iota3A_49, %le3A : vector<16x10240xi32>
    %and3A_60 = arith.andi %and3A_43, %le3A_59 : vector<16x10240xi1>
    %or3A = arith.ori %and3A, %and3A_60 : vector<16x10240xi1>
    %ge3A = arith.constant 1.000000e+00 : f32
    %ge3A_61 = vector.broadcast %ge3A : f32 to vector<16x1xf32>
    %ge3A_62 = arith.cmpf oge, %ceil3A, %ge3A_61 : vector<16x1xf32>
    %and3A_63 = vector.broadcast %ge3A_62 : vector<16x1xi1> to vector<16x10240xi1>
    %and3A_64 = arith.andi %or3A, %and3A_63 : vector<16x10240xi1>
    %convert_element_type3A_65 = arith.extui %and3A_64 : vector<16x10240xi1> to vector<16x10240xi32>
    %convert_element_type3A_66 = arith.sitofp %convert_element_type3A_65 : vector<16x10240xi32> to vector<16x10240xf32>
    %swap3A = arith.constant 0 : index
    %swap3A_67 = arith.constant 0 : index
    %swap3A_68 = vector.load %arg4[%swap3A, %swap3A_67] : memref<16x10240xf32, #tpu.memory_space<vmem>>, vector<16x10240xf32>
    tpu.vector_store %arg4[%swap3A, %swap3A_67], %convert_element_type3A_66 {strides = array<i32>} : memref<16x10240xf32, #tpu.memory_space<vmem>>, vector<16x10240xf32>,
    %convert_element_type3A_69 = arith.extui %and3A_64 : vector<16x10240xi1> to vector<16x10240xi32>
    %convert_element_type3A_70 = arith.sitofp %convert_element_type3A_69 : vector<16x10240xi32> to vector<16x10240xf32>
    %reduce_sum3A_71 = arith.constant dense<0.000000e+00> : vector<16xf32>
    %reduce_sum3A_72 = vector.multi_reduction <add>, %convert_element_type3A_70, %reduce_sum3A_71 [1] : vector<16x10240xf32> to vector<16xf32>
    %broadcast_in_dim3A_73 = vector.shape_cast %reduce_sum3A_72 : vector<16xf32> to vector<16x1xf32>
    %broadcast_in_dim3A_74 = vector.shape_cast %broadcast_in_dim3A_73 : vector<16x1xf32> to vector<16x1xf32>
    %broadcast_in_dim3A_75 = vector.broadcast %broadcast_in_dim3A_74 : vector<16x1xf32> to vector<16x128xf32>
    %swap3A_76 = arith.constant 0 : index
    %swap3A_77 = arith.constant 0 : index
    %swap3A_78 = vector.load %arg5[%swap3A_76, %swap3A_77] : memref<16x128xf32, #tpu.memory_space<vmem>>, vector<16x128xf32>
    tpu.vector_store %arg5[%swap3A_76, %swap3A_77], %broadcast_in_dim3A_75 {strides = array<i32>} : memref<16x128xf32, #tpu.memory_space<vmem>>, vector<16x128xf32>,
    return
  }
}

module attributes {stable_mosaic.version = 14 : i64} {
  func.func @_gate_pool_body(%arg0: i32, %arg1: memref<1024x128xf32, #tpu.memory_space<vmem>>, %arg2: memref<2x1024x16xf32, #tpu.memory_space<vmem>>, %arg3: memref<1024x16xf32, #tpu.memory_space<vmem>>, %arg4: memref<1x1xf32, #tpu.memory_space<vmem>>, %arg5: memref<1024x16xf32, #tpu.memory_space<vmem>>, %arg6: memref<1024x128xf32, #tpu.memory_space<vmem>>, %arg7: memref<1024x16xf32, #tpu.memory_space<vmem>>, %arg8: memref<16x128xf32, #tpu.memory_space<vmem>>, %arg9: memref<16x128xf32, #tpu.memory_space<vmem>>) attributes {dimension_semantics = [#tpu.dimension_semantics<arbitrary>], iteration_bounds = array<i64: 10>, scalar_prefetch = 0 : i64, scratch_operands = 0 : i64, tpu.core_type = #tpu.core_type<tc>, window_params = [{transform_indices = @transform_0, window_bounds = array<i64: 1024, 128>}, {transform_indices = @transform_1, window_bounds = array<i64: 2, 1024, 16>}, {transform_indices = @transform_2, window_bounds = array<i64: 1024, 16>}, {pipeline_mode = #tpu.pipeline_mode<synchronous>, transform_indices = @transform_3, window_bounds = array<i64: 1, 1>}, {transform_indices = @transform_4, window_bounds = array<i64: 1024, 16>}, {transform_indices = @transform_5, window_bounds = array<i64: 1024, 128>}, {transform_indices = @transform_6, window_bounds = array<i64: 1024, 16>}, {pipeline_mode = #tpu.pipeline_mode<synchronous>, transform_indices = @transform_7, window_bounds = array<i64: 16, 128>}, {pipeline_mode = #tpu.pipeline_mode<synchronous>, transform_indices = @transform_8, window_bounds = array<i64: 16, 128>}]} {
    %get3A = arith.constant 0 : index
    %get3A_0 = arith.constant 0 : index
    %get3A_1 = arith.constant 0 : index
    %get3A_2 = vector.load %arg2[%get3A, %get3A_0, %get3A_1] : memref<2x1024x16xf32, #tpu.memory_space<vmem>>, vector<1x1024x16xf32>
    %get3A_3 = vector.shape_cast %get3A_2 : vector<1x1024x16xf32> to vector<1024x16xf32>
    %get3A_4 = arith.constant 1 : index
    %get3A_5 = arith.constant 0 : index
    %get3A_6 = arith.constant 0 : index
    %get3A_7 = vector.load %arg2[%get3A_4, %get3A_5, %get3A_6] : memref<2x1024x16xf32, #tpu.memory_space<vmem>>, vector<1x1024x16xf32>
    %get3A_8 = vector.shape_cast %get3A_7 : vector<1x1024x16xf32> to vector<1024x16xf32>
    %add3A = arith.addf %get3A_3, %get3A_8 : vector<1024x16xf32>
    %get3A_9 = arith.constant 0 : index
    %get3A_10 = arith.constant 0 : index
    %get3A_11 = vector.load %arg3[%get3A_9, %get3A_10] : memref<1024x16xf32, #tpu.memory_space<vmem>>, vector<1024x16xf32>
    %add3A_12 = arith.addf %add3A, %get3A_11 : vector<1024x16xf32>
    %get3A_13 = arith.constant 0 : index
    %get3A_14 = arith.constant 0 : index
    %get3A_15 = vector.load %arg4[%get3A_13, %get3A_14] : memref<1x1xf32, #tpu.memory_space<vmem>>, vector<1x1xf32>
    %add3A_16 = vector.broadcast %get3A_15 : vector<1x1xf32> to vector<1024x16xf32>
    %add3A_17 = arith.addf %add3A_12, %add3A_16 : vector<1024x16xf32>
    %get3A_18 = arith.constant 0 : index
    %get3A_19 = arith.constant 0 : index
    %get3A_20 = vector.load %arg5[%get3A_18, %get3A_19] : memref<1024x16xf32, #tpu.memory_space<vmem>>, vector<1024x16xf32>
    %reduce_sum3A = arith.constant dense<0.000000e+00> : vector<1024xf32>
    %reduce_sum3A_21 = vector.multi_reduction <add>, %get3A_20, %reduce_sum3A [1] : vector<1024x16xf32> to vector<1024xf32>
    %broadcast_in_dim3A = vector.shape_cast %reduce_sum3A_21 : vector<1024xf32> to vector<1024x1xf32>
    %get3A_22 = arith.constant 0 : index
    %get3A_23 = arith.constant 0 : index
    %get3A_24 = vector.load %arg1[%get3A_22, %get3A_23] : memref<1024x128xf32, #tpu.memory_space<vmem>>, vector<1024x128xf32>
    %slice3A = vector.extract_strided_slice %add3A_17 {offsets = [0, 0], sizes = [1024, 1], strides = [1, 1]} : vector<1024x16xf32> to vector<1024x1xf32>
    %tanh3A = math.tanh %slice3A : vector<1024x1xf32>
    %mul3A = arith.mulf %tanh3A, %broadcast_in_dim3A : vector<1024x1xf32>
    %mul3A_25 = vector.broadcast %mul3A : vector<1024x1xf32> to vector<1024x128xf32>
    %mul3A_26 = arith.mulf %get3A_24, %mul3A_25 : vector<1024x128xf32>
    %swap3A = arith.constant 0 : index
    %swap3A_27 = arith.constant 0 : index
    %swap3A_28 = vector.load %arg6[%swap3A, %swap3A_27] : memref<1024x128xf32, #tpu.memory_space<vmem>>, vector<1024x128xf32>
    tpu.vector_store %arg6[%swap3A, %swap3A_27], %mul3A_26 {strides = array<i32>} : memref<1024x128xf32, #tpu.memory_space<vmem>>, vector<1024x128xf32>,
    %broadcast_in_dim3A_29 = vector.shape_cast %broadcast_in_dim3A : vector<1024x1xf32> to vector<1024x1xf32>
    %broadcast_in_dim3A_30 = vector.broadcast %broadcast_in_dim3A_29 : vector<1024x1xf32> to vector<1024x16xf32>
    %swap3A_31 = arith.constant 0 : index
    %swap3A_32 = arith.constant 0 : index
    %swap3A_33 = vector.load %arg7[%swap3A_31, %swap3A_32] : memref<1024x16xf32, #tpu.memory_space<vmem>>, vector<1024x16xf32>
    tpu.vector_store %arg7[%swap3A_31, %swap3A_32], %broadcast_in_dim3A_30 {strides = array<i32>} : memref<1024x16xf32, #tpu.memory_space<vmem>>, vector<1024x16xf32>,
    %get3A_34 = arith.constant 0 : index
    %get3A_35 = arith.constant 0 : index
    %get3A_36 = vector.load %arg5[%get3A_34, %get3A_35] : memref<1024x16xf32, #tpu.memory_space<vmem>>, vector<1024x16xf32>
    %dot_general3A = arith.constant dense<0.000000e+00> : vector<16x128xf32>
    %dot_general3A_37 = tpu.matmul %get3A_36, %mul3A_26, %dot_general3A {dimension_numbers = #tpu.dot_dimension_numbers<[0], [0], [1], [1], [0, 1, 1, 1], [], []>, transpose_lhs_hint = false} : vector<1024x16xf32>, vector<1024x128xf32>, vector<16x128xf32> -> vector<16x128xf32>
    %get3A_38 = arith.constant 0 : index
    %get3A_39 = arith.constant 0 : index
    %get3A_40 = vector.load %arg5[%get3A_38, %get3A_39] : memref<1024x16xf32, #tpu.memory_space<vmem>>, vector<1024x16xf32>
    %slice3A_41 = vector.extract_strided_slice %get3A_40 {offsets = [0, 0], sizes = [1024, 1], strides = [1, 1]} : vector<1024x16xf32> to vector<1024x1xf32>
    %gt3A = arith.constant 0.000000e+00 : f32
    %gt3A_42 = vector.broadcast %gt3A : f32 to vector<1024x1xf32>
    %gt3A_43 = arith.cmpf ogt, %slice3A_41, %gt3A_42 : vector<1024x1xf32>
    %jit3A = arith.constant 0xFF800000 : f32
    %broadcast_in_dim3A_44 = vector.shape_cast %gt3A_43 : vector<1024x1xi1> to vector<1024x1xi1>
    %broadcast_in_dim3A_45 = vector.broadcast %broadcast_in_dim3A_44 : vector<1024x1xi1> to vector<1024x128xi1>
    %broadcast_in_dim3A_46 = vector.broadcast %jit3A : f32 to vector<1024x128xf32>
    %select_n3A = arith.select %broadcast_in_dim3A_45, %mul3A_26, %broadcast_in_dim3A_46 : vector<1024x128xi1>, vector<1024x128xf32>
    %reduce_max3A = arith.constant dense<0xFF800000> : vector<128xf32>
    %reduce_max3A_47 = vector.multi_reduction <maximumf>, %select_n3A, %reduce_max3A [0] : vector<1024x128xf32> to vector<128xf32>
    %broadcast_in_dim3A_48 = vector.shape_cast %reduce_max3A_47 : vector<128xf32> to vector<1x128xf32>
    %get3A_49 = arith.constant 0 : index
    %get3A_50 = arith.constant 0 : index
    %get3A_51 = vector.load %arg5[%get3A_49, %get3A_50] : memref<1024x16xf32, #tpu.memory_space<vmem>>, vector<1024x16xf32>
    %slice3A_52 = vector.extract_strided_slice %get3A_51 {offsets = [0, 1], sizes = [1024, 1], strides = [1, 1]} : vector<1024x16xf32> to vector<1024x1xf32>
    %gt3A_53 = arith.constant 0.000000e+00 : f32
    %gt3A_54 = vector.broadcast %gt3A_53 : f32 to vector<1024x1xf32>
    %gt3A_55 = arith.cmpf ogt, %slice3A_52, %gt3A_54 : vector<1024x1xf32>
    %jit3A_56 = arith.constant 0xFF800000 : f32
    %broadcast_in_dim3A_57 = vector.shape_cast %gt3A_55 : vector<1024x1xi1> to vector<1024x1xi1>
    %broadcast_in_dim3A_58 = vector.broadcast %broadcast_in_dim3A_57 : vector<1024x1xi1> to vector<1024x128xi1>
    %broadcast_in_dim3A_59 = vector.broadcast %jit3A_56 : f32 to vector<1024x128xf32>
    %select_n3A_60 = arith.select %broadcast_in_dim3A_58, %mul3A_26, %broadcast_in_dim3A_59 : vector<1024x128xi1>, vector<1024x128xf32>
    %reduce_max3A_61 = arith.constant dense<0xFF800000> : vector<128xf32>
    %reduce_max3A_62 = vector.multi_reduction <maximumf>, %select_n3A_60, %reduce_max3A_61 [0] : vector<1024x128xf32> to vector<128xf32>
    %broadcast_in_dim3A_63 = vector.shape_cast %reduce_max3A_62 : vector<128xf32> to vector<1x128xf32>
    %get3A_64 = arith.constant 0 : index
    %get3A_65 = arith.constant 0 : index
    %get3A_66 = vector.load %arg5[%get3A_64, %get3A_65] : memref<1024x16xf32, #tpu.memory_space<vmem>>, vector<1024x16xf32>
    %slice3A_67 = vector.extract_strided_slice %get3A_66 {offsets = [0, 2], sizes = [1024, 1], strides = [1, 1]} : vector<1024x16xf32> to vector<1024x1xf32>
    %gt3A_68 = arith.constant 0.000000e+00 : f32
    %gt3A_69 = vector.broadcast %gt3A_68 : f32 to vector<1024x1xf32>
    %gt3A_70 = arith.cmpf ogt, %slice3A_67, %gt3A_69 : vector<1024x1xf32>
    %jit3A_71 = arith.constant 0xFF800000 : f32
    %broadcast_in_dim3A_72 = vector.shape_cast %gt3A_70 : vector<1024x1xi1> to vector<1024x1xi1>
    %broadcast_in_dim3A_73 = vector.broadcast %broadcast_in_dim3A_72 : vector<1024x1xi1> to vector<1024x128xi1>
    %broadcast_in_dim3A_74 = vector.broadcast %jit3A_71 : f32 to vector<1024x128xf32>
    %select_n3A_75 = arith.select %broadcast_in_dim3A_73, %mul3A_26, %broadcast_in_dim3A_74 : vector<1024x128xi1>, vector<1024x128xf32>
    %reduce_max3A_76 = arith.constant dense<0xFF800000> : vector<128xf32>
    %reduce_max3A_77 = vector.multi_reduction <maximumf>, %select_n3A_75, %reduce_max3A_76 [0] : vector<1024x128xf32> to vector<128xf32>
    %broadcast_in_dim3A_78 = vector.shape_cast %reduce_max3A_77 : vector<128xf32> to vector<1x128xf32>
    %get3A_79 = arith.constant 0 : index
    %get3A_80 = arith.constant 0 : index
    %get3A_81 = vector.load %arg5[%get3A_79, %get3A_80] : memref<1024x16xf32, #tpu.memory_space<vmem>>, vector<1024x16xf32>
    %slice3A_82 = vector.extract_strided_slice %get3A_81 {offsets = [0, 3], sizes = [1024, 1], strides = [1, 1]} : vector<1024x16xf32> to vector<1024x1xf32>
    %gt3A_83 = arith.constant 0.000000e+00 : f32
    %gt3A_84 = vector.broadcast %gt3A_83 : f32 to vector<1024x1xf32>
    %gt3A_85 = arith.cmpf ogt, %slice3A_82, %gt3A_84 : vector<1024x1xf32>
    %jit3A_86 = arith.constant 0xFF800000 : f32
    %broadcast_in_dim3A_87 = vector.shape_cast %gt3A_85 : vector<1024x1xi1> to vector<1024x1xi1>
    %broadcast_in_dim3A_88 = vector.broadcast %broadcast_in_dim3A_87 : vector<1024x1xi1> to vector<1024x128xi1>
    %broadcast_in_dim3A_89 = vector.broadcast %jit3A_86 : f32 to vector<1024x128xf32>
    %select_n3A_90 = arith.select %broadcast_in_dim3A_88, %mul3A_26, %broadcast_in_dim3A_89 : vector<1024x128xi1>, vector<1024x128xf32>
    %reduce_max3A_91 = arith.constant dense<0xFF800000> : vector<128xf32>
    %reduce_max3A_92 = vector.multi_reduction <maximumf>, %select_n3A_90, %reduce_max3A_91 [0] : vector<1024x128xf32> to vector<128xf32>
    %broadcast_in_dim3A_93 = vector.shape_cast %reduce_max3A_92 : vector<128xf32> to vector<1x128xf32>
    %get3A_94 = arith.constant 0 : index
    %get3A_95 = arith.constant 0 : index
    %get3A_96 = vector.load %arg5[%get3A_94, %get3A_95] : memref<1024x16xf32, #tpu.memory_space<vmem>>, vector<1024x16xf32>
    %slice3A_97 = vector.extract_strided_slice %get3A_96 {offsets = [0, 4], sizes = [1024, 1], strides = [1, 1]} : vector<1024x16xf32> to vector<1024x1xf32>
    %gt3A_98 = arith.constant 0.000000e+00 : f32
    %gt3A_99 = vector.broadcast %gt3A_98 : f32 to vector<1024x1xf32>
    %gt3A_100 = arith.cmpf ogt, %slice3A_97, %gt3A_99 : vector<1024x1xf32>
    %jit3A_101 = arith.constant 0xFF800000 : f32
    %broadcast_in_dim3A_102 = vector.shape_cast %gt3A_100 : vector<1024x1xi1> to vector<1024x1xi1>
    %broadcast_in_dim3A_103 = vector.broadcast %broadcast_in_dim3A_102 : vector<1024x1xi1> to vector<1024x128xi1>
    %broadcast_in_dim3A_104 = vector.broadcast %jit3A_101 : f32 to vector<1024x128xf32>
    %select_n3A_105 = arith.select %broadcast_in_dim3A_103, %mul3A_26, %broadcast_in_dim3A_104 : vector<1024x128xi1>, vector<1024x128xf32>
    %reduce_max3A_106 = arith.constant dense<0xFF800000> : vector<128xf32>
    %reduce_max3A_107 = vector.multi_reduction <maximumf>, %select_n3A_105, %reduce_max3A_106 [0] : vector<1024x128xf32> to vector<128xf32>
    %broadcast_in_dim3A_108 = vector.shape_cast %reduce_max3A_107 : vector<128xf32> to vector<1x128xf32>
    %get3A_109 = arith.constant 0 : index
    %get3A_110 = arith.constant 0 : index
    %get3A_111 = vector.load %arg5[%get3A_109, %get3A_110] : memref<1024x16xf32, #tpu.memory_space<vmem>>, vector<1024x16xf32>
    %slice3A_112 = vector.extract_strided_slice %get3A_111 {offsets = [0, 5], sizes = [1024, 1], strides = [1, 1]} : vector<1024x16xf32> to vector<1024x1xf32>
    %gt3A_113 = arith.constant 0.000000e+00 : f32
    %gt3A_114 = vector.broadcast %gt3A_113 : f32 to vector<1024x1xf32>
    %gt3A_115 = arith.cmpf ogt, %slice3A_112, %gt3A_114 : vector<1024x1xf32>
    %jit3A_116 = arith.constant 0xFF800000 : f32
    %broadcast_in_dim3A_117 = vector.shape_cast %gt3A_115 : vector<1024x1xi1> to vector<1024x1xi1>
    %broadcast_in_dim3A_118 = vector.broadcast %broadcast_in_dim3A_117 : vector<1024x1xi1> to vector<1024x128xi1>
    %broadcast_in_dim3A_119 = vector.broadcast %jit3A_116 : f32 to vector<1024x128xf32>
    %select_n3A_120 = arith.select %broadcast_in_dim3A_118, %mul3A_26, %broadcast_in_dim3A_119 : vector<1024x128xi1>, vector<1024x128xf32>
    %reduce_max3A_121 = arith.constant dense<0xFF800000> : vector<128xf32>
    %reduce_max3A_122 = vector.multi_reduction <maximumf>, %select_n3A_120, %reduce_max3A_121 [0] : vector<1024x128xf32> to vector<128xf32>
    %broadcast_in_dim3A_123 = vector.shape_cast %reduce_max3A_122 : vector<128xf32> to vector<1x128xf32>
    %get3A_124 = arith.constant 0 : index
    %get3A_125 = arith.constant 0 : index
    %get3A_126 = vector.load %arg5[%get3A_124, %get3A_125] : memref<1024x16xf32, #tpu.memory_space<vmem>>, vector<1024x16xf32>
    %slice3A_127 = vector.extract_strided_slice %get3A_126 {offsets = [0, 6], sizes = [1024, 1], strides = [1, 1]} : vector<1024x16xf32> to vector<1024x1xf32>
    %gt3A_128 = arith.constant 0.000000e+00 : f32
    %gt3A_129 = vector.broadcast %gt3A_128 : f32 to vector<1024x1xf32>
    %gt3A_130 = arith.cmpf ogt, %slice3A_127, %gt3A_129 : vector<1024x1xf32>
    %jit3A_131 = arith.constant 0xFF800000 : f32
    %broadcast_in_dim3A_132 = vector.shape_cast %gt3A_130 : vector<1024x1xi1> to vector<1024x1xi1>
    %broadcast_in_dim3A_133 = vector.broadcast %broadcast_in_dim3A_132 : vector<1024x1xi1> to vector<1024x128xi1>
    %broadcast_in_dim3A_134 = vector.broadcast %jit3A_131 : f32 to vector<1024x128xf32>
    %select_n3A_135 = arith.select %broadcast_in_dim3A_133, %mul3A_26, %broadcast_in_dim3A_134 : vector<1024x128xi1>, vector<1024x128xf32>
    %reduce_max3A_136 = arith.constant dense<0xFF800000> : vector<128xf32>
    %reduce_max3A_137 = vector.multi_reduction <maximumf>, %select_n3A_135, %reduce_max3A_136 [0] : vector<1024x128xf32> to vector<128xf32>
    %broadcast_in_dim3A_138 = vector.shape_cast %reduce_max3A_137 : vector<128xf32> to vector<1x128xf32>
    %get3A_139 = arith.constant 0 : index
    %get3A_140 = arith.constant 0 : index
    %get3A_141 = vector.load %arg5[%get3A_139, %get3A_140] : memref<1024x16xf32, #tpu.memory_space<vmem>>, vector<1024x16xf32>
    %slice3A_142 = vector.extract_strided_slice %get3A_141 {offsets = [0, 7], sizes = [1024, 1], strides = [1, 1]} : vector<1024x16xf32> to vector<1024x1xf32>
    %gt3A_143 = arith.constant 0.000000e+00 : f32
    %gt3A_144 = vector.broadcast %gt3A_143 : f32 to vector<1024x1xf32>
    %gt3A_145 = arith.cmpf ogt, %slice3A_142, %gt3A_144 : vector<1024x1xf32>
    %jit3A_146 = arith.constant 0xFF800000 : f32
    %broadcast_in_dim3A_147 = vector.shape_cast %gt3A_145 : vector<1024x1xi1> to vector<1024x1xi1>
    %broadcast_in_dim3A_148 = vector.broadcast %broadcast_in_dim3A_147 : vector<1024x1xi1> to vector<1024x128xi1>
    %broadcast_in_dim3A_149 = vector.broadcast %jit3A_146 : f32 to vector<1024x128xf32>
    %select_n3A_150 = arith.select %broadcast_in_dim3A_148, %mul3A_26, %broadcast_in_dim3A_149 : vector<1024x128xi1>, vector<1024x128xf32>
    %reduce_max3A_151 = arith.constant dense<0xFF800000> : vector<128xf32>
    %reduce_max3A_152 = vector.multi_reduction <maximumf>, %select_n3A_150, %reduce_max3A_151 [0] : vector<1024x128xf32> to vector<128xf32>
    %broadcast_in_dim3A_153 = vector.shape_cast %reduce_max3A_152 : vector<128xf32> to vector<1x128xf32>
    %get3A_154 = arith.constant 0 : index
    %get3A_155 = arith.constant 0 : index
    %get3A_156 = vector.load %arg5[%get3A_154, %get3A_155] : memref<1024x16xf32, #tpu.memory_space<vmem>>, vector<1024x16xf32>
    %slice3A_157 = vector.extract_strided_slice %get3A_156 {offsets = [0, 8], sizes = [1024, 1], strides = [1, 1]} : vector<1024x16xf32> to vector<1024x1xf32>
    %gt3A_158 = arith.constant 0.000000e+00 : f32
    %gt3A_159 = vector.broadcast %gt3A_158 : f32 to vector<1024x1xf32>
    %gt3A_160 = arith.cmpf ogt, %slice3A_157, %gt3A_159 : vector<1024x1xf32>
    %jit3A_161 = arith.constant 0xFF800000 : f32
    %broadcast_in_dim3A_162 = vector.shape_cast %gt3A_160 : vector<1024x1xi1> to vector<1024x1xi1>
    %broadcast_in_dim3A_163 = vector.broadcast %broadcast_in_dim3A_162 : vector<1024x1xi1> to vector<1024x128xi1>
    %broadcast_in_dim3A_164 = vector.broadcast %jit3A_161 : f32 to vector<1024x128xf32>
    %select_n3A_165 = arith.select %broadcast_in_dim3A_163, %mul3A_26, %broadcast_in_dim3A_164 : vector<1024x128xi1>, vector<1024x128xf32>
    %reduce_max3A_166 = arith.constant dense<0xFF800000> : vector<128xf32>
    %reduce_max3A_167 = vector.multi_reduction <maximumf>, %select_n3A_165, %reduce_max3A_166 [0] : vector<1024x128xf32> to vector<128xf32>
    %broadcast_in_dim3A_168 = vector.shape_cast %reduce_max3A_167 : vector<128xf32> to vector<1x128xf32>
    %get3A_169 = arith.constant 0 : index
    %get3A_170 = arith.constant 0 : index
    %get3A_171 = vector.load %arg5[%get3A_169, %get3A_170] : memref<1024x16xf32, #tpu.memory_space<vmem>>, vector<1024x16xf32>
    %slice3A_172 = vector.extract_strided_slice %get3A_171 {offsets = [0, 9], sizes = [1024, 1], strides = [1, 1]} : vector<1024x16xf32> to vector<1024x1xf32>
    %gt3A_173 = arith.constant 0.000000e+00 : f32
    %gt3A_174 = vector.broadcast %gt3A_173 : f32 to vector<1024x1xf32>
    %gt3A_175 = arith.cmpf ogt, %slice3A_172, %gt3A_174 : vector<1024x1xf32>
    %jit3A_176 = arith.constant 0xFF800000 : f32
    %broadcast_in_dim3A_177 = vector.shape_cast %gt3A_175 : vector<1024x1xi1> to vector<1024x1xi1>
    %broadcast_in_dim3A_178 = vector.broadcast %broadcast_in_dim3A_177 : vector<1024x1xi1> to vector<1024x128xi1>
    %broadcast_in_dim3A_179 = vector.broadcast %jit3A_176 : f32 to vector<1024x128xf32>
    %select_n3A_180 = arith.select %broadcast_in_dim3A_178, %mul3A_26, %broadcast_in_dim3A_179 : vector<1024x128xi1>, vector<1024x128xf32>
    %reduce_max3A_181 = arith.constant dense<0xFF800000> : vector<128xf32>
    %reduce_max3A_182 = vector.multi_reduction <maximumf>, %select_n3A_180, %reduce_max3A_181 [0] : vector<1024x128xf32> to vector<128xf32>
    %broadcast_in_dim3A_183 = vector.shape_cast %reduce_max3A_182 : vector<128xf32> to vector<1x128xf32>
    %get3A_184 = arith.constant 0 : index
    %get3A_185 = arith.constant 0 : index
    %get3A_186 = vector.load %arg5[%get3A_184, %get3A_185] : memref<1024x16xf32, #tpu.memory_space<vmem>>, vector<1024x16xf32>
    %slice3A_187 = vector.extract_strided_slice %get3A_186 {offsets = [0, 10], sizes = [1024, 1], strides = [1, 1]} : vector<1024x16xf32> to vector<1024x1xf32>
    %gt3A_188 = arith.constant 0.000000e+00 : f32
    %gt3A_189 = vector.broadcast %gt3A_188 : f32 to vector<1024x1xf32>
    %gt3A_190 = arith.cmpf ogt, %slice3A_187, %gt3A_189 : vector<1024x1xf32>
    %jit3A_191 = arith.constant 0xFF800000 : f32
    %broadcast_in_dim3A_192 = vector.shape_cast %gt3A_190 : vector<1024x1xi1> to vector<1024x1xi1>
    %broadcast_in_dim3A_193 = vector.broadcast %broadcast_in_dim3A_192 : vector<1024x1xi1> to vector<1024x128xi1>
    %broadcast_in_dim3A_194 = vector.broadcast %jit3A_191 : f32 to vector<1024x128xf32>
    %select_n3A_195 = arith.select %broadcast_in_dim3A_193, %mul3A_26, %broadcast_in_dim3A_194 : vector<1024x128xi1>, vector<1024x128xf32>
    %reduce_max3A_196 = arith.constant dense<0xFF800000> : vector<128xf32>
    %reduce_max3A_197 = vector.multi_reduction <maximumf>, %select_n3A_195, %reduce_max3A_196 [0] : vector<1024x128xf32> to vector<128xf32>
    %broadcast_in_dim3A_198 = vector.shape_cast %reduce_max3A_197 : vector<128xf32> to vector<1x128xf32>
    %get3A_199 = arith.constant 0 : index
    %get3A_200 = arith.constant 0 : index
    %get3A_201 = vector.load %arg5[%get3A_199, %get3A_200] : memref<1024x16xf32, #tpu.memory_space<vmem>>, vector<1024x16xf32>
    %slice3A_202 = vector.extract_strided_slice %get3A_201 {offsets = [0, 11], sizes = [1024, 1], strides = [1, 1]} : vector<1024x16xf32> to vector<1024x1xf32>
    %gt3A_203 = arith.constant 0.000000e+00 : f32
    %gt3A_204 = vector.broadcast %gt3A_203 : f32 to vector<1024x1xf32>
    %gt3A_205 = arith.cmpf ogt, %slice3A_202, %gt3A_204 : vector<1024x1xf32>
    %jit3A_206 = arith.constant 0xFF800000 : f32
    %broadcast_in_dim3A_207 = vector.shape_cast %gt3A_205 : vector<1024x1xi1> to vector<1024x1xi1>
    %broadcast_in_dim3A_208 = vector.broadcast %broadcast_in_dim3A_207 : vector<1024x1xi1> to vector<1024x128xi1>
    %broadcast_in_dim3A_209 = vector.broadcast %jit3A_206 : f32 to vector<1024x128xf32>
    %select_n3A_210 = arith.select %broadcast_in_dim3A_208, %mul3A_26, %broadcast_in_dim3A_209 : vector<1024x128xi1>, vector<1024x128xf32>
    %reduce_max3A_211 = arith.constant dense<0xFF800000> : vector<128xf32>
    %reduce_max3A_212 = vector.multi_reduction <maximumf>, %select_n3A_210, %reduce_max3A_211 [0] : vector<1024x128xf32> to vector<128xf32>
    %broadcast_in_dim3A_213 = vector.shape_cast %reduce_max3A_212 : vector<128xf32> to vector<1x128xf32>
    %get3A_214 = arith.constant 0 : index
    %get3A_215 = arith.constant 0 : index
    %get3A_216 = vector.load %arg5[%get3A_214, %get3A_215] : memref<1024x16xf32, #tpu.memory_space<vmem>>, vector<1024x16xf32>
    %slice3A_217 = vector.extract_strided_slice %get3A_216 {offsets = [0, 12], sizes = [1024, 1], strides = [1, 1]} : vector<1024x16xf32> to vector<1024x1xf32>
    %gt3A_218 = arith.constant 0.000000e+00 : f32
    %gt3A_219 = vector.broadcast %gt3A_218 : f32 to vector<1024x1xf32>
    %gt3A_220 = arith.cmpf ogt, %slice3A_217, %gt3A_219 : vector<1024x1xf32>
    %jit3A_221 = arith.constant 0xFF800000 : f32
    %broadcast_in_dim3A_222 = vector.shape_cast %gt3A_220 : vector<1024x1xi1> to vector<1024x1xi1>
    %broadcast_in_dim3A_223 = vector.broadcast %broadcast_in_dim3A_222 : vector<1024x1xi1> to vector<1024x128xi1>
    %broadcast_in_dim3A_224 = vector.broadcast %jit3A_221 : f32 to vector<1024x128xf32>
    %select_n3A_225 = arith.select %broadcast_in_dim3A_223, %mul3A_26, %broadcast_in_dim3A_224 : vector<1024x128xi1>, vector<1024x128xf32>
    %reduce_max3A_226 = arith.constant dense<0xFF800000> : vector<128xf32>
    %reduce_max3A_227 = vector.multi_reduction <maximumf>, %select_n3A_225, %reduce_max3A_226 [0] : vector<1024x128xf32> to vector<128xf32>
    %broadcast_in_dim3A_228 = vector.shape_cast %reduce_max3A_227 : vector<128xf32> to vector<1x128xf32>
    %get3A_229 = arith.constant 0 : index
    %get3A_230 = arith.constant 0 : index
    %get3A_231 = vector.load %arg5[%get3A_229, %get3A_230] : memref<1024x16xf32, #tpu.memory_space<vmem>>, vector<1024x16xf32>
    %slice3A_232 = vector.extract_strided_slice %get3A_231 {offsets = [0, 13], sizes = [1024, 1], strides = [1, 1]} : vector<1024x16xf32> to vector<1024x1xf32>
    %gt3A_233 = arith.constant 0.000000e+00 : f32
    %gt3A_234 = vector.broadcast %gt3A_233 : f32 to vector<1024x1xf32>
    %gt3A_235 = arith.cmpf ogt, %slice3A_232, %gt3A_234 : vector<1024x1xf32>
    %jit3A_236 = arith.constant 0xFF800000 : f32
    %broadcast_in_dim3A_237 = vector.shape_cast %gt3A_235 : vector<1024x1xi1> to vector<1024x1xi1>
    %broadcast_in_dim3A_238 = vector.broadcast %broadcast_in_dim3A_237 : vector<1024x1xi1> to vector<1024x128xi1>
    %broadcast_in_dim3A_239 = vector.broadcast %jit3A_236 : f32 to vector<1024x128xf32>
    %select_n3A_240 = arith.select %broadcast_in_dim3A_238, %mul3A_26, %broadcast_in_dim3A_239 : vector<1024x128xi1>, vector<1024x128xf32>
    %reduce_max3A_241 = arith.constant dense<0xFF800000> : vector<128xf32>
    %reduce_max3A_242 = vector.multi_reduction <maximumf>, %select_n3A_240, %reduce_max3A_241 [0] : vector<1024x128xf32> to vector<128xf32>
    %broadcast_in_dim3A_243 = vector.shape_cast %reduce_max3A_242 : vector<128xf32> to vector<1x128xf32>
    %get3A_244 = arith.constant 0 : index
    %get3A_245 = arith.constant 0 : index
    %get3A_246 = vector.load %arg5[%get3A_244, %get3A_245] : memref<1024x16xf32, #tpu.memory_space<vmem>>, vector<1024x16xf32>
    %slice3A_247 = vector.extract_strided_slice %get3A_246 {offsets = [0, 14], sizes = [1024, 1], strides = [1, 1]} : vector<1024x16xf32> to vector<1024x1xf32>
    %gt3A_248 = arith.constant 0.000000e+00 : f32
    %gt3A_249 = vector.broadcast %gt3A_248 : f32 to vector<1024x1xf32>
    %gt3A_250 = arith.cmpf ogt, %slice3A_247, %gt3A_249 : vector<1024x1xf32>
    %jit3A_251 = arith.constant 0xFF800000 : f32
    %broadcast_in_dim3A_252 = vector.shape_cast %gt3A_250 : vector<1024x1xi1> to vector<1024x1xi1>
    %broadcast_in_dim3A_253 = vector.broadcast %broadcast_in_dim3A_252 : vector<1024x1xi1> to vector<1024x128xi1>
    %broadcast_in_dim3A_254 = vector.broadcast %jit3A_251 : f32 to vector<1024x128xf32>
    %select_n3A_255 = arith.select %broadcast_in_dim3A_253, %mul3A_26, %broadcast_in_dim3A_254 : vector<1024x128xi1>, vector<1024x128xf32>
    %reduce_max3A_256 = arith.constant dense<0xFF800000> : vector<128xf32>
    %reduce_max3A_257 = vector.multi_reduction <maximumf>, %select_n3A_255, %reduce_max3A_256 [0] : vector<1024x128xf32> to vector<128xf32>
    %broadcast_in_dim3A_258 = vector.shape_cast %reduce_max3A_257 : vector<128xf32> to vector<1x128xf32>
    %get3A_259 = arith.constant 0 : index
    %get3A_260 = arith.constant 0 : index
    %get3A_261 = vector.load %arg5[%get3A_259, %get3A_260] : memref<1024x16xf32, #tpu.memory_space<vmem>>, vector<1024x16xf32>
    %slice3A_262 = vector.extract_strided_slice %get3A_261 {offsets = [0, 15], sizes = [1024, 1], strides = [1, 1]} : vector<1024x16xf32> to vector<1024x1xf32>
    %gt3A_263 = arith.constant 0.000000e+00 : f32
    %gt3A_264 = vector.broadcast %gt3A_263 : f32 to vector<1024x1xf32>
    %gt3A_265 = arith.cmpf ogt, %slice3A_262, %gt3A_264 : vector<1024x1xf32>
    %jit3A_266 = arith.constant 0xFF800000 : f32
    %broadcast_in_dim3A_267 = vector.shape_cast %gt3A_265 : vector<1024x1xi1> to vector<1024x1xi1>
    %broadcast_in_dim3A_268 = vector.broadcast %broadcast_in_dim3A_267 : vector<1024x1xi1> to vector<1024x128xi1>
    %broadcast_in_dim3A_269 = vector.broadcast %jit3A_266 : f32 to vector<1024x128xf32>
    %select_n3A_270 = arith.select %broadcast_in_dim3A_268, %mul3A_26, %broadcast_in_dim3A_269 : vector<1024x128xi1>, vector<1024x128xf32>
    %reduce_max3A_271 = arith.constant dense<0xFF800000> : vector<128xf32>
    %reduce_max3A_272 = vector.multi_reduction <maximumf>, %select_n3A_270, %reduce_max3A_271 [0] : vector<1024x128xf32> to vector<128xf32>
    %broadcast_in_dim3A_273 = vector.shape_cast %reduce_max3A_272 : vector<128xf32> to vector<1x128xf32>
    %concatenate3A = tpu.concatenate %broadcast_in_dim3A_48, %broadcast_in_dim3A_63, %broadcast_in_dim3A_78, %broadcast_in_dim3A_93, %broadcast_in_dim3A_108, %broadcast_in_dim3A_123, %broadcast_in_dim3A_138, %broadcast_in_dim3A_153, %broadcast_in_dim3A_168, %broadcast_in_dim3A_183, %broadcast_in_dim3A_198, %broadcast_in_dim3A_213, %broadcast_in_dim3A_228, %broadcast_in_dim3A_243, %broadcast_in_dim3A_258, %broadcast_in_dim3A_273 in 0 : vector<1x128xf32>, vector<1x128xf32>, vector<1x128xf32>, vector<1x128xf32>, vector<1x128xf32>, vector<1x128xf32>, vector<1x128xf32>, vector<1x128xf32>, vector<1x128xf32>, vector<1x128xf32>, vector<1x128xf32>, vector<1x128xf32>, vector<1x128xf32>, vector<1x128xf32>, vector<1x128xf32>, vector<1x128xf32> -> vector<16x128xf32>
    %eq3A = arith.constant 0 : i32
    %eq3A_274 = arith.cmpi eq, %arg0, %eq3A : i32
    %convert_element_type3A = arith.extui %eq3A_274 : i1 to i32
    %cond3A = arith.constant 0 : i32
    %cond3A_275 = arith.cmpi ne, %convert_element_type3A, %cond3A : i32
    scf.if %cond3A_275 {
      %swap3A_281 = arith.constant 0 : index
      %swap3A_282 = arith.constant 0 : index
      %swap3A_283 = vector.load %arg8[%swap3A_281, %swap3A_282] : memref<16x128xf32, #tpu.memory_space<vmem>>, vector<16x128xf32>
      tpu.vector_store %arg8[%swap3A_281, %swap3A_282], %dot_general3A_37 {strides = array<i32>} : memref<16x128xf32, #tpu.memory_space<vmem>>, vector<16x128xf32>,
      %swap3A_284 = arith.constant 0 : index
      %swap3A_285 = arith.constant 0 : index
      %swap3A_286 = vector.load %arg9[%swap3A_284, %swap3A_285] : memref<16x128xf32, #tpu.memory_space<vmem>>, vector<16x128xf32>
      tpu.vector_store %arg9[%swap3A_284, %swap3A_285], %concatenate3A {strides = array<i32>} : memref<16x128xf32, #tpu.memory_space<vmem>>, vector<16x128xf32>,
    } else {
    }
    %gt3A_276 = arith.constant 0 : i32
    %gt3A_277 = arith.cmpi sgt, %arg0, %gt3A_276 : i32
    %convert_element_type3A_278 = arith.extui %gt3A_277 : i1 to i32
    %cond3A_279 = arith.constant 0 : i32
    %cond3A_280 = arith.cmpi ne, %convert_element_type3A_278, %cond3A_279 : i32
    scf.if %cond3A_280 {
      %get3A_281 = arith.constant 0 : index
      %get3A_282 = arith.constant 0 : index
      %get3A_283 = vector.load %arg8[%get3A_281, %get3A_282] : memref<16x128xf32, #tpu.memory_space<vmem>>, vector<16x128xf32>
      %add3A_284 = arith.addf %get3A_283, %dot_general3A_37 : vector<16x128xf32>
      %swap3A_285 = arith.constant 0 : index
      %swap3A_286 = arith.constant 0 : index
      %swap3A_287 = vector.load %arg8[%swap3A_285, %swap3A_286] : memref<16x128xf32, #tpu.memory_space<vmem>>, vector<16x128xf32>
      tpu.vector_store %arg8[%swap3A_285, %swap3A_286], %add3A_284 {strides = array<i32>} : memref<16x128xf32, #tpu.memory_space<vmem>>, vector<16x128xf32>,
      %get3A_288 = arith.constant 0 : index
      %get3A_289 = arith.constant 0 : index
      %get3A_290 = vector.load %arg9[%get3A_288, %get3A_289] : memref<16x128xf32, #tpu.memory_space<vmem>>, vector<16x128xf32>
      %max3A = arith.maximumf %get3A_290, %concatenate3A : vector<16x128xf32>
      %swap3A_291 = arith.constant 0 : index
      %swap3A_292 = arith.constant 0 : index
      %swap3A_293 = vector.load %arg9[%swap3A_291, %swap3A_292] : memref<16x128xf32, #tpu.memory_space<vmem>>, vector<16x128xf32>
      tpu.vector_store %arg9[%swap3A_291, %swap3A_292], %max3A {strides = array<i32>} : memref<16x128xf32, #tpu.memory_space<vmem>>, vector<16x128xf32>,
    } else {
    }
    return
  }
  func.func @transform_0(%arg0: i32) -> (i32, i32) {
    %c0_i32 = arith.constant 0 : i32
    %c0_i32_0 = arith.constant 0 : i32
    return %arg0, %c0_i32 : i32, i32
  }
  func.func @transform_1(%arg0: i32) -> (i32, i32, i32) {
    %c0_i32 = arith.constant 0 : i32
    %c0_i32_0 = arith.constant 0 : i32
    %c0_i32_1 = arith.constant 0 : i32
    return %c0_i32, %arg0, %c0_i32_0 : i32, i32, i32
  }
  func.func @transform_2(%arg0: i32) -> (i32, i32) {
    %c0_i32 = arith.constant 0 : i32
    %c0_i32_0 = arith.constant 0 : i32
    return %arg0, %c0_i32 : i32, i32
  }
  func.func @transform_3(%arg0: i32) -> (i32, i32) {
    %c0_i32 = arith.constant 0 : i32
    %c0_i32_0 = arith.constant 0 : i32
    %c0_i32_1 = arith.constant 0 : i32
    return %c0_i32, %c0_i32_0 : i32, i32
  }
  func.func @transform_4(%arg0: i32) -> (i32, i32) {
    %c0_i32 = arith.constant 0 : i32
    %c0_i32_0 = arith.constant 0 : i32
    return %arg0, %c0_i32 : i32, i32
  }
  func.func @transform_5(%arg0: i32) -> (i32, i32) {
    %c0_i32 = arith.constant 0 : i32
    %c0_i32_0 = arith.constant 0 : i32
    return %arg0, %c0_i32 : i32, i32
  }
  func.func @transform_6(%arg0: i32) -> (i32, i32) {
    %c0_i32 = arith.constant 0 : i32
    %c0_i32_0 = arith.constant 0 : i32
    return %arg0, %c0_i32 : i32, i32
  }
  func.func @transform_7(%arg0: i32) -> (i32, i32) {
    %c0_i32 = arith.constant 0 : i32
    %c0_i32_0 = arith.constant 0 : i32
    %c0_i32_1 = arith.constant 0 : i32
    return %c0_i32, %c0_i32_0 : i32, i32
  }
  func.func @transform_8(%arg0: i32) -> (i32, i32) {
    %c0_i32 = arith.constant 0 : i32
    %c0_i32_0 = arith.constant 0 : i32
    %c0_i32_1 = arith.constant 0 : i32
    return %c0_i32, %c0_i32_0 : i32, i32
  }
}

module attributes {stable_mosaic.version = 14 : i64} {
  func.func @_prep2_body(%arg0: i32, %arg1: memref<1024x128xf32, #tpu.memory_space<vmem>>, %arg2: memref<128x128xf32, #tpu.memory_space<vmem>>, %arg3: memref<2x1024x16xf32, #tpu.memory_space<vmem>>, %arg4: memref<1024x16xf32, #tpu.memory_space<vmem>>, %arg5: memref<1024x128xf32, #tpu.memory_space<vmem>>) attributes {dimension_semantics = [#tpu.dimension_semantics<arbitrary>], iteration_bounds = array<i64: 10>, scalar_prefetch = 0 : i64, scratch_operands = 0 : i64, tpu.core_type = #tpu.core_type<tc>, window_params = [{transform_indices = @transform_0, window_bounds = array<i64: 1024, 128>}, {pipeline_mode = #tpu.pipeline_mode<synchronous>, transform_indices = @transform_1, window_bounds = array<i64: 128, 128>}, {transform_indices = @transform_2, window_bounds = array<i64: 2, 1024, 16>}, {transform_indices = @transform_3, window_bounds = array<i64: 1024, 16>}, {transform_indices = @transform_4, window_bounds = array<i64: 1024, 128>}]} {
    %get3A = arith.constant 0 : index
    %get3A_0 = arith.constant 0 : index
    %get3A_1 = vector.load %arg4[%get3A, %get3A_0] : memref<1024x16xf32, #tpu.memory_space<vmem>>, vector<1024x16xf32>
    %slice3A = vector.extract_strided_slice %get3A_1 {offsets = [0, 0], sizes = [1024, 1], strides = [1, 1]} : vector<1024x16xf32> to vector<1024x1xf32>
    %gt3A = arith.constant 0.000000e+00 : f32
    %gt3A_2 = vector.broadcast %gt3A : f32 to vector<1024x1xf32>
    %gt3A_3 = arith.cmpf ogt, %slice3A, %gt3A_2 : vector<1024x1xf32>
    %get3A_4 = arith.constant 0 : index
    %get3A_5 = arith.constant 0 : index
    %get3A_6 = arith.constant 0 : index
    %get3A_7 = vector.load %arg3[%get3A_4, %get3A_5, %get3A_6] : memref<2x1024x16xf32, #tpu.memory_space<vmem>>, vector<1x1024x16xf32>
    %get3A_8 = vector.shape_cast %get3A_7 : vector<1x1024x16xf32> to vector<1024x16xf32>
    %slice3A_9 = vector.extract_strided_slice %get3A_8 {offsets = [0, 0], sizes = [1024, 1], strides = [1, 1]} : vector<1024x16xf32> to vector<1024x1xf32>
    %get3A_10 = arith.constant 1 : index
    %get3A_11 = arith.constant 0 : index
    %get3A_12 = arith.constant 0 : index
    %get3A_13 = vector.load %arg3[%get3A_10, %get3A_11, %get3A_12] : memref<2x1024x16xf32, #tpu.memory_space<vmem>>, vector<1x1024x16xf32>
    %get3A_14 = vector.shape_cast %get3A_13 : vector<1x1024x16xf32> to vector<1024x16xf32>
    %slice3A_15 = vector.extract_strided_slice %get3A_14 {offsets = [0, 0], sizes = [1024, 1], strides = [1, 1]} : vector<1024x16xf32> to vector<1024x1xf32>
    %add3A = arith.addf %slice3A_9, %slice3A_15 : vector<1024x1xf32>
    %add3A_16 = arith.constant 1.000000e+00 : f32
    %add3A_17 = vector.broadcast %add3A_16 : f32 to vector<1024x1xf32>
    %add3A_18 = arith.addf %add3A, %add3A_17 : vector<1024x1xf32>
    %jit3A = arith.constant 1.000000e+00 : f32
    %broadcast_in_dim3A = vector.broadcast %jit3A : f32 to vector<1024x1xf32>
    %select_n3A = arith.select %gt3A_3, %add3A_18, %broadcast_in_dim3A : vector<1024x1xi1>, vector<1024x1xf32>
    %rsqrt3A = math.rsqrt %select_n3A : vector<1024x1xf32>
    %get3A_19 = arith.constant 0 : index
    %get3A_20 = arith.constant 0 : index
    %get3A_21 = vector.load %arg1[%get3A_19, %get3A_20] : memref<1024x128xf32, #tpu.memory_space<vmem>>, vector<1024x128xf32>
    %get3A_22 = arith.constant 0 : index
    %get3A_23 = arith.constant 0 : index
    %get3A_24 = vector.load %arg2[%get3A_22, %get3A_23] : memref<128x128xf32, #tpu.memory_space<vmem>>, vector<128x128xf32>
    %dot_general3A = arith.constant dense<0.000000e+00> : vector<1024x128xf32>
    %dot_general3A_25 = tpu.matmul %get3A_21, %get3A_24, %dot_general3A {dimension_numbers = #tpu.dot_dimension_numbers<[1], [0], [0], [1], [0, 0, 1, 1], [], []>, transpose_lhs_hint = false} : vector<1024x128xf32>, vector<128x128xf32>, vector<1024x128xf32> -> vector<1024x128xf32>
    %mul3A = vector.broadcast %rsqrt3A : vector<1024x1xf32> to vector<1024x128xf32>
    %mul3A_26 = arith.mulf %dot_general3A_25, %mul3A : vector<1024x128xf32>
    %swap3A = arith.constant 0 : index
    %swap3A_27 = arith.constant 0 : index
    %swap3A_28 = vector.load %arg5[%swap3A, %swap3A_27] : memref<1024x128xf32, #tpu.memory_space<vmem>>, vector<1024x128xf32>
    tpu.vector_store %arg5[%swap3A, %swap3A_27], %mul3A_26 {strides = array<i32>} : memref<1024x128xf32, #tpu.memory_space<vmem>>, vector<1024x128xf32>,
    return
  }
  func.func @transform_0(%arg0: i32) -> (i32, i32) {
    %c0_i32 = arith.constant 0 : i32
    %c0_i32_0 = arith.constant 0 : i32
    return %arg0, %c0_i32 : i32, i32
  }
  func.func @transform_1(%arg0: i32) -> (i32, i32) {
    %c0_i32 = arith.constant 0 : i32
    %c0_i32_0 = arith.constant 0 : i32
    %c0_i32_1 = arith.constant 0 : i32
    return %c0_i32, %c0_i32_0 : i32, i32
  }
  func.func @transform_2(%arg0: i32) -> (i32, i32, i32) {
    %c0_i32 = arith.constant 0 : i32
    %c0_i32_0 = arith.constant 0 : i32
    %c0_i32_1 = arith.constant 0 : i32
    return %c0_i32, %arg0, %c0_i32_0 : i32, i32, i32
  }
  func.func @transform_3(%arg0: i32) -> (i32, i32) {
    %c0_i32 = arith.constant 0 : i32
    %c0_i32_0 = arith.constant 0 : i32
    return %arg0, %c0_i32 : i32, i32
  }
  func.func @transform_4(%arg0: i32) -> (i32, i32) {
    %c0_i32 = arith.constant 0 : i32
    %c0_i32_0 = arith.constant 0 : i32
    return %arg0, %c0_i32 : i32, i32
  }
}

module attributes {stable_mosaic.version = 14 : i64} {
  func.func @_post2_body(%arg0: i32, %arg1: memref<2x1024x128xf32, #tpu.memory_space<vmem>>, %arg2: memref<1024x128xf32, #tpu.memory_space<vmem>>, %arg3: memref<2x1024x16xf32, #tpu.memory_space<vmem>>, %arg4: memref<1x128xf32, #tpu.memory_space<vmem>>, %arg5: memref<128x2xf32, #tpu.memory_space<vmem>>, %arg6: memref<1024x16xf32, #tpu.memory_space<vmem>>, %arg7: memref<1024x128xf32, #tpu.memory_space<vmem>>, %arg8: memref<1024x16xf32, #tpu.memory_space<vmem>>, %arg9: memref<1024x16xf32, #tpu.memory_space<vmem>>) attributes {dimension_semantics = [#tpu.dimension_semantics<arbitrary>], iteration_bounds = array<i64: 10>, scalar_prefetch = 0 : i64, scratch_operands = 0 : i64, tpu.core_type = #tpu.core_type<tc>, window_params = [{transform_indices = @transform_0, window_bounds = array<i64: 2, 1024, 128>}, {transform_indices = @transform_1, window_bounds = array<i64: 1024, 128>}, {transform_indices = @transform_2, window_bounds = array<i64: 2, 1024, 16>}, {pipeline_mode = #tpu.pipeline_mode<synchronous>, transform_indices = @transform_3, window_bounds = array<i64: 1, 128>}, {pipeline_mode = #tpu.pipeline_mode<synchronous>, transform_indices = @transform_4, window_bounds = array<i64: 128, 2>}, {transform_indices = @transform_5, window_bounds = array<i64: 1024, 16>}, {transform_indices = @transform_6, window_bounds = array<i64: 1024, 128>}, {transform_indices = @transform_7, window_bounds = array<i64: 1024, 16>}, {transform_indices = @transform_8, window_bounds = array<i64: 1024, 16>}]} {
    %get3A = arith.constant 0 : index
    %get3A_0 = arith.constant 0 : index
    %get3A_1 = vector.load %arg6[%get3A, %get3A_0] : memref<1024x16xf32, #tpu.memory_space<vmem>>, vector<1024x16xf32>
    %slice3A = vector.extract_strided_slice %get3A_1 {offsets = [0, 0], sizes = [1024, 1], strides = [1, 1]} : vector<1024x16xf32> to vector<1024x1xf32>
    %gt3A = arith.constant 0.000000e+00 : f32
    %gt3A_2 = vector.broadcast %gt3A : f32 to vector<1024x1xf32>
    %gt3A_3 = arith.cmpf ogt, %slice3A, %gt3A_2 : vector<1024x1xf32>
    %get3A_4 = arith.constant 0 : index
    %get3A_5 = arith.constant 0 : index
    %get3A_6 = arith.constant 0 : index
    %get3A_7 = vector.load %arg3[%get3A_4, %get3A_5, %get3A_6] : memref<2x1024x16xf32, #tpu.memory_space<vmem>>, vector<1x1024x16xf32>
    %get3A_8 = vector.shape_cast %get3A_7 : vector<1x1024x16xf32> to vector<1024x16xf32>
    %slice3A_9 = vector.extract_strided_slice %get3A_8 {offsets = [0, 0], sizes = [1024, 1], strides = [1, 1]} : vector<1024x16xf32> to vector<1024x1xf32>
    %get3A_10 = arith.constant 1 : index
    %get3A_11 = arith.constant 0 : index
    %get3A_12 = arith.constant 0 : index
    %get3A_13 = vector.load %arg3[%get3A_10, %get3A_11, %get3A_12] : memref<2x1024x16xf32, #tpu.memory_space<vmem>>, vector<1x1024x16xf32>
    %get3A_14 = vector.shape_cast %get3A_13 : vector<1x1024x16xf32> to vector<1024x16xf32>
    %slice3A_15 = vector.extract_strided_slice %get3A_14 {offsets = [0, 0], sizes = [1024, 1], strides = [1, 1]} : vector<1024x16xf32> to vector<1024x1xf32>
    %add3A = arith.addf %slice3A_9, %slice3A_15 : vector<1024x1xf32>
    %add3A_16 = arith.constant 1.000000e+00 : f32
    %add3A_17 = vector.broadcast %add3A_16 : f32 to vector<1024x1xf32>
    %add3A_18 = arith.addf %add3A, %add3A_17 : vector<1024x1xf32>
    %jit3A = arith.constant 1.000000e+00 : f32
    %broadcast_in_dim3A = vector.broadcast %jit3A : f32 to vector<1024x1xf32>
    %select_n3A = arith.select %gt3A_3, %add3A_18, %broadcast_in_dim3A : vector<1024x1xi1>, vector<1024x1xf32>
    %rsqrt3A = math.rsqrt %select_n3A : vector<1024x1xf32>
    %get3A_19 = arith.constant 0 : index
    %get3A_20 = arith.constant 0 : index
    %get3A_21 = arith.constant 0 : index
    %get3A_22 = vector.load %arg1[%get3A_19, %get3A_20, %get3A_21] : memref<2x1024x128xf32, #tpu.memory_space<vmem>>, vector<1x1024x128xf32>
    %get3A_23 = vector.shape_cast %get3A_22 : vector<1x1024x128xf32> to vector<1024x128xf32>
    %get3A_24 = arith.constant 1 : index
    %get3A_25 = arith.constant 0 : index
    %get3A_26 = arith.constant 0 : index
    %get3A_27 = vector.load %arg1[%get3A_24, %get3A_25, %get3A_26] : memref<2x1024x128xf32, #tpu.memory_space<vmem>>, vector<1x1024x128xf32>
    %get3A_28 = vector.shape_cast %get3A_27 : vector<1x1024x128xf32> to vector<1024x128xf32>
    %add3A_29 = arith.addf %get3A_23, %get3A_28 : vector<1024x128xf32>
    %get3A_30 = arith.constant 0 : index
    %get3A_31 = arith.constant 0 : index
    %get3A_32 = vector.load %arg2[%get3A_30, %get3A_31] : memref<1024x128xf32, #tpu.memory_space<vmem>>, vector<1024x128xf32>
    %add3A_33 = arith.addf %add3A_29, %get3A_32 : vector<1024x128xf32>
    %mul3A = vector.broadcast %rsqrt3A : vector<1024x1xf32> to vector<1024x128xf32>
    %mul3A_34 = arith.mulf %mul3A, %add3A_33 : vector<1024x128xf32>
    %get3A_35 = arith.constant 0 : index
    %get3A_36 = arith.constant 0 : index
    %get3A_37 = vector.load %arg4[%get3A_35, %get3A_36] : memref<1x128xf32, #tpu.memory_space<vmem>>, vector<1x128xf32>
    %add3A_38 = vector.broadcast %get3A_37 : vector<1x128xf32> to vector<1024x128xf32>
    %add3A_39 = arith.addf %mul3A_34, %add3A_38 : vector<1024x128xf32>
    %max3A = arith.constant 0.000000e+00 : f32
    %max3A_40 = vector.broadcast %max3A : f32 to vector<1024x128xf32>
    %max3A_41 = arith.maximumf %add3A_39, %max3A_40 : vector<1024x128xf32>
    %gt3A_42 = arith.constant 0.000000e+00 : f32
    %gt3A_43 = vector.broadcast %gt3A_42 : f32 to vector<1024x1xf32>
    %gt3A_44 = arith.cmpf ogt, %slice3A, %gt3A_43 : vector<1024x1xf32>
    %jit3A_45 = arith.constant 0.000000e+00 : f32
    %broadcast_in_dim3A_46 = vector.shape_cast %gt3A_44 : vector<1024x1xi1> to vector<1024x1xi1>
    %broadcast_in_dim3A_47 = vector.broadcast %broadcast_in_dim3A_46 : vector<1024x1xi1> to vector<1024x128xi1>
    %broadcast_in_dim3A_48 = vector.broadcast %jit3A_45 : f32 to vector<1024x128xf32>
    %select_n3A_49 = arith.select %broadcast_in_dim3A_47, %max3A_41, %broadcast_in_dim3A_48 : vector<1024x128xi1>, vector<1024x128xf32>
    %swap3A = arith.constant 0 : index
    %swap3A_50 = arith.constant 0 : index
    %swap3A_51 = vector.load %arg7[%swap3A, %swap3A_50] : memref<1024x128xf32, #tpu.memory_space<vmem>>, vector<1024x128xf32>
    tpu.vector_store %arg7[%swap3A, %swap3A_50], %select_n3A_49 {strides = array<i32>} : memref<1024x128xf32, #tpu.memory_space<vmem>>, vector<1024x128xf32>,
    %get3A_52 = arith.constant 0 : index
    %get3A_53 = arith.constant 0 : index
    %get3A_54 = vector.load %arg5[%get3A_52, %get3A_53] : memref<128x2xf32, #tpu.memory_space<vmem>>, vector<128x2xf32>
    %dot_general3A = arith.constant dense<0.000000e+00> : vector<1024x2xf32>
    %dot_general3A_55 = tpu.matmul %select_n3A_49, %get3A_54, %dot_general3A {dimension_numbers = #tpu.dot_dimension_numbers<[1], [0], [0], [1], [0, 0, 1, 1], [], []>, transpose_lhs_hint = false} : vector<1024x128xf32>, vector<128x2xf32>, vector<1024x2xf32> -> vector<1024x2xf32>
    %slice3A_56 = vector.extract_strided_slice %dot_general3A_55 {offsets = [0, 0], sizes = [1024, 1], strides = [1, 1]} : vector<1024x2xf32> to vector<1024x1xf32>
    %broadcast_in_dim3A_57 = vector.shape_cast %slice3A_56 : vector<1024x1xf32> to vector<1024x1xf32>
    %broadcast_in_dim3A_58 = vector.broadcast %broadcast_in_dim3A_57 : vector<1024x1xf32> to vector<1024x16xf32>
    %swap3A_59 = arith.constant 0 : index
    %swap3A_60 = arith.constant 0 : index
    %swap3A_61 = vector.load %arg8[%swap3A_59, %swap3A_60] : memref<1024x16xf32, #tpu.memory_space<vmem>>, vector<1024x16xf32>
    tpu.vector_store %arg8[%swap3A_59, %swap3A_60], %broadcast_in_dim3A_58 {strides = array<i32>} : memref<1024x16xf32, #tpu.memory_space<vmem>>, vector<1024x16xf32>,
    %slice3A_62 = vector.extract_strided_slice %dot_general3A_55 {offsets = [0, 1], sizes = [1024, 1], strides = [1, 1]} : vector<1024x2xf32> to vector<1024x1xf32>
    %broadcast_in_dim3A_63 = vector.shape_cast %slice3A_62 : vector<1024x1xf32> to vector<1024x1xf32>
    %broadcast_in_dim3A_64 = vector.broadcast %broadcast_in_dim3A_63 : vector<1024x1xf32> to vector<1024x16xf32>
    %swap3A_65 = arith.constant 0 : index
    %swap3A_66 = arith.constant 0 : index
    %swap3A_67 = vector.load %arg9[%swap3A_65, %swap3A_66] : memref<1024x16xf32, #tpu.memory_space<vmem>>, vector<1024x16xf32>
    tpu.vector_store %arg9[%swap3A_65, %swap3A_66], %broadcast_in_dim3A_64 {strides = array<i32>} : memref<1024x16xf32, #tpu.memory_space<vmem>>, vector<1024x16xf32>,
    return
  }
  func.func @transform_0(%arg0: i32) -> (i32, i32, i32) {
    %c0_i32 = arith.constant 0 : i32
    %c0_i32_0 = arith.constant 0 : i32
    %c0_i32_1 = arith.constant 0 : i32
    return %c0_i32, %arg0, %c0_i32_0 : i32, i32, i32
  }
  func.func @transform_1(%arg0: i32) -> (i32, i32) {
    %c0_i32 = arith.constant 0 : i32
    %c0_i32_0 = arith.constant 0 : i32
    return %arg0, %c0_i32 : i32, i32
  }
  func.func @transform_2(%arg0: i32) -> (i32, i32, i32) {
    %c0_i32 = arith.constant 0 : i32
    %c0_i32_0 = arith.constant 0 : i32
    %c0_i32_1 = arith.constant 0 : i32
    return %c0_i32, %arg0, %c0_i32_0 : i32, i32, i32
  }
  func.func @transform_3(%arg0: i32) -> (i32, i32) {
    %c0_i32 = arith.constant 0 : i32
    %c0_i32_0 = arith.constant 0 : i32
    %c0_i32_1 = arith.constant 0 : i32
    return %c0_i32, %c0_i32_0 : i32, i32
  }
  func.func @transform_4(%arg0: i32) -> (i32, i32) {
    %c0_i32 = arith.constant 0 : i32
    %c0_i32_0 = arith.constant 0 : i32
    %c0_i32_1 = arith.constant 0 : i32
    return %c0_i32, %c0_i32_0 : i32, i32
  }
  func.func @transform_5(%arg0: i32) -> (i32, i32) {
    %c0_i32 = arith.constant 0 : i32
    %c0_i32_0 = arith.constant 0 : i32
    return %arg0, %c0_i32 : i32, i32
  }
  func.func @transform_6(%arg0: i32) -> (i32, i32) {
    %c0_i32 = arith.constant 0 : i32
    %c0_i32_0 = arith.constant 0 : i32
    return %arg0, %c0_i32 : i32, i32
  }
  func.func @transform_7(%arg0: i32) -> (i32, i32) {
    %c0_i32 = arith.constant 0 : i32
    %c0_i32_0 = arith.constant 0 : i32
    return %arg0, %c0_i32 : i32, i32
  }
  func.func @transform_8(%arg0: i32) -> (i32, i32) {
    %c0_i32 = arith.constant 0 : i32
    %c0_i32_0 = arith.constant 0 : i32
    return %arg0, %c0_i32 : i32, i32
  }
}

module attributes {stable_mosaic.version = 14 : i64} {
  func.func @body(%arg0: memref<2x16x10240xf32, #tpu.memory_space<vmem>>, %arg1: memref<16x10240xf32, #tpu.memory_space<vmem>>, %arg2: memref<16x10240xi32, #tpu.memory_space<vmem>>, %arg3: memref<1x1xf32, #tpu.memory_space<vmem>>, %arg4: memref<16x10240xf32, #tpu.memory_space<vmem>>, %arg5: memref<16x10240xf32, #tpu.memory_space<vmem>>, %arg6: memref<16x128xf32, #tpu.memory_space<vmem>>) attributes {dimension_semantics = [], scalar_prefetch = 0 : i64, scratch_operands = 0 : i64, tpu.core_type = #tpu.core_type<tc>} {
    %get3A = arith.constant 0 : index
    %get3A_0 = arith.constant 0 : index
    %get3A_1 = vector.load %arg2[%get3A, %get3A_0] : memref<16x10240xi32, #tpu.memory_space<vmem>>, vector<16x10240xi32>
    %iota3A = tpu.iota {dimensions = array<i32: 0>} : vector<16x10240xi32>
    %eq3A = arith.cmpi eq, %get3A_1, %iota3A : vector<16x10240xi32>
    %get3A_2 = arith.constant 0 : index
    %get3A_3 = arith.constant 0 : index
    %get3A_4 = vector.load %arg4[%get3A_2, %get3A_3] : memref<16x10240xf32, #tpu.memory_space<vmem>>, vector<16x10240xf32>
    %gt3A = arith.constant 0.000000e+00 : f32
    %gt3A_5 = vector.broadcast %gt3A : f32 to vector<16x10240xf32>
    %gt3A_6 = arith.cmpf ogt, %get3A_4, %gt3A_5 : vector<16x10240xf32>
    %and3A = arith.andi %eq3A, %gt3A_6 : vector<16x10240xi1>
    %get3A_7 = arith.constant 0 : index
    %get3A_8 = arith.constant 0 : index
    %get3A_9 = arith.constant 0 : index
    %get3A_10 = vector.load %arg0[%get3A_7, %get3A_8, %get3A_9] : memref<2x16x10240xf32, #tpu.memory_space<vmem>>, vector<1x16x10240xf32>
    %get3A_11 = vector.shape_cast %get3A_10 : vector<1x16x10240xf32> to vector<16x10240xf32>
    %get3A_12 = arith.constant 1 : index
    %get3A_13 = arith.constant 0 : index
    %get3A_14 = arith.constant 0 : index
    %get3A_15 = vector.load %arg0[%get3A_12, %get3A_13, %get3A_14] : memref<2x16x10240xf32, #tpu.memory_space<vmem>>, vector<1x16x10240xf32>
    %get3A_16 = vector.shape_cast %get3A_15 : vector<1x16x10240xf32> to vector<16x10240xf32>
    %add3A = arith.addf %get3A_11, %get3A_16 : vector<16x10240xf32>
    %get3A_17 = arith.constant 0 : index
    %get3A_18 = arith.constant 0 : index
    %get3A_19 = vector.load %arg1[%get3A_17, %get3A_18] : memref<16x10240xf32, #tpu.memory_space<vmem>>, vector<16x10240xf32>
    %add3A_20 = arith.addf %add3A, %get3A_19 : vector<16x10240xf32>
    %get3A_21 = arith.constant 0 : index
    %get3A_22 = arith.constant 0 : index
    %get3A_23 = vector.load %arg3[%get3A_21, %get3A_22] : memref<1x1xf32, #tpu.memory_space<vmem>>, vector<1x1xf32>
    %add3A_24 = vector.broadcast %get3A_23 : vector<1x1xf32> to vector<16x10240xf32>
    %add3A_25 = arith.addf %add3A_20, %add3A_24 : vector<16x10240xf32>
    %convert_element_type3A = arith.extui %and3A : vector<16x10240xi1> to vector<16x10240xi32>
    %convert_element_type3A_26 = arith.sitofp %convert_element_type3A : vector<16x10240xi32> to vector<16x10240xf32>
    %reduce_sum3A = arith.constant dense<0.000000e+00> : vector<16xf32>
    %reduce_sum3A_27 = vector.multi_reduction <add>, %convert_element_type3A_26, %reduce_sum3A [1] : vector<16x10240xf32> to vector<16xf32>
    %broadcast_in_dim3A = vector.shape_cast %reduce_sum3A_27 : vector<16xf32> to vector<16x1xf32>
    %mul3A = arith.constant 5.000000e-01 : f32
    %mul3A_28 = vector.broadcast %mul3A : f32 to vector<16x1xf32>
    %mul3A_29 = arith.mulf %mul3A_28, %broadcast_in_dim3A : vector<16x1xf32>
    %ceil3A = math.ceil %mul3A_29 : vector<16x1xf32>
    %bitcast_convert_type3A = tpu.bitcast %add3A_25 : vector<16x10240xf32> -> vector<16x10240xi32>
    %shift_right_logical3A = arith.constant 31 : i32
    %shift_right_logical3A_30 = vector.broadcast %shift_right_logical3A : i32 to vector<16x10240xi32>
    %shift_right_logical3A_31 = arith.shrui %bitcast_convert_type3A, %shift_right_logical3A_30 : vector<16x10240xi32>
    %eq3A_32 = arith.constant 1 : i32
    %eq3A_33 = vector.broadcast %eq3A_32 : i32 to vector<16x10240xi32>
    %eq3A_34 = arith.cmpi eq, %shift_right_logical3A_31, %eq3A_33 : vector<16x10240xi32>
    %jit3A = arith.constant -1 : i32
    %jit3A_35 = arith.constant -2147483648 : i32
    %broadcast_in_dim3A_36 = vector.broadcast %jit3A : i32 to vector<16x10240xi32>
    %broadcast_in_dim3A_37 = vector.broadcast %jit3A_35 : i32 to vector<16x10240xi32>
    %select_n3A = arith.select %eq3A_34, %broadcast_in_dim3A_36, %broadcast_in_dim3A_37 : vector<16x10240xi1>, vector<16x10240xi32>
    %xor3A = arith.xori %bitcast_convert_type3A, %select_n3A : vector<16x10240xi32>
    %broadcast_in_dim3A_38 = arith.constant 0 : i32
    %broadcast_in_dim3A_39 = vector.broadcast %broadcast_in_dim3A_38 : i32 to vector<16x1xi32>
    %scan3A = arith.constant 0 : i32
    %scan3A_40 = arith.constant 32 : i32
    %scan3A_41 = arith.addi %scan3A, %scan3A_40 : i32
    %scan3A_42 = arith.constant 1 : i32
    %scan3A_43 = scf.for %scan3A_86 = %scan3A to %scan3A_41 step %scan3A_42 iter_args(%scan3A_87 = %broadcast_in_dim3A_39) -> (vector<16x1xi32>)  : i32 {
      %sub3A_88 = arith.constant 31 : i32
      %sub3A_89 = arith.subi %sub3A_88, %scan3A_86 : i32
      %shift_left3A = arith.constant 1 : i32
      %shift_left3A_90 = arith.shli %shift_left3A, %sub3A_89 : i32
      %or3A_91 = vector.broadcast %shift_left3A_90 : i32 to vector<16x1xi32>
      %or3A_92 = arith.ori %scan3A_87, %or3A_91 : vector<16x1xi32>
      %ge3A_93 = vector.broadcast %or3A_92 : vector<16x1xi32> to vector<16x10240xi32>
      %ge3A_94 = arith.cmpi uge, %xor3A, %ge3A_93 : vector<16x10240xi32>
      %and3A_95 = arith.andi %ge3A_94, %and3A : vector<16x10240xi1>
      %convert_element_type3A_96 = arith.extui %and3A_95 : vector<16x10240xi1> to vector<16x10240xi32>
      %convert_element_type3A_97 = arith.sitofp %convert_element_type3A_96 : vector<16x10240xi32> to vector<16x10240xf32>
      %reduce_sum3A_98 = arith.constant dense<0.000000e+00> : vector<16xf32>
      %reduce_sum3A_99 = vector.multi_reduction <add>, %convert_element_type3A_97, %reduce_sum3A_98 [1] : vector<16x10240xf32> to vector<16xf32>
      %broadcast_in_dim3A_100 = vector.shape_cast %reduce_sum3A_99 : vector<16xf32> to vector<16x1xf32>
      %ge3A_101 = arith.cmpf oge, %broadcast_in_dim3A_100, %ceil3A : vector<16x1xf32>
      %select_n3A_102 = arith.select %ge3A_101, %or3A_92, %scan3A_87 : vector<16x1xi1>, vector<16x1xi32>
      scf.yield %select_n3A_102 : vector<16x1xi32>
    }
    %scan3A_44 = arith.constant 32 : i32
    %gt3A_45 = vector.broadcast %scan3A_43 : vector<16x1xi32> to vector<16x10240xi32>
    %gt3A_46 = arith.cmpi ugt, %xor3A, %gt3A_45 : vector<16x10240xi32>
    %and3A_47 = arith.andi %gt3A_46, %and3A : vector<16x10240xi1>
    %eq3A_48 = vector.broadcast %scan3A_43 : vector<16x1xi32> to vector<16x10240xi32>
    %eq3A_49 = arith.cmpi eq, %xor3A, %eq3A_48 : vector<16x10240xi32>
    %and3A_50 = arith.andi %eq3A_49, %and3A : vector<16x10240xi1>
    %convert_element_type3A_51 = arith.extui %and3A_47 : vector<16x10240xi1> to vector<16x10240xi32>
    %convert_element_type3A_52 = arith.sitofp %convert_element_type3A_51 : vector<16x10240xi32> to vector<16x10240xf32>
    %reduce_sum3A_53 = arith.constant dense<0.000000e+00> : vector<16xf32>
    %reduce_sum3A_54 = vector.multi_reduction <add>, %convert_element_type3A_52, %reduce_sum3A_53 [1] : vector<16x10240xf32> to vector<16xf32>
    %broadcast_in_dim3A_55 = vector.shape_cast %reduce_sum3A_54 : vector<16xf32> to vector<16x1xf32>
    %sub3A = arith.subf %ceil3A, %broadcast_in_dim3A_55 : vector<16x1xf32>
    %iota3A_56 = tpu.iota {dimensions = array<i32: 1>} : vector<16x10240xi32>
    %broadcast_in_dim3A_57 = arith.constant 0 : i32
    %broadcast_in_dim3A_58 = vector.broadcast %broadcast_in_dim3A_57 : i32 to vector<16x1xi32>
    %broadcast_in_dim3A_59 = arith.constant 10239 : i32
    %broadcast_in_dim3A_60 = vector.broadcast %broadcast_in_dim3A_59 : i32 to vector<16x1xi32>
    %scan3A_61 = arith.constant 0 : i32
    %scan3A_62 = arith.constant 14 : i32
    %scan3A_63 = arith.addi %scan3A_61, %scan3A_62 : i32
    %scan3A_64 = arith.constant 1 : i32
    %scan3A_65:2 = scf.for %scan3A_86 = %scan3A_61 to %scan3A_63 step %scan3A_64 iter_args(%scan3A_87 = %broadcast_in_dim3A_58, %scan3A_88 = %broadcast_in_dim3A_60) -> (vector<16x1xi32>, vector<16x1xi32>)  : i32 {
      %add3A_89 = arith.addi %scan3A_87, %scan3A_88 : vector<16x1xi32>
      %jit3A_90 = arith.constant 2 : i32
      %div3A = vector.broadcast %jit3A_90 : i32 to vector<16x1xi32>
      %div3A_91 = arith.divsi %add3A_89, %div3A : vector<16x1xi32>
      %sign3A = arith.constant 0 : i32
      %sign3A_92 = vector.broadcast %sign3A : i32 to vector<16x1xi32>
      %sign3A_93 = arith.cmpi sgt, %add3A_89, %sign3A_92 : vector<16x1xi32>
      %sign3A_94 = arith.extui %sign3A_93 : vector<16x1xi1> to vector<16x1xi32>
      %sign3A_95 = arith.constant 0 : i32
      %sign3A_96 = vector.broadcast %sign3A_95 : i32 to vector<16x1xi32>
      %sign3A_97 = arith.cmpi slt, %add3A_89, %sign3A_96 : vector<16x1xi32>
      %sign3A_98 = arith.extui %sign3A_97 : vector<16x1xi1> to vector<16x1xi32>
      %sign3A_99 = arith.subi %sign3A_94, %sign3A_98 : vector<16x1xi32>
      %sign3A_100 = arith.constant 0 : i32
      %sign3A_101 = arith.cmpi sgt, %jit3A_90, %sign3A_100 : i32
      %sign3A_102 = arith.extui %sign3A_101 : i1 to i32
      %sign3A_103 = arith.constant 0 : i32
      %sign3A_104 = arith.cmpi slt, %jit3A_90, %sign3A_103 : i32
      %sign3A_105 = arith.extui %sign3A_104 : i1 to i32
      %sign3A_106 = arith.subi %sign3A_102, %sign3A_105 : i32
      %ne3A = vector.broadcast %sign3A_106 : i32 to vector<16x1xi32>
      %ne3A_107 = arith.cmpi ne, %sign3A_99, %ne3A : vector<16x1xi32>
      %rem3A = vector.broadcast %jit3A_90 : i32 to vector<16x1xi32>
      %rem3A_108 = arith.remsi %add3A_89, %rem3A : vector<16x1xi32>
      %ne3A_109 = arith.constant 0 : i32
      %ne3A_110 = vector.broadcast %ne3A_109 : i32 to vector<16x1xi32>
      %ne3A_111 = arith.cmpi ne, %rem3A_108, %ne3A_110 : vector<16x1xi32>
      %and3A_112 = arith.andi %ne3A_107, %ne3A_111 : vector<16x1xi1>
      %sub3A_113 = arith.constant 1 : i32
      %sub3A_114 = vector.broadcast %sub3A_113 : i32 to vector<16x1xi32>
      %sub3A_115 = arith.subi %div3A_91, %sub3A_114 : vector<16x1xi32>
      %select_n3A_116 = arith.select %and3A_112, %sub3A_115, %div3A_91 : vector<16x1xi1>, vector<16x1xi32>
      %le3A_117 = vector.broadcast %select_n3A_116 : vector<16x1xi32> to vector<16x10240xi32>
      %le3A_118 = arith.cmpi sle, %iota3A_56, %le3A_117 : vector<16x10240xi32>
      %and3A_119 = arith.andi %and3A_50, %le3A_118 : vector<16x10240xi1>
      %convert_element_type3A_120 = arith.extui %and3A_119 : vector<16x10240xi1> to vector<16x10240xi32>
      %convert_element_type3A_121 = arith.sitofp %convert_element_type3A_120 : vector<16x10240xi32> to vector<16x10240xf32>
      %reduce_sum3A_122 = arith.constant dense<0.000000e+00> : vector<16xf32>
      %reduce_sum3A_123 = vector.multi_reduction <add>, %convert_element_type3A_121, %reduce_sum3A_122 [1] : vector<16x10240xf32> to vector<16xf32>
      %broadcast_in_dim3A_124 = vector.shape_cast %reduce_sum3A_123 : vector<16xf32> to vector<16x1xf32>
      %ge3A_125 = arith.cmpf oge, %broadcast_in_dim3A_124, %sub3A : vector<16x1xf32>
      %add3A_126 = arith.constant 1 : i32
      %add3A_127 = vector.broadcast %add3A_126 : i32 to vector<16x1xi32>
      %add3A_128 = arith.addi %select_n3A_116, %add3A_127 : vector<16x1xi32>
      %select_n3A_129 = arith.select %ge3A_125, %scan3A_87, %add3A_128 : vector<16x1xi1>, vector<16x1xi32>
      %select_n3A_130 = arith.select %ge3A_125, %select_n3A_116, %scan3A_88 : vector<16x1xi1>, vector<16x1xi32>
      scf.yield %select_n3A_129, %select_n3A_130 : vector<16x1xi32>, vector<16x1xi32>
    }
    %le3A = vector.broadcast %scan3A_65#1 : vector<16x1xi32> to vector<16x10240xi32>
    %le3A_66 = arith.cmpi sle, %iota3A_56, %le3A : vector<16x10240xi32>
    %and3A_67 = arith.andi %and3A_50, %le3A_66 : vector<16x10240xi1>
    %or3A = arith.ori %and3A_47, %and3A_67 : vector<16x10240xi1>
    %ge3A = arith.constant 1.000000e+00 : f32
    %ge3A_68 = vector.broadcast %ge3A : f32 to vector<16x1xf32>
    %ge3A_69 = arith.cmpf oge, %ceil3A, %ge3A_68 : vector<16x1xf32>
    %and3A_70 = vector.broadcast %ge3A_69 : vector<16x1xi1> to vector<16x10240xi1>
    %and3A_71 = arith.andi %or3A, %and3A_70 : vector<16x10240xi1>
    %convert_element_type3A_72 = arith.extui %and3A_71 : vector<16x10240xi1> to vector<16x10240xi32>
    %convert_element_type3A_73 = arith.sitofp %convert_element_type3A_72 : vector<16x10240xi32> to vector<16x10240xf32>
    %swap3A = arith.constant 0 : index
    %swap3A_74 = arith.constant 0 : index
    %swap3A_75 = vector.load %arg5[%swap3A, %swap3A_74] : memref<16x10240xf32, #tpu.memory_space<vmem>>, vector<16x10240xf32>
    tpu.vector_store %arg5[%swap3A, %swap3A_74], %convert_element_type3A_73 {strides = array<i32>} : memref<16x10240xf32, #tpu.memory_space<vmem>>, vector<16x10240xf32>,
    %convert_element_type3A_76 = arith.extui %and3A_71 : vector<16x10240xi1> to vector<16x10240xi32>
    %convert_element_type3A_77 = arith.sitofp %convert_element_type3A_76 : vector<16x10240xi32> to vector<16x10240xf32>
    %reduce_sum3A_78 = arith.constant dense<0.000000e+00> : vector<16xf32>
    %reduce_sum3A_79 = vector.multi_reduction <add>, %convert_element_type3A_77, %reduce_sum3A_78 [1] : vector<16x10240xf32> to vector<16xf32>
    %broadcast_in_dim3A_80 = vector.shape_cast %reduce_sum3A_79 : vector<16xf32> to vector<16x1xf32>
    %broadcast_in_dim3A_81 = vector.shape_cast %broadcast_in_dim3A_80 : vector<16x1xf32> to vector<16x1xf32>
    %broadcast_in_dim3A_82 = vector.broadcast %broadcast_in_dim3A_81 : vector<16x1xf32> to vector<16x128xf32>
    %swap3A_83 = arith.constant 0 : index
    %swap3A_84 = arith.constant 0 : index
    %swap3A_85 = vector.load %arg6[%swap3A_83, %swap3A_84] : memref<16x128xf32, #tpu.memory_space<vmem>>, vector<16x128xf32>
    tpu.vector_store %arg6[%swap3A_83, %swap3A_84], %broadcast_in_dim3A_82 {strides = array<i32>} : memref<16x128xf32, #tpu.memory_space<vmem>>, vector<16x128xf32>,
    return
  }
}

module attributes {stable_mosaic.version = 14 : i64} {
  func.func @_pool2_body(%arg0: i32, %arg1: memref<1024x128xf32, #tpu.memory_space<vmem>>, %arg2: memref<2x1024x16xf32, #tpu.memory_space<vmem>>, %arg3: memref<1024x16xf32, #tpu.memory_space<vmem>>, %arg4: memref<1x1xf32, #tpu.memory_space<vmem>>, %arg5: memref<1024x16xf32, #tpu.memory_space<vmem>>, %arg6: memref<16x128xf32, #tpu.memory_space<vmem>>, %arg7: memref<16x128xf32, #tpu.memory_space<vmem>>) attributes {dimension_semantics = [#tpu.dimension_semantics<arbitrary>], iteration_bounds = array<i64: 10>, scalar_prefetch = 0 : i64, scratch_operands = 0 : i64, tpu.core_type = #tpu.core_type<tc>, window_params = [{transform_indices = @transform_0, window_bounds = array<i64: 1024, 128>}, {transform_indices = @transform_1, window_bounds = array<i64: 2, 1024, 16>}, {transform_indices = @transform_2, window_bounds = array<i64: 1024, 16>}, {pipeline_mode = #tpu.pipeline_mode<synchronous>, transform_indices = @transform_3, window_bounds = array<i64: 1, 1>}, {transform_indices = @transform_4, window_bounds = array<i64: 1024, 16>}, {pipeline_mode = #tpu.pipeline_mode<synchronous>, transform_indices = @transform_5, window_bounds = array<i64: 16, 128>}, {pipeline_mode = #tpu.pipeline_mode<synchronous>, transform_indices = @transform_6, window_bounds = array<i64: 16, 128>}]} {
    %get3A = arith.constant 0 : index
    %get3A_0 = arith.constant 0 : index
    %get3A_1 = arith.constant 0 : index
    %get3A_2 = vector.load %arg2[%get3A, %get3A_0, %get3A_1] : memref<2x1024x16xf32, #tpu.memory_space<vmem>>, vector<1x1024x16xf32>
    %get3A_3 = vector.shape_cast %get3A_2 : vector<1x1024x16xf32> to vector<1024x16xf32>
    %get3A_4 = arith.constant 1 : index
    %get3A_5 = arith.constant 0 : index
    %get3A_6 = arith.constant 0 : index
    %get3A_7 = vector.load %arg2[%get3A_4, %get3A_5, %get3A_6] : memref<2x1024x16xf32, #tpu.memory_space<vmem>>, vector<1x1024x16xf32>
    %get3A_8 = vector.shape_cast %get3A_7 : vector<1x1024x16xf32> to vector<1024x16xf32>
    %add3A = arith.addf %get3A_3, %get3A_8 : vector<1024x16xf32>
    %get3A_9 = arith.constant 0 : index
    %get3A_10 = arith.constant 0 : index
    %get3A_11 = vector.load %arg3[%get3A_9, %get3A_10] : memref<1024x16xf32, #tpu.memory_space<vmem>>, vector<1024x16xf32>
    %add3A_12 = arith.addf %add3A, %get3A_11 : vector<1024x16xf32>
    %get3A_13 = arith.constant 0 : index
    %get3A_14 = arith.constant 0 : index
    %get3A_15 = vector.load %arg4[%get3A_13, %get3A_14] : memref<1x1xf32, #tpu.memory_space<vmem>>, vector<1x1xf32>
    %add3A_16 = vector.broadcast %get3A_15 : vector<1x1xf32> to vector<1024x16xf32>
    %add3A_17 = arith.addf %add3A_12, %add3A_16 : vector<1024x16xf32>
    %get3A_18 = arith.constant 0 : index
    %get3A_19 = arith.constant 0 : index
    %get3A_20 = vector.load %arg5[%get3A_18, %get3A_19] : memref<1024x16xf32, #tpu.memory_space<vmem>>, vector<1024x16xf32>
    %reduce_sum3A = arith.constant dense<0.000000e+00> : vector<1024xf32>
    %reduce_sum3A_21 = vector.multi_reduction <add>, %get3A_20, %reduce_sum3A [1] : vector<1024x16xf32> to vector<1024xf32>
    %broadcast_in_dim3A = vector.shape_cast %reduce_sum3A_21 : vector<1024xf32> to vector<1024x1xf32>
    %get3A_22 = arith.constant 0 : index
    %get3A_23 = arith.constant 0 : index
    %get3A_24 = vector.load %arg1[%get3A_22, %get3A_23] : memref<1024x128xf32, #tpu.memory_space<vmem>>, vector<1024x128xf32>
    %slice3A = vector.extract_strided_slice %add3A_17 {offsets = [0, 0], sizes = [1024, 1], strides = [1, 1]} : vector<1024x16xf32> to vector<1024x1xf32>
    %tanh3A = math.tanh %slice3A : vector<1024x1xf32>
    %mul3A = arith.mulf %tanh3A, %broadcast_in_dim3A : vector<1024x1xf32>
    %mul3A_25 = vector.broadcast %mul3A : vector<1024x1xf32> to vector<1024x128xf32>
    %mul3A_26 = arith.mulf %get3A_24, %mul3A_25 : vector<1024x128xf32>
    %get3A_27 = arith.constant 0 : index
    %get3A_28 = arith.constant 0 : index
    %get3A_29 = vector.load %arg5[%get3A_27, %get3A_28] : memref<1024x16xf32, #tpu.memory_space<vmem>>, vector<1024x16xf32>
    %dot_general3A = arith.constant dense<0.000000e+00> : vector<16x128xf32>
    %dot_general3A_30 = tpu.matmul %get3A_29, %mul3A_26, %dot_general3A {dimension_numbers = #tpu.dot_dimension_numbers<[0], [0], [1], [1], [0, 1, 1, 1], [], []>, transpose_lhs_hint = false} : vector<1024x16xf32>, vector<1024x128xf32>, vector<16x128xf32> -> vector<16x128xf32>
    %get3A_31 = arith.constant 0 : index
    %get3A_32 = arith.constant 0 : index
    %get3A_33 = vector.load %arg5[%get3A_31, %get3A_32] : memref<1024x16xf32, #tpu.memory_space<vmem>>, vector<1024x16xf32>
    %slice3A_34 = vector.extract_strided_slice %get3A_33 {offsets = [0, 0], sizes = [1024, 1], strides = [1, 1]} : vector<1024x16xf32> to vector<1024x1xf32>
    %gt3A = arith.constant 0.000000e+00 : f32
    %gt3A_35 = vector.broadcast %gt3A : f32 to vector<1024x1xf32>
    %gt3A_36 = arith.cmpf ogt, %slice3A_34, %gt3A_35 : vector<1024x1xf32>
    %jit3A = arith.constant 0xFF800000 : f32
    %broadcast_in_dim3A_37 = vector.shape_cast %gt3A_36 : vector<1024x1xi1> to vector<1024x1xi1>
    %broadcast_in_dim3A_38 = vector.broadcast %broadcast_in_dim3A_37 : vector<1024x1xi1> to vector<1024x128xi1>
    %broadcast_in_dim3A_39 = vector.broadcast %jit3A : f32 to vector<1024x128xf32>
    %select_n3A = arith.select %broadcast_in_dim3A_38, %mul3A_26, %broadcast_in_dim3A_39 : vector<1024x128xi1>, vector<1024x128xf32>
    %reduce_max3A = arith.constant dense<0xFF800000> : vector<128xf32>
    %reduce_max3A_40 = vector.multi_reduction <maximumf>, %select_n3A, %reduce_max3A [0] : vector<1024x128xf32> to vector<128xf32>
    %broadcast_in_dim3A_41 = vector.shape_cast %reduce_max3A_40 : vector<128xf32> to vector<1x128xf32>
    %get3A_42 = arith.constant 0 : index
    %get3A_43 = arith.constant 0 : index
    %get3A_44 = vector.load %arg5[%get3A_42, %get3A_43] : memref<1024x16xf32, #tpu.memory_space<vmem>>, vector<1024x16xf32>
    %slice3A_45 = vector.extract_strided_slice %get3A_44 {offsets = [0, 1], sizes = [1024, 1], strides = [1, 1]} : vector<1024x16xf32> to vector<1024x1xf32>
    %gt3A_46 = arith.constant 0.000000e+00 : f32
    %gt3A_47 = vector.broadcast %gt3A_46 : f32 to vector<1024x1xf32>
    %gt3A_48 = arith.cmpf ogt, %slice3A_45, %gt3A_47 : vector<1024x1xf32>
    %jit3A_49 = arith.constant 0xFF800000 : f32
    %broadcast_in_dim3A_50 = vector.shape_cast %gt3A_48 : vector<1024x1xi1> to vector<1024x1xi1>
    %broadcast_in_dim3A_51 = vector.broadcast %broadcast_in_dim3A_50 : vector<1024x1xi1> to vector<1024x128xi1>
    %broadcast_in_dim3A_52 = vector.broadcast %jit3A_49 : f32 to vector<1024x128xf32>
    %select_n3A_53 = arith.select %broadcast_in_dim3A_51, %mul3A_26, %broadcast_in_dim3A_52 : vector<1024x128xi1>, vector<1024x128xf32>
    %reduce_max3A_54 = arith.constant dense<0xFF800000> : vector<128xf32>
    %reduce_max3A_55 = vector.multi_reduction <maximumf>, %select_n3A_53, %reduce_max3A_54 [0] : vector<1024x128xf32> to vector<128xf32>
    %broadcast_in_dim3A_56 = vector.shape_cast %reduce_max3A_55 : vector<128xf32> to vector<1x128xf32>
    %get3A_57 = arith.constant 0 : index
    %get3A_58 = arith.constant 0 : index
    %get3A_59 = vector.load %arg5[%get3A_57, %get3A_58] : memref<1024x16xf32, #tpu.memory_space<vmem>>, vector<1024x16xf32>
    %slice3A_60 = vector.extract_strided_slice %get3A_59 {offsets = [0, 2], sizes = [1024, 1], strides = [1, 1]} : vector<1024x16xf32> to vector<1024x1xf32>
    %gt3A_61 = arith.constant 0.000000e+00 : f32
    %gt3A_62 = vector.broadcast %gt3A_61 : f32 to vector<1024x1xf32>
    %gt3A_63 = arith.cmpf ogt, %slice3A_60, %gt3A_62 : vector<1024x1xf32>
    %jit3A_64 = arith.constant 0xFF800000 : f32
    %broadcast_in_dim3A_65 = vector.shape_cast %gt3A_63 : vector<1024x1xi1> to vector<1024x1xi1>
    %broadcast_in_dim3A_66 = vector.broadcast %broadcast_in_dim3A_65 : vector<1024x1xi1> to vector<1024x128xi1>
    %broadcast_in_dim3A_67 = vector.broadcast %jit3A_64 : f32 to vector<1024x128xf32>
    %select_n3A_68 = arith.select %broadcast_in_dim3A_66, %mul3A_26, %broadcast_in_dim3A_67 : vector<1024x128xi1>, vector<1024x128xf32>
    %reduce_max3A_69 = arith.constant dense<0xFF800000> : vector<128xf32>
    %reduce_max3A_70 = vector.multi_reduction <maximumf>, %select_n3A_68, %reduce_max3A_69 [0] : vector<1024x128xf32> to vector<128xf32>
    %broadcast_in_dim3A_71 = vector.shape_cast %reduce_max3A_70 : vector<128xf32> to vector<1x128xf32>
    %get3A_72 = arith.constant 0 : index
    %get3A_73 = arith.constant 0 : index
    %get3A_74 = vector.load %arg5[%get3A_72, %get3A_73] : memref<1024x16xf32, #tpu.memory_space<vmem>>, vector<1024x16xf32>
    %slice3A_75 = vector.extract_strided_slice %get3A_74 {offsets = [0, 3], sizes = [1024, 1], strides = [1, 1]} : vector<1024x16xf32> to vector<1024x1xf32>
    %gt3A_76 = arith.constant 0.000000e+00 : f32
    %gt3A_77 = vector.broadcast %gt3A_76 : f32 to vector<1024x1xf32>
    %gt3A_78 = arith.cmpf ogt, %slice3A_75, %gt3A_77 : vector<1024x1xf32>
    %jit3A_79 = arith.constant 0xFF800000 : f32
    %broadcast_in_dim3A_80 = vector.shape_cast %gt3A_78 : vector<1024x1xi1> to vector<1024x1xi1>
    %broadcast_in_dim3A_81 = vector.broadcast %broadcast_in_dim3A_80 : vector<1024x1xi1> to vector<1024x128xi1>
    %broadcast_in_dim3A_82 = vector.broadcast %jit3A_79 : f32 to vector<1024x128xf32>
    %select_n3A_83 = arith.select %broadcast_in_dim3A_81, %mul3A_26, %broadcast_in_dim3A_82 : vector<1024x128xi1>, vector<1024x128xf32>
    %reduce_max3A_84 = arith.constant dense<0xFF800000> : vector<128xf32>
    %reduce_max3A_85 = vector.multi_reduction <maximumf>, %select_n3A_83, %reduce_max3A_84 [0] : vector<1024x128xf32> to vector<128xf32>
    %broadcast_in_dim3A_86 = vector.shape_cast %reduce_max3A_85 : vector<128xf32> to vector<1x128xf32>
    %get3A_87 = arith.constant 0 : index
    %get3A_88 = arith.constant 0 : index
    %get3A_89 = vector.load %arg5[%get3A_87, %get3A_88] : memref<1024x16xf32, #tpu.memory_space<vmem>>, vector<1024x16xf32>
    %slice3A_90 = vector.extract_strided_slice %get3A_89 {offsets = [0, 4], sizes = [1024, 1], strides = [1, 1]} : vector<1024x16xf32> to vector<1024x1xf32>
    %gt3A_91 = arith.constant 0.000000e+00 : f32
    %gt3A_92 = vector.broadcast %gt3A_91 : f32 to vector<1024x1xf32>
    %gt3A_93 = arith.cmpf ogt, %slice3A_90, %gt3A_92 : vector<1024x1xf32>
    %jit3A_94 = arith.constant 0xFF800000 : f32
    %broadcast_in_dim3A_95 = vector.shape_cast %gt3A_93 : vector<1024x1xi1> to vector<1024x1xi1>
    %broadcast_in_dim3A_96 = vector.broadcast %broadcast_in_dim3A_95 : vector<1024x1xi1> to vector<1024x128xi1>
    %broadcast_in_dim3A_97 = vector.broadcast %jit3A_94 : f32 to vector<1024x128xf32>
    %select_n3A_98 = arith.select %broadcast_in_dim3A_96, %mul3A_26, %broadcast_in_dim3A_97 : vector<1024x128xi1>, vector<1024x128xf32>
    %reduce_max3A_99 = arith.constant dense<0xFF800000> : vector<128xf32>
    %reduce_max3A_100 = vector.multi_reduction <maximumf>, %select_n3A_98, %reduce_max3A_99 [0] : vector<1024x128xf32> to vector<128xf32>
    %broadcast_in_dim3A_101 = vector.shape_cast %reduce_max3A_100 : vector<128xf32> to vector<1x128xf32>
    %get3A_102 = arith.constant 0 : index
    %get3A_103 = arith.constant 0 : index
    %get3A_104 = vector.load %arg5[%get3A_102, %get3A_103] : memref<1024x16xf32, #tpu.memory_space<vmem>>, vector<1024x16xf32>
    %slice3A_105 = vector.extract_strided_slice %get3A_104 {offsets = [0, 5], sizes = [1024, 1], strides = [1, 1]} : vector<1024x16xf32> to vector<1024x1xf32>
    %gt3A_106 = arith.constant 0.000000e+00 : f32
    %gt3A_107 = vector.broadcast %gt3A_106 : f32 to vector<1024x1xf32>
    %gt3A_108 = arith.cmpf ogt, %slice3A_105, %gt3A_107 : vector<1024x1xf32>
    %jit3A_109 = arith.constant 0xFF800000 : f32
    %broadcast_in_dim3A_110 = vector.shape_cast %gt3A_108 : vector<1024x1xi1> to vector<1024x1xi1>
    %broadcast_in_dim3A_111 = vector.broadcast %broadcast_in_dim3A_110 : vector<1024x1xi1> to vector<1024x128xi1>
    %broadcast_in_dim3A_112 = vector.broadcast %jit3A_109 : f32 to vector<1024x128xf32>
    %select_n3A_113 = arith.select %broadcast_in_dim3A_111, %mul3A_26, %broadcast_in_dim3A_112 : vector<1024x128xi1>, vector<1024x128xf32>
    %reduce_max3A_114 = arith.constant dense<0xFF800000> : vector<128xf32>
    %reduce_max3A_115 = vector.multi_reduction <maximumf>, %select_n3A_113, %reduce_max3A_114 [0] : vector<1024x128xf32> to vector<128xf32>
    %broadcast_in_dim3A_116 = vector.shape_cast %reduce_max3A_115 : vector<128xf32> to vector<1x128xf32>
    %get3A_117 = arith.constant 0 : index
    %get3A_118 = arith.constant 0 : index
    %get3A_119 = vector.load %arg5[%get3A_117, %get3A_118] : memref<1024x16xf32, #tpu.memory_space<vmem>>, vector<1024x16xf32>
    %slice3A_120 = vector.extract_strided_slice %get3A_119 {offsets = [0, 6], sizes = [1024, 1], strides = [1, 1]} : vector<1024x16xf32> to vector<1024x1xf32>
    %gt3A_121 = arith.constant 0.000000e+00 : f32
    %gt3A_122 = vector.broadcast %gt3A_121 : f32 to vector<1024x1xf32>
    %gt3A_123 = arith.cmpf ogt, %slice3A_120, %gt3A_122 : vector<1024x1xf32>
    %jit3A_124 = arith.constant 0xFF800000 : f32
    %broadcast_in_dim3A_125 = vector.shape_cast %gt3A_123 : vector<1024x1xi1> to vector<1024x1xi1>
    %broadcast_in_dim3A_126 = vector.broadcast %broadcast_in_dim3A_125 : vector<1024x1xi1> to vector<1024x128xi1>
    %broadcast_in_dim3A_127 = vector.broadcast %jit3A_124 : f32 to vector<1024x128xf32>
    %select_n3A_128 = arith.select %broadcast_in_dim3A_126, %mul3A_26, %broadcast_in_dim3A_127 : vector<1024x128xi1>, vector<1024x128xf32>
    %reduce_max3A_129 = arith.constant dense<0xFF800000> : vector<128xf32>
    %reduce_max3A_130 = vector.multi_reduction <maximumf>, %select_n3A_128, %reduce_max3A_129 [0] : vector<1024x128xf32> to vector<128xf32>
    %broadcast_in_dim3A_131 = vector.shape_cast %reduce_max3A_130 : vector<128xf32> to vector<1x128xf32>
    %get3A_132 = arith.constant 0 : index
    %get3A_133 = arith.constant 0 : index
    %get3A_134 = vector.load %arg5[%get3A_132, %get3A_133] : memref<1024x16xf32, #tpu.memory_space<vmem>>, vector<1024x16xf32>
    %slice3A_135 = vector.extract_strided_slice %get3A_134 {offsets = [0, 7], sizes = [1024, 1], strides = [1, 1]} : vector<1024x16xf32> to vector<1024x1xf32>
    %gt3A_136 = arith.constant 0.000000e+00 : f32
    %gt3A_137 = vector.broadcast %gt3A_136 : f32 to vector<1024x1xf32>
    %gt3A_138 = arith.cmpf ogt, %slice3A_135, %gt3A_137 : vector<1024x1xf32>
    %jit3A_139 = arith.constant 0xFF800000 : f32
    %broadcast_in_dim3A_140 = vector.shape_cast %gt3A_138 : vector<1024x1xi1> to vector<1024x1xi1>
    %broadcast_in_dim3A_141 = vector.broadcast %broadcast_in_dim3A_140 : vector<1024x1xi1> to vector<1024x128xi1>
    %broadcast_in_dim3A_142 = vector.broadcast %jit3A_139 : f32 to vector<1024x128xf32>
    %select_n3A_143 = arith.select %broadcast_in_dim3A_141, %mul3A_26, %broadcast_in_dim3A_142 : vector<1024x128xi1>, vector<1024x128xf32>
    %reduce_max3A_144 = arith.constant dense<0xFF800000> : vector<128xf32>
    %reduce_max3A_145 = vector.multi_reduction <maximumf>, %select_n3A_143, %reduce_max3A_144 [0] : vector<1024x128xf32> to vector<128xf32>
    %broadcast_in_dim3A_146 = vector.shape_cast %reduce_max3A_145 : vector<128xf32> to vector<1x128xf32>
    %get3A_147 = arith.constant 0 : index
    %get3A_148 = arith.constant 0 : index
    %get3A_149 = vector.load %arg5[%get3A_147, %get3A_148] : memref<1024x16xf32, #tpu.memory_space<vmem>>, vector<1024x16xf32>
    %slice3A_150 = vector.extract_strided_slice %get3A_149 {offsets = [0, 8], sizes = [1024, 1], strides = [1, 1]} : vector<1024x16xf32> to vector<1024x1xf32>
    %gt3A_151 = arith.constant 0.000000e+00 : f32
    %gt3A_152 = vector.broadcast %gt3A_151 : f32 to vector<1024x1xf32>
    %gt3A_153 = arith.cmpf ogt, %slice3A_150, %gt3A_152 : vector<1024x1xf32>
    %jit3A_154 = arith.constant 0xFF800000 : f32
    %broadcast_in_dim3A_155 = vector.shape_cast %gt3A_153 : vector<1024x1xi1> to vector<1024x1xi1>
    %broadcast_in_dim3A_156 = vector.broadcast %broadcast_in_dim3A_155 : vector<1024x1xi1> to vector<1024x128xi1>
    %broadcast_in_dim3A_157 = vector.broadcast %jit3A_154 : f32 to vector<1024x128xf32>
    %select_n3A_158 = arith.select %broadcast_in_dim3A_156, %mul3A_26, %broadcast_in_dim3A_157 : vector<1024x128xi1>, vector<1024x128xf32>
    %reduce_max3A_159 = arith.constant dense<0xFF800000> : vector<128xf32>
    %reduce_max3A_160 = vector.multi_reduction <maximumf>, %select_n3A_158, %reduce_max3A_159 [0] : vector<1024x128xf32> to vector<128xf32>
    %broadcast_in_dim3A_161 = vector.shape_cast %reduce_max3A_160 : vector<128xf32> to vector<1x128xf32>
    %get3A_162 = arith.constant 0 : index
    %get3A_163 = arith.constant 0 : index
    %get3A_164 = vector.load %arg5[%get3A_162, %get3A_163] : memref<1024x16xf32, #tpu.memory_space<vmem>>, vector<1024x16xf32>
    %slice3A_165 = vector.extract_strided_slice %get3A_164 {offsets = [0, 9], sizes = [1024, 1], strides = [1, 1]} : vector<1024x16xf32> to vector<1024x1xf32>
    %gt3A_166 = arith.constant 0.000000e+00 : f32
    %gt3A_167 = vector.broadcast %gt3A_166 : f32 to vector<1024x1xf32>
    %gt3A_168 = arith.cmpf ogt, %slice3A_165, %gt3A_167 : vector<1024x1xf32>
    %jit3A_169 = arith.constant 0xFF800000 : f32
    %broadcast_in_dim3A_170 = vector.shape_cast %gt3A_168 : vector<1024x1xi1> to vector<1024x1xi1>
    %broadcast_in_dim3A_171 = vector.broadcast %broadcast_in_dim3A_170 : vector<1024x1xi1> to vector<1024x128xi1>
    %broadcast_in_dim3A_172 = vector.broadcast %jit3A_169 : f32 to vector<1024x128xf32>
    %select_n3A_173 = arith.select %broadcast_in_dim3A_171, %mul3A_26, %broadcast_in_dim3A_172 : vector<1024x128xi1>, vector<1024x128xf32>
    %reduce_max3A_174 = arith.constant dense<0xFF800000> : vector<128xf32>
    %reduce_max3A_175 = vector.multi_reduction <maximumf>, %select_n3A_173, %reduce_max3A_174 [0] : vector<1024x128xf32> to vector<128xf32>
    %broadcast_in_dim3A_176 = vector.shape_cast %reduce_max3A_175 : vector<128xf32> to vector<1x128xf32>
    %get3A_177 = arith.constant 0 : index
    %get3A_178 = arith.constant 0 : index
    %get3A_179 = vector.load %arg5[%get3A_177, %get3A_178] : memref<1024x16xf32, #tpu.memory_space<vmem>>, vector<1024x16xf32>
    %slice3A_180 = vector.extract_strided_slice %get3A_179 {offsets = [0, 10], sizes = [1024, 1], strides = [1, 1]} : vector<1024x16xf32> to vector<1024x1xf32>
    %gt3A_181 = arith.constant 0.000000e+00 : f32
    %gt3A_182 = vector.broadcast %gt3A_181 : f32 to vector<1024x1xf32>
    %gt3A_183 = arith.cmpf ogt, %slice3A_180, %gt3A_182 : vector<1024x1xf32>
    %jit3A_184 = arith.constant 0xFF800000 : f32
    %broadcast_in_dim3A_185 = vector.shape_cast %gt3A_183 : vector<1024x1xi1> to vector<1024x1xi1>
    %broadcast_in_dim3A_186 = vector.broadcast %broadcast_in_dim3A_185 : vector<1024x1xi1> to vector<1024x128xi1>
    %broadcast_in_dim3A_187 = vector.broadcast %jit3A_184 : f32 to vector<1024x128xf32>
    %select_n3A_188 = arith.select %broadcast_in_dim3A_186, %mul3A_26, %broadcast_in_dim3A_187 : vector<1024x128xi1>, vector<1024x128xf32>
    %reduce_max3A_189 = arith.constant dense<0xFF800000> : vector<128xf32>
    %reduce_max3A_190 = vector.multi_reduction <maximumf>, %select_n3A_188, %reduce_max3A_189 [0] : vector<1024x128xf32> to vector<128xf32>
    %broadcast_in_dim3A_191 = vector.shape_cast %reduce_max3A_190 : vector<128xf32> to vector<1x128xf32>
    %get3A_192 = arith.constant 0 : index
    %get3A_193 = arith.constant 0 : index
    %get3A_194 = vector.load %arg5[%get3A_192, %get3A_193] : memref<1024x16xf32, #tpu.memory_space<vmem>>, vector<1024x16xf32>
    %slice3A_195 = vector.extract_strided_slice %get3A_194 {offsets = [0, 11], sizes = [1024, 1], strides = [1, 1]} : vector<1024x16xf32> to vector<1024x1xf32>
    %gt3A_196 = arith.constant 0.000000e+00 : f32
    %gt3A_197 = vector.broadcast %gt3A_196 : f32 to vector<1024x1xf32>
    %gt3A_198 = arith.cmpf ogt, %slice3A_195, %gt3A_197 : vector<1024x1xf32>
    %jit3A_199 = arith.constant 0xFF800000 : f32
    %broadcast_in_dim3A_200 = vector.shape_cast %gt3A_198 : vector<1024x1xi1> to vector<1024x1xi1>
    %broadcast_in_dim3A_201 = vector.broadcast %broadcast_in_dim3A_200 : vector<1024x1xi1> to vector<1024x128xi1>
    %broadcast_in_dim3A_202 = vector.broadcast %jit3A_199 : f32 to vector<1024x128xf32>
    %select_n3A_203 = arith.select %broadcast_in_dim3A_201, %mul3A_26, %broadcast_in_dim3A_202 : vector<1024x128xi1>, vector<1024x128xf32>
    %reduce_max3A_204 = arith.constant dense<0xFF800000> : vector<128xf32>
    %reduce_max3A_205 = vector.multi_reduction <maximumf>, %select_n3A_203, %reduce_max3A_204 [0] : vector<1024x128xf32> to vector<128xf32>
    %broadcast_in_dim3A_206 = vector.shape_cast %reduce_max3A_205 : vector<128xf32> to vector<1x128xf32>
    %get3A_207 = arith.constant 0 : index
    %get3A_208 = arith.constant 0 : index
    %get3A_209 = vector.load %arg5[%get3A_207, %get3A_208] : memref<1024x16xf32, #tpu.memory_space<vmem>>, vector<1024x16xf32>
    %slice3A_210 = vector.extract_strided_slice %get3A_209 {offsets = [0, 12], sizes = [1024, 1], strides = [1, 1]} : vector<1024x16xf32> to vector<1024x1xf32>
    %gt3A_211 = arith.constant 0.000000e+00 : f32
    %gt3A_212 = vector.broadcast %gt3A_211 : f32 to vector<1024x1xf32>
    %gt3A_213 = arith.cmpf ogt, %slice3A_210, %gt3A_212 : vector<1024x1xf32>
    %jit3A_214 = arith.constant 0xFF800000 : f32
    %broadcast_in_dim3A_215 = vector.shape_cast %gt3A_213 : vector<1024x1xi1> to vector<1024x1xi1>
    %broadcast_in_dim3A_216 = vector.broadcast %broadcast_in_dim3A_215 : vector<1024x1xi1> to vector<1024x128xi1>
    %broadcast_in_dim3A_217 = vector.broadcast %jit3A_214 : f32 to vector<1024x128xf32>
    %select_n3A_218 = arith.select %broadcast_in_dim3A_216, %mul3A_26, %broadcast_in_dim3A_217 : vector<1024x128xi1>, vector<1024x128xf32>
    %reduce_max3A_219 = arith.constant dense<0xFF800000> : vector<128xf32>
    %reduce_max3A_220 = vector.multi_reduction <maximumf>, %select_n3A_218, %reduce_max3A_219 [0] : vector<1024x128xf32> to vector<128xf32>
    %broadcast_in_dim3A_221 = vector.shape_cast %reduce_max3A_220 : vector<128xf32> to vector<1x128xf32>
    %get3A_222 = arith.constant 0 : index
    %get3A_223 = arith.constant 0 : index
    %get3A_224 = vector.load %arg5[%get3A_222, %get3A_223] : memref<1024x16xf32, #tpu.memory_space<vmem>>, vector<1024x16xf32>
    %slice3A_225 = vector.extract_strided_slice %get3A_224 {offsets = [0, 13], sizes = [1024, 1], strides = [1, 1]} : vector<1024x16xf32> to vector<1024x1xf32>
    %gt3A_226 = arith.constant 0.000000e+00 : f32
    %gt3A_227 = vector.broadcast %gt3A_226 : f32 to vector<1024x1xf32>
    %gt3A_228 = arith.cmpf ogt, %slice3A_225, %gt3A_227 : vector<1024x1xf32>
    %jit3A_229 = arith.constant 0xFF800000 : f32
    %broadcast_in_dim3A_230 = vector.shape_cast %gt3A_228 : vector<1024x1xi1> to vector<1024x1xi1>
    %broadcast_in_dim3A_231 = vector.broadcast %broadcast_in_dim3A_230 : vector<1024x1xi1> to vector<1024x128xi1>
    %broadcast_in_dim3A_232 = vector.broadcast %jit3A_229 : f32 to vector<1024x128xf32>
    %select_n3A_233 = arith.select %broadcast_in_dim3A_231, %mul3A_26, %broadcast_in_dim3A_232 : vector<1024x128xi1>, vector<1024x128xf32>
    %reduce_max3A_234 = arith.constant dense<0xFF800000> : vector<128xf32>
    %reduce_max3A_235 = vector.multi_reduction <maximumf>, %select_n3A_233, %reduce_max3A_234 [0] : vector<1024x128xf32> to vector<128xf32>
    %broadcast_in_dim3A_236 = vector.shape_cast %reduce_max3A_235 : vector<128xf32> to vector<1x128xf32>
    %get3A_237 = arith.constant 0 : index
    %get3A_238 = arith.constant 0 : index
    %get3A_239 = vector.load %arg5[%get3A_237, %get3A_238] : memref<1024x16xf32, #tpu.memory_space<vmem>>, vector<1024x16xf32>
    %slice3A_240 = vector.extract_strided_slice %get3A_239 {offsets = [0, 14], sizes = [1024, 1], strides = [1, 1]} : vector<1024x16xf32> to vector<1024x1xf32>
    %gt3A_241 = arith.constant 0.000000e+00 : f32
    %gt3A_242 = vector.broadcast %gt3A_241 : f32 to vector<1024x1xf32>
    %gt3A_243 = arith.cmpf ogt, %slice3A_240, %gt3A_242 : vector<1024x1xf32>
    %jit3A_244 = arith.constant 0xFF800000 : f32
    %broadcast_in_dim3A_245 = vector.shape_cast %gt3A_243 : vector<1024x1xi1> to vector<1024x1xi1>
    %broadcast_in_dim3A_246 = vector.broadcast %broadcast_in_dim3A_245 : vector<1024x1xi1> to vector<1024x128xi1>
    %broadcast_in_dim3A_247 = vector.broadcast %jit3A_244 : f32 to vector<1024x128xf32>
    %select_n3A_248 = arith.select %broadcast_in_dim3A_246, %mul3A_26, %broadcast_in_dim3A_247 : vector<1024x128xi1>, vector<1024x128xf32>
    %reduce_max3A_249 = arith.constant dense<0xFF800000> : vector<128xf32>
    %reduce_max3A_250 = vector.multi_reduction <maximumf>, %select_n3A_248, %reduce_max3A_249 [0] : vector<1024x128xf32> to vector<128xf32>
    %broadcast_in_dim3A_251 = vector.shape_cast %reduce_max3A_250 : vector<128xf32> to vector<1x128xf32>
    %get3A_252 = arith.constant 0 : index
    %get3A_253 = arith.constant 0 : index
    %get3A_254 = vector.load %arg5[%get3A_252, %get3A_253] : memref<1024x16xf32, #tpu.memory_space<vmem>>, vector<1024x16xf32>
    %slice3A_255 = vector.extract_strided_slice %get3A_254 {offsets = [0, 15], sizes = [1024, 1], strides = [1, 1]} : vector<1024x16xf32> to vector<1024x1xf32>
    %gt3A_256 = arith.constant 0.000000e+00 : f32
    %gt3A_257 = vector.broadcast %gt3A_256 : f32 to vector<1024x1xf32>
    %gt3A_258 = arith.cmpf ogt, %slice3A_255, %gt3A_257 : vector<1024x1xf32>
    %jit3A_259 = arith.constant 0xFF800000 : f32
    %broadcast_in_dim3A_260 = vector.shape_cast %gt3A_258 : vector<1024x1xi1> to vector<1024x1xi1>
    %broadcast_in_dim3A_261 = vector.broadcast %broadcast_in_dim3A_260 : vector<1024x1xi1> to vector<1024x128xi1>
    %broadcast_in_dim3A_262 = vector.broadcast %jit3A_259 : f32 to vector<1024x128xf32>
    %select_n3A_263 = arith.select %broadcast_in_dim3A_261, %mul3A_26, %broadcast_in_dim3A_262 : vector<1024x128xi1>, vector<1024x128xf32>
    %reduce_max3A_264 = arith.constant dense<0xFF800000> : vector<128xf32>
    %reduce_max3A_265 = vector.multi_reduction <maximumf>, %select_n3A_263, %reduce_max3A_264 [0] : vector<1024x128xf32> to vector<128xf32>
    %broadcast_in_dim3A_266 = vector.shape_cast %reduce_max3A_265 : vector<128xf32> to vector<1x128xf32>
    %concatenate3A = tpu.concatenate %broadcast_in_dim3A_41, %broadcast_in_dim3A_56, %broadcast_in_dim3A_71, %broadcast_in_dim3A_86, %broadcast_in_dim3A_101, %broadcast_in_dim3A_116, %broadcast_in_dim3A_131, %broadcast_in_dim3A_146, %broadcast_in_dim3A_161, %broadcast_in_dim3A_176, %broadcast_in_dim3A_191, %broadcast_in_dim3A_206, %broadcast_in_dim3A_221, %broadcast_in_dim3A_236, %broadcast_in_dim3A_251, %broadcast_in_dim3A_266 in 0 : vector<1x128xf32>, vector<1x128xf32>, vector<1x128xf32>, vector<1x128xf32>, vector<1x128xf32>, vector<1x128xf32>, vector<1x128xf32>, vector<1x128xf32>, vector<1x128xf32>, vector<1x128xf32>, vector<1x128xf32>, vector<1x128xf32>, vector<1x128xf32>, vector<1x128xf32>, vector<1x128xf32>, vector<1x128xf32> -> vector<16x128xf32>
    %eq3A = arith.constant 0 : i32
    %eq3A_267 = arith.cmpi eq, %arg0, %eq3A : i32
    %convert_element_type3A = arith.extui %eq3A_267 : i1 to i32
    %cond3A = arith.constant 0 : i32
    %cond3A_268 = arith.cmpi ne, %convert_element_type3A, %cond3A : i32
    scf.if %cond3A_268 {
      %swap3A = arith.constant 0 : index
      %swap3A_274 = arith.constant 0 : index
      %swap3A_275 = vector.load %arg6[%swap3A, %swap3A_274] : memref<16x128xf32, #tpu.memory_space<vmem>>, vector<16x128xf32>
      tpu.vector_store %arg6[%swap3A, %swap3A_274], %dot_general3A_30 {strides = array<i32>} : memref<16x128xf32, #tpu.memory_space<vmem>>, vector<16x128xf32>,
      %swap3A_276 = arith.constant 0 : index
      %swap3A_277 = arith.constant 0 : index
      %swap3A_278 = vector.load %arg7[%swap3A_276, %swap3A_277] : memref<16x128xf32, #tpu.memory_space<vmem>>, vector<16x128xf32>
      tpu.vector_store %arg7[%swap3A_276, %swap3A_277], %concatenate3A {strides = array<i32>} : memref<16x128xf32, #tpu.memory_space<vmem>>, vector<16x128xf32>,
    } else {
    }
    %gt3A_269 = arith.constant 0 : i32
    %gt3A_270 = arith.cmpi sgt, %arg0, %gt3A_269 : i32
    %convert_element_type3A_271 = arith.extui %gt3A_270 : i1 to i32
    %cond3A_272 = arith.constant 0 : i32
    %cond3A_273 = arith.cmpi ne, %convert_element_type3A_271, %cond3A_272 : i32
    scf.if %cond3A_273 {
      %get3A_274 = arith.constant 0 : index
      %get3A_275 = arith.constant 0 : index
      %get3A_276 = vector.load %arg6[%get3A_274, %get3A_275] : memref<16x128xf32, #tpu.memory_space<vmem>>, vector<16x128xf32>
      %add3A_277 = arith.addf %get3A_276, %dot_general3A_30 : vector<16x128xf32>
      %swap3A = arith.constant 0 : index
      %swap3A_278 = arith.constant 0 : index
      %swap3A_279 = vector.load %arg6[%swap3A, %swap3A_278] : memref<16x128xf32, #tpu.memory_space<vmem>>, vector<16x128xf32>
      tpu.vector_store %arg6[%swap3A, %swap3A_278], %add3A_277 {strides = array<i32>} : memref<16x128xf32, #tpu.memory_space<vmem>>, vector<16x128xf32>,
      %get3A_280 = arith.constant 0 : index
      %get3A_281 = arith.constant 0 : index
      %get3A_282 = vector.load %arg7[%get3A_280, %get3A_281] : memref<16x128xf32, #tpu.memory_space<vmem>>, vector<16x128xf32>
      %max3A = arith.maximumf %get3A_282, %concatenate3A : vector<16x128xf32>
      %swap3A_283 = arith.constant 0 : index
      %swap3A_284 = arith.constant 0 : index
      %swap3A_285 = vector.load %arg7[%swap3A_283, %swap3A_284] : memref<16x128xf32, #tpu.memory_space<vmem>>, vector<16x128xf32>
      tpu.vector_store %arg7[%swap3A_283, %swap3A_284], %max3A {strides = array<i32>} : memref<16x128xf32, #tpu.memory_space<vmem>>, vector<16x128xf32>,
    } else {
    }
    return
  }
  func.func @transform_0(%arg0: i32) -> (i32, i32) {
    %c0_i32 = arith.constant 0 : i32
    %c0_i32_0 = arith.constant 0 : i32
    return %arg0, %c0_i32 : i32, i32
  }
  func.func @transform_1(%arg0: i32) -> (i32, i32, i32) {
    %c0_i32 = arith.constant 0 : i32
    %c0_i32_0 = arith.constant 0 : i32
    %c0_i32_1 = arith.constant 0 : i32
    return %c0_i32, %arg0, %c0_i32_0 : i32, i32, i32
  }
  func.func @transform_2(%arg0: i32) -> (i32, i32) {
    %c0_i32 = arith.constant 0 : i32
    %c0_i32_0 = arith.constant 0 : i32
    return %arg0, %c0_i32 : i32, i32
  }
  func.func @transform_3(%arg0: i32) -> (i32, i32) {
    %c0_i32 = arith.constant 0 : i32
    %c0_i32_0 = arith.constant 0 : i32
    %c0_i32_1 = arith.constant 0 : i32
    return %c0_i32, %c0_i32_0 : i32, i32
  }
  func.func @transform_4(%arg0: i32) -> (i32, i32) {
    %c0_i32 = arith.constant 0 : i32
    %c0_i32_0 = arith.constant 0 : i32
    return %arg0, %c0_i32 : i32, i32
  }
  func.func @transform_5(%arg0: i32) -> (i32, i32) {
    %c0_i32 = arith.constant 0 : i32
    %c0_i32_0 = arith.constant 0 : i32
    %c0_i32_1 = arith.constant 0 : i32
    return %c0_i32, %c0_i32_0 : i32, i32
  }
  func.func @transform_6(%arg0: i32) -> (i32, i32) {
    %c0_i32 = arith.constant 0 : i32
    %c0_i32_0 = arith.constant 0 : i32
    %c0_i32_1 = arith.constant 0 : i32
    return %c0_i32, %c0_i32_0 : i32, i32
  }
}

module attributes {stable_mosaic.version = 14 : i64} {
  func.func @_head_body(%arg0: memref<16x128xf32, #tpu.memory_space<vmem>>, %arg1: memref<16x128xf32, #tpu.memory_space<vmem>>, %arg2: memref<16x128xf32, #tpu.memory_space<vmem>>, %arg3: memref<16x128xf32, #tpu.memory_space<vmem>>, %arg4: memref<16x128xf32, #tpu.memory_space<vmem>>, %arg5: memref<16x128xf32, #tpu.memory_space<vmem>>, %arg6: memref<128x128xf32, #tpu.memory_space<vmem>>, %arg7: memref<128x128xf32, #tpu.memory_space<vmem>>, %arg8: memref<1x128xf32, #tpu.memory_space<vmem>>, %arg9: memref<128x64xf32, #tpu.memory_space<vmem>>, %arg10: memref<1x64xf32, #tpu.memory_space<vmem>>, %arg11: memref<64x10xf32, #tpu.memory_space<vmem>>, %arg12: memref<1x10xf32, #tpu.memory_space<vmem>>, %arg13: memref<16x10xf32, #tpu.memory_space<vmem>>, %arg14: memref<16x10xf32, #tpu.memory_space<vmem>>) attributes {dimension_semantics = [], scalar_prefetch = 0 : i64, scratch_operands = 0 : i64, tpu.core_type = #tpu.core_type<tc>} {
    %get3A = arith.constant 0 : index
    %get3A_0 = arith.constant 0 : index
    %get3A_1 = vector.load %arg2[%get3A, %get3A_0] : memref<16x128xf32, #tpu.memory_space<vmem>>, vector<16x128xf32>
    %slice3A = vector.extract_strided_slice %get3A_1 {offsets = [0, 0], sizes = [16, 1], strides = [1, 1]} : vector<16x128xf32> to vector<16x1xf32>
    %get3A_2 = arith.constant 0 : index
    %get3A_3 = arith.constant 0 : index
    %get3A_4 = vector.load %arg5[%get3A_2, %get3A_3] : memref<16x128xf32, #tpu.memory_space<vmem>>, vector<16x128xf32>
    %slice3A_5 = vector.extract_strided_slice %get3A_4 {offsets = [0, 0], sizes = [16, 1], strides = [1, 1]} : vector<16x128xf32> to vector<16x1xf32>
    %get3A_6 = arith.constant 0 : index
    %get3A_7 = arith.constant 0 : index
    %get3A_8 = vector.load %arg0[%get3A_6, %get3A_7] : memref<16x128xf32, #tpu.memory_space<vmem>>, vector<16x128xf32>
    %max3A = arith.constant 1.000000e+00 : f32
    %max3A_9 = vector.broadcast %max3A : f32 to vector<16x1xf32>
    %max3A_10 = arith.maximumf %slice3A, %max3A_9 : vector<16x1xf32>
    %div3A = vector.broadcast %max3A_10 : vector<16x1xf32> to vector<16x128xf32>
    %div3A_11 = arith.divf %get3A_8, %div3A : vector<16x128xf32>
    %get3A_12 = arith.constant 0 : index
    %get3A_13 = arith.constant 0 : index
    %get3A_14 = vector.load %arg3[%get3A_12, %get3A_13] : memref<16x128xf32, #tpu.memory_space<vmem>>, vector<16x128xf32>
    %max3A_15 = arith.constant 1.000000e+00 : f32
    %max3A_16 = vector.broadcast %max3A_15 : f32 to vector<16x1xf32>
    %max3A_17 = arith.maximumf %slice3A_5, %max3A_16 : vector<16x1xf32>
    %div3A_18 = vector.broadcast %max3A_17 : vector<16x1xf32> to vector<16x128xf32>
    %div3A_19 = arith.divf %get3A_14, %div3A_18 : vector<16x128xf32>
    %gt3A = arith.constant 0.000000e+00 : f32
    %gt3A_20 = vector.broadcast %gt3A : f32 to vector<16x1xf32>
    %gt3A_21 = arith.cmpf ogt, %slice3A, %gt3A_20 : vector<16x1xf32>
    %get3A_22 = arith.constant 0 : index
    %get3A_23 = arith.constant 0 : index
    %get3A_24 = vector.load %arg1[%get3A_22, %get3A_23] : memref<16x128xf32, #tpu.memory_space<vmem>>, vector<16x128xf32>
    %jit3A = arith.constant 0.000000e+00 : f32
    %broadcast_in_dim3A = vector.shape_cast %gt3A_21 : vector<16x1xi1> to vector<16x1xi1>
    %broadcast_in_dim3A_25 = vector.broadcast %broadcast_in_dim3A : vector<16x1xi1> to vector<16x128xi1>
    %broadcast_in_dim3A_26 = vector.broadcast %jit3A : f32 to vector<16x128xf32>
    %select_n3A = arith.select %broadcast_in_dim3A_25, %get3A_24, %broadcast_in_dim3A_26 : vector<16x128xi1>, vector<16x128xf32>
    %gt3A_27 = arith.constant 0.000000e+00 : f32
    %gt3A_28 = vector.broadcast %gt3A_27 : f32 to vector<16x1xf32>
    %gt3A_29 = arith.cmpf ogt, %slice3A_5, %gt3A_28 : vector<16x1xf32>
    %get3A_30 = arith.constant 0 : index
    %get3A_31 = arith.constant 0 : index
    %get3A_32 = vector.load %arg4[%get3A_30, %get3A_31] : memref<16x128xf32, #tpu.memory_space<vmem>>, vector<16x128xf32>
    %jit3A_33 = arith.constant 0.000000e+00 : f32
    %broadcast_in_dim3A_34 = vector.shape_cast %gt3A_29 : vector<16x1xi1> to vector<16x1xi1>
    %broadcast_in_dim3A_35 = vector.broadcast %broadcast_in_dim3A_34 : vector<16x1xi1> to vector<16x128xi1>
    %broadcast_in_dim3A_36 = vector.broadcast %jit3A_33 : f32 to vector<16x128xf32>
    %select_n3A_37 = arith.select %broadcast_in_dim3A_35, %get3A_32, %broadcast_in_dim3A_36 : vector<16x128xi1>, vector<16x128xf32>
    %add3A = arith.addf %div3A_11, %div3A_19 : vector<16x128xf32>
    %add3A_38 = arith.addf %select_n3A, %select_n3A_37 : vector<16x128xf32>
    %get3A_39 = arith.constant 0 : index
    %get3A_40 = arith.constant 0 : index
    %get3A_41 = vector.load %arg6[%get3A_39, %get3A_40] : memref<128x128xf32, #tpu.memory_space<vmem>>, vector<128x128xf32>
    %dot_general3A = arith.constant dense<0.000000e+00> : vector<16x128xf32>
    %dot_general3A_42 = tpu.matmul %add3A, %get3A_41, %dot_general3A {dimension_numbers = #tpu.dot_dimension_numbers<[1], [0], [0], [1], [0, 0, 1, 1], [], []>, transpose_lhs_hint = false} : vector<16x128xf32>, vector<128x128xf32>, vector<16x128xf32> -> vector<16x128xf32>
    %get3A_43 = arith.constant 0 : index
    %get3A_44 = arith.constant 0 : index
    %get3A_45 = vector.load %arg7[%get3A_43, %get3A_44] : memref<128x128xf32, #tpu.memory_space<vmem>>, vector<128x128xf32>
    %dot_general3A_46 = arith.constant dense<0.000000e+00> : vector<16x128xf32>
    %dot_general3A_47 = tpu.matmul %add3A_38, %get3A_45, %dot_general3A_46 {dimension_numbers = #tpu.dot_dimension_numbers<[1], [0], [0], [1], [0, 0, 1, 1], [], []>, transpose_lhs_hint = false} : vector<16x128xf32>, vector<128x128xf32>, vector<16x128xf32> -> vector<16x128xf32>
    %add3A_48 = arith.addf %dot_general3A_42, %dot_general3A_47 : vector<16x128xf32>
    %get3A_49 = arith.constant 0 : index
    %get3A_50 = arith.constant 0 : index
    %get3A_51 = vector.load %arg8[%get3A_49, %get3A_50] : memref<1x128xf32, #tpu.memory_space<vmem>>, vector<1x128xf32>
    %add3A_52 = vector.broadcast %get3A_51 : vector<1x128xf32> to vector<16x128xf32>
    %add3A_53 = arith.addf %add3A_48, %add3A_52 : vector<16x128xf32>
    %max3A_54 = arith.constant 0.000000e+00 : f32
    %max3A_55 = vector.broadcast %max3A_54 : f32 to vector<16x128xf32>
    %max3A_56 = arith.maximumf %add3A_53, %max3A_55 : vector<16x128xf32>
    %get3A_57 = arith.constant 0 : index
    %get3A_58 = arith.constant 0 : index
    %get3A_59 = vector.load %arg9[%get3A_57, %get3A_58] : memref<128x64xf32, #tpu.memory_space<vmem>>, vector<128x64xf32>
    %dot_general3A_60 = arith.constant dense<0.000000e+00> : vector<16x64xf32>
    %dot_general3A_61 = tpu.matmul %max3A_56, %get3A_59, %dot_general3A_60 {dimension_numbers = #tpu.dot_dimension_numbers<[1], [0], [0], [1], [0, 0, 1, 1], [], []>, transpose_lhs_hint = false} : vector<16x128xf32>, vector<128x64xf32>, vector<16x64xf32> -> vector<16x64xf32>
    %get3A_62 = arith.constant 0 : index
    %get3A_63 = arith.constant 0 : index
    %get3A_64 = vector.load %arg10[%get3A_62, %get3A_63] : memref<1x64xf32, #tpu.memory_space<vmem>>, vector<1x64xf32>
    %add3A_65 = vector.broadcast %get3A_64 : vector<1x64xf32> to vector<16x64xf32>
    %add3A_66 = arith.addf %dot_general3A_61, %add3A_65 : vector<16x64xf32>
    %max3A_67 = arith.constant 0.000000e+00 : f32
    %max3A_68 = vector.broadcast %max3A_67 : f32 to vector<16x64xf32>
    %max3A_69 = arith.maximumf %add3A_66, %max3A_68 : vector<16x64xf32>
    %get3A_70 = arith.constant 0 : index
    %get3A_71 = arith.constant 0 : index
    %get3A_72 = vector.load %arg11[%get3A_70, %get3A_71] : memref<64x10xf32, #tpu.memory_space<vmem>>, vector<64x10xf32>
    %dot_general3A_73 = arith.constant dense<0.000000e+00> : vector<16x10xf32>
    %dot_general3A_74 = tpu.matmul %max3A_69, %get3A_72, %dot_general3A_73 {dimension_numbers = #tpu.dot_dimension_numbers<[1], [0], [0], [1], [0, 0, 1, 1], [], []>, transpose_lhs_hint = false} : vector<16x64xf32>, vector<64x10xf32>, vector<16x10xf32> -> vector<16x10xf32>
    %get3A_75 = arith.constant 0 : index
    %get3A_76 = arith.constant 0 : index
    %get3A_77 = vector.load %arg12[%get3A_75, %get3A_76] : memref<1x10xf32, #tpu.memory_space<vmem>>, vector<1x10xf32>
    %add3A_78 = vector.broadcast %get3A_77 : vector<1x10xf32> to vector<16x10xf32>
    %add3A_79 = arith.addf %dot_general3A_74, %add3A_78 : vector<16x10xf32>
    %swap3A = arith.constant 0 : index
    %swap3A_80 = arith.constant 0 : index
    %swap3A_81 = vector.load %arg13[%swap3A, %swap3A_80] : memref<16x10xf32, #tpu.memory_space<vmem>>, vector<16x10xf32>
    tpu.vector_store %arg13[%swap3A, %swap3A_80], %add3A_79 {strides = array<i32>} : memref<16x10xf32, #tpu.memory_space<vmem>>, vector<16x10xf32>,
    %reduce_max3A = arith.constant dense<0xFF800000> : vector<16xf32>
    %reduce_max3A_82 = vector.multi_reduction <maximumf>, %add3A_79, %reduce_max3A [1] : vector<16x10xf32> to vector<16xf32>
    %broadcast_in_dim3A_83 = vector.shape_cast %reduce_max3A_82 : vector<16xf32> to vector<16x1xf32>
    %sub3A = vector.broadcast %broadcast_in_dim3A_83 : vector<16x1xf32> to vector<16x10xf32>
    %sub3A_84 = arith.subf %add3A_79, %sub3A : vector<16x10xf32>
    %exp3A = math.exp %sub3A_84 : vector<16x10xf32>
    %reduce_sum3A = arith.constant dense<0.000000e+00> : vector<16xf32>
    %reduce_sum3A_85 = vector.multi_reduction <add>, %exp3A, %reduce_sum3A [1] : vector<16x10xf32> to vector<16xf32>
    %broadcast_in_dim3A_86 = vector.shape_cast %reduce_sum3A_85 : vector<16xf32> to vector<16x1xf32>
    %div3A_87 = vector.broadcast %broadcast_in_dim3A_86 : vector<16x1xf32> to vector<16x10xf32>
    %div3A_88 = arith.divf %exp3A, %div3A_87 : vector<16x10xf32>
    %swap3A_89 = arith.constant 0 : index
    %swap3A_90 = arith.constant 0 : index
    %swap3A_91 = vector.load %arg14[%swap3A_89, %swap3A_90] : memref<16x10xf32, #tpu.memory_space<vmem>>, vector<16x10xf32>
    tpu.vector_store %arg14[%swap3A_89, %swap3A_90], %div3A_88 {strides = array<i32>} : memref<16x10xf32, #tpu.memory_space<vmem>>, vector<16x10xf32>,
    return
  }
}

</mosaic_0001>

<sc_bundles>
// kernel: kernel.17.cloned.1.call-start
scs
__scs_entry_jumppad:
0x0: {  	(pc) =	sbr.rel $0x88, $3  }
0x1: {  	(tag) =	ssettag $0x0;
	lr =	simm.s32 $0x1  }
0x2: {  	[smem:$0x3F8D] =	sst lr;
	_ =	strace $0xD0000000  }
0x3: {  	_ = 	snop  }
0x4: {  	_ = 	snop  }
0x5: {  	_ = 	snop  }
0x6: {  	_ = 	snop  }
0x7: {  	_ = 	snop  }
__scs_overlays_trampoline_lowered:
0x8: {  	[smem:$0x3F9C] =	sst s0  }
0x9: {  	[smem:$0x3F9D] =	sst s1  }
0xa: {  	[smem:$0x3F9E] =	sst s2  }
0xb: {  	[smem:$0x3F9F] =	sst s3  }
0xc: {  	[smem:$0x3FA0] =	sst s4  }
0xd: {  	[smem:$0x3FA1] =	sst s5  }
0xe: {  	[smem:$0x3FA2] =	sst s6  }
0xf: {  	[smem:$0x3FA3] =	sst s7  }
0x10: {  	[smem:$0x3FA4] =	sst s8  }
0x11: {  	[smem:$0x3FA5] =	sst s9;
	s0 =	simm.s32 @!p0 $0x0  }
0x12: {  	s1 =	sld [smem:$0x3F8B];
	s0 =	simm.s32 @p0 $0x1  }
0x13: {  	[smem:$0x3FA6] =	sst s0;
	s0 =	simm.s32 @!p1 $0x0  }
0x14: {  	s2 =	sld [smem:$0x3F8A];
	s0 =	simm.s32 @p1 $0x1  }
0x15: {  	[smem:$0x3FA7] =	sst s0;
	s0 =	simm.s32 @!p2 $0x0  }
0x16: {  	s3 =	sld [smem:$0x3FDB];
	s0 =	simm.s32 @p2 $0x1  }
0x17: {  	s4 =	simm.s32 $0x1BF5;
	[smem:$0x3FA9] =	sst s0  }
0x18: {  	s0 =	sld [smem:$0x3F8C];
	_ =	swait.ge [sflag:s4], $0x0  }
0x19: {  	s7 =	sld [smem:$0x3F8D]  }
0x1a: {  	s8 =	sadd.s32 $0xFFFFE003, lr  }
0x1b: {  	s9 =	sadd.s32 $0xFFFFFEF7, lr;
	s5 =	simm.s32 $0xFFFFFFFF;
	p2 =	slt.u32 s8, $0xFFFFF086  }
0x1c: {  	p1 =	slt.u32 s9, $0xF7A;
	s5 =	simm.s32 @!p2 $0x0  }
0x1d: {  	s5 =	simm.s32 @p1 $0x1;
	p0 =	seq.s32 s7, s2  }
0x1e: {  	s7 =	smul.u32 @!p0 $0xF7A, s2;
	p2 =	seq.s32 @!p0 s5, $0x0  }
0x1f: {  	s9 =	smul.u32 $0xF7A, s1;
	s8 =	simm.s32 @!p0 $0x1BF5;
	p2 =	por !p2, p0  }
0x20: {  	[sflag:s8] =	ssyncset.s32 @!p0 $0xFFFFF086;
	s6 =	sadd.s32 @!p0 s3, s7;
	s7 =	simm.s32 @!p0 $0x108  }
0x21: {  	s3 =	sadd.s32 s3, s9;
	s6 =	sadd.s32 @!p0 $0x88, s6;
	s7 =	simm.s32 @p2 $0x1082  }
0x22: {  	[simem:s7], [sflag:s8] =	dma.local @!p0 [hbm:s6], $0xF7A  }
0x23: {  	s9 =	sor.u32 $0xD0000000, s2;
	s6 =	simm.s32 $0x108;
	_ =	swait.ge @!p0 [sflag:s8], $0x0  }
0x24: {  	s3 =	sadd.s32 $0x88, s3;
	s6 =	simm.s32 @!p1 $0x1082;
	[sflag:s4] =	ssyncset.s32 $0xFFFFF086  }
0x25: {  	[simem:s6], [sflag:s4] =	dma.local [hbm:s3], $0xF7A  }
0x26: {  	[smem:$0x3F8D] =	sst s1;
	(tag) =	ssettag s2;
	_ =	strace s9  }
0x27: {  	s1 =	sld [smem:$0x3F9D]  }
0x28: {  	s2 =	sld [smem:$0x3F9E]  }
0x29: {  	s4 =	sld [smem:$0x3FA0]  }
0x2a: {  	p0 =	seq.s32 s5, $0x0;
	s5 =	sld [smem:$0x3FA1]  }
0x2b: {  	s6 =	sld [smem:$0x3FA2]  }
0x2c: {  	s7 =	sld [smem:$0x3FA3]  }
0x2d: {  	s3 =	simm.s32 $0x108;
	s8 =	sld [smem:$0x3FA4]  }
0x2e: {  	s3 =	simm.s32 @!p0 $0x1082;
	s9 =	sld [smem:$0x3FA5]  }
0x2f: {  	lr =	sadd.s32 s0, s3;
	s0 =	sld [smem:$0x3F9C]  }
0x30: {  	s3 =	sld [smem:$0x3F9F]  }
0x31: {  	[smem:$0x3FA8] =	sst s10  }
0x32: {  	s10 =	sld [smem:$0x3FA6];
	_ =	sdelay $0x3  }
0x33: {  	p0 =	seq.s32 s10, $0x1;
	s10 =	sld [smem:$0x3FA8];
	_ =	sdelay $0x3  }
0x34: {  	[smem:$0x3FA8] =	sst s10  }
0x35: {  	s10 =	sld [smem:$0x3FA7];
	_ =	sdelay $0x3  }
0x36: {  	p1 =	seq.s32 s10, $0x1;
	s10 =	sld [smem:$0x3FA8];
	_ =	sdelay $0x3  }
0x37: {  	[smem:$0x3FA8] =	sst s10  }
0x38: {  	s10 =	sld [smem:$0x3FA9]  }
0x39: {  	_ = 	snop;
	(pc) =	sbr.ind lr, $3  }
0x3a: {  	_ = 	snop  }
0x3b: {  	_ = 	snop  }
0x3c: {  	p2 =	seq.s32 s10, $0x1;
	s10 =	sld [smem:$0x3FA8]  }
0x3d: {  	_ =	shalt  }
0x3e: {  	_ =	shalt  }
0x3f: {  	_ =	shalt  }
0x40: {  	_ =	shalt  }
0x41: {  	_ =	shalt  }
0x42: {  	_ =	shalt  }
0x43: {  	_ =	shalt  }
0x44: {  	_ =	shalt  }
0x45: {  	_ =	shalt  }
0x46: {  	_ =	shalt  }
0x47: {  	_ =	shalt  }
0x48: {  	_ =	shalt  }
0x49: {  	_ =	shalt  }
0x4a: {  	_ =	shalt  }
0x4b: {  	_ =	shalt  }
0x4c: {  	_ =	shalt  }
0x4d: {  	_ =	shalt  }
0x4e: {  	_ =	shalt  }
0x4f: {  	_ =	shalt  }
0x50: {  	_ =	shalt  }
0x51: {  	_ =	shalt  }
0x52: {  	_ =	shalt  }
0x53: {  	_ =	shalt  }
0x54: {  	_ =	shalt  }
0x55: {  	_ =	shalt  }
0x56: {  	_ =	shalt  }
0x57: {  	_ =	shalt  }
0x58: {  	_ =	shalt  }
0x59: {  	_ =	shalt  }
0x5a: {  	_ =	shalt  }
0x5b: {  	_ =	shalt  }
0x5c: {  	_ =	shalt  }
0x5d: {  	_ =	shalt  }
0x5e: {  	_ =	shalt  }
0x5f: {  	_ =	shalt  }
0x60: {  	_ =	shalt  }
0x61: {  	_ =	shalt  }
0x62: {  	_ =	shalt  }
0x63: {  	_ =	shalt  }
0x64: {  	_ =	shalt  }
0x65: {  	_ =	shalt  }
0x66: {  	_ =	shalt  }
0x67: {  	_ =	shalt  }
0x68: {  	_ =	shalt  }
0x69: {  	_ =	shalt  }
0x6a: {  	_ =	shalt  }
0x6b: {  	_ =	shalt  }
0x6c: {  	_ =	shalt  }
0x6d: {  	_ =	shalt  }
0x6e: {  	_ =	shalt  }
0x6f: {  	_ =	shalt  }
0x70: {  	_ =	shalt  }
0x71: {  	_ =	shalt  }
0x72: {  	_ =	shalt  }
0x73: {  	_ =	shalt  }
0x74: {  	_ =	shalt  }
0x75: {  	_ =	shalt  }
0x76: {  	_ =	shalt  }
0x77: {  	_ =	shalt  }
0x78: {  	_ =	shalt  }
0x79: {  	_ =	shalt  }
0x7a: {  	_ =	shalt  }
0x7b: {  	_ =	shalt  }
0x7c: {  	_ =	shalt  }
0x7d: {  	_ =	shalt  }
0x7e: {  	_ =	shalt  }
0x7f: {  	_ =	shalt  }
0x80: {  	_ =	shalt  }
0x81: {  	_ =	shalt  }
0x82: {  	_ =	shalt  }
0x83: {  	_ =	shalt  }
0x84: {  	_ =	shalt  }
0x85: {  	_ =	shalt  }
0x86: {  	_ =	shalt  }
0x87: {  	_ =	shalt  }
.Lfunc_end0:
.L_simem_size_0:
called_computation_lowered:
.L_overlay_start_0:
0x88: {  	s2 =	sld [smem:$0x3FD9]  }
0x89: {  	s3 =	sld [smem:$0x3FFE];
	_ =	sdelay $0x1  }
0x8a: {  	s1 =	srdreg.scid  }
0x8b: {  	s0 =	sand.u32 $0x1, s1  }
0x8c: {  	s16 =	sshll.u32 s0, $0xA;
	s2 =	sadd.s32 s3, s2  }
0x8d: {  	s2 =	sadd.s32 s2, s16  }
0x8e: {  	[smem:$0x3FB4] =	sst s2  }
0x8f: {  	_ = 	snop  }
0x90: {  	(tm) =	ssettm $0x1  }
0x91: {  	s17 =	sld [smem:$0x3FFB];
	_ =	sdelay $0x3  }
0x92: {  	_ =	strace s17  }
0x93: {  	s2 =	sld [smem:$0x3FFC];
	_ =	sdelay $0x3  }
0x94: {  	_ =	strace s2  }
0x95: {  	s2 =	sld [smem:$0x3FFD];
	_ =	sdelay $0x3  }
0x96: {  	_ =	strace s2  }
0x97: {  	_ =	strace $0x8FFFFFFF  }
0x98: {  	s18 =	sld [smem:$0x3FDB];
	_ =	sdelay $0x1  }
0x99: {  	s19 =	simm.s32 $_scs_section_size  }
0x9a: {  	s4 =	simm.s32 $_size__tile_overlayer_lowered;
	s5 =	simm.s32 $_tile_overlayer_lowered  }
0x9b: {  	s22 =	simm.s32 $0x1BFF;
	s21 =	sshll.u32 s5, $0x1;
	s2 =	sadd.s32 s19, s18  }
0x9c: {  	s6 =	simm.s32 $0x0;
	s20 =	sshll.u32 s4, $0x1;
	s4 =	sadd.s32 s21, s2  }
0x9d: {  	[timem:s6], [sflag:s22] =	dma.local [hbm:s4], s20  }
0x9e: {  	_ =	swait.ge [sflag:s22], s20  }
0x9f: {  	s3 =	ssub.s32 $0x0, s20;
	[sflag:s22] =	ssyncset.done $0x0  }
0xa0: {  	[sflag:s22] =	ssyncadd.s32 s3;
	_ =	sdelay $0x1  }
0xa1: {  	s23 =	simm.s32 $0x1B8B  }
0xa2: {  	_ =	swait.ge [sflag:s23], $0x1  }
0xa3: {  	[sflag:s23] =	ssyncset.done $0x0  }
0xa4: {  	s25 =	simm.s32 $0x1B8E;
	s24 =	sld [smem:$0x3FFE];
	[sflag:s23] =	ssyncadd.s32 $0xFFFFFFFF  }
0xa5: {  	s26 =	simm.s32 $execute0_lowered;
	[smem:$0x3FD2] =	sst s25  }
0xa6: {  	s4 =	sshll.u32 s26, $0x1;
	_ =	strace $0x80000046;
	[dreg:$0x1] =	wrdreg $0xFFFFFFFF  }
0xa7: {  	s28 =	simm.s32 $_size_execute0_lowered;
	s2 =	sadd.s32 s2, s4;
	[dreg:$0x0] =	wrdreg $0x0  }
0xa8: {  	s4 =	sshll.u32 s28, $0x1;
	[dreg:$0x2] =	wrdreg s2  }
0xa9: {  	[dreg:$0x3] =	wrdreg s4  }
0xaa: {  	[dreg:$0x4] =	wrdreg $0xC0  }
0xab: {  	_ =	task [dreg:s6], $0x5FFFF  }
0xac: {  	[dreg:$0x1] =	wrdreg $0xFFFFFFFF  }
0xad: {  	[dreg:$0x0] =	wrdreg $0x60  }
0xae: {  	[dreg:$0x2] =	wrdreg s24  }
0xaf: {  	[dreg:$0x3] =	wrdreg $0x30000  }
0xb0: {  	[dreg:$0x4] =	wrdreg $0x9  }
0xb1: {  	_ =	task.clear_ibuf [dreg:s6], $0x5FFFF;
	_ =	strace $0x90000046  }
0xb2: {  	s29 =	simm.s32 $0x9;
	_ =	strace $0x80000048  }
0xb3: {  	_ =	swait.ge [sflag:s29], $0x1  }
0xb4: {  	[sflag:s29] =	ssyncadd.s32 $0xFFFFFFFF  }
0xb5: {  	_ =	strace $0x90000048  }
0xb6: {  	_ =	sfence  }
0xb7: {  	s30 =	sld [smem:$0x0];
	_ =	sdelay $0x2  }
0xb8: {  	s31 =	sshll.u32 s1, $0xD;
	s1 =	sshrl.u32 s1, $0x2  }
0xb9: {  	s3 =	sand.u32 $0x4000, s31;
	s1 =	sadd.s32 s1, s30  }
0xba: {  	s0 =	sor.u32 s3, s0;
	s1 =	sshll.u32 s1, $0x11  }
0xbb: {  	s0 =	sor.u32 s1, s0  }
0xbc: {  	s0 =	sadd.s32 $0x8F2B, s0  }
0xbd: {  	[sflag:s0] =	ssyncadd.remote.s32 $0x1  }
0xbe: {  	_ =	sfence.sel $0xFFFF  }
0xbf: {  	[dreg:$0x0] =	wrdreg $0xFFFFFFFF;
	(pc) =	sbr.abs _section_cstart, $3  }
0xc0: {  	[dreg:$0x1] =	wrdreg $0xFFFFFFFF  }
0xc1: {  	_ =	task.clear_ibuf [dreg:s6], $0x2FFFF;
	_ =	strace $0x9FFFFFFF  }
0xc2: {  	(tm) =	ssettm $0x7FFFFFFF  }
0xc3: {  	_ =	shalt  }
tec
execute0_lowered:
.L_overlay_start_1:
0x0: {  	(tag) =	ssettag $0x1  }
0x1: {  	s1 =	srdreg.scid  }
0x2: {  	s0 =	stileid.u32;
	s6 =	rddreg [dreg:$0x0]  }
0x3: {  	s2 =	rddreg [dreg:$0x1];
	s3 =	simm.s32 $0x0;
	s13 =	simm.s32 $0x80  }
0x4: {  	s14 =	simm.s32 $0x0;
	s5 =	sand.u32 $0x1, s1;
	s30 =	sshll.u32 s0, $0x1  }
0x5: {  	s8 =	smul.u32 $0x2800, s0;
	[smem:$0x7FF] =	sst s3;
	s4 =	sadd.s32 $0xE200, s6  }
0x6: {  	s31 =	sshll.u32 s0, $0x6;
	s1 =	sor.u32 s5, s30;
	s9 =	smul.u32 $0x28000, s5  }
0x7: {  	s5 =	ssub.s32 $0x2, s5;
	s7 =	smul.u32 $0x500, s1;
	s1 =	rddreg [dreg:$0x2]  }
0x8: {  	_ =	strace $0x80000047;
	s10 =	sshrl.u32 s8, $0x3;
	s11 =	sshrl.u32 s5, $0x1  }
0x9: {  	s12 =	sadd.s32 s8, s2;
	s9 =	sadd.s32 s8, s9;
	s10 =	sadd.s32 s10, s6  }
0xa: {  	s11 =	ssub.s32 s5, s11;
	s7 =	sadd.s32 s7, s6;
	s9 =	sshrl.u32 s9, $0x3  }
0xb: {  	s5 =	sadd.s32 $0x13200, s10;
	s10 =	sshrl.u32 s12, $0x3;
	s12 =	simm.s32 $0x2800  }
0xc: {  	s9 =	sadd.s32 s9, s6;
	s6 =	sor.u32 $0x1C01, s31;
	s7 =	sadd.s32 $0x4200, s7  }
0xd: {  	s8 =	sadd.s32 $0x18200, s9;
	s9 =	smax.u32 s11, $0x1;
	s11 =	simm.s32 $0x1  }
.LBB2_1:
0xe: {  	[spmem:s10], [sflag:s6] =	dma.local [hbm:s5], $0x500  }
0xf: {  	_ =	swait.ge [sflag:s11], $0x500  }
0x10: {  	[sflag:s11] =	ssyncset.done $0x0  }
0x11: {  	[sflag:s11] =	ssyncadd.s32 $0xFFFFFB00  }
0x12: {  	[tilespmem:s3], [sflag:$0x1] =	stream.linear.gather [hbm4b:s7+s3], $0x2800, $0x38;
	[tilespmem:$0x5800] =	vst v63  }
0x13: {  	_ =	swait.ge [sflag:s11], $0x2800  }
0x14: {  	[sflag:s11] =	ssyncset.done $0x0  }
0x15: {  	[sflag:s11] =	ssyncadd.s32 $0xFFFFD800  }
0x16: {  	[tilespmem:s12], [sflag:$0x1] =	stream.linear.gather [hbm4b:s4+s3], $0x800, $0x38;
	[tilespmem:$0x5800] =	vst v63  }
0x17: {  	_ =	swait.ge [sflag:s11], $0x800  }
0x18: {  	[sflag:s11] =	ssyncset.done $0x0  }
0x19: {  	[sflag:s11] =	ssyncadd.s32 $0xFFFFF800  }
0x1a: {  	s15 =	simm.s32 $0x0;
	[bflag:$0x0] =	sbarrier.arrive $0xFFFF  }
0x1b: {  	[spmem:s2] =	stream.indirect.scatter.add.f32 [tilespmem:s12], [sflag:$0x1], $0x10, s15, s13, $0xb8;
	[tilespmem:$0x5800] =	vst v63  }
0x1c: {  	_ =	swait.ge [sflag:s11], $0x800  }
0x1d: {  	s15 =	simm.s32 $0x200;
	[sflag:s11] =	ssyncset.done $0x0  }
.LBB2_2:
0x1e: {  	s16 =	sshra.s32 s15, $0x2;
	[sflag:s11] =	ssyncadd.s32 $0xFFFFF800;
	p0 =	sne.s32 s15, $0x9E00  }
0x1f: {  	[spmem:s2] =	stream.indirect.scatter.add.f32 [tilespmem:s12], [sflag:$0x1], $0x10, s16, s13, $0xb8;
	[tilespmem:$0x5800] =	vst v63  }
.Ltmp0:
0x20: {  	_ = 	snop;
	(pc) =	sbr.rel @p0 .LBB2_2-.Ltmp0, $4  }
0x21: {  	_ = 	snop  }
0x22: {  	s15 =	sadd.s32 $0x200, s15  }
0x23: {  	_ =	swait.ge [sflag:s11], $0x800  }
0x24: {  	[sflag:s11] =	ssyncset.done $0x0  }
0x25: {  	s14 =	sadd.s32 $0x1, s14  }
0x26: {  	[sflag:s11] =	ssyncadd.s32 $0xFFFFF800;
	p0 =	sne.s32 s14, s9  }
.Ltmp1:
0x27: {  	[bflag:$0x0] =	sbarrier.arrive $0xFFFF;
	(pc) =	sbr.rel @p0 .LBB2_1-.Ltmp1, $4  }
0x28: {  	[hbm:s8], [sflag:s6] =	dma.local [spmem:s10], $0x500  }
0x29: {  	_ =	swait.ge [sflag:s11], $0x500  }
0x2a: {  	[sflag:s11] =	ssyncset.done $0x0  }
0x2b: {  	[sflag:s11] =	ssyncadd.s32 $0xFFFFFB00  }
0x2c: {  	_ =	sfence.sel $0x180000  }
0x2d: {  	[bflag:$0x0] =	sbarrier.arrive $0xFFFF  }
0x2e: {  	p0 =	sne.s32 s0, $0x0;
	_ =	strace $0x90000047  }
0x2f: {  	s0 =	sadd.s32 @!p0 $0x100000, s1;
	[bflag:$0x2] =	sbarrier.arrive $0xFFFF  }
0x30: {  	[sflag:s0] =	ssyncadd.tile.s32 @!p0 $0x1;
	_ =	shalt  }
.Lfunc_end2:
_tile_overlayer_lowered:
.L_overlay_start_2:
0x31: {  	(tag) =	ssettag $0x2  }
0x32: {  	s0 =	rddreg [dreg:$0x0];
	s2 =	stileid.u32  }
0x33: {  	s1 =	rddreg [dreg:$0x1];
	p0 =	sne.s32 s2, $0x0  }
0x34: {  	s3 =	rddreg [dreg:$0x2];
	[bflag:$0x3] =	sbarrier.arrive $0xFFFF;
	s2 =	simm.s32 @!p0 $0x1C01  }
0x35: {  	[timem:s3], [sflag:s2] =	dma.local @!p0 [hbm:s0], s1  }
0x36: {  	s0 =	simm.s32 @!p0 $0x1  }
0x37: {  	_ =	swait.ge @!p0 [sflag:s0], s1  }
0x38: {  	s1 =	ssub.s32 @!p0 $0x0, s1;
	[sflag:s0] =	ssyncset.done @!p0 $0x0  }
0x39: {  	[sflag:s0] =	ssyncadd.s32 @!p0 s1  }
0x3a: {  	[bflag:$0x3] =	sbarrier.arrive $0xFFFF  }
0x3b: {  	_ =	shalt  }

// kernel: kernel.20.cloned.1.call-start
scs
__scs_entry_jumppad:
0x0: {  	(pc) =	sbr.rel $0x88, $3  }
0x1: {  	(tag) =	ssettag $0x0;
	lr =	simm.s32 $0x1  }
0x2: {  	[smem:$0x3F8D] =	sst lr;
	_ =	strace $0xD0000000  }
0x3: {  	_ = 	snop  }
0x4: {  	_ = 	snop  }
0x5: {  	_ = 	snop  }
0x6: {  	_ = 	snop  }
0x7: {  	_ = 	snop  }
__scs_overlays_trampoline_lowered:
0x8: {  	[smem:$0x3F9C] =	sst s0  }
0x9: {  	[smem:$0x3F9D] =	sst s1  }
0xa: {  	[smem:$0x3F9E] =	sst s2  }
0xb: {  	[smem:$0x3F9F] =	sst s3  }
0xc: {  	[smem:$0x3FA0] =	sst s4  }
0xd: {  	[smem:$0x3FA1] =	sst s5  }
0xe: {  	[smem:$0x3FA2] =	sst s6  }
0xf: {  	[smem:$0x3FA3] =	sst s7  }
0x10: {  	[smem:$0x3FA4] =	sst s8  }
0x11: {  	[smem:$0x3FA5] =	sst s9;
	s0 =	simm.s32 @!p0 $0x0  }
0x12: {  	s1 =	sld [smem:$0x3F8B];
	s0 =	simm.s32 @p0 $0x1  }
0x13: {  	[smem:$0x3FA6] =	sst s0;
	s0 =	simm.s32 @!p1 $0x0  }
0x14: {  	s2 =	sld [smem:$0x3F8A];
	s0 =	simm.s32 @p1 $0x1  }
0x15: {  	[smem:$0x3FA7] =	sst s0;
	s0 =	simm.s32 @!p2 $0x0  }
0x16: {  	s3 =	sld [smem:$0x3FDB];
	s0 =	simm.s32 @p2 $0x1  }
0x17: {  	s4 =	simm.s32 $0x1BF5;
	[smem:$0x3FA9] =	sst s0  }
0x18: {  	s0 =	sld [smem:$0x3F8C];
	_ =	swait.ge [sflag:s4], $0x0  }
0x19: {  	s7 =	sld [smem:$0x3F8D]  }
0x1a: {  	s8 =	sadd.s32 $0xFFFFE003, lr  }
0x1b: {  	s9 =	sadd.s32 $0xFFFFFEF7, lr;
	s5 =	simm.s32 $0xFFFFFFFF;
	p2 =	slt.u32 s8, $0xFFFFF086  }
0x1c: {  	p1 =	slt.u32 s9, $0xF7A;
	s5 =	simm.s32 @!p2 $0x0  }
0x1d: {  	s5 =	simm.s32 @p1 $0x1;
	p0 =	seq.s32 s7, s2  }
0x1e: {  	s7 =	smul.u32 @!p0 $0xF7A, s2;
	p2 =	seq.s32 @!p0 s5, $0x0  }
0x1f: {  	s9 =	smul.u32 $0xF7A, s1;
	s8 =	simm.s32 @!p0 $0x1BF5;
	p2 =	por !p2, p0  }
0x20: {  	[sflag:s8] =	ssyncset.s32 @!p0 $0xFFFFF086;
	s6 =	sadd.s32 @!p0 s3, s7;
	s7 =	simm.s32 @!p0 $0x108  }
0x21: {  	s3 =	sadd.s32 s3, s9;
	s6 =	sadd.s32 @!p0 $0x88, s6;
	s7 =	simm.s32 @p2 $0x1082  }
0x22: {  	[simem:s7], [sflag:s8] =	dma.local @!p0 [hbm:s6], $0xF7A  }
0x23: {  	s9 =	sor.u32 $0xD0000000, s2;
	s6 =	simm.s32 $0x108;
	_ =	swait.ge @!p0 [sflag:s8], $0x0  }
0x24: {  	s3 =	sadd.s32 $0x88, s3;
	s6 =	simm.s32 @!p1 $0x1082;
	[sflag:s4] =	ssyncset.s32 $0xFFFFF086  }
0x25: {  	[simem:s6], [sflag:s4] =	dma.local [hbm:s3], $0xF7A  }
0x26: {  	[smem:$0x3F8D] =	sst s1;
	(tag) =	ssettag s2;
	_ =	strace s9  }
0x27: {  	s1 =	sld [smem:$0x3F9D]  }
0x28: {  	s2 =	sld [smem:$0x3F9E]  }
0x29: {  	s4 =	sld [smem:$0x3FA0]  }
0x2a: {  	p0 =	seq.s32 s5, $0x0;
	s5 =	sld [smem:$0x3FA1]  }
0x2b: {  	s6 =	sld [smem:$0x3FA2]  }
0x2c: {  	s7 =	sld [smem:$0x3FA3]  }
0x2d: {  	s3 =	simm.s32 $0x108;
	s8 =	sld [smem:$0x3FA4]  }
0x2e: {  	s3 =	simm.s32 @!p0 $0x1082;
	s9 =	sld [smem:$0x3FA5]  }
0x2f: {  	lr =	sadd.s32 s0, s3;
	s0 =	sld [smem:$0x3F9C]  }
0x30: {  	s3 =	sld [smem:$0x3F9F]  }
0x31: {  	[smem:$0x3FA8] =	sst s10  }
0x32: {  	s10 =	sld [smem:$0x3FA6];
	_ =	sdelay $0x3  }
0x33: {  	p0 =	seq.s32 s10, $0x1;
	s10 =	sld [smem:$0x3FA8];
	_ =	sdelay $0x3  }
0x34: {  	[smem:$0x3FA8] =	sst s10  }
0x35: {  	s10 =	sld [smem:$0x3FA7];
	_ =	sdelay $0x3  }
0x36: {  	p1 =	seq.s32 s10, $0x1;
	s10 =	sld [smem:$0x3FA8];
	_ =	sdelay $0x3  }
0x37: {  	[smem:$0x3FA8] =	sst s10  }
0x38: {  	s10 =	sld [smem:$0x3FA9]  }
0x39: {  	_ = 	snop;
	(pc) =	sbr.ind lr, $3  }
0x3a: {  	_ = 	snop  }
0x3b: {  	_ = 	snop  }
0x3c: {  	p2 =	seq.s32 s10, $0x1;
	s10 =	sld [smem:$0x3FA8]  }
0x3d: {  	_ =	shalt  }
0x3e: {  	_ =	shalt  }
0x3f: {  	_ =	shalt  }
0x40: {  	_ =	shalt  }
0x41: {  	_ =	shalt  }
0x42: {  	_ =	shalt  }
0x43: {  	_ =	shalt  }
0x44: {  	_ =	shalt  }
0x45: {  	_ =	shalt  }
0x46: {  	_ =	shalt  }
0x47: {  	_ =	shalt  }
0x48: {  	_ =	shalt  }
0x49: {  	_ =	shalt  }
0x4a: {  	_ =	shalt  }
0x4b: {  	_ =	shalt  }
0x4c: {  	_ =	shalt  }
0x4d: {  	_ =	shalt  }
0x4e: {  	_ =	shalt  }
0x4f: {  	_ =	shalt  }
0x50: {  	_ =	shalt  }
0x51: {  	_ =	shalt  }
0x52: {  	_ =	shalt  }
0x53: {  	_ =	shalt  }
0x54: {  	_ =	shalt  }
0x55: {  	_ =	shalt  }
0x56: {  	_ =	shalt  }
0x57: {  	_ =	shalt  }
0x58: {  	_ =	shalt  }
0x59: {  	_ =	shalt  }
0x5a: {  	_ =	shalt  }
0x5b: {  	_ =	shalt  }
0x5c: {  	_ =	shalt  }
0x5d: {  	_ =	shalt  }
0x5e: {  	_ =	shalt  }
0x5f: {  	_ =	shalt  }
0x60: {  	_ =	shalt  }
0x61: {  	_ =	shalt  }
0x62: {  	_ =	shalt  }
0x63: {  	_ =	shalt  }
0x64: {  	_ =	shalt  }
0x65: {  	_ =	shalt  }
0x66: {  	_ =	shalt  }
0x67: {  	_ =	shalt  }
0x68: {  	_ =	shalt  }
0x69: {  	_ =	shalt  }
0x6a: {  	_ =	shalt  }
0x6b: {  	_ =	shalt  }
0x6c: {  	_ =	shalt  }
0x6d: {  	_ =	shalt  }
0x6e: {  	_ =	shalt  }
0x6f: {  	_ =	shalt  }
0x70: {  	_ =	shalt  }
0x71: {  	_ =	shalt  }
0x72: {  	_ =	shalt  }
0x73: {  	_ =	shalt  }
0x74: {  	_ =	shalt  }
0x75: {  	_ =	shalt  }
0x76: {  	_ =	shalt  }
0x77: {  	_ =	shalt  }
0x78: {  	_ =	shalt  }
0x79: {  	_ =	shalt  }
0x7a: {  	_ =	shalt  }
0x7b: {  	_ =	shalt  }
0x7c: {  	_ =	shalt  }
0x7d: {  	_ =	shalt  }
0x7e: {  	_ =	shalt  }
0x7f: {  	_ =	shalt  }
0x80: {  	_ =	shalt  }
0x81: {  	_ =	shalt  }
0x82: {  	_ =	shalt  }
0x83: {  	_ =	shalt  }
0x84: {  	_ =	shalt  }
0x85: {  	_ =	shalt  }
0x86: {  	_ =	shalt  }
0x87: {  	_ =	shalt  }
.Lfunc_end0:
.L_simem_size_0:
called_computation.1_lowered:
.L_overlay_start_0:
0x88: {  	s2 =	sld [smem:$0x3FD9]  }
0x89: {  	s3 =	sld [smem:$0x3FFE];
	_ =	sdelay $0x1  }
0x8a: {  	s1 =	srdreg.scid  }
0x8b: {  	s0 =	sand.u32 $0x1, s1  }
0x8c: {  	s16 =	sshll.u32 s0, $0xA;
	s2 =	sadd.s32 s3, s2  }
0x8d: {  	s2 =	sadd.s32 s2, s16  }
0x8e: {  	[smem:$0x3FB4] =	sst s2  }
0x8f: {  	_ = 	snop  }
0x90: {  	(tm) =	ssettm $0x1  }
0x91: {  	s17 =	sld [smem:$0x3FFB];
	_ =	sdelay $0x3  }
0x92: {  	_ =	strace s17  }
0x93: {  	s2 =	sld [smem:$0x3FFC];
	_ =	sdelay $0x3  }
0x94: {  	_ =	strace s2  }
0x95: {  	s2 =	sld [smem:$0x3FFD];
	_ =	sdelay $0x3  }
0x96: {  	_ =	strace s2  }
0x97: {  	_ =	strace $0x8FFFFFFF  }
0x98: {  	s18 =	sld [smem:$0x3FDB];
	_ =	sdelay $0x1  }
0x99: {  	s19 =	simm.s32 $_scs_section_size  }
0x9a: {  	s4 =	simm.s32 $_size__tile_overlayer_lowered;
	s5 =	simm.s32 $_tile_overlayer_lowered  }
0x9b: {  	s22 =	simm.s32 $0x1BFF;
	s21 =	sshll.u32 s5, $0x1;
	s2 =	sadd.s32 s19, s18  }
0x9c: {  	s6 =	simm.s32 $0x0;
	s20 =	sshll.u32 s4, $0x1;
	s4 =	sadd.s32 s21, s2  }
0x9d: {  	[timem:s6], [sflag:s22] =	dma.local [hbm:s4], s20  }
0x9e: {  	_ =	swait.ge [sflag:s22], s20  }
0x9f: {  	s3 =	ssub.s32 $0x0, s20;
	[sflag:s22] =	ssyncset.done $0x0  }
0xa0: {  	[sflag:s22] =	ssyncadd.s32 s3;
	_ =	sdelay $0x1  }
0xa1: {  	s23 =	simm.s32 $0x1B8B  }
0xa2: {  	_ =	swait.ge [sflag:s23], $0x1  }
0xa3: {  	[sflag:s23] =	ssyncset.done $0x0  }
0xa4: {  	s25 =	simm.s32 $0x1B8E;
	s24 =	sld [smem:$0x3FFE];
	[sflag:s23] =	ssyncadd.s32 $0xFFFFFFFF  }
0xa5: {  	s26 =	simm.s32 $execute0_lowered;
	[smem:$0x3FD2] =	sst s25  }
0xa6: {  	s4 =	sshll.u32 s26, $0x1;
	_ =	strace $0x80000049;
	[dreg:$0x1] =	wrdreg $0xFFFFFFFF  }
0xa7: {  	s28 =	simm.s32 $_size_execute0_lowered;
	s2 =	sadd.s32 s2, s4;
	[dreg:$0x0] =	wrdreg $0x0  }
0xa8: {  	s4 =	sshll.u32 s28, $0x1;
	[dreg:$0x2] =	wrdreg s2  }
0xa9: {  	[dreg:$0x3] =	wrdreg s4  }
0xaa: {  	[dreg:$0x4] =	wrdreg $0xC0  }
0xab: {  	_ =	task [dreg:s6], $0x5FFFF  }
0xac: {  	[dreg:$0x1] =	wrdreg $0xFFFFFFFF  }
0xad: {  	[dreg:$0x0] =	wrdreg $0x60  }
0xae: {  	[dreg:$0x2] =	wrdreg s24  }
0xaf: {  	[dreg:$0x3] =	wrdreg $0xA8000  }
0xb0: {  	[dreg:$0x4] =	wrdreg $0x9  }
0xb1: {  	_ =	task.clear_ibuf [dreg:s6], $0x5FFFF;
	_ =	strace $0x90000049  }
0xb2: {  	s29 =	simm.s32 $0x9;
	_ =	strace $0x8000004B  }
0xb3: {  	_ =	swait.ge [sflag:s29], $0x1  }
0xb4: {  	[sflag:s29] =	ssyncadd.s32 $0xFFFFFFFF  }
0xb5: {  	_ =	strace $0x9000004B  }
0xb6: {  	_ =	sfence  }
0xb7: {  	s30 =	sld [smem:$0x0];
	_ =	sdelay $0x2  }
0xb8: {  	s31 =	sshll.u32 s1, $0xD;
	s1 =	sshrl.u32 s1, $0x2  }
0xb9: {  	s3 =	sand.u32 $0x4000, s31;
	s1 =	sadd.s32 s1, s30  }
0xba: {  	s0 =	sor.u32 s3, s0;
	s1 =	sshll.u32 s1, $0x11  }
0xbb: {  	s0 =	sor.u32 s1, s0  }
0xbc: {  	s0 =	sadd.s32 $0x8F2B, s0  }
0xbd: {  	[sflag:s0] =	ssyncadd.remote.s32 $0x1  }
0xbe: {  	_ =	sfence.sel $0xFFFF  }
0xbf: {  	[dreg:$0x0] =	wrdreg $0xFFFFFFFF;
	(pc) =	sbr.abs _section_cstart, $3  }
0xc0: {  	[dreg:$0x1] =	wrdreg $0xFFFFFFFF  }
0xc1: {  	_ =	task.clear_ibuf [dreg:s6], $0x2FFFF;
	_ =	strace $0x9FFFFFFF  }
0xc2: {  	(tm) =	ssettm $0x7FFFFFFF  }
0xc3: {  	_ =	shalt  }
tec
execute0_lowered:
.L_overlay_start_1:
0x0: {  	(tag) =	ssettag $0x1  }
0x1: {  	s5 =	rddreg [dreg:$0x0]  }
0x2: {  	s2 =	rddreg [dreg:$0x1]  }
0x3: {  	s0 =	rddreg [dreg:$0x2];
	s3 =	simm.s32 $0x0  }
0x4: {  	s1 =	stileid.u32;
	s4 =	srdreg.scid;
	s15 =	simm.s32 $0x1400  }
0x5: {  	s16 =	simm.s32 $0x80;
	s17 =	simm.s32 $0x2800;
	s18 =	simm.s32 $0x6800  }
0x6: {  	s19 =	simm.s32 $0x1;
	s20 =	simm.s32 $0x2;
	s21 =	simm.s32 $0x1380  }
0x7: {  	s22 =	simm.s32 $0x2700;
	s23 =	simm.s32 $0x2780;
	s24 =	simm.s32 $0x0  }
0x8: {  	[smem:$0x7FF] =	sst s3;
	s6 =	smul.u32 $0x14000, s1;
	s7 =	sand.u32 $0x1, s4  }
0x9: {  	s4 =	sadd.s32 $0x7C200, s5;
	s9 =	sadd.s32 $0x22200, s5;
	s10 =	sadd.s32 $0x4200, s5  }
0xa: {  	s12 =	sshll.u32 s1, $0x1;
	s29 =	sshll.u32 s1, $0x6;
	_ =	strace $0x8000004A  }
0xb: {  	s8 =	smul.u32 $0x140000, s7;
	s13 =	ssub.s32 $0x2, s7;
	s7 =	sor.u32 s7, s12  }
0xc: {  	s11 =	sshrl.u32 s6, $0x3;
	s26 =	sshrl.u32 s13, $0x1;
	s7 =	smul.u32 $0x2800, s7  }
0xd: {  	s28 =	sadd.s32 s6, s2;
	s8 =	sadd.s32 s6, s8;
	s11 =	sadd.s32 s11, s5  }
0xe: {  	s12 =	ssub.s32 s13, s26;
	s6 =	sor.u32 $0x1C03, s29;
	s13 =	sshrl.u32 s28, $0x3  }
0xf: {  	s8 =	sshrl.u32 s8, $0x3;
	s30 =	sshrl.u32 s7, $0x3;
	s12 =	smax.u32 s12, $0x1  }
0x10: {  	s14 =	sadd.s32 s8, s5;
	s5 =	sadd.s32 $0xA4200, s11;
	s31 =	sadd.s32 $0x280, s30  }
0x11: {  	s7 =	sadd.s32 s9, s30;
	s8 =	sadd.s32 s10, s30;
	s9 =	sadd.s32 s9, s31  }
0x12: {  	s10 =	sadd.s32 s10, s31;
	s11 =	sadd.s32 $0xCC200, s14;
	s14 =	simm.s32 $0x3  }
.LBB2_1:
0x13: {  	[spmem:s13], [sflag:s6] =	dma.local [hbm:s5], $0x2800  }
0x14: {  	_ =	swait.ge [sflag:s14], $0x2800  }
0x15: {  	[sflag:s14] =	ssyncset.done $0x0  }
0x16: {  	[sflag:s14] =	ssyncadd.s32 $0xFFFFD800  }
0x17: {  	[bflag:$0x0] =	sbarrier.arrive $0xFFFF  }
0x18: {  	[tilespmem:s3], [sflag:$0x3] =	stream.linear.gather [hbm4b:s7+s3], $0x1400, $0x38;
	[tilespmem:$0x1E800] =	vst v63  }
0x19: {  	_ =	swait.ge [sflag:s14], $0x1400  }
0x1a: {  	[sflag:s14] =	ssyncset.done $0x0  }
0x1b: {  	[sflag:s14] =	ssyncadd.s32 $0xFFFFEC00  }
0x1c: {  	[tilespmem:s15], [sflag:$0x3] =	stream.linear.gather [hbm4b:s8+s3], $0x1400, $0x38;
	[tilespmem:$0x1E800] =	vst v63  }
0x1d: {  	_ =	swait.ge [sflag:s14], $0x1400  }
0x1e: {  	[sflag:s14] =	ssyncset.done $0x0  }
0x1f: {  	[sflag:s14] =	ssyncadd.s32 $0xFFFFEC00  }
0x20: {  	[tilespmem:s17], [sflag:$0x1] =	stream.indirect.gather [hbm4b:s4+s16], $0x80, s3, s16, $0xb8;
	[tilespmem:$0x1E800] =	vst v63  }
0x21: {  	s25 =	simm.s32 $0x80  }
0x22: {  	[tilespmem:s18], [sflag:$0x2] =	stream.indirect.gather [hbm4b:s4+s16], $0x80, s25, s16, $0xb8;
	[tilespmem:$0x1E800] =	vst v63  }
0x23: {  	_ =	swait.ge [sflag:s19], $0x4000  }
0x24: {  	[sflag:s19] =	ssyncset.done $0x0  }
0x25: {  	s29 =	simm.s32 $0x1400;
	[sflag:s19] =	ssyncadd.s32 $0xFFFFC000  }
0x26: {  	[spmem:s2] =	stream.indirect.scatter.add.f32 [tilespmem:s17], [sflag:$0x3], $0x80, s29, s16, $0xb8;
	[tilespmem:$0x1E800] =	vst v63  }
0x27: {  	_ =	swait.ge [sflag:s14], $0x4000  }
0x28: {  	[sflag:s14] =	ssyncset.done $0x0  }
0x29: {  	s30 =	simm.s32 $0x100;
	[sflag:s14] =	ssyncadd.s32 $0xFFFFC000  }
0x2a: {  	[tilespmem:s17], [sflag:$0x1] =	stream.indirect.gather [hbm4b:s4+s16], $0x80, s30, s16, $0xb8;
	[tilespmem:$0x1E800] =	vst v63  }
0x2b: {  	_ =	swait.ge [sflag:s20], $0x4000  }
0x2c: {  	[sflag:s20] =	ssyncset.done $0x0  }
0x2d: {  	s31 =	simm.s32 $0x1480;
	[sflag:s20] =	ssyncadd.s32 $0xFFFFC000  }
0x2e: {  	[spmem:s2] =	stream.indirect.scatter.add.f32 [tilespmem:s18], [sflag:$0x3], $0x80, s31, s16, $0xb8;
	[tilespmem:$0x1E800] =	vst v63  }
0x2f: {  	_ =	swait.ge [sflag:s14], $0x4000  }
0x30: {  	s26 =	simm.s32 $0x800;
	s25 =	simm.s32 $0x100;
	[sflag:s14] =	ssyncset.done $0x0  }
.LBB2_2:
0x31: {  	s28 =	sadd.s32 $0x80, s25  }
0x32: {  	[sflag:s14] =	ssyncadd.s32 $0xFFFFC000;
	s29 =	smov.u32 s26;
	s30 =	sadd.s32 $0x400, s26  }
0x33: {  	[tilespmem:s18], [sflag:$0x2] =	stream.indirect.gather [hbm4b:s4+s16], $0x80, s28, s16, $0xb8;
	[tilespmem:$0x1E800] =	vst v63  }
0x34: {  	p0 =	sne.s32 s26, $0x4800;
	_ =	swait.ge [sflag:s19], $0x4000  }
0x35: {  	[sflag:s19] =	ssyncset.done $0x0  }
0x36: {  	s26 =	sadd.s32 $0x1400, s25;
	[sflag:s19] =	ssyncadd.s32 $0xFFFFC000  }
0x37: {  	[spmem:s2] =	stream.indirect.scatter.add.f32 [tilespmem:s17], [sflag:$0x3], $0x80, s26, s16, $0xb8;
	[tilespmem:$0x1E800] =	vst v63  }
0x38: {  	_ =	swait.ge [sflag:s14], $0x4000  }
0x39: {  	[sflag:s14] =	ssyncset.done $0x0  }
0x3a: {  	s26 =	sadd.s32 $0x100, s25;
	[sflag:s14] =	ssyncadd.s32 $0xFFFFC000  }
0x3b: {  	[tilespmem:s17], [sflag:$0x1] =	stream.indirect.gather [hbm4b:s4+s16], $0x80, s26, s16, $0xb8;
	[tilespmem:$0x1E800] =	vst v63  }
0x3c: {  	_ =	swait.ge [sflag:s20], $0x4000  }
.Ltmp0:
0x3d: {  	[sflag:s20] =	ssyncset.done $0x0;
	(pc) =	sbr.rel @p0 .LBB2_2-.Ltmp0, $4  }
0x3e: {  	s25 =	sadd.s32 $0x1480, s25;
	[sflag:s20] =	ssyncadd.s32 $0xFFFFC000  }
0x3f: {  	[spmem:s2] =	stream.indirect.scatter.add.f32 [tilespmem:s18], [sflag:$0x3], $0x80, s25, s16, $0xb8;
	[tilespmem:$0x1E800] =	vst v63  }
0x40: {  	_ =	swait.ge [sflag:s14], $0x4000  }
0x41: {  	s26 =	smov.u32 s30;
	s25 =	sshra.s32 s29, $0x2;
	[sflag:s14] =	ssyncset.done $0x0  }
0x42: {  	s26 =	sadd.s32 $0x80, s25;
	[sflag:s14] =	ssyncadd.s32 $0xFFFFC000  }
0x43: {  	[tilespmem:s18], [sflag:$0x2] =	stream.indirect.gather [hbm4b:s4+s16], $0x80, s26, s16, $0xb8;
	[tilespmem:$0x1E800] =	vst v63  }
0x44: {  	_ =	swait.ge [sflag:s19], $0x4000  }
0x45: {  	[sflag:s19] =	ssyncset.done $0x0  }
0x46: {  	s29 =	sadd.s32 $0x1400, s25;
	[sflag:s19] =	ssyncadd.s32 $0xFFFFC000  }
0x47: {  	[spmem:s2] =	stream.indirect.scatter.add.f32 [tilespmem:s17], [sflag:$0x3], $0x80, s29, s16, $0xb8;
	[tilespmem:$0x1E800] =	vst v63  }
0x48: {  	_ =	swait.ge [sflag:s14], $0x4000  }
0x49: {  	[sflag:s14] =	ssyncset.done $0x0  }
0x4a: {  	s30 =	sadd.s32 $0x100, s25;
	[sflag:s14] =	ssyncadd.s32 $0xFFFFC000  }
0x4b: {  	[tilespmem:s17], [sflag:$0x1] =	stream.indirect.gather [hbm4b:s4+s16], $0x80, s30, s16, $0xb8;
	[tilespmem:$0x1E800] =	vst v63  }
0x4c: {  	_ =	swait.ge [sflag:s20], $0x4000  }
0x4d: {  	[sflag:s20] =	ssyncset.done $0x0  }
0x4e: {  	s31 =	sadd.s32 $0x1480, s25;
	[sflag:s20] =	ssyncadd.s32 $0xFFFFC000  }
0x4f: {  	[spmem:s2] =	stream.indirect.scatter.add.f32 [tilespmem:s18], [sflag:$0x3], $0x80, s31, s16, $0xb8;
	[tilespmem:$0x1E800] =	vst v63  }
0x50: {  	_ =	swait.ge [sflag:s14], $0x4000  }
0x51: {  	[sflag:s14] =	ssyncset.done $0x0  }
0x52: {  	[sflag:s14] =	ssyncadd.s32 $0xFFFFC000  }
0x53: {  	[tilespmem:s18], [sflag:$0x2] =	stream.indirect.gather [hbm4b:s4+s16], $0x80, s21, s16, $0xb8;
	[tilespmem:$0x1E800] =	vst v63  }
0x54: {  	_ =	swait.ge [sflag:s19], $0x4000  }
0x55: {  	[sflag:s19] =	ssyncset.done $0x0  }
0x56: {  	[sflag:s19] =	ssyncadd.s32 $0xFFFFC000  }
0x57: {  	[spmem:s2] =	stream.indirect.scatter.add.f32 [tilespmem:s17], [sflag:$0x3], $0x80, s22, s16, $0xb8;
	[tilespmem:$0x1E800] =	vst v63  }
0x58: {  	_ =	swait.ge [sflag:s14], $0x4000  }
0x59: {  	[sflag:s14] =	ssyncset.done $0x0  }
0x5a: {  	[sflag:s14] =	ssyncadd.s32 $0xFFFFC000  }
0x5b: {  	_ =	swait.ge [sflag:s20], $0x4000  }
0x5c: {  	[sflag:s20] =	ssyncset.done $0x0  }
0x5d: {  	[sflag:s20] =	ssyncadd.s32 $0xFFFFC000  }
0x5e: {  	[spmem:s2] =	stream.indirect.scatter.add.f32 [tilespmem:s18], [sflag:$0x3], $0x80, s23, s16, $0xb8;
	[tilespmem:$0x1E800] =	vst v63  }
0x5f: {  	_ =	swait.ge [sflag:s14], $0x4000  }
0x60: {  	[sflag:s14] =	ssyncset.done $0x0  }
0x61: {  	s26 =	simm.s32 $0x0;
	[sflag:s14] =	ssyncadd.s32 $0xFFFFC000  }
0x62: {  	[tilespmem:s26], [sflag:$0x3] =	stream.linear.gather [hbm4b:s9+s26], $0x1400, $0x38;
	[tilespmem:$0x1E800] =	vst v63  }
0x63: {  	_ =	swait.ge [sflag:s14], $0x1400  }
0x64: {  	[sflag:s14] =	ssyncset.done $0x0  }
0x65: {  	[sflag:s14] =	ssyncadd.s32 $0xFFFFEC00  }
0x66: {  	[tilespmem:s15], [sflag:$0x3] =	stream.linear.gather [hbm4b:s10+s26], $0x1400, $0x38;
	[tilespmem:$0x1E800] =	vst v63  }
0x67: {  	_ =	swait.ge [sflag:s14], $0x1400  }
0x68: {  	[sflag:s14] =	ssyncset.done $0x0  }
0x69: {  	[sflag:s14] =	ssyncadd.s32 $0xFFFFEC00  }
0x6a: {  	[tilespmem:s17], [sflag:$0x1] =	stream.indirect.gather [hbm4b:s4+s16], $0x80, s26, s16, $0xb8;
	[tilespmem:$0x1E800] =	vst v63  }
0x6b: {  	s28 =	simm.s32 $0x80  }
0x6c: {  	[tilespmem:s18], [sflag:$0x2] =	stream.indirect.gather [hbm4b:s4+s16], $0x80, s28, s16, $0xb8;
	[tilespmem:$0x1E800] =	vst v63  }
0x6d: {  	_ =	swait.ge [sflag:s19], $0x4000  }
0x6e: {  	[sflag:s19] =	ssyncset.done $0x0  }
0x6f: {  	s29 =	simm.s32 $0x1400;
	[sflag:s19] =	ssyncadd.s32 $0xFFFFC000  }
0x70: {  	[spmem:s2] =	stream.indirect.scatter.add.f32 [tilespmem:s17], [sflag:$0x3], $0x80, s29, s16, $0xb8;
	[tilespmem:$0x1E800] =	vst v63  }
0x71: {  	_ =	swait.ge [sflag:s14], $0x4000  }
0x72: {  	[sflag:s14] =	ssyncset.done $0x0  }
0x73: {  	s30 =	simm.s32 $0x100;
	[sflag:s14] =	ssyncadd.s32 $0xFFFFC000  }
0x74: {  	[tilespmem:s17], [sflag:$0x1] =	stream.indirect.gather [hbm4b:s4+s16], $0x80, s30, s16, $0xb8;
	[tilespmem:$0x1E800] =	vst v63  }
0x75: {  	_ =	swait.ge [sflag:s20], $0x4000  }
0x76: {  	[sflag:s20] =	ssyncset.done $0x0  }
0x77: {  	s31 =	simm.s32 $0x1480;
	[sflag:s20] =	ssyncadd.s32 $0xFFFFC000  }
0x78: {  	[spmem:s2] =	stream.indirect.scatter.add.f32 [tilespmem:s18], [sflag:$0x3], $0x80, s31, s16, $0xb8;
	[tilespmem:$0x1E800] =	vst v63  }
0x79: {  	_ =	swait.ge [sflag:s14], $0x4000  }
0x7a: {  	s25 =	simm.s32 $0x100;
	s26 =	simm.s32 $0x800;
	[sflag:s14] =	ssyncset.done $0x0  }
.LBB2_4:
0x7b: {  	s28 =	sadd.s32 $0x80, s25  }
0x7c: {  	[sflag:s14] =	ssyncadd.s32 $0xFFFFC000;
	s29 =	smov.u32 s26;
	s30 =	sadd.s32 $0x400, s26  }
0x7d: {  	[tilespmem:s18], [sflag:$0x2] =	stream.indirect.gather [hbm4b:s4+s16], $0x80, s28, s16, $0xb8;
	[tilespmem:$0x1E800] =	vst v63  }
0x7e: {  	p0 =	sne.s32 s26, $0x4800;
	_ =	swait.ge [sflag:s19], $0x4000  }
0x7f: {  	[sflag:s19] =	ssyncset.done $0x0  }
0x80: {  	s26 =	sadd.s32 $0x1400, s25;
	[sflag:s19] =	ssyncadd.s32 $0xFFFFC000  }
0x81: {  	[spmem:s2] =	stream.indirect.scatter.add.f32 [tilespmem:s17], [sflag:$0x3], $0x80, s26, s16, $0xb8;
	[tilespmem:$0x1E800] =	vst v63  }
0x82: {  	_ =	swait.ge [sflag:s14], $0x4000  }
0x83: {  	[sflag:s14] =	ssyncset.done $0x0  }
0x84: {  	s26 =	sadd.s32 $0x100, s25;
	[sflag:s14] =	ssyncadd.s32 $0xFFFFC000  }
0x85: {  	[tilespmem:s17], [sflag:$0x1] =	stream.indirect.gather [hbm4b:s4+s16], $0x80, s26, s16, $0xb8;
	[tilespmem:$0x1E800] =	vst v63  }
0x86: {  	_ =	swait.ge [sflag:s20], $0x4000  }
.Ltmp1:
0x87: {  	[sflag:s20] =	ssyncset.done $0x0;
	(pc) =	sbr.rel @p0 .LBB2_4-.Ltmp1, $4  }
0x88: {  	s25 =	sadd.s32 $0x1480, s25;
	[sflag:s20] =	ssyncadd.s32 $0xFFFFC000  }
0x89: {  	[spmem:s2] =	stream.indirect.scatter.add.f32 [tilespmem:s18], [sflag:$0x3], $0x80, s25, s16, $0xb8;
	[tilespmem:$0x1E800] =	vst v63  }
0x8a: {  	_ =	swait.ge [sflag:s14], $0x4000  }
0x8b: {  	s26 =	smov.u32 s30;
	s25 =	sshra.s32 s29, $0x2;
	[sflag:s14] =	ssyncset.done $0x0  }
0x8c: {  	s26 =	sadd.s32 $0x80, s25;
	[sflag:s14] =	ssyncadd.s32 $0xFFFFC000  }
0x8d: {  	[tilespmem:s18], [sflag:$0x2] =	stream.indirect.gather [hbm4b:s4+s16], $0x80, s26, s16, $0xb8;
	[tilespmem:$0x1E800] =	vst v63  }
0x8e: {  	_ =	swait.ge [sflag:s19], $0x4000  }
0x8f: {  	[sflag:s19] =	ssyncset.done $0x0  }
0x90: {  	s29 =	sadd.s32 $0x1400, s25;
	[sflag:s19] =	ssyncadd.s32 $0xFFFFC000  }
0x91: {  	[spmem:s2] =	stream.indirect.scatter.add.f32 [tilespmem:s17], [sflag:$0x3], $0x80, s29, s16, $0xb8;
	[tilespmem:$0x1E800] =	vst v63  }
0x92: {  	_ =	swait.ge [sflag:s14], $0x4000  }
0x93: {  	[sflag:s14] =	ssyncset.done $0x0  }
0x94: {  	s30 =	sadd.s32 $0x100, s25;
	[sflag:s14] =	ssyncadd.s32 $0xFFFFC000  }
0x95: {  	[tilespmem:s17], [sflag:$0x1] =	stream.indirect.gather [hbm4b:s4+s16], $0x80, s30, s16, $0xb8;
	[tilespmem:$0x1E800] =	vst v63  }
0x96: {  	_ =	swait.ge [sflag:s20], $0x4000  }
0x97: {  	[sflag:s20] =	ssyncset.done $0x0  }
0x98: {  	s31 =	sadd.s32 $0x1480, s25;
	[sflag:s20] =	ssyncadd.s32 $0xFFFFC000  }
0x99: {  	[spmem:s2] =	stream.indirect.scatter.add.f32 [tilespmem:s18], [sflag:$0x3], $0x80, s31, s16, $0xb8;
	[tilespmem:$0x1E800] =	vst v63  }
0x9a: {  	_ =	swait.ge [sflag:s14], $0x4000  }
0x9b: {  	[sflag:s14] =	ssyncset.done $0x0  }
0x9c: {  	[sflag:s14] =	ssyncadd.s32 $0xFFFFC000  }
0x9d: {  	[tilespmem:s18], [sflag:$0x2] =	stream.indirect.gather [hbm4b:s4+s16], $0x80, s21, s16, $0xb8;
	[tilespmem:$0x1E800] =	vst v63  }
0x9e: {  	_ =	swait.ge [sflag:s19], $0x4000  }
0x9f: {  	[sflag:s19] =	ssyncset.done $0x0  }
0xa0: {  	[sflag:s19] =	ssyncadd.s32 $0xFFFFC000  }
0xa1: {  	[spmem:s2] =	stream.indirect.scatter.add.f32 [tilespmem:s17], [sflag:$0x3], $0x80, s22, s16, $0xb8;
	[tilespmem:$0x1E800] =	vst v63  }
0xa2: {  	_ =	swait.ge [sflag:s14], $0x4000  }
0xa3: {  	[sflag:s14] =	ssyncset.done $0x0  }
0xa4: {  	[sflag:s14] =	ssyncadd.s32 $0xFFFFC000  }
0xa5: {  	_ =	swait.ge [sflag:s20], $0x4000  }
0xa6: {  	[sflag:s20] =	ssyncset.done $0x0  }
0xa7: {  	[sflag:s20] =	ssyncadd.s32 $0xFFFFC000  }
0xa8: {  	[spmem:s2] =	stream.indirect.scatter.add.f32 [tilespmem:s18], [sflag:$0x3], $0x80, s23, s16, $0xb8;
	[tilespmem:$0x1E800] =	vst v63  }
0xa9: {  	_ =	swait.ge [sflag:s14], $0x4000  }
0xaa: {  	s24 =	sadd.s32 $0x1, s24;
	[sflag:s14] =	ssyncset.done $0x0  }
0xab: {  	p0 =	sne.s32 s24, s12;
	[sflag:s14] =	ssyncadd.s32 $0xFFFFC000  }
.Ltmp2:
0xac: {  	[bflag:$0x0] =	sbarrier.arrive $0xFFFF;
	(pc) =	sbr.rel @p0 .LBB2_1-.Ltmp2, $4  }
0xad: {  	[hbm:s11], [sflag:s6] =	dma.local [spmem:s13], $0x2800  }
0xae: {  	_ =	swait.ge [sflag:s14], $0x2800  }
0xaf: {  	[sflag:s14] =	ssyncset.done $0x0  }
0xb0: {  	[sflag:s14] =	ssyncadd.s32 $0xFFFFD800  }
0xb1: {  	_ =	sfence.sel $0x180000  }
0xb2: {  	[bflag:$0x0] =	sbarrier.arrive $0xFFFF  }
0xb3: {  	p0 =	sne.s32 s1, $0x0;
	_ =	strace $0x9000004A  }
0xb4: {  	s0 =	sadd.s32 @!p0 $0x100000, s0;
	[bflag:$0x2] =	sbarrier.arrive $0xFFFF  }
0xb5: {  	[sflag:s0] =	ssyncadd.tile.s32 @!p0 $0x1;
	_ =	shalt  }
.Lfunc_end2:
_tile_overlayer_lowered:
.L_overlay_start_2:
0xb6: {  	(tag) =	ssettag $0x2  }
0xb7: {  	s0 =	rddreg [dreg:$0x0];
	s2 =	stileid.u32  }
0xb8: {  	s1 =	rddreg [dreg:$0x1];
	p0 =	sne.s32 s2, $0x0  }
0xb9: {  	s3 =	rddreg [dreg:$0x2];
	[bflag:$0x3] =	sbarrier.arrive $0xFFFF;
	s2 =	simm.s32 @!p0 $0x1C03  }
0xba: {  	[timem:s3], [sflag:s2] =	dma.local @!p0 [hbm:s0], s1  }
0xbb: {  	s0 =	simm.s32 @!p0 $0x3  }
0xbc: {  	_ =	swait.ge @!p0 [sflag:s0], s1  }
0xbd: {  	s1 =	ssub.s32 @!p0 $0x0, s1;
	[sflag:s0] =	ssyncset.done @!p0 $0x0  }
0xbe: {  	[sflag:s0] =	ssyncadd.s32 @!p0 s1  }
0xbf: {  	[bflag:$0x3] =	sbarrier.arrive $0xFFFF  }
0xc0: {  	_ =	shalt  }

// kernel: kernel.23.cloned.1.call-start
scs
__scs_entry_jumppad:
0x0: {  	(pc) =	sbr.rel $0x88, $3  }
0x1: {  	(tag) =	ssettag $0x0;
	lr =	simm.s32 $0x1  }
0x2: {  	[smem:$0x3F8D] =	sst lr;
	_ =	strace $0xD0000000  }
0x3: {  	_ = 	snop  }
0x4: {  	_ = 	snop  }
0x5: {  	_ = 	snop  }
0x6: {  	_ = 	snop  }
0x7: {  	_ = 	snop  }
__scs_overlays_trampoline_lowered:
0x8: {  	[smem:$0x3F9C] =	sst s0  }
0x9: {  	[smem:$0x3F9D] =	sst s1  }
0xa: {  	[smem:$0x3F9E] =	sst s2  }
0xb: {  	[smem:$0x3F9F] =	sst s3  }
0xc: {  	[smem:$0x3FA0] =	sst s4  }
0xd: {  	[smem:$0x3FA1] =	sst s5  }
0xe: {  	[smem:$0x3FA2] =	sst s6  }
0xf: {  	[smem:$0x3FA3] =	sst s7  }
0x10: {  	[smem:$0x3FA4] =	sst s8  }
0x11: {  	[smem:$0x3FA5] =	sst s9;
	s0 =	simm.s32 @!p0 $0x0  }
0x12: {  	s1 =	sld [smem:$0x3F8B];
	s0 =	simm.s32 @p0 $0x1  }
0x13: {  	[smem:$0x3FA6] =	sst s0;
	s0 =	simm.s32 @!p1 $0x0  }
0x14: {  	s2 =	sld [smem:$0x3F8A];
	s0 =	simm.s32 @p1 $0x1  }
0x15: {  	[smem:$0x3FA7] =	sst s0;
	s0 =	simm.s32 @!p2 $0x0  }
0x16: {  	s3 =	sld [smem:$0x3FDB];
	s0 =	simm.s32 @p2 $0x1  }
0x17: {  	s4 =	simm.s32 $0x1BF5;
	[smem:$0x3FA9] =	sst s0  }
0x18: {  	s0 =	sld [smem:$0x3F8C];
	_ =	swait.ge [sflag:s4], $0x0  }
0x19: {  	s7 =	sld [smem:$0x3F8D]  }
0x1a: {  	s8 =	sadd.s32 $0xFFFFE003, lr  }
0x1b: {  	s9 =	sadd.s32 $0xFFFFFEF7, lr;
	s5 =	simm.s32 $0xFFFFFFFF;
	p2 =	slt.u32 s8, $0xFFFFF086  }
0x1c: {  	p1 =	slt.u32 s9, $0xF7A;
	s5 =	simm.s32 @!p2 $0x0  }
0x1d: {  	s5 =	simm.s32 @p1 $0x1;
	p0 =	seq.s32 s7, s2  }
0x1e: {  	s7 =	smul.u32 @!p0 $0xF7A, s2;
	p2 =	seq.s32 @!p0 s5, $0x0  }
0x1f: {  	s9 =	smul.u32 $0xF7A, s1;
	s8 =	simm.s32 @!p0 $0x1BF5;
	p2 =	por !p2, p0  }
0x20: {  	[sflag:s8] =	ssyncset.s32 @!p0 $0xFFFFF086;
	s6 =	sadd.s32 @!p0 s3, s7;
	s7 =	simm.s32 @!p0 $0x108  }
0x21: {  	s3 =	sadd.s32 s3, s9;
	s6 =	sadd.s32 @!p0 $0x88, s6;
	s7 =	simm.s32 @p2 $0x1082  }
0x22: {  	[simem:s7], [sflag:s8] =	dma.local @!p0 [hbm:s6], $0xF7A  }
0x23: {  	s9 =	sor.u32 $0xD0000000, s2;
	s6 =	simm.s32 $0x108;
	_ =	swait.ge @!p0 [sflag:s8], $0x0  }
0x24: {  	s3 =	sadd.s32 $0x88, s3;
	s6 =	simm.s32 @!p1 $0x1082;
	[sflag:s4] =	ssyncset.s32 $0xFFFFF086  }
0x25: {  	[simem:s6], [sflag:s4] =	dma.local [hbm:s3], $0xF7A  }
0x26: {  	[smem:$0x3F8D] =	sst s1;
	(tag) =	ssettag s2;
	_ =	strace s9  }
0x27: {  	s1 =	sld [smem:$0x3F9D]  }
0x28: {  	s2 =	sld [smem:$0x3F9E]  }
0x29: {  	s4 =	sld [smem:$0x3FA0]  }
0x2a: {  	p0 =	seq.s32 s5, $0x0;
	s5 =	sld [smem:$0x3FA1]  }
0x2b: {  	s6 =	sld [smem:$0x3FA2]  }
0x2c: {  	s7 =	sld [smem:$0x3FA3]  }
0x2d: {  	s3 =	simm.s32 $0x108;
	s8 =	sld [smem:$0x3FA4]  }
0x2e: {  	s3 =	simm.s32 @!p0 $0x1082;
	s9 =	sld [smem:$0x3FA5]  }
0x2f: {  	lr =	sadd.s32 s0, s3;
	s0 =	sld [smem:$0x3F9C]  }
0x30: {  	s3 =	sld [smem:$0x3F9F]  }
0x31: {  	[smem:$0x3FA8] =	sst s10  }
0x32: {  	s10 =	sld [smem:$0x3FA6];
	_ =	sdelay $0x3  }
0x33: {  	p0 =	seq.s32 s10, $0x1;
	s10 =	sld [smem:$0x3FA8];
	_ =	sdelay $0x3  }
0x34: {  	[smem:$0x3FA8] =	sst s10  }
0x35: {  	s10 =	sld [smem:$0x3FA7];
	_ =	sdelay $0x3  }
0x36: {  	p1 =	seq.s32 s10, $0x1;
	s10 =	sld [smem:$0x3FA8];
	_ =	sdelay $0x3  }
0x37: {  	[smem:$0x3FA8] =	sst s10  }
0x38: {  	s10 =	sld [smem:$0x3FA9]  }
0x39: {  	_ = 	snop;
	(pc) =	sbr.ind lr, $3  }
0x3a: {  	_ = 	snop  }
0x3b: {  	_ = 	snop  }
0x3c: {  	p2 =	seq.s32 s10, $0x1;
	s10 =	sld [smem:$0x3FA8]  }
0x3d: {  	_ =	shalt  }
0x3e: {  	_ =	shalt  }
0x3f: {  	_ =	shalt  }
0x40: {  	_ =	shalt  }
0x41: {  	_ =	shalt  }
0x42: {  	_ =	shalt  }
0x43: {  	_ =	shalt  }
0x44: {  	_ =	shalt  }
0x45: {  	_ =	shalt  }
0x46: {  	_ =	shalt  }
0x47: {  	_ =	shalt  }
0x48: {  	_ =	shalt  }
0x49: {  	_ =	shalt  }
0x4a: {  	_ =	shalt  }
0x4b: {  	_ =	shalt  }
0x4c: {  	_ =	shalt  }
0x4d: {  	_ =	shalt  }
0x4e: {  	_ =	shalt  }
0x4f: {  	_ =	shalt  }
0x50: {  	_ =	shalt  }
0x51: {  	_ =	shalt  }
0x52: {  	_ =	shalt  }
0x53: {  	_ =	shalt  }
0x54: {  	_ =	shalt  }
0x55: {  	_ =	shalt  }
0x56: {  	_ =	shalt  }
0x57: {  	_ =	shalt  }
0x58: {  	_ =	shalt  }
0x59: {  	_ =	shalt  }
0x5a: {  	_ =	shalt  }
0x5b: {  	_ =	shalt  }
0x5c: {  	_ =	shalt  }
0x5d: {  	_ =	shalt  }
0x5e: {  	_ =	shalt  }
0x5f: {  	_ =	shalt  }
0x60: {  	_ =	shalt  }
0x61: {  	_ =	shalt  }
0x62: {  	_ =	shalt  }
0x63: {  	_ =	shalt  }
0x64: {  	_ =	shalt  }
0x65: {  	_ =	shalt  }
0x66: {  	_ =	shalt  }
0x67: {  	_ =	shalt  }
0x68: {  	_ =	shalt  }
0x69: {  	_ =	shalt  }
0x6a: {  	_ =	shalt  }
0x6b: {  	_ =	shalt  }
0x6c: {  	_ =	shalt  }
0x6d: {  	_ =	shalt  }
0x6e: {  	_ =	shalt  }
0x6f: {  	_ =	shalt  }
0x70: {  	_ =	shalt  }
0x71: {  	_ =	shalt  }
0x72: {  	_ =	shalt  }
0x73: {  	_ =	shalt  }
0x74: {  	_ =	shalt  }
0x75: {  	_ =	shalt  }
0x76: {  	_ =	shalt  }
0x77: {  	_ =	shalt  }
0x78: {  	_ =	shalt  }
0x79: {  	_ =	shalt  }
0x7a: {  	_ =	shalt  }
0x7b: {  	_ =	shalt  }
0x7c: {  	_ =	shalt  }
0x7d: {  	_ =	shalt  }
0x7e: {  	_ =	shalt  }
0x7f: {  	_ =	shalt  }
0x80: {  	_ =	shalt  }
0x81: {  	_ =	shalt  }
0x82: {  	_ =	shalt  }
0x83: {  	_ =	shalt  }
0x84: {  	_ =	shalt  }
0x85: {  	_ =	shalt  }
0x86: {  	_ =	shalt  }
0x87: {  	_ =	shalt  }
.Lfunc_end0:
.L_simem_size_0:
called_computation.2_lowered:
.L_overlay_start_0:
0x88: {  	s2 =	sld [smem:$0x3FD9]  }
0x89: {  	s3 =	sld [smem:$0x3FFE];
	_ =	sdelay $0x1  }
0x8a: {  	s1 =	srdreg.scid  }
0x8b: {  	s0 =	sand.u32 $0x1, s1  }
0x8c: {  	s16 =	sshll.u32 s0, $0xA;
	s2 =	sadd.s32 s3, s2  }
0x8d: {  	s2 =	sadd.s32 s2, s16  }
0x8e: {  	[smem:$0x3FB4] =	sst s2  }
0x8f: {  	_ = 	snop  }
0x90: {  	(tm) =	ssettm $0x1  }
0x91: {  	s17 =	sld [smem:$0x3FFB];
	_ =	sdelay $0x3  }
0x92: {  	_ =	strace s17  }
0x93: {  	s2 =	sld [smem:$0x3FFC];
	_ =	sdelay $0x3  }
0x94: {  	_ =	strace s2  }
0x95: {  	s2 =	sld [smem:$0x3FFD];
	_ =	sdelay $0x3  }
0x96: {  	_ =	strace s2  }
0x97: {  	_ =	strace $0x8FFFFFFF  }
0x98: {  	s18 =	sld [smem:$0x3FDB];
	_ =	sdelay $0x1  }
0x99: {  	s19 =	simm.s32 $_scs_section_size  }
0x9a: {  	s4 =	simm.s32 $_size__tile_overlayer_lowered;
	s5 =	simm.s32 $_tile_overlayer_lowered  }
0x9b: {  	s22 =	simm.s32 $0x1BFF;
	s21 =	sshll.u32 s5, $0x1;
	s2 =	sadd.s32 s19, s18  }
0x9c: {  	s6 =	simm.s32 $0x0;
	s20 =	sshll.u32 s4, $0x1;
	s4 =	sadd.s32 s21, s2  }
0x9d: {  	[timem:s6], [sflag:s22] =	dma.local [hbm:s4], s20  }
0x9e: {  	_ =	swait.ge [sflag:s22], s20  }
0x9f: {  	s3 =	ssub.s32 $0x0, s20;
	[sflag:s22] =	ssyncset.done $0x0  }
0xa0: {  	[sflag:s22] =	ssyncadd.s32 s3;
	_ =	sdelay $0x1  }
0xa1: {  	s23 =	simm.s32 $0x1B8B  }
0xa2: {  	_ =	swait.ge [sflag:s23], $0x1  }
0xa3: {  	[sflag:s23] =	ssyncset.done $0x0  }
0xa4: {  	s25 =	simm.s32 $0x1B8E;
	s24 =	sld [smem:$0x3FFE];
	[sflag:s23] =	ssyncadd.s32 $0xFFFFFFFF  }
0xa5: {  	s26 =	simm.s32 $execute0_lowered;
	[smem:$0x3FD2] =	sst s25  }
0xa6: {  	s4 =	sshll.u32 s26, $0x1;
	_ =	strace $0x8000004C;
	[dreg:$0x1] =	wrdreg $0xFFFFFFFF  }
0xa7: {  	s28 =	simm.s32 $_size_execute0_lowered;
	s2 =	sadd.s32 s2, s4;
	[dreg:$0x0] =	wrdreg $0x0  }
0xa8: {  	s4 =	sshll.u32 s28, $0x1;
	[dreg:$0x2] =	wrdreg s2  }
0xa9: {  	[dreg:$0x3] =	wrdreg s4  }
0xaa: {  	[dreg:$0x4] =	wrdreg $0xC0  }
0xab: {  	_ =	task [dreg:s6], $0x5FFFF  }
0xac: {  	[dreg:$0x1] =	wrdreg $0xFFFFFFFF  }
0xad: {  	[dreg:$0x0] =	wrdreg $0x60  }
0xae: {  	[dreg:$0x2] =	wrdreg s24  }
0xaf: {  	[dreg:$0x3] =	wrdreg $0x60000  }
0xb0: {  	[dreg:$0x4] =	wrdreg $0x9  }
0xb1: {  	_ =	task.clear_ibuf [dreg:s6], $0x5FFFF;
	_ =	strace $0x9000004C  }
0xb2: {  	s29 =	simm.s32 $0x9;
	_ =	strace $0x8000004E  }
0xb3: {  	_ =	swait.ge [sflag:s29], $0x1  }
0xb4: {  	[sflag:s29] =	ssyncadd.s32 $0xFFFFFFFF  }
0xb5: {  	_ =	strace $0x9000004E  }
0xb6: {  	_ =	sfence  }
0xb7: {  	s30 =	sld [smem:$0x0];
	_ =	sdelay $0x2  }
0xb8: {  	s31 =	sshll.u32 s1, $0xD;
	s1 =	sshrl.u32 s1, $0x2  }
0xb9: {  	s3 =	sand.u32 $0x4000, s31;
	s1 =	sadd.s32 s1, s30  }
0xba: {  	s0 =	sor.u32 s3, s0;
	s1 =	sshll.u32 s1, $0x11  }
0xbb: {  	s0 =	sor.u32 s1, s0  }
0xbc: {  	s0 =	sadd.s32 $0x8F2B, s0  }
0xbd: {  	[sflag:s0] =	ssyncadd.remote.s32 $0x1  }
0xbe: {  	_ =	sfence.sel $0xFFFF  }
0xbf: {  	[dreg:$0x0] =	wrdreg $0xFFFFFFFF;
	(pc) =	sbr.abs _section_cstart, $3  }
0xc0: {  	[dreg:$0x1] =	wrdreg $0xFFFFFFFF  }
0xc1: {  	_ =	task.clear_ibuf [dreg:s6], $0x2FFFF;
	_ =	strace $0x9FFFFFFF  }
0xc2: {  	(tm) =	ssettm $0x7FFFFFFF  }
0xc3: {  	_ =	shalt  }
tec
execute0_lowered:
.L_overlay_start_1:
0x0: {  	(tag) =	ssettag $0x1  }
0x1: {  	s1 =	srdreg.scid;
	s6 =	rddreg [dreg:$0x0]  }
0x2: {  	s0 =	stileid.u32;
	s2 =	rddreg [dreg:$0x1];
	s3 =	simm.s32 $0x0  }
0x3: {  	s14 =	simm.s32 $0x80;
	s15 =	simm.s32 $0x5000;
	s16 =	simm.s32 $0x5800  }
0x4: {  	s17 =	simm.s32 $0x1;
	s18 =	simm.s32 $0x2;
	s19 =	simm.s32 $0x2780  }
0x5: {  	s20 =	simm.s32 $0x4F00;
	s21 =	simm.s32 $0x4F80;
	s22 =	simm.s32 $0x0  }
0x6: {  	s5 =	sand.u32 $0x1, s1;
	s26 =	sshll.u32 s0, $0x1;
	s8 =	smul.u32 $0x2800, s0  }
0x7: {  	[smem:$0x7FF] =	sst s3;
	s4 =	sadd.s32 $0xE200, s6;
	s31 =	sshll.u32 s0, $0x6  }
0x8: {  	s1 =	sor.u32 s5, s26;
	s9 =	smul.u32 $0x28000, s5;
	s5 =	ssub.s32 $0x2, s5  }
0x9: {  	s7 =	smul.u32 $0x500, s1;
	s1 =	rddreg [dreg:$0x2];
	_ =	strace $0x8000004D  }
0xa: {  	s29 =	sshrl.u32 s8, $0x3;
	s30 =	sshrl.u32 s5, $0x1;
	s13 =	sadd.s32 s8, s2  }
0xb: {  	s28 =	sadd.s32 s8, s9;
	s9 =	sadd.s32 s29, s6;
	s12 =	ssub.s32 s5, s30  }
0xc: {  	s10 =	sadd.s32 s7, s6;
	s7 =	sshrl.u32 s28, $0x3;
	s5 =	sadd.s32 $0x13200, s9  }
0xd: {  	s11 =	sadd.s32 s7, s6;
	s6 =	sor.u32 $0x1C03, s31;
	s7 =	sadd.s32 $0x22200, s10  }
0xe: {  	s8 =	sadd.s32 $0x4200, s10;
	s10 =	smax.u32 s12, $0x1;
	s12 =	simm.s32 $0x3  }
0xf: {  	s9 =	sadd.s32 $0x18200, s11;
	s11 =	sshrl.u32 s13, $0x3;
	s13 =	simm.s32 $0x2800  }
.LBB2_1:
0x10: {  	[spmem:s11], [sflag:s6] =	dma.local [hbm:s5], $0x500  }
0x11: {  	_ =	swait.ge [sflag:s12], $0x500  }
0x12: {  	[sflag:s12] =	ssyncset.done $0x0  }
0x13: {  	[sflag:s12] =	ssyncadd.s32 $0xFFFFFB00  }
0x14: {  	[bflag:$0x0] =	sbarrier.arrive $0xFFFF  }
0x15: {  	[tilespmem:s3], [sflag:$0x3] =	stream.linear.gather [hbm4b:s7+s3], $0x2800, $0x38;
	[tilespmem:$0x8800] =	vst v63  }
0x16: {  	_ =	swait.ge [sflag:s12], $0x2800  }
0x17: {  	[sflag:s12] =	ssyncset.done $0x0  }
0x18: {  	[sflag:s12] =	ssyncadd.s32 $0xFFFFD800  }
0x19: {  	[tilespmem:s13], [sflag:$0x3] =	stream.linear.gather [hbm4b:s8+s3], $0x2800, $0x38;
	[tilespmem:$0x8800] =	vst v63  }
0x1a: {  	_ =	swait.ge [sflag:s12], $0x2800  }
0x1b: {  	[sflag:s12] =	ssyncset.done $0x0  }
0x1c: {  	[sflag:s12] =	ssyncadd.s32 $0xFFFFD800  }
0x1d: {  	[tilespmem:s15], [sflag:$0x1] =	stream.indirect.gather [hbm4b:s4+s14], $0x10, s3, s14, $0xb8;
	[tilespmem:$0x8800] =	vst v63  }
0x1e: {  	s23 =	simm.s32 $0x80  }
0x1f: {  	[tilespmem:s16], [sflag:$0x2] =	stream.indirect.gather [hbm4b:s4+s14], $0x10, s23, s14, $0xb8;
	[tilespmem:$0x8800] =	vst v63  }
0x20: {  	_ =	swait.ge [sflag:s17], $0x800  }
0x21: {  	[sflag:s17] =	ssyncset.done $0x0  }
0x22: {  	s29 =	simm.s32 $0x2800;
	[sflag:s17] =	ssyncadd.s32 $0xFFFFF800  }
0x23: {  	[spmem:s2] =	stream.indirect.scatter.add.f32 [tilespmem:s15], [sflag:$0x3], $0x10, s29, s14, $0xb8;
	[tilespmem:$0x8800] =	vst v63  }
0x24: {  	_ =	swait.ge [sflag:s12], $0x800  }
0x25: {  	[sflag:s12] =	ssyncset.done $0x0  }
0x26: {  	s30 =	simm.s32 $0x100;
	[sflag:s12] =	ssyncadd.s32 $0xFFFFF800  }
0x27: {  	[tilespmem:s15], [sflag:$0x1] =	stream.indirect.gather [hbm4b:s4+s14], $0x10, s30, s14, $0xb8;
	[tilespmem:$0x8800] =	vst v63  }
0x28: {  	_ =	swait.ge [sflag:s18], $0x800  }
0x29: {  	[sflag:s18] =	ssyncset.done $0x0  }
0x2a: {  	s31 =	simm.s32 $0x2880;
	[sflag:s18] =	ssyncadd.s32 $0xFFFFF800  }
0x2b: {  	[spmem:s2] =	stream.indirect.scatter.add.f32 [tilespmem:s16], [sflag:$0x3], $0x10, s31, s14, $0xb8;
	[tilespmem:$0x8800] =	vst v63  }
0x2c: {  	_ =	swait.ge [sflag:s12], $0x800  }
0x2d: {  	s24 =	simm.s32 $0x800;
	s23 =	simm.s32 $0x100;
	[sflag:s12] =	ssyncset.done $0x0  }
.LBB2_2:
0x2e: {  	s25 =	sadd.s32 $0x80, s23  }
0x2f: {  	[sflag:s12] =	ssyncadd.s32 $0xFFFFF800;
	s26 =	smov.u32 s24;
	s28 =	sadd.s32 $0x400, s24  }
0x30: {  	[tilespmem:s16], [sflag:$0x2] =	stream.indirect.gather [hbm4b:s4+s14], $0x10, s25, s14, $0xb8;
	[tilespmem:$0x8800] =	vst v63  }
0x31: {  	p0 =	sne.s32 s24, $0x9800;
	_ =	swait.ge [sflag:s17], $0x800  }
0x32: {  	[sflag:s17] =	ssyncset.done $0x0  }
0x33: {  	s24 =	sadd.s32 $0x2800, s23;
	[sflag:s17] =	ssyncadd.s32 $0xFFFFF800  }
0x34: {  	[spmem:s2] =	stream.indirect.scatter.add.f32 [tilespmem:s15], [sflag:$0x3], $0x10, s24, s14, $0xb8;
	[tilespmem:$0x8800] =	vst v63  }
0x35: {  	_ =	swait.ge [sflag:s12], $0x800  }
0x36: {  	[sflag:s12] =	ssyncset.done $0x0  }
0x37: {  	s24 =	sadd.s32 $0x100, s23;
	[sflag:s12] =	ssyncadd.s32 $0xFFFFF800  }
0x38: {  	[tilespmem:s15], [sflag:$0x1] =	stream.indirect.gather [hbm4b:s4+s14], $0x10, s24, s14, $0xb8;
	[tilespmem:$0x8800] =	vst v63  }
0x39: {  	_ =	swait.ge [sflag:s18], $0x800  }
.Ltmp0:
0x3a: {  	[sflag:s18] =	ssyncset.done $0x0;
	(pc) =	sbr.rel @p0 .LBB2_2-.Ltmp0, $4  }
0x3b: {  	s23 =	sadd.s32 $0x2880, s23;
	[sflag:s18] =	ssyncadd.s32 $0xFFFFF800  }
0x3c: {  	[spmem:s2] =	stream.indirect.scatter.add.f32 [tilespmem:s16], [sflag:$0x3], $0x10, s23, s14, $0xb8;
	[tilespmem:$0x8800] =	vst v63  }
0x3d: {  	_ =	swait.ge [sflag:s12], $0x800  }
0x3e: {  	s24 =	smov.u32 s28;
	s23 =	sshra.s32 s26, $0x2;
	[sflag:s12] =	ssyncset.done $0x0  }
0x3f: {  	s24 =	sadd.s32 $0x80, s23;
	[sflag:s12] =	ssyncadd.s32 $0xFFFFF800  }
0x40: {  	[tilespmem:s16], [sflag:$0x2] =	stream.indirect.gather [hbm4b:s4+s14], $0x10, s24, s14, $0xb8;
	[tilespmem:$0x8800] =	vst v63  }
0x41: {  	_ =	swait.ge [sflag:s17], $0x800  }
0x42: {  	[sflag:s17] =	ssyncset.done $0x0  }
0x43: {  	s29 =	sadd.s32 $0x2800, s23;
	[sflag:s17] =	ssyncadd.s32 $0xFFFFF800  }
0x44: {  	[spmem:s2] =	stream.indirect.scatter.add.f32 [tilespmem:s15], [sflag:$0x3], $0x10, s29, s14, $0xb8;
	[tilespmem:$0x8800] =	vst v63  }
0x45: {  	_ =	swait.ge [sflag:s12], $0x800  }
0x46: {  	[sflag:s12] =	ssyncset.done $0x0  }
0x47: {  	s30 =	sadd.s32 $0x100, s23;
	[sflag:s12] =	ssyncadd.s32 $0xFFFFF800  }
0x48: {  	[tilespmem:s15], [sflag:$0x1] =	stream.indirect.gather [hbm4b:s4+s14], $0x10, s30, s14, $0xb8;
	[tilespmem:$0x8800] =	vst v63  }
0x49: {  	_ =	swait.ge [sflag:s18], $0x800  }
0x4a: {  	[sflag:s18] =	ssyncset.done $0x0  }
0x4b: {  	s31 =	sadd.s32 $0x2880, s23;
	[sflag:s18] =	ssyncadd.s32 $0xFFFFF800  }
0x4c: {  	[spmem:s2] =	stream.indirect.scatter.add.f32 [tilespmem:s16], [sflag:$0x3], $0x10, s31, s14, $0xb8;
	[tilespmem:$0x8800] =	vst v63  }
0x4d: {  	_ =	swait.ge [sflag:s12], $0x800  }
0x4e: {  	[sflag:s12] =	ssyncset.done $0x0  }
0x4f: {  	[sflag:s12] =	ssyncadd.s32 $0xFFFFF800  }
0x50: {  	[tilespmem:s16], [sflag:$0x2] =	stream.indirect.gather [hbm4b:s4+s14], $0x10, s19, s14, $0xb8;
	[tilespmem:$0x8800] =	vst v63  }
0x51: {  	_ =	swait.ge [sflag:s17], $0x800  }
0x52: {  	[sflag:s17] =	ssyncset.done $0x0  }
0x53: {  	[sflag:s17] =	ssyncadd.s32 $0xFFFFF800  }
0x54: {  	[spmem:s2] =	stream.indirect.scatter.add.f32 [tilespmem:s15], [sflag:$0x3], $0x10, s20, s14, $0xb8;
	[tilespmem:$0x8800] =	vst v63  }
0x55: {  	_ =	swait.ge [sflag:s12], $0x800  }
0x56: {  	[sflag:s12] =	ssyncset.done $0x0  }
0x57: {  	[sflag:s12] =	ssyncadd.s32 $0xFFFFF800  }
0x58: {  	_ =	swait.ge [sflag:s18], $0x800  }
0x59: {  	[sflag:s18] =	ssyncset.done $0x0  }
0x5a: {  	[sflag:s18] =	ssyncadd.s32 $0xFFFFF800  }
0x5b: {  	[spmem:s2] =	stream.indirect.scatter.add.f32 [tilespmem:s16], [sflag:$0x3], $0x10, s21, s14, $0xb8;
	[tilespmem:$0x8800] =	vst v63  }
0x5c: {  	_ =	swait.ge [sflag:s12], $0x800  }
0x5d: {  	s22 =	sadd.s32 $0x1, s22;
	[sflag:s12] =	ssyncset.done $0x0  }
0x5e: {  	p0 =	sne.s32 s22, s10;
	[sflag:s12] =	ssyncadd.s32 $0xFFFFF800  }
.Ltmp1:
0x5f: {  	[bflag:$0x0] =	sbarrier.arrive $0xFFFF;
	(pc) =	sbr.rel @p0 .LBB2_1-.Ltmp1, $4  }
0x60: {  	[hbm:s9], [sflag:s6] =	dma.local [spmem:s11], $0x500  }
0x61: {  	_ =	swait.ge [sflag:s12], $0x500  }
0x62: {  	[sflag:s12] =	ssyncset.done $0x0  }
0x63: {  	[sflag:s12] =	ssyncadd.s32 $0xFFFFFB00  }
0x64: {  	_ =	sfence.sel $0x180000  }
0x65: {  	[bflag:$0x0] =	sbarrier.arrive $0xFFFF  }
0x66: {  	p0 =	sne.s32 s0, $0x0;
	_ =	strace $0x9000004D  }
0x67: {  	s0 =	sadd.s32 @!p0 $0x100000, s1;
	[bflag:$0x2] =	sbarrier.arrive $0xFFFF  }
0x68: {  	[sflag:s0] =	ssyncadd.tile.s32 @!p0 $0x1;
	_ =	shalt  }
.Lfunc_end2:
_tile_overlayer_lowered:
.L_overlay_start_2:
0x69: {  	(tag) =	ssettag $0x2  }
0x6a: {  	s0 =	rddreg [dreg:$0x0];
	s2 =	stileid.u32  }
0x6b: {  	s1 =	rddreg [dreg:$0x1];
	p0 =	sne.s32 s2, $0x0  }
0x6c: {  	s3 =	rddreg [dreg:$0x2];
	[bflag:$0x3] =	sbarrier.arrive $0xFFFF;
	s2 =	simm.s32 @!p0 $0x1C03  }
0x6d: {  	[timem:s3], [sflag:s2] =	dma.local @!p0 [hbm:s0], s1  }
0x6e: {  	s0 =	simm.s32 @!p0 $0x3  }
0x6f: {  	_ =	swait.ge @!p0 [sflag:s0], s1  }
0x70: {  	s1 =	ssub.s32 @!p0 $0x0, s1;
	[sflag:s0] =	ssyncset.done @!p0 $0x0  }
0x71: {  	[sflag:s0] =	ssyncadd.s32 @!p0 s1  }
0x72: {  	[bflag:$0x3] =	sbarrier.arrive $0xFFFF  }
0x73: {  	_ =	shalt  }

// kernel: kernel.26.cloned.1.call-start
scs
__scs_entry_jumppad:
0x0: {  	(pc) =	sbr.rel $0x88, $3  }
0x1: {  	(tag) =	ssettag $0x0;
	lr =	simm.s32 $0x1  }
0x2: {  	[smem:$0x3F8D] =	sst lr;
	_ =	strace $0xD0000000  }
0x3: {  	_ = 	snop  }
0x4: {  	_ = 	snop  }
0x5: {  	_ = 	snop  }
0x6: {  	_ = 	snop  }
0x7: {  	_ = 	snop  }
__scs_overlays_trampoline_lowered:
0x8: {  	[smem:$0x3F9C] =	sst s0  }
0x9: {  	[smem:$0x3F9D] =	sst s1  }
0xa: {  	[smem:$0x3F9E] =	sst s2  }
0xb: {  	[smem:$0x3F9F] =	sst s3  }
0xc: {  	[smem:$0x3FA0] =	sst s4  }
0xd: {  	[smem:$0x3FA1] =	sst s5  }
0xe: {  	[smem:$0x3FA2] =	sst s6  }
0xf: {  	[smem:$0x3FA3] =	sst s7  }
0x10: {  	[smem:$0x3FA4] =	sst s8  }
0x11: {  	[smem:$0x3FA5] =	sst s9;
	s0 =	simm.s32 @!p0 $0x0  }
0x12: {  	s1 =	sld [smem:$0x3F8B];
	s0 =	simm.s32 @p0 $0x1  }
0x13: {  	[smem:$0x3FA6] =	sst s0;
	s0 =	simm.s32 @!p1 $0x0  }
0x14: {  	s2 =	sld [smem:$0x3F8A];
	s0 =	simm.s32 @p1 $0x1  }
0x15: {  	[smem:$0x3FA7] =	sst s0;
	s0 =	simm.s32 @!p2 $0x0  }
0x16: {  	s3 =	sld [smem:$0x3FDB];
	s0 =	simm.s32 @p2 $0x1  }
0x17: {  	s4 =	simm.s32 $0x1BF5;
	[smem:$0x3FA9] =	sst s0  }
0x18: {  	s0 =	sld [smem:$0x3F8C];
	_ =	swait.ge [sflag:s4], $0x0  }
0x19: {  	s7 =	sld [smem:$0x3F8D]  }
0x1a: {  	s8 =	sadd.s32 $0xFFFFE003, lr  }
0x1b: {  	s9 =	sadd.s32 $0xFFFFFEF7, lr;
	s5 =	simm.s32 $0xFFFFFFFF;
	p2 =	slt.u32 s8, $0xFFFFF086  }
0x1c: {  	p1 =	slt.u32 s9, $0xF7A;
	s5 =	simm.s32 @!p2 $0x0  }
0x1d: {  	s5 =	simm.s32 @p1 $0x1;
	p0 =	seq.s32 s7, s2  }
0x1e: {  	s7 =	smul.u32 @!p0 $0xF7A, s2;
	p2 =	seq.s32 @!p0 s5, $0x0  }
0x1f: {  	s9 =	smul.u32 $0xF7A, s1;
	s8 =	simm.s32 @!p0 $0x1BF5;
	p2 =	por !p2, p0  }
0x20: {  	[sflag:s8] =	ssyncset.s32 @!p0 $0xFFFFF086;
	s6 =	sadd.s32 @!p0 s3, s7;
	s7 =	simm.s32 @!p0 $0x108  }
0x21: {  	s3 =	sadd.s32 s3, s9;
	s6 =	sadd.s32 @!p0 $0x88, s6;
	s7 =	simm.s32 @p2 $0x1082  }
0x22: {  	[simem:s7], [sflag:s8] =	dma.local @!p0 [hbm:s6], $0xF7A  }
0x23: {  	s9 =	sor.u32 $0xD0000000, s2;
	s6 =	simm.s32 $0x108;
	_ =	swait.ge @!p0 [sflag:s8], $0x0  }
0x24: {  	s3 =	sadd.s32 $0x88, s3;
	s6 =	simm.s32 @!p1 $0x1082;
	[sflag:s4] =	ssyncset.s32 $0xFFFFF086  }
0x25: {  	[simem:s6], [sflag:s4] =	dma.local [hbm:s3], $0xF7A  }
0x26: {  	[smem:$0x3F8D] =	sst s1;
	(tag) =	ssettag s2;
	_ =	strace s9  }
0x27: {  	s1 =	sld [smem:$0x3F9D]  }
0x28: {  	s2 =	sld [smem:$0x3F9E]  }
0x29: {  	s4 =	sld [smem:$0x3FA0]  }
0x2a: {  	p0 =	seq.s32 s5, $0x0;
	s5 =	sld [smem:$0x3FA1]  }
0x2b: {  	s6 =	sld [smem:$0x3FA2]  }
0x2c: {  	s7 =	sld [smem:$0x3FA3]  }
0x2d: {  	s3 =	simm.s32 $0x108;
	s8 =	sld [smem:$0x3FA4]  }
0x2e: {  	s3 =	simm.s32 @!p0 $0x1082;
	s9 =	sld [smem:$0x3FA5]  }
0x2f: {  	lr =	sadd.s32 s0, s3;
	s0 =	sld [smem:$0x3F9C]  }
0x30: {  	s3 =	sld [smem:$0x3F9F]  }
0x31: {  	[smem:$0x3FA8] =	sst s10  }
0x32: {  	s10 =	sld [smem:$0x3FA6];
	_ =	sdelay $0x3  }
0x33: {  	p0 =	seq.s32 s10, $0x1;
	s10 =	sld [smem:$0x3FA8];
	_ =	sdelay $0x3  }
0x34: {  	[smem:$0x3FA8] =	sst s10  }
0x35: {  	s10 =	sld [smem:$0x3FA7];
	_ =	sdelay $0x3  }
0x36: {  	p1 =	seq.s32 s10, $0x1;
	s10 =	sld [smem:$0x3FA8];
	_ =	sdelay $0x3  }
0x37: {  	[smem:$0x3FA8] =	sst s10  }
0x38: {  	s10 =	sld [smem:$0x3FA9]  }
0x39: {  	_ = 	snop;
	(pc) =	sbr.ind lr, $3  }
0x3a: {  	_ = 	snop  }
0x3b: {  	_ = 	snop  }
0x3c: {  	p2 =	seq.s32 s10, $0x1;
	s10 =	sld [smem:$0x3FA8]  }
0x3d: {  	_ =	shalt  }
0x3e: {  	_ =	shalt  }
0x3f: {  	_ =	shalt  }
0x40: {  	_ =	shalt  }
0x41: {  	_ =	shalt  }
0x42: {  	_ =	shalt  }
0x43: {  	_ =	shalt  }
0x44: {  	_ =	shalt  }
0x45: {  	_ =	shalt  }
0x46: {  	_ =	shalt  }
0x47: {  	_ =	shalt  }
0x48: {  	_ =	shalt  }
0x49: {  	_ =	shalt  }
0x4a: {  	_ =	shalt  }
0x4b: {  	_ =	shalt  }
0x4c: {  	_ =	shalt  }
0x4d: {  	_ =	shalt  }
0x4e: {  	_ =	shalt  }
0x4f: {  	_ =	shalt  }
0x50: {  	_ =	shalt  }
0x51: {  	_ =	shalt  }
0x52: {  	_ =	shalt  }
0x53: {  	_ =	shalt  }
0x54: {  	_ =	shalt  }
0x55: {  	_ =	shalt  }
0x56: {  	_ =	shalt  }
0x57: {  	_ =	shalt  }
0x58: {  	_ =	shalt  }
0x59: {  	_ =	shalt  }
0x5a: {  	_ =	shalt  }
0x5b: {  	_ =	shalt  }
0x5c: {  	_ =	shalt  }
0x5d: {  	_ =	shalt  }
0x5e: {  	_ =	shalt  }
0x5f: {  	_ =	shalt  }
0x60: {  	_ =	shalt  }
0x61: {  	_ =	shalt  }
0x62: {  	_ =	shalt  }
0x63: {  	_ =	shalt  }
0x64: {  	_ =	shalt  }
0x65: {  	_ =	shalt  }
0x66: {  	_ =	shalt  }
0x67: {  	_ =	shalt  }
0x68: {  	_ =	shalt  }
0x69: {  	_ =	shalt  }
0x6a: {  	_ =	shalt  }
0x6b: {  	_ =	shalt  }
0x6c: {  	_ =	shalt  }
0x6d: {  	_ =	shalt  }
0x6e: {  	_ =	shalt  }
0x6f: {  	_ =	shalt  }
0x70: {  	_ =	shalt  }
0x71: {  	_ =	shalt  }
0x72: {  	_ =	shalt  }
0x73: {  	_ =	shalt  }
0x74: {  	_ =	shalt  }
0x75: {  	_ =	shalt  }
0x76: {  	_ =	shalt  }
0x77: {  	_ =	shalt  }
0x78: {  	_ =	shalt  }
0x79: {  	_ =	shalt  }
0x7a: {  	_ =	shalt  }
0x7b: {  	_ =	shalt  }
0x7c: {  	_ =	shalt  }
0x7d: {  	_ =	shalt  }
0x7e: {  	_ =	shalt  }
0x7f: {  	_ =	shalt  }
0x80: {  	_ =	shalt  }
0x81: {  	_ =	shalt  }
0x82: {  	_ =	shalt  }
0x83: {  	_ =	shalt  }
0x84: {  	_ =	shalt  }
0x85: {  	_ =	shalt  }
0x86: {  	_ =	shalt  }
0x87: {  	_ =	shalt  }
.Lfunc_end0:
.L_simem_size_0:
called_computation.3_lowered:
.L_overlay_start_0:
0x88: {  	s2 =	sld [smem:$0x3FD9]  }
0x89: {  	s3 =	sld [smem:$0x3FFE];
	_ =	sdelay $0x1  }
0x8a: {  	s1 =	srdreg.scid  }
0x8b: {  	s0 =	sand.u32 $0x1, s1  }
0x8c: {  	s16 =	sshll.u32 s0, $0xA;
	s2 =	sadd.s32 s3, s2  }
0x8d: {  	s2 =	sadd.s32 s2, s16  }
0x8e: {  	[smem:$0x3FB4] =	sst s2  }
0x8f: {  	_ = 	snop  }
0x90: {  	(tm) =	ssettm $0x1  }
0x91: {  	s17 =	sld [smem:$0x3FFB];
	_ =	sdelay $0x3  }
0x92: {  	_ =	strace s17  }
0x93: {  	s2 =	sld [smem:$0x3FFC];
	_ =	sdelay $0x3  }
0x94: {  	_ =	strace s2  }
0x95: {  	s2 =	sld [smem:$0x3FFD];
	_ =	sdelay $0x3  }
0x96: {  	_ =	strace s2  }
0x97: {  	_ =	strace $0x8FFFFFFF  }
0x98: {  	s18 =	sld [smem:$0x3FDB];
	_ =	sdelay $0x1  }
0x99: {  	s19 =	simm.s32 $_scs_section_size  }
0x9a: {  	s4 =	simm.s32 $_size__tile_overlayer_lowered;
	s5 =	simm.s32 $_tile_overlayer_lowered  }
0x9b: {  	s22 =	simm.s32 $0x1BFF;
	s21 =	sshll.u32 s5, $0x1;
	s2 =	sadd.s32 s19, s18  }
0x9c: {  	s6 =	simm.s32 $0x0;
	s20 =	sshll.u32 s4, $0x1;
	s4 =	sadd.s32 s21, s2  }
0x9d: {  	[timem:s6], [sflag:s22] =	dma.local [hbm:s4], s20  }
0x9e: {  	_ =	swait.ge [sflag:s22], s20  }
0x9f: {  	s3 =	ssub.s32 $0x0, s20;
	[sflag:s22] =	ssyncset.done $0x0  }
0xa0: {  	[sflag:s22] =	ssyncadd.s32 s3;
	_ =	sdelay $0x1  }
0xa1: {  	s23 =	simm.s32 $0x1B8B  }
0xa2: {  	_ =	swait.ge [sflag:s23], $0x1  }
0xa3: {  	[sflag:s23] =	ssyncset.done $0x0  }
0xa4: {  	s25 =	simm.s32 $0x1B8E;
	s24 =	sld [smem:$0x3FFE];
	[sflag:s23] =	ssyncadd.s32 $0xFFFFFFFF  }
0xa5: {  	s26 =	simm.s32 $execute0_lowered;
	[smem:$0x3FD2] =	sst s25  }
0xa6: {  	s4 =	sshll.u32 s26, $0x1;
	_ =	strace $0x8000004F;
	[dreg:$0x1] =	wrdreg $0xFFFFFFFF  }
0xa7: {  	s28 =	simm.s32 $_size_execute0_lowered;
	s2 =	sadd.s32 s2, s4;
	[dreg:$0x0] =	wrdreg $0x0  }
0xa8: {  	s4 =	sshll.u32 s28, $0x1;
	[dreg:$0x2] =	wrdreg s2  }
0xa9: {  	[dreg:$0x3] =	wrdreg s4  }
0xaa: {  	[dreg:$0x4] =	wrdreg $0xC0  }
0xab: {  	_ =	task [dreg:s6], $0x5FFFF  }
0xac: {  	[dreg:$0x1] =	wrdreg $0xFFFFFFFF  }
0xad: {  	[dreg:$0x0] =	wrdreg $0x60  }
0xae: {  	[dreg:$0x2] =	wrdreg s24  }
0xaf: {  	[dreg:$0x3] =	wrdreg $0x60000  }
0xb0: {  	[dreg:$0x4] =	wrdreg $0x9  }
0xb1: {  	_ =	task.clear_ibuf [dreg:s6], $0x5FFFF;
	_ =	strace $0x9000004F  }
0xb2: {  	s29 =	simm.s32 $0x9;
	_ =	strace $0x80000051  }
0xb3: {  	_ =	swait.ge [sflag:s29], $0x1  }
0xb4: {  	[sflag:s29] =	ssyncadd.s32 $0xFFFFFFFF  }
0xb5: {  	_ =	strace $0x90000051  }
0xb6: {  	_ =	sfence  }
0xb7: {  	s30 =	sld [smem:$0x0];
	_ =	sdelay $0x2  }
0xb8: {  	s31 =	sshll.u32 s1, $0xD;
	s1 =	sshrl.u32 s1, $0x2  }
0xb9: {  	s3 =	sand.u32 $0x4000, s31;
	s1 =	sadd.s32 s1, s30  }
0xba: {  	s0 =	sor.u32 s3, s0;
	s1 =	sshll.u32 s1, $0x11  }
0xbb: {  	s0 =	sor.u32 s1, s0  }
0xbc: {  	s0 =	sadd.s32 $0x8F2B, s0  }
0xbd: {  	[sflag:s0] =	ssyncadd.remote.s32 $0x1  }
0xbe: {  	_ =	sfence.sel $0xFFFF  }
0xbf: {  	[dreg:$0x0] =	wrdreg $0xFFFFFFFF;
	(pc) =	sbr.abs _section_cstart, $3  }
0xc0: {  	[dreg:$0x1] =	wrdreg $0xFFFFFFFF  }
0xc1: {  	_ =	task.clear_ibuf [dreg:s6], $0x2FFFF;
	_ =	strace $0x9FFFFFFF  }
0xc2: {  	(tm) =	ssettm $0x7FFFFFFF  }
0xc3: {  	_ =	shalt  }
tec
execute0_lowered:
.L_overlay_start_1:
0x0: {  	(tag) =	ssettag $0x1  }
0x1: {  	s1 =	srdreg.scid;
	s6 =	rddreg [dreg:$0x0]  }
0x2: {  	s0 =	stileid.u32;
	s2 =	rddreg [dreg:$0x1];
	s3 =	simm.s32 $0x0  }
0x3: {  	s14 =	simm.s32 $0x80;
	s15 =	simm.s32 $0x5000;
	s16 =	simm.s32 $0x5800  }
0x4: {  	s17 =	simm.s32 $0x1;
	s18 =	simm.s32 $0x2;
	s19 =	simm.s32 $0x2780  }
0x5: {  	s20 =	simm.s32 $0x4F00;
	s21 =	simm.s32 $0x4F80;
	s22 =	simm.s32 $0x0  }
0x6: {  	s5 =	sand.u32 $0x1, s1;
	s26 =	sshll.u32 s0, $0x1;
	s8 =	smul.u32 $0x2800, s0  }
0x7: {  	[smem:$0x7FF] =	sst s3;
	s4 =	sadd.s32 $0xE200, s6;
	s31 =	sshll.u32 s0, $0x6  }
0x8: {  	s1 =	sor.u32 s5, s26;
	s9 =	smul.u32 $0x28000, s5;
	s5 =	ssub.s32 $0x2, s5  }
0x9: {  	s7 =	smul.u32 $0x500, s1;
	s1 =	rddreg [dreg:$0x2];
	_ =	strace $0x80000050  }
0xa: {  	s29 =	sshrl.u32 s8, $0x3;
	s30 =	sshrl.u32 s5, $0x1;
	s13 =	sadd.s32 s8, s2  }
0xb: {  	s28 =	sadd.s32 s8, s9;
	s9 =	sadd.s32 s29, s6;
	s12 =	ssub.s32 s5, s30  }
0xc: {  	s10 =	sadd.s32 s7, s6;
	s7 =	sshrl.u32 s28, $0x3;
	s5 =	sadd.s32 $0x13200, s9  }
0xd: {  	s11 =	sadd.s32 s7, s6;
	s6 =	sor.u32 $0x1C03, s31;
	s7 =	sadd.s32 $0x22200, s10  }
0xe: {  	s8 =	sadd.s32 $0x4200, s10;
	s10 =	smax.u32 s12, $0x1;
	s12 =	simm.s32 $0x3  }
0xf: {  	s9 =	sadd.s32 $0x18200, s11;
	s11 =	sshrl.u32 s13, $0x3;
	s13 =	simm.s32 $0x2800  }
.LBB2_1:
0x10: {  	[spmem:s11], [sflag:s6] =	dma.local [hbm:s5], $0x500  }
0x11: {  	_ =	swait.ge [sflag:s12], $0x500  }
0x12: {  	[sflag:s12] =	ssyncset.done $0x0  }
0x13: {  	[sflag:s12] =	ssyncadd.s32 $0xFFFFFB00  }
0x14: {  	[bflag:$0x0] =	sbarrier.arrive $0xFFFF  }
0x15: {  	[tilespmem:s3], [sflag:$0x3] =	stream.linear.gather [hbm4b:s7+s3], $0x2800, $0x38;
	[tilespmem:$0x8800] =	vst v63  }
0x16: {  	_ =	swait.ge [sflag:s12], $0x2800  }
0x17: {  	[sflag:s12] =	ssyncset.done $0x0  }
0x18: {  	[sflag:s12] =	ssyncadd.s32 $0xFFFFD800  }
0x19: {  	[tilespmem:s13], [sflag:$0x3] =	stream.linear.gather [hbm4b:s8+s3], $0x2800, $0x38;
	[tilespmem:$0x8800] =	vst v63  }
0x1a: {  	_ =	swait.ge [sflag:s12], $0x2800  }
0x1b: {  	[sflag:s12] =	ssyncset.done $0x0  }
0x1c: {  	[sflag:s12] =	ssyncadd.s32 $0xFFFFD800  }
0x1d: {  	[tilespmem:s15], [sflag:$0x1] =	stream.indirect.gather [hbm4b:s4+s14], $0x10, s3, s14, $0xb8;
	[tilespmem:$0x8800] =	vst v63  }
0x1e: {  	s23 =	simm.s32 $0x80  }
0x1f: {  	[tilespmem:s16], [sflag:$0x2] =	stream.indirect.gather [hbm4b:s4+s14], $0x10, s23, s14, $0xb8;
	[tilespmem:$0x8800] =	vst v63  }
0x20: {  	_ =	swait.ge [sflag:s17], $0x800  }
0x21: {  	[sflag:s17] =	ssyncset.done $0x0  }
0x22: {  	s29 =	simm.s32 $0x2800;
	[sflag:s17] =	ssyncadd.s32 $0xFFFFF800  }
0x23: {  	[spmem:s2] =	stream.indirect.scatter.add.f32 [tilespmem:s15], [sflag:$0x3], $0x10, s29, s14, $0xb8;
	[tilespmem:$0x8800] =	vst v63  }
0x24: {  	_ =	swait.ge [sflag:s12], $0x800  }
0x25: {  	[sflag:s12] =	ssyncset.done $0x0  }
0x26: {  	s30 =	simm.s32 $0x100;
	[sflag:s12] =	ssyncadd.s32 $0xFFFFF800  }
0x27: {  	[tilespmem:s15], [sflag:$0x1] =	stream.indirect.gather [hbm4b:s4+s14], $0x10, s30, s14, $0xb8;
	[tilespmem:$0x8800] =	vst v63  }
0x28: {  	_ =	swait.ge [sflag:s18], $0x800  }
0x29: {  	[sflag:s18] =	ssyncset.done $0x0  }
0x2a: {  	s31 =	simm.s32 $0x2880;
	[sflag:s18] =	ssyncadd.s32 $0xFFFFF800  }
0x2b: {  	[spmem:s2] =	stream.indirect.scatter.add.f32 [tilespmem:s16], [sflag:$0x3], $0x10, s31, s14, $0xb8;
	[tilespmem:$0x8800] =	vst v63  }
0x2c: {  	_ =	swait.ge [sflag:s12], $0x800  }
0x2d: {  	s24 =	simm.s32 $0x800;
	s23 =	simm.s32 $0x100;
	[sflag:s12] =	ssyncset.done $0x0  }
.LBB2_2:
0x2e: {  	s25 =	sadd.s32 $0x80, s23  }
0x2f: {  	[sflag:s12] =	ssyncadd.s32 $0xFFFFF800;
	s26 =	smov.u32 s24;
	s28 =	sadd.s32 $0x400, s24  }
0x30: {  	[tilespmem:s16], [sflag:$0x2] =	stream.indirect.gather [hbm4b:s4+s14], $0x10, s25, s14, $0xb8;
	[tilespmem:$0x8800] =	vst v63  }
0x31: {  	p0 =	sne.s32 s24, $0x9800;
	_ =	swait.ge [sflag:s17], $0x800  }
0x32: {  	[sflag:s17] =	ssyncset.done $0x0  }
0x33: {  	s24 =	sadd.s32 $0x2800, s23;
	[sflag:s17] =	ssyncadd.s32 $0xFFFFF800  }
0x34: {  	[spmem:s2] =	stream.indirect.scatter.add.f32 [tilespmem:s15], [sflag:$0x3], $0x10, s24, s14, $0xb8;
	[tilespmem:$0x8800] =	vst v63  }
0x35: {  	_ =	swait.ge [sflag:s12], $0x800  }
0x36: {  	[sflag:s12] =	ssyncset.done $0x0  }
0x37: {  	s24 =	sadd.s32 $0x100, s23;
	[sflag:s12] =	ssyncadd.s32 $0xFFFFF800  }
0x38: {  	[tilespmem:s15], [sflag:$0x1] =	stream.indirect.gather [hbm4b:s4+s14], $0x10, s24, s14, $0xb8;
	[tilespmem:$0x8800] =	vst v63  }
0x39: {  	_ =	swait.ge [sflag:s18], $0x800  }
.Ltmp0:
0x3a: {  	[sflag:s18] =	ssyncset.done $0x0;
	(pc) =	sbr.rel @p0 .LBB2_2-.Ltmp0, $4  }
0x3b: {  	s23 =	sadd.s32 $0x2880, s23;
	[sflag:s18] =	ssyncadd.s32 $0xFFFFF800  }
0x3c: {  	[spmem:s2] =	stream.indirect.scatter.add.f32 [tilespmem:s16], [sflag:$0x3], $0x10, s23, s14, $0xb8;
	[tilespmem:$0x8800] =	vst v63  }
0x3d: {  	_ =	swait.ge [sflag:s12], $0x800  }
0x3e: {  	s24 =	smov.u32 s28;
	s23 =	sshra.s32 s26, $0x2;
	[sflag:s12] =	ssyncset.done $0x0  }
0x3f: {  	s24 =	sadd.s32 $0x80, s23;
	[sflag:s12] =	ssyncadd.s32 $0xFFFFF800  }
0x40: {  	[tilespmem:s16], [sflag:$0x2] =	stream.indirect.gather [hbm4b:s4+s14], $0x10, s24, s14, $0xb8;
	[tilespmem:$0x8800] =	vst v63  }
0x41: {  	_ =	swait.ge [sflag:s17], $0x800  }
0x42: {  	[sflag:s17] =	ssyncset.done $0x0  }
0x43: {  	s29 =	sadd.s32 $0x2800, s23;
	[sflag:s17] =	ssyncadd.s32 $0xFFFFF800  }
0x44: {  	[spmem:s2] =	stream.indirect.scatter.add.f32 [tilespmem:s15], [sflag:$0x3], $0x10, s29, s14, $0xb8;
	[tilespmem:$0x8800] =	vst v63  }
0x45: {  	_ =	swait.ge [sflag:s12], $0x800  }
0x46: {  	[sflag:s12] =	ssyncset.done $0x0  }
0x47: {  	s30 =	sadd.s32 $0x100, s23;
	[sflag:s12] =	ssyncadd.s32 $0xFFFFF800  }
0x48: {  	[tilespmem:s15], [sflag:$0x1] =	stream.indirect.gather [hbm4b:s4+s14], $0x10, s30, s14, $0xb8;
	[tilespmem:$0x8800] =	vst v63  }
0x49: {  	_ =	swait.ge [sflag:s18], $0x800  }
0x4a: {  	[sflag:s18] =	ssyncset.done $0x0  }
0x4b: {  	s31 =	sadd.s32 $0x2880, s23;
	[sflag:s18] =	ssyncadd.s32 $0xFFFFF800  }
0x4c: {  	[spmem:s2] =	stream.indirect.scatter.add.f32 [tilespmem:s16], [sflag:$0x3], $0x10, s31, s14, $0xb8;
	[tilespmem:$0x8800] =	vst v63  }
0x4d: {  	_ =	swait.ge [sflag:s12], $0x800  }
0x4e: {  	[sflag:s12] =	ssyncset.done $0x0  }
0x4f: {  	[sflag:s12] =	ssyncadd.s32 $0xFFFFF800  }
0x50: {  	[tilespmem:s16], [sflag:$0x2] =	stream.indirect.gather [hbm4b:s4+s14], $0x10, s19, s14, $0xb8;
	[tilespmem:$0x8800] =	vst v63  }
0x51: {  	_ =	swait.ge [sflag:s17], $0x800  }
0x52: {  	[sflag:s17] =	ssyncset.done $0x0  }
0x53: {  	[sflag:s17] =	ssyncadd.s32 $0xFFFFF800  }
0x54: {  	[spmem:s2] =	stream.indirect.scatter.add.f32 [tilespmem:s15], [sflag:$0x3], $0x10, s20, s14, $0xb8;
	[tilespmem:$0x8800] =	vst v63  }
0x55: {  	_ =	swait.ge [sflag:s12], $0x800  }
0x56: {  	[sflag:s12] =	ssyncset.done $0x0  }
0x57: {  	[sflag:s12] =	ssyncadd.s32 $0xFFFFF800  }
0x58: {  	_ =	swait.ge [sflag:s18], $0x800  }
0x59: {  	[sflag:s18] =	ssyncset.done $0x0  }
0x5a: {  	[sflag:s18] =	ssyncadd.s32 $0xFFFFF800  }
0x5b: {  	[spmem:s2] =	stream.indirect.scatter.add.f32 [tilespmem:s16], [sflag:$0x3], $0x10, s21, s14, $0xb8;
	[tilespmem:$0x8800] =	vst v63  }
0x5c: {  	_ =	swait.ge [sflag:s12], $0x800  }
0x5d: {  	s22 =	sadd.s32 $0x1, s22;
	[sflag:s12] =	ssyncset.done $0x0  }
0x5e: {  	p0 =	sne.s32 s22, s10;
	[sflag:s12] =	ssyncadd.s32 $0xFFFFF800  }
.Ltmp1:
0x5f: {  	[bflag:$0x0] =	sbarrier.arrive $0xFFFF;
	(pc) =	sbr.rel @p0 .LBB2_1-.Ltmp1, $4  }
0x60: {  	[hbm:s9], [sflag:s6] =	dma.local [spmem:s11], $0x500  }
0x61: {  	_ =	swait.ge [sflag:s12], $0x500  }
0x62: {  	[sflag:s12] =	ssyncset.done $0x0  }
0x63: {  	[sflag:s12] =	ssyncadd.s32 $0xFFFFFB00  }
0x64: {  	_ =	sfence.sel $0x180000  }
0x65: {  	[bflag:$0x0] =	sbarrier.arrive $0xFFFF  }
0x66: {  	p0 =	sne.s32 s0, $0x0;
	_ =	strace $0x90000050  }
0x67: {  	s0 =	sadd.s32 @!p0 $0x100000, s1;
	[bflag:$0x2] =	sbarrier.arrive $0xFFFF  }
0x68: {  	[sflag:s0] =	ssyncadd.tile.s32 @!p0 $0x1;
	_ =	shalt  }
.Lfunc_end2:
_tile_overlayer_lowered:
.L_overlay_start_2:
0x69: {  	(tag) =	ssettag $0x2  }
0x6a: {  	s0 =	rddreg [dreg:$0x0];
	s2 =	stileid.u32  }
0x6b: {  	s1 =	rddreg [dreg:$0x1];
	p0 =	sne.s32 s2, $0x0  }
0x6c: {  	s3 =	rddreg [dreg:$0x2];
	[bflag:$0x3] =	sbarrier.arrive $0xFFFF;
	s2 =	simm.s32 @!p0 $0x1C03  }
0x6d: {  	[timem:s3], [sflag:s2] =	dma.local @!p0 [hbm:s0], s1  }
0x6e: {  	s0 =	simm.s32 @!p0 $0x3  }
0x6f: {  	_ =	swait.ge @!p0 [sflag:s0], s1  }
0x70: {  	s1 =	ssub.s32 @!p0 $0x0, s1;
	[sflag:s0] =	ssyncset.done @!p0 $0x0  }
0x71: {  	[sflag:s0] =	ssyncadd.s32 @!p0 s1  }
0x72: {  	[bflag:$0x3] =	sbarrier.arrive $0xFFFF  }
0x73: {  	_ =	shalt  }

// kernel: kernel.29.cloned.1.call-start
scs
__scs_entry_jumppad:
0x0: {  	(pc) =	sbr.rel $0x88, $3  }
0x1: {  	(tag) =	ssettag $0x0;
	lr =	simm.s32 $0x1  }
0x2: {  	[smem:$0x3F8D] =	sst lr;
	_ =	strace $0xD0000000  }
0x3: {  	_ = 	snop  }
0x4: {  	_ = 	snop  }
0x5: {  	_ = 	snop  }
0x6: {  	_ = 	snop  }
0x7: {  	_ = 	snop  }
__scs_overlays_trampoline_lowered:
0x8: {  	[smem:$0x3F9C] =	sst s0  }
0x9: {  	[smem:$0x3F9D] =	sst s1  }
0xa: {  	[smem:$0x3F9E] =	sst s2  }
0xb: {  	[smem:$0x3F9F] =	sst s3  }
0xc: {  	[smem:$0x3FA0] =	sst s4  }
0xd: {  	[smem:$0x3FA1] =	sst s5  }
0xe: {  	[smem:$0x3FA2] =	sst s6  }
0xf: {  	[smem:$0x3FA3] =	sst s7  }
0x10: {  	[smem:$0x3FA4] =	sst s8  }
0x11: {  	[smem:$0x3FA5] =	sst s9;
	s0 =	simm.s32 @!p0 $0x0  }
0x12: {  	s1 =	sld [smem:$0x3F8B];
	s0 =	simm.s32 @p0 $0x1  }
0x13: {  	[smem:$0x3FA6] =	sst s0;
	s0 =	simm.s32 @!p1 $0x0  }
0x14: {  	s2 =	sld [smem:$0x3F8A];
	s0 =	simm.s32 @p1 $0x1  }
0x15: {  	[smem:$0x3FA7] =	sst s0;
	s0 =	simm.s32 @!p2 $0x0  }
0x16: {  	s3 =	sld [smem:$0x3FDB];
	s0 =	simm.s32 @p2 $0x1  }
0x17: {  	s4 =	simm.s32 $0x1BF5;
	[smem:$0x3FA9] =	sst s0  }
0x18: {  	s0 =	sld [smem:$0x3F8C];
	_ =	swait.ge [sflag:s4], $0x0  }
0x19: {  	s7 =	sld [smem:$0x3F8D]  }
0x1a: {  	s8 =	sadd.s32 $0xFFFFE003, lr  }
0x1b: {  	s9 =	sadd.s32 $0xFFFFFEF7, lr;
	s5 =	simm.s32 $0xFFFFFFFF;
	p2 =	slt.u32 s8, $0xFFFFF086  }
0x1c: {  	p1 =	slt.u32 s9, $0xF7A;
	s5 =	simm.s32 @!p2 $0x0  }
0x1d: {  	s5 =	simm.s32 @p1 $0x1;
	p0 =	seq.s32 s7, s2  }
0x1e: {  	s7 =	smul.u32 @!p0 $0xF7A, s2;
	p2 =	seq.s32 @!p0 s5, $0x0  }
0x1f: {  	s9 =	smul.u32 $0xF7A, s1;
	s8 =	simm.s32 @!p0 $0x1BF5;
	p2 =	por !p2, p0  }
0x20: {  	[sflag:s8] =	ssyncset.s32 @!p0 $0xFFFFF086;
	s6 =	sadd.s32 @!p0 s3, s7;
	s7 =	simm.s32 @!p0 $0x108  }
0x21: {  	s3 =	sadd.s32 s3, s9;
	s6 =	sadd.s32 @!p0 $0x88, s6;
	s7 =	simm.s32 @p2 $0x1082  }
0x22: {  	[simem:s7], [sflag:s8] =	dma.local @!p0 [hbm:s6], $0xF7A  }
0x23: {  	s9 =	sor.u32 $0xD0000000, s2;
	s6 =	simm.s32 $0x108;
	_ =	swait.ge @!p0 [sflag:s8], $0x0  }
0x24: {  	s3 =	sadd.s32 $0x88, s3;
	s6 =	simm.s32 @!p1 $0x1082;
	[sflag:s4] =	ssyncset.s32 $0xFFFFF086  }
0x25: {  	[simem:s6], [sflag:s4] =	dma.local [hbm:s3], $0xF7A  }
0x26: {  	[smem:$0x3F8D] =	sst s1;
	(tag) =	ssettag s2;
	_ =	strace s9  }
0x27: {  	s1 =	sld [smem:$0x3F9D]  }
0x28: {  	s2 =	sld [smem:$0x3F9E]  }
0x29: {  	s4 =	sld [smem:$0x3FA0]  }
0x2a: {  	p0 =	seq.s32 s5, $0x0;
	s5 =	sld [smem:$0x3FA1]  }
0x2b: {  	s6 =	sld [smem:$0x3FA2]  }
0x2c: {  	s7 =	sld [smem:$0x3FA3]  }
0x2d: {  	s3 =	simm.s32 $0x108;
	s8 =	sld [smem:$0x3FA4]  }
0x2e: {  	s3 =	simm.s32 @!p0 $0x1082;
	s9 =	sld [smem:$0x3FA5]  }
0x2f: {  	lr =	sadd.s32 s0, s3;
	s0 =	sld [smem:$0x3F9C]  }
0x30: {  	s3 =	sld [smem:$0x3F9F]  }
0x31: {  	[smem:$0x3FA8] =	sst s10  }
0x32: {  	s10 =	sld [smem:$0x3FA6];
	_ =	sdelay $0x3  }
0x33: {  	p0 =	seq.s32 s10, $0x1;
	s10 =	sld [smem:$0x3FA8];
	_ =	sdelay $0x3  }
0x34: {  	[smem:$0x3FA8] =	sst s10  }
0x35: {  	s10 =	sld [smem:$0x3FA7];
	_ =	sdelay $0x3  }
0x36: {  	p1 =	seq.s32 s10, $0x1;
	s10 =	sld [smem:$0x3FA8];
	_ =	sdelay $0x3  }
0x37: {  	[smem:$0x3FA8] =	sst s10  }
0x38: {  	s10 =	sld [smem:$0x3FA9]  }
0x39: {  	_ = 	snop;
	(pc) =	sbr.ind lr, $3  }
0x3a: {  	_ = 	snop  }
0x3b: {  	_ = 	snop  }
0x3c: {  	p2 =	seq.s32 s10, $0x1;
	s10 =	sld [smem:$0x3FA8]  }
0x3d: {  	_ =	shalt  }
0x3e: {  	_ =	shalt  }
0x3f: {  	_ =	shalt  }
0x40: {  	_ =	shalt  }
0x41: {  	_ =	shalt  }
0x42: {  	_ =	shalt  }
0x43: {  	_ =	shalt  }
0x44: {  	_ =	shalt  }
0x45: {  	_ =	shalt  }
0x46: {  	_ =	shalt  }
0x47: {  	_ =	shalt  }
0x48: {  	_ =	shalt  }
0x49: {  	_ =	shalt  }
0x4a: {  	_ =	shalt  }
0x4b: {  	_ =	shalt  }
0x4c: {  	_ =	shalt  }
0x4d: {  	_ =	shalt  }
0x4e: {  	_ =	shalt  }
0x4f: {  	_ =	shalt  }
0x50: {  	_ =	shalt  }
0x51: {  	_ =	shalt  }
0x52: {  	_ =	shalt  }
0x53: {  	_ =	shalt  }
0x54: {  	_ =	shalt  }
0x55: {  	_ =	shalt  }
0x56: {  	_ =	shalt  }
0x57: {  	_ =	shalt  }
0x58: {  	_ =	shalt  }
0x59: {  	_ =	shalt  }
0x5a: {  	_ =	shalt  }
0x5b: {  	_ =	shalt  }
0x5c: {  	_ =	shalt  }
0x5d: {  	_ =	shalt  }
0x5e: {  	_ =	shalt  }
0x5f: {  	_ =	shalt  }
0x60: {  	_ =	shalt  }
0x61: {  	_ =	shalt  }
0x62: {  	_ =	shalt  }
0x63: {  	_ =	shalt  }
0x64: {  	_ =	shalt  }
0x65: {  	_ =	shalt  }
0x66: {  	_ =	shalt  }
0x67: {  	_ =	shalt  }
0x68: {  	_ =	shalt  }
0x69: {  	_ =	shalt  }
0x6a: {  	_ =	shalt  }
0x6b: {  	_ =	shalt  }
0x6c: {  	_ =	shalt  }
0x6d: {  	_ =	shalt  }
0x6e: {  	_ =	shalt  }
0x6f: {  	_ =	shalt  }
0x70: {  	_ =	shalt  }
0x71: {  	_ =	shalt  }
0x72: {  	_ =	shalt  }
0x73: {  	_ =	shalt  }
0x74: {  	_ =	shalt  }
0x75: {  	_ =	shalt  }
0x76: {  	_ =	shalt  }
0x77: {  	_ =	shalt  }
0x78: {  	_ =	shalt  }
0x79: {  	_ =	shalt  }
0x7a: {  	_ =	shalt  }
0x7b: {  	_ =	shalt  }
0x7c: {  	_ =	shalt  }
0x7d: {  	_ =	shalt  }
0x7e: {  	_ =	shalt  }
0x7f: {  	_ =	shalt  }
0x80: {  	_ =	shalt  }
0x81: {  	_ =	shalt  }
0x82: {  	_ =	shalt  }
0x83: {  	_ =	shalt  }
0x84: {  	_ =	shalt  }
0x85: {  	_ =	shalt  }
0x86: {  	_ =	shalt  }
0x87: {  	_ =	shalt  }
.Lfunc_end0:
.L_simem_size_0:
called_computation.4_lowered:
.L_overlay_start_0:
0x88: {  	s2 =	sld [smem:$0x3FD9]  }
0x89: {  	s3 =	sld [smem:$0x3FFE];
	_ =	sdelay $0x1  }
0x8a: {  	s1 =	srdreg.scid  }
0x8b: {  	s0 =	sand.u32 $0x1, s1  }
0x8c: {  	s16 =	sshll.u32 s0, $0xA;
	s2 =	sadd.s32 s3, s2  }
0x8d: {  	s2 =	sadd.s32 s2, s16  }
0x8e: {  	[smem:$0x3FB4] =	sst s2  }
0x8f: {  	_ = 	snop  }
0x90: {  	(tm) =	ssettm $0x1  }
0x91: {  	s17 =	sld [smem:$0x3FFB];
	_ =	sdelay $0x3  }
0x92: {  	_ =	strace s17  }
0x93: {  	s2 =	sld [smem:$0x3FFC];
	_ =	sdelay $0x3  }
0x94: {  	_ =	strace s2  }
0x95: {  	s2 =	sld [smem:$0x3FFD];
	_ =	sdelay $0x3  }
0x96: {  	_ =	strace s2  }
0x97: {  	_ =	strace $0x8FFFFFFF  }
0x98: {  	s18 =	sld [smem:$0x3FDB];
	_ =	sdelay $0x1  }
0x99: {  	s19 =	simm.s32 $_scs_section_size  }
0x9a: {  	s4 =	simm.s32 $_size__tile_overlayer_lowered;
	s5 =	simm.s32 $_tile_overlayer_lowered  }
0x9b: {  	s22 =	simm.s32 $0x1BFF;
	s21 =	sshll.u32 s5, $0x1;
	s2 =	sadd.s32 s19, s18  }
0x9c: {  	s6 =	simm.s32 $0x0;
	s20 =	sshll.u32 s4, $0x1;
	s4 =	sadd.s32 s21, s2  }
0x9d: {  	[timem:s6], [sflag:s22] =	dma.local [hbm:s4], s20  }
0x9e: {  	_ =	swait.ge [sflag:s22], s20  }
0x9f: {  	s3 =	ssub.s32 $0x0, s20;
	[sflag:s22] =	ssyncset.done $0x0  }
0xa0: {  	[sflag:s22] =	ssyncadd.s32 s3;
	_ =	sdelay $0x1  }
0xa1: {  	s23 =	simm.s32 $0x1B8B  }
0xa2: {  	_ =	swait.ge [sflag:s23], $0x1  }
0xa3: {  	[sflag:s23] =	ssyncset.done $0x0  }
0xa4: {  	s25 =	simm.s32 $0x1B8E;
	s24 =	sld [smem:$0x3FFE];
	[sflag:s23] =	ssyncadd.s32 $0xFFFFFFFF  }
0xa5: {  	s26 =	simm.s32 $execute0_lowered;
	[smem:$0x3FD2] =	sst s25  }
0xa6: {  	s4 =	sshll.u32 s26, $0x1;
	_ =	strace $0x80000052;
	[dreg:$0x1] =	wrdreg $0xFFFFFFFF  }
0xa7: {  	s28 =	simm.s32 $_size_execute0_lowered;
	s2 =	sadd.s32 s2, s4;
	[dreg:$0x0] =	wrdreg $0x0  }
0xa8: {  	s4 =	sshll.u32 s28, $0x1;
	[dreg:$0x2] =	wrdreg s2  }
0xa9: {  	[dreg:$0x3] =	wrdreg s4  }
0xaa: {  	[dreg:$0x4] =	wrdreg $0xC0  }
0xab: {  	_ =	task [dreg:s6], $0x5FFFF  }
0xac: {  	[dreg:$0x1] =	wrdreg $0xFFFFFFFF  }
0xad: {  	[dreg:$0x0] =	wrdreg $0x60  }
0xae: {  	[dreg:$0x2] =	wrdreg s24  }
0xaf: {  	[dreg:$0x3] =	wrdreg $0xA8000  }
0xb0: {  	[dreg:$0x4] =	wrdreg $0x9  }
0xb1: {  	_ =	task.clear_ibuf [dreg:s6], $0x5FFFF;
	_ =	strace $0x90000052  }
0xb2: {  	s29 =	simm.s32 $0x9;
	_ =	strace $0x80000054  }
0xb3: {  	_ =	swait.ge [sflag:s29], $0x1  }
0xb4: {  	[sflag:s29] =	ssyncadd.s32 $0xFFFFFFFF  }
0xb5: {  	_ =	strace $0x90000054  }
0xb6: {  	_ =	sfence  }
0xb7: {  	s30 =	sld [smem:$0x0];
	_ =	sdelay $0x2  }
0xb8: {  	s31 =	sshll.u32 s1, $0xD;
	s1 =	sshrl.u32 s1, $0x2  }
0xb9: {  	s3 =	sand.u32 $0x4000, s31;
	s1 =	sadd.s32 s1, s30  }
0xba: {  	s0 =	sor.u32 s3, s0;
	s1 =	sshll.u32 s1, $0x11  }
0xbb: {  	s0 =	sor.u32 s1, s0  }
0xbc: {  	s0 =	sadd.s32 $0x8F2B, s0  }
0xbd: {  	[sflag:s0] =	ssyncadd.remote.s32 $0x1  }
0xbe: {  	_ =	sfence.sel $0xFFFF  }
0xbf: {  	[dreg:$0x0] =	wrdreg $0xFFFFFFFF;
	(pc) =	sbr.abs _section_cstart, $3  }
0xc0: {  	[dreg:$0x1] =	wrdreg $0xFFFFFFFF  }
0xc1: {  	_ =	task.clear_ibuf [dreg:s6], $0x2FFFF;
	_ =	strace $0x9FFFFFFF  }
0xc2: {  	(tm) =	ssettm $0x7FFFFFFF  }
0xc3: {  	_ =	shalt  }
tec
execute0_lowered:
.L_overlay_start_1:
0x0: {  	(tag) =	ssettag $0x1  }
0x1: {  	s5 =	rddreg [dreg:$0x0]  }
0x2: {  	s2 =	rddreg [dreg:$0x1]  }
0x3: {  	s0 =	rddreg [dreg:$0x2];
	s3 =	simm.s32 $0x0  }
0x4: {  	s1 =	stileid.u32;
	s4 =	srdreg.scid;
	s15 =	simm.s32 $0x1400  }
0x5: {  	s16 =	simm.s32 $0x80;
	s17 =	simm.s32 $0x2800;
	s18 =	simm.s32 $0x6800  }
0x6: {  	s19 =	simm.s32 $0x1;
	s20 =	simm.s32 $0x2;
	s21 =	simm.s32 $0x1380  }
0x7: {  	s22 =	simm.s32 $0x2700;
	s23 =	simm.s32 $0x2780;
	s24 =	simm.s32 $0x0  }
0x8: {  	[smem:$0x7FF] =	sst s3;
	s6 =	smul.u32 $0x14000, s1;
	s7 =	sand.u32 $0x1, s4  }
0x9: {  	s4 =	sadd.s32 $0xCC200, s5;
	s9 =	sadd.s32 $0x22200, s5;
	s10 =	sadd.s32 $0x4200, s5  }
0xa: {  	s12 =	sshll.u32 s1, $0x1;
	s29 =	sshll.u32 s1, $0x6;
	_ =	strace $0x80000053  }
0xb: {  	s8 =	smul.u32 $0x140000, s7;
	s13 =	ssub.s32 $0x2, s7;
	s7 =	sor.u32 s7, s12  }
0xc: {  	s11 =	sshrl.u32 s6, $0x3;
	s26 =	sshrl.u32 s13, $0x1;
	s7 =	smul.u32 $0x2800, s7  }
0xd: {  	s28 =	sadd.s32 s6, s2;
	s8 =	sadd.s32 s6, s8;
	s11 =	sadd.s32 s11, s5  }
0xe: {  	s12 =	ssub.s32 s13, s26;
	s6 =	sor.u32 $0x1C03, s29;
	s13 =	sshrl.u32 s28, $0x3  }
0xf: {  	s8 =	sshrl.u32 s8, $0x3;
	s30 =	sshrl.u32 s7, $0x3;
	s12 =	smax.u32 s12, $0x1  }
0x10: {  	s14 =	sadd.s32 s8, s5;
	s5 =	sadd.s32 $0xA4200, s11;
	s31 =	sadd.s32 $0x280, s30  }
0x11: {  	s7 =	sadd.s32 s9, s30;
	s8 =	sadd.s32 s10, s30;
	s9 =	sadd.s32 s9, s31  }
0x12: {  	s10 =	sadd.s32 s10, s31;
	s11 =	sadd.s32 $0xF4200, s14;
	s14 =	simm.s32 $0x3  }
.LBB2_1:
0x13: {  	[spmem:s13], [sflag:s6] =	dma.local [hbm:s5], $0x2800  }
0x14: {  	_ =	swait.ge [sflag:s14], $0x2800  }
0x15: {  	[sflag:s14] =	ssyncset.done $0x0  }
0x16: {  	[sflag:s14] =	ssyncadd.s32 $0xFFFFD800  }
0x17: {  	[bflag:$0x0] =	sbarrier.arrive $0xFFFF  }
0x18: {  	[tilespmem:s3], [sflag:$0x3] =	stream.linear.gather [hbm4b:s7+s3], $0x1400, $0x38;
	[tilespmem:$0x1E800] =	vst v63  }
0x19: {  	_ =	swait.ge [sflag:s14], $0x1400  }
0x1a: {  	[sflag:s14] =	ssyncset.done $0x0  }
0x1b: {  	[sflag:s14] =	ssyncadd.s32 $0xFFFFEC00  }
0x1c: {  	[tilespmem:s15], [sflag:$0x3] =	stream.linear.gather [hbm4b:s8+s3], $0x1400, $0x38;
	[tilespmem:$0x1E800] =	vst v63  }
0x1d: {  	_ =	swait.ge [sflag:s14], $0x1400  }
0x1e: {  	[sflag:s14] =	ssyncset.done $0x0  }
0x1f: {  	[sflag:s14] =	ssyncadd.s32 $0xFFFFEC00  }
0x20: {  	[tilespmem:s17], [sflag:$0x1] =	stream.indirect.gather [hbm4b:s4+s16], $0x80, s3, s16, $0xb8;
	[tilespmem:$0x1E800] =	vst v63  }
0x21: {  	s25 =	simm.s32 $0x80  }
0x22: {  	[tilespmem:s18], [sflag:$0x2] =	stream.indirect.gather [hbm4b:s4+s16], $0x80, s25, s16, $0xb8;
	[tilespmem:$0x1E800] =	vst v63  }
0x23: {  	_ =	swait.ge [sflag:s19], $0x4000  }
0x24: {  	[sflag:s19] =	ssyncset.done $0x0  }
0x25: {  	s29 =	simm.s32 $0x1400;
	[sflag:s19] =	ssyncadd.s32 $0xFFFFC000  }
0x26: {  	[spmem:s2] =	stream.indirect.scatter.add.f32 [tilespmem:s17], [sflag:$0x3], $0x80, s29, s16, $0xb8;
	[tilespmem:$0x1E800] =	vst v63  }
0x27: {  	_ =	swait.ge [sflag:s14], $0x4000  }
0x28: {  	[sflag:s14] =	ssyncset.done $0x0  }
0x29: {  	s30 =	simm.s32 $0x100;
	[sflag:s14] =	ssyncadd.s32 $0xFFFFC000  }
0x2a: {  	[tilespmem:s17], [sflag:$0x1] =	stream.indirect.gather [hbm4b:s4+s16], $0x80, s30, s16, $0xb8;
	[tilespmem:$0x1E800] =	vst v63  }
0x2b: {  	_ =	swait.ge [sflag:s20], $0x4000  }
0x2c: {  	[sflag:s20] =	ssyncset.done $0x0  }
0x2d: {  	s31 =	simm.s32 $0x1480;
	[sflag:s20] =	ssyncadd.s32 $0xFFFFC000  }
0x2e: {  	[spmem:s2] =	stream.indirect.scatter.add.f32 [tilespmem:s18], [sflag:$0x3], $0x80, s31, s16, $0xb8;
	[tilespmem:$0x1E800] =	vst v63  }
0x2f: {  	_ =	swait.ge [sflag:s14], $0x4000  }
0x30: {  	s26 =	simm.s32 $0x800;
	s25 =	simm.s32 $0x100;
	[sflag:s14] =	ssyncset.done $0x0  }
.LBB2_2:
0x31: {  	s28 =	sadd.s32 $0x80, s25  }
0x32: {  	[sflag:s14] =	ssyncadd.s32 $0xFFFFC000;
	s29 =	smov.u32 s26;
	s30 =	sadd.s32 $0x400, s26  }
0x33: {  	[tilespmem:s18], [sflag:$0x2] =	stream.indirect.gather [hbm4b:s4+s16], $0x80, s28, s16, $0xb8;
	[tilespmem:$0x1E800] =	vst v63  }
0x34: {  	p0 =	sne.s32 s26, $0x4800;
	_ =	swait.ge [sflag:s19], $0x4000  }
0x35: {  	[sflag:s19] =	ssyncset.done $0x0  }
0x36: {  	s26 =	sadd.s32 $0x1400, s25;
	[sflag:s19] =	ssyncadd.s32 $0xFFFFC000  }
0x37: {  	[spmem:s2] =	stream.indirect.scatter.add.f32 [tilespmem:s17], [sflag:$0x3], $0x80, s26, s16, $0xb8;
	[tilespmem:$0x1E800] =	vst v63  }
0x38: {  	_ =	swait.ge [sflag:s14], $0x4000  }
0x39: {  	[sflag:s14] =	ssyncset.done $0x0  }
0x3a: {  	s26 =	sadd.s32 $0x100, s25;
	[sflag:s14] =	ssyncadd.s32 $0xFFFFC000  }
0x3b: {  	[tilespmem:s17], [sflag:$0x1] =	stream.indirect.gather [hbm4b:s4+s16], $0x80, s26, s16, $0xb8;
	[tilespmem:$0x1E800] =	vst v63  }
0x3c: {  	_ =	swait.ge [sflag:s20], $0x4000  }
.Ltmp0:
0x3d: {  	[sflag:s20] =	ssyncset.done $0x0;
	(pc) =	sbr.rel @p0 .LBB2_2-.Ltmp0, $4  }
0x3e: {  	s25 =	sadd.s32 $0x1480, s25;
	[sflag:s20] =	ssyncadd.s32 $0xFFFFC000  }
0x3f: {  	[spmem:s2] =	stream.indirect.scatter.add.f32 [tilespmem:s18], [sflag:$0x3], $0x80, s25, s16, $0xb8;
	[tilespmem:$0x1E800] =	vst v63  }
0x40: {  	_ =	swait.ge [sflag:s14], $0x4000  }
0x41: {  	s26 =	smov.u32 s30;
	s25 =	sshra.s32 s29, $0x2;
	[sflag:s14] =	ssyncset.done $0x0  }
0x42: {  	s26 =	sadd.s32 $0x80, s25;
	[sflag:s14] =	ssyncadd.s32 $0xFFFFC000  }
0x43: {  	[tilespmem:s18], [sflag:$0x2] =	stream.indirect.gather [hbm4b:s4+s16], $0x80, s26, s16, $0xb8;
	[tilespmem:$0x1E800] =	vst v63  }
0x44: {  	_ =	swait.ge [sflag:s19], $0x4000  }
0x45: {  	[sflag:s19] =	ssyncset.done $0x0  }
0x46: {  	s29 =	sadd.s32 $0x1400, s25;
	[sflag:s19] =	ssyncadd.s32 $0xFFFFC000  }
0x47: {  	[spmem:s2] =	stream.indirect.scatter.add.f32 [tilespmem:s17], [sflag:$0x3], $0x80, s29, s16, $0xb8;
	[tilespmem:$0x1E800] =	vst v63  }
0x48: {  	_ =	swait.ge [sflag:s14], $0x4000  }
0x49: {  	[sflag:s14] =	ssyncset.done $0x0  }
0x4a: {  	s30 =	sadd.s32 $0x100, s25;
	[sflag:s14] =	ssyncadd.s32 $0xFFFFC000  }
0x4b: {  	[tilespmem:s17], [sflag:$0x1] =	stream.indirect.gather [hbm4b:s4+s16], $0x80, s30, s16, $0xb8;
	[tilespmem:$0x1E800] =	vst v63  }
0x4c: {  	_ =	swait.ge [sflag:s20], $0x4000  }
0x4d: {  	[sflag:s20] =	ssyncset.done $0x0  }
0x4e: {  	s31 =	sadd.s32 $0x1480, s25;
	[sflag:s20] =	ssyncadd.s32 $0xFFFFC000  }
0x4f: {  	[spmem:s2] =	stream.indirect.scatter.add.f32 [tilespmem:s18], [sflag:$0x3], $0x80, s31, s16, $0xb8;
	[tilespmem:$0x1E800] =	vst v63  }
0x50: {  	_ =	swait.ge [sflag:s14], $0x4000  }
0x51: {  	[sflag:s14] =	ssyncset.done $0x0  }
0x52: {  	[sflag:s14] =	ssyncadd.s32 $0xFFFFC000  }
0x53: {  	[tilespmem:s18], [sflag:$0x2] =	stream.indirect.gather [hbm4b:s4+s16], $0x80, s21, s16, $0xb8;
	[tilespmem:$0x1E800] =	vst v63  }
0x54: {  	_ =	swait.ge [sflag:s19], $0x4000  }
0x55: {  	[sflag:s19] =	ssyncset.done $0x0  }
0x56: {  	[sflag:s19] =	ssyncadd.s32 $0xFFFFC000  }
0x57: {  	[spmem:s2] =	stream.indirect.scatter.add.f32 [tilespmem:s17], [sflag:$0x3], $0x80, s22, s16, $0xb8;
	[tilespmem:$0x1E800] =	vst v63  }
0x58: {  	_ =	swait.ge [sflag:s14], $0x4000  }
0x59: {  	[sflag:s14] =	ssyncset.done $0x0  }
0x5a: {  	[sflag:s14] =	ssyncadd.s32 $0xFFFFC000  }
0x5b: {  	_ =	swait.ge [sflag:s20], $0x4000  }
0x5c: {  	[sflag:s20] =	ssyncset.done $0x0  }
0x5d: {  	[sflag:s20] =	ssyncadd.s32 $0xFFFFC000  }
0x5e: {  	[spmem:s2] =	stream.indirect.scatter.add.f32 [tilespmem:s18], [sflag:$0x3], $0x80, s23, s16, $0xb8;
	[tilespmem:$0x1E800] =	vst v63  }
0x5f: {  	_ =	swait.ge [sflag:s14], $0x4000  }
0x60: {  	[sflag:s14] =	ssyncset.done $0x0  }
0x61: {  	s26 =	simm.s32 $0x0;
	[sflag:s14] =	ssyncadd.s32 $0xFFFFC000  }
0x62: {  	[tilespmem:s26], [sflag:$0x3] =	stream.linear.gather [hbm4b:s9+s26], $0x1400, $0x38;
	[tilespmem:$0x1E800] =	vst v63  }
0x63: {  	_ =	swait.ge [sflag:s14], $0x1400  }
0x64: {  	[sflag:s14] =	ssyncset.done $0x0  }
0x65: {  	[sflag:s14] =	ssyncadd.s32 $0xFFFFEC00  }
0x66: {  	[tilespmem:s15], [sflag:$0x3] =	stream.linear.gather [hbm4b:s10+s26], $0x1400, $0x38;
	[tilespmem:$0x1E800] =	vst v63  }
0x67: {  	_ =	swait.ge [sflag:s14], $0x1400  }
0x68: {  	[sflag:s14] =	ssyncset.done $0x0  }
0x69: {  	[sflag:s14] =	ssyncadd.s32 $0xFFFFEC00  }
0x6a: {  	[tilespmem:s17], [sflag:$0x1] =	stream.indirect.gather [hbm4b:s4+s16], $0x80, s26, s16, $0xb8;
	[tilespmem:$0x1E800] =	vst v63  }
0x6b: {  	s28 =	simm.s32 $0x80  }
0x6c: {  	[tilespmem:s18], [sflag:$0x2] =	stream.indirect.gather [hbm4b:s4+s16], $0x80, s28, s16, $0xb8;
	[tilespmem:$0x1E800] =	vst v63  }
0x6d: {  	_ =	swait.ge [sflag:s19], $0x4000  }
0x6e: {  	[sflag:s19] =	ssyncset.done $0x0  }
0x6f: {  	s29 =	simm.s32 $0x1400;
	[sflag:s19] =	ssyncadd.s32 $0xFFFFC000  }
0x70: {  	[spmem:s2] =	stream.indirect.scatter.add.f32 [tilespmem:s17], [sflag:$0x3], $0x80, s29, s16, $0xb8;
	[tilespmem:$0x1E800] =	vst v63  }
0x71: {  	_ =	swait.ge [sflag:s14], $0x4000  }
0x72: {  	[sflag:s14] =	ssyncset.done $0x0  }
0x73: {  	s30 =	simm.s32 $0x100;
	[sflag:s14] =	ssyncadd.s32 $0xFFFFC000  }
0x74: {  	[tilespmem:s17], [sflag:$0x1] =	stream.indirect.gather [hbm4b:s4+s16], $0x80, s30, s16, $0xb8;
	[tilespmem:$0x1E800] =	vst v63  }
0x75: {  	_ =	swait.ge [sflag:s20], $0x4000  }
0x76: {  	[sflag:s20] =	ssyncset.done $0x0  }
0x77: {  	s31 =	simm.s32 $0x1480;
	[sflag:s20] =	ssyncadd.s32 $0xFFFFC000  }
0x78: {  	[spmem:s2] =	stream.indirect.scatter.add.f32 [tilespmem:s18], [sflag:$0x3], $0x80, s31, s16, $0xb8;
	[tilespmem:$0x1E800] =	vst v63  }
0x79: {  	_ =	swait.ge [sflag:s14], $0x4000  }
0x7a: {  	s25 =	simm.s32 $0x100;
	s26 =	simm.s32 $0x800;
	[sflag:s14] =	ssyncset.done $0x0  }
.LBB2_4:
0x7b: {  	s28 =	sadd.s32 $0x80, s25  }
0x7c: {  	[sflag:s14] =	ssyncadd.s32 $0xFFFFC000;
	s29 =	smov.u32 s26;
	s30 =	sadd.s32 $0x400, s26  }
0x7d: {  	[tilespmem:s18], [sflag:$0x2] =	stream.indirect.gather [hbm4b:s4+s16], $0x80, s28, s16, $0xb8;
	[tilespmem:$0x1E800] =	vst v63  }
0x7e: {  	p0 =	sne.s32 s26, $0x4800;
	_ =	swait.ge [sflag:s19], $0x4000  }
0x7f: {  	[sflag:s19] =	ssyncset.done $0x0  }
0x80: {  	s26 =	sadd.s32 $0x1400, s25;
	[sflag:s19] =	ssyncadd.s32 $0xFFFFC000  }
0x81: {  	[spmem:s2] =	stream.indirect.scatter.add.f32 [tilespmem:s17], [sflag:$0x3], $0x80, s26, s16, $0xb8;
	[tilespmem:$0x1E800] =	vst v63  }
0x82: {  	_ =	swait.ge [sflag:s14], $0x4000  }
0x83: {  	[sflag:s14] =	ssyncset.done $0x0  }
0x84: {  	s26 =	sadd.s32 $0x100, s25;
	[sflag:s14] =	ssyncadd.s32 $0xFFFFC000  }
0x85: {  	[tilespmem:s17], [sflag:$0x1] =	stream.indirect.gather [hbm4b:s4+s16], $0x80, s26, s16, $0xb8;
	[tilespmem:$0x1E800] =	vst v63  }
0x86: {  	_ =	swait.ge [sflag:s20], $0x4000  }
.Ltmp1:
0x87: {  	[sflag:s20] =	ssyncset.done $0x0;
	(pc) =	sbr.rel @p0 .LBB2_4-.Ltmp1, $4  }
0x88: {  	s25 =	sadd.s32 $0x1480, s25;
	[sflag:s20] =	ssyncadd.s32 $0xFFFFC000  }
0x89: {  	[spmem:s2] =	stream.indirect.scatter.add.f32 [tilespmem:s18], [sflag:$0x3], $0x80, s25, s16, $0xb8;
	[tilespmem:$0x1E800] =	vst v63  }
0x8a: {  	_ =	swait.ge [sflag:s14], $0x4000  }
0x8b: {  	s26 =	smov.u32 s30;
	s25 =	sshra.s32 s29, $0x2;
	[sflag:s14] =	ssyncset.done $0x0  }
0x8c: {  	s26 =	sadd.s32 $0x80, s25;
	[sflag:s14] =	ssyncadd.s32 $0xFFFFC000  }
0x8d: {  	[tilespmem:s18], [sflag:$0x2] =	stream.indirect.gather [hbm4b:s4+s16], $0x80, s26, s16, $0xb8;
	[tilespmem:$0x1E800] =	vst v63  }
0x8e: {  	_ =	swait.ge [sflag:s19], $0x4000  }
0x8f: {  	[sflag:s19] =	ssyncset.done $0x0  }
0x90: {  	s29 =	sadd.s32 $0x1400, s25;
	[sflag:s19] =	ssyncadd.s32 $0xFFFFC000  }
0x91: {  	[spmem:s2] =	stream.indirect.scatter.add.f32 [tilespmem:s17], [sflag:$0x3], $0x80, s29, s16, $0xb8;
	[tilespmem:$0x1E800] =	vst v63  }
0x92: {  	_ =	swait.ge [sflag:s14], $0x4000  }
0x93: {  	[sflag:s14] =	ssyncset.done $0x0  }
0x94: {  	s30 =	sadd.s32 $0x100, s25;
	[sflag:s14] =	ssyncadd.s32 $0xFFFFC000  }
0x95: {  	[tilespmem:s17], [sflag:$0x1] =	stream.indirect.gather [hbm4b:s4+s16], $0x80, s30, s16, $0xb8;
	[tilespmem:$0x1E800] =	vst v63  }
0x96: {  	_ =	swait.ge [sflag:s20], $0x4000  }
0x97: {  	[sflag:s20] =	ssyncset.done $0x0  }
0x98: {  	s31 =	sadd.s32 $0x1480, s25;
	[sflag:s20] =	ssyncadd.s32 $0xFFFFC000  }
0x99: {  	[spmem:s2] =	stream.indirect.scatter.add.f32 [tilespmem:s18], [sflag:$0x3], $0x80, s31, s16, $0xb8;
	[tilespmem:$0x1E800] =	vst v63  }
0x9a: {  	_ =	swait.ge [sflag:s14], $0x4000  }
0x9b: {  	[sflag:s14] =	ssyncset.done $0x0  }
0x9c: {  	[sflag:s14] =	ssyncadd.s32 $0xFFFFC000  }
0x9d: {  	[tilespmem:s18], [sflag:$0x2] =	stream.indirect.gather [hbm4b:s4+s16], $0x80, s21, s16, $0xb8;
	[tilespmem:$0x1E800] =	vst v63  }
0x9e: {  	_ =	swait.ge [sflag:s19], $0x4000  }
0x9f: {  	[sflag:s19] =	ssyncset.done $0x0  }
0xa0: {  	[sflag:s19] =	ssyncadd.s32 $0xFFFFC000  }
0xa1: {  	[spmem:s2] =	stream.indirect.scatter.add.f32 [tilespmem:s17], [sflag:$0x3], $0x80, s22, s16, $0xb8;
	[tilespmem:$0x1E800] =	vst v63  }
0xa2: {  	_ =	swait.ge [sflag:s14], $0x4000  }
0xa3: {  	[sflag:s14] =	ssyncset.done $0x0  }
0xa4: {  	[sflag:s14] =	ssyncadd.s32 $0xFFFFC000  }
0xa5: {  	_ =	swait.ge [sflag:s20], $0x4000  }
0xa6: {  	[sflag:s20] =	ssyncset.done $0x0  }
0xa7: {  	[sflag:s20] =	ssyncadd.s32 $0xFFFFC000  }
0xa8: {  	[spmem:s2] =	stream.indirect.scatter.add.f32 [tilespmem:s18], [sflag:$0x3], $0x80, s23, s16, $0xb8;
	[tilespmem:$0x1E800] =	vst v63  }
0xa9: {  	_ =	swait.ge [sflag:s14], $0x4000  }
0xaa: {  	s24 =	sadd.s32 $0x1, s24;
	[sflag:s14] =	ssyncset.done $0x0  }
0xab: {  	p0 =	sne.s32 s24, s12;
	[sflag:s14] =	ssyncadd.s32 $0xFFFFC000  }
.Ltmp2:
0xac: {  	[bflag:$0x0] =	sbarrier.arrive $0xFFFF;
	(pc) =	sbr.rel @p0 .LBB2_1-.Ltmp2, $4  }
0xad: {  	[hbm:s11], [sflag:s6] =	dma.local [spmem:s13], $0x2800  }
0xae: {  	_ =	swait.ge [sflag:s14], $0x2800  }
0xaf: {  	[sflag:s14] =	ssyncset.done $0x0  }
0xb0: {  	[sflag:s14] =	ssyncadd.s32 $0xFFFFD800  }
0xb1: {  	_ =	sfence.sel $0x180000  }
0xb2: {  	[bflag:$0x0] =	sbarrier.arrive $0xFFFF  }
0xb3: {  	p0 =	sne.s32 s1, $0x0;
	_ =	strace $0x90000053  }
0xb4: {  	s0 =	sadd.s32 @!p0 $0x100000, s0;
	[bflag:$0x2] =	sbarrier.arrive $0xFFFF  }
0xb5: {  	[sflag:s0] =	ssyncadd.tile.s32 @!p0 $0x1;
	_ =	shalt  }
.Lfunc_end2:
_tile_overlayer_lowered:
.L_overlay_start_2:
0xb6: {  	(tag) =	ssettag $0x2  }
0xb7: {  	s0 =	rddreg [dreg:$0x0];
	s2 =	stileid.u32  }
0xb8: {  	s1 =	rddreg [dreg:$0x1];
	p0 =	sne.s32 s2, $0x0  }
0xb9: {  	s3 =	rddreg [dreg:$0x2];
	[bflag:$0x3] =	sbarrier.arrive $0xFFFF;
	s2 =	simm.s32 @!p0 $0x1C03  }
0xba: {  	[timem:s3], [sflag:s2] =	dma.local @!p0 [hbm:s0], s1  }
0xbb: {  	s0 =	simm.s32 @!p0 $0x3  }
0xbc: {  	_ =	swait.ge @!p0 [sflag:s0], s1  }
0xbd: {  	s1 =	ssub.s32 @!p0 $0x0, s1;
	[sflag:s0] =	ssyncset.done @!p0 $0x0  }
0xbe: {  	[sflag:s0] =	ssyncadd.s32 @!p0 s1  }
0xbf: {  	[bflag:$0x3] =	sbarrier.arrive $0xFFFF  }
0xc0: {  	_ =	shalt  }

// kernel: kernel.32.cloned.1.call-start
scs
__scs_entry_jumppad:
0x0: {  	(pc) =	sbr.rel $0x88, $3  }
0x1: {  	(tag) =	ssettag $0x0;
	lr =	simm.s32 $0x1  }
0x2: {  	[smem:$0x3F8D] =	sst lr;
	_ =	strace $0xD0000000  }
0x3: {  	_ = 	snop  }
0x4: {  	_ = 	snop  }
0x5: {  	_ = 	snop  }
0x6: {  	_ = 	snop  }
0x7: {  	_ = 	snop  }
__scs_overlays_trampoline_lowered:
0x8: {  	[smem:$0x3F9C] =	sst s0  }
0x9: {  	[smem:$0x3F9D] =	sst s1  }
0xa: {  	[smem:$0x3F9E] =	sst s2  }
0xb: {  	[smem:$0x3F9F] =	sst s3  }
0xc: {  	[smem:$0x3FA0] =	sst s4  }
0xd: {  	[smem:$0x3FA1] =	sst s5  }
0xe: {  	[smem:$0x3FA2] =	sst s6  }
0xf: {  	[smem:$0x3FA3] =	sst s7  }
0x10: {  	[smem:$0x3FA4] =	sst s8  }
0x11: {  	[smem:$0x3FA5] =	sst s9;
	s0 =	simm.s32 @!p0 $0x0  }
0x12: {  	s1 =	sld [smem:$0x3F8B];
	s0 =	simm.s32 @p0 $0x1  }
0x13: {  	[smem:$0x3FA6] =	sst s0;
	s0 =	simm.s32 @!p1 $0x0  }
0x14: {  	s2 =	sld [smem:$0x3F8A];
	s0 =	simm.s32 @p1 $0x1  }
0x15: {  	[smem:$0x3FA7] =	sst s0;
	s0 =	simm.s32 @!p2 $0x0  }
0x16: {  	s3 =	sld [smem:$0x3FDB];
	s0 =	simm.s32 @p2 $0x1  }
0x17: {  	s4 =	simm.s32 $0x1BF5;
	[smem:$0x3FA9] =	sst s0  }
0x18: {  	s0 =	sld [smem:$0x3F8C];
	_ =	swait.ge [sflag:s4], $0x0  }
0x19: {  	s7 =	sld [smem:$0x3F8D]  }
0x1a: {  	s8 =	sadd.s32 $0xFFFFE003, lr  }
0x1b: {  	s9 =	sadd.s32 $0xFFFFFEF7, lr;
	s5 =	simm.s32 $0xFFFFFFFF;
	p2 =	slt.u32 s8, $0xFFFFF086  }
0x1c: {  	p1 =	slt.u32 s9, $0xF7A;
	s5 =	simm.s32 @!p2 $0x0  }
0x1d: {  	s5 =	simm.s32 @p1 $0x1;
	p0 =	seq.s32 s7, s2  }
0x1e: {  	s7 =	smul.u32 @!p0 $0xF7A, s2;
	p2 =	seq.s32 @!p0 s5, $0x0  }
0x1f: {  	s9 =	smul.u32 $0xF7A, s1;
	s8 =	simm.s32 @!p0 $0x1BF5;
	p2 =	por !p2, p0  }
0x20: {  	[sflag:s8] =	ssyncset.s32 @!p0 $0xFFFFF086;
	s6 =	sadd.s32 @!p0 s3, s7;
	s7 =	simm.s32 @!p0 $0x108  }
0x21: {  	s3 =	sadd.s32 s3, s9;
	s6 =	sadd.s32 @!p0 $0x88, s6;
	s7 =	simm.s32 @p2 $0x1082  }
0x22: {  	[simem:s7], [sflag:s8] =	dma.local @!p0 [hbm:s6], $0xF7A  }
0x23: {  	s9 =	sor.u32 $0xD0000000, s2;
	s6 =	simm.s32 $0x108;
	_ =	swait.ge @!p0 [sflag:s8], $0x0  }
0x24: {  	s3 =	sadd.s32 $0x88, s3;
	s6 =	simm.s32 @!p1 $0x1082;
	[sflag:s4] =	ssyncset.s32 $0xFFFFF086  }
0x25: {  	[simem:s6], [sflag:s4] =	dma.local [hbm:s3], $0xF7A  }
0x26: {  	[smem:$0x3F8D] =	sst s1;
	(tag) =	ssettag s2;
	_ =	strace s9  }
0x27: {  	s1 =	sld [smem:$0x3F9D]  }
0x28: {  	s2 =	sld [smem:$0x3F9E]  }
0x29: {  	s4 =	sld [smem:$0x3FA0]  }
0x2a: {  	p0 =	seq.s32 s5, $0x0;
	s5 =	sld [smem:$0x3FA1]  }
0x2b: {  	s6 =	sld [smem:$0x3FA2]  }
0x2c: {  	s7 =	sld [smem:$0x3FA3]  }
0x2d: {  	s3 =	simm.s32 $0x108;
	s8 =	sld [smem:$0x3FA4]  }
0x2e: {  	s3 =	simm.s32 @!p0 $0x1082;
	s9 =	sld [smem:$0x3FA5]  }
0x2f: {  	lr =	sadd.s32 s0, s3;
	s0 =	sld [smem:$0x3F9C]  }
0x30: {  	s3 =	sld [smem:$0x3F9F]  }
0x31: {  	[smem:$0x3FA8] =	sst s10  }
0x32: {  	s10 =	sld [smem:$0x3FA6];
	_ =	sdelay $0x3  }
0x33: {  	p0 =	seq.s32 s10, $0x1;
	s10 =	sld [smem:$0x3FA8];
	_ =	sdelay $0x3  }
0x34: {  	[smem:$0x3FA8] =	sst s10  }
0x35: {  	s10 =	sld [smem:$0x3FA7];
	_ =	sdelay $0x3  }
0x36: {  	p1 =	seq.s32 s10, $0x1;
	s10 =	sld [smem:$0x3FA8];
	_ =	sdelay $0x3  }
0x37: {  	[smem:$0x3FA8] =	sst s10  }
0x38: {  	s10 =	sld [smem:$0x3FA9]  }
0x39: {  	_ = 	snop;
	(pc) =	sbr.ind lr, $3  }
0x3a: {  	_ = 	snop  }
0x3b: {  	_ = 	snop  }
0x3c: {  	p2 =	seq.s32 s10, $0x1;
	s10 =	sld [smem:$0x3FA8]  }
0x3d: {  	_ =	shalt  }
0x3e: {  	_ =	shalt  }
0x3f: {  	_ =	shalt  }
0x40: {  	_ =	shalt  }
0x41: {  	_ =	shalt  }
0x42: {  	_ =	shalt  }
0x43: {  	_ =	shalt  }
0x44: {  	_ =	shalt  }
0x45: {  	_ =	shalt  }
0x46: {  	_ =	shalt  }
0x47: {  	_ =	shalt  }
0x48: {  	_ =	shalt  }
0x49: {  	_ =	shalt  }
0x4a: {  	_ =	shalt  }
0x4b: {  	_ =	shalt  }
0x4c: {  	_ =	shalt  }
0x4d: {  	_ =	shalt  }
0x4e: {  	_ =	shalt  }
0x4f: {  	_ =	shalt  }
0x50: {  	_ =	shalt  }
0x51: {  	_ =	shalt  }
0x52: {  	_ =	shalt  }
0x53: {  	_ =	shalt  }
0x54: {  	_ =	shalt  }
0x55: {  	_ =	shalt  }
0x56: {  	_ =	shalt  }
0x57: {  	_ =	shalt  }
0x58: {  	_ =	shalt  }
0x59: {  	_ =	shalt  }
0x5a: {  	_ =	shalt  }
0x5b: {  	_ =	shalt  }
0x5c: {  	_ =	shalt  }
0x5d: {  	_ =	shalt  }
0x5e: {  	_ =	shalt  }
0x5f: {  	_ =	shalt  }
0x60: {  	_ =	shalt  }
0x61: {  	_ =	shalt  }
0x62: {  	_ =	shalt  }
0x63: {  	_ =	shalt  }
0x64: {  	_ =	shalt  }
0x65: {  	_ =	shalt  }
0x66: {  	_ =	shalt  }
0x67: {  	_ =	shalt  }
0x68: {  	_ =	shalt  }
0x69: {  	_ =	shalt  }
0x6a: {  	_ =	shalt  }
0x6b: {  	_ =	shalt  }
0x6c: {  	_ =	shalt  }
0x6d: {  	_ =	shalt  }
0x6e: {  	_ =	shalt  }
0x6f: {  	_ =	shalt  }
0x70: {  	_ =	shalt  }
0x71: {  	_ =	shalt  }
0x72: {  	_ =	shalt  }
0x73: {  	_ =	shalt  }
0x74: {  	_ =	shalt  }
0x75: {  	_ =	shalt  }
0x76: {  	_ =	shalt  }
0x77: {  	_ =	shalt  }
0x78: {  	_ =	shalt  }
0x79: {  	_ =	shalt  }
0x7a: {  	_ =	shalt  }
0x7b: {  	_ =	shalt  }
0x7c: {  	_ =	shalt  }
0x7d: {  	_ =	shalt  }
0x7e: {  	_ =	shalt  }
0x7f: {  	_ =	shalt  }
0x80: {  	_ =	shalt  }
0x81: {  	_ =	shalt  }
0x82: {  	_ =	shalt  }
0x83: {  	_ =	shalt  }
0x84: {  	_ =	shalt  }
0x85: {  	_ =	shalt  }
0x86: {  	_ =	shalt  }
0x87: {  	_ =	shalt  }
.Lfunc_end0:
.L_simem_size_0:
called_computation.5_lowered:
.L_overlay_start_0:
0x88: {  	s2 =	sld [smem:$0x3FD9]  }
0x89: {  	s3 =	sld [smem:$0x3FFE];
	_ =	sdelay $0x1  }
0x8a: {  	s1 =	srdreg.scid  }
0x8b: {  	s0 =	sand.u32 $0x1, s1  }
0x8c: {  	s16 =	sshll.u32 s0, $0xA;
	s2 =	sadd.s32 s3, s2  }
0x8d: {  	s2 =	sadd.s32 s2, s16  }
0x8e: {  	[smem:$0x3FB4] =	sst s2  }
0x8f: {  	_ = 	snop  }
0x90: {  	(tm) =	ssettm $0x1  }
0x91: {  	s17 =	sld [smem:$0x3FFB];
	_ =	sdelay $0x3  }
0x92: {  	_ =	strace s17  }
0x93: {  	s2 =	sld [smem:$0x3FFC];
	_ =	sdelay $0x3  }
0x94: {  	_ =	strace s2  }
0x95: {  	s2 =	sld [smem:$0x3FFD];
	_ =	sdelay $0x3  }
0x96: {  	_ =	strace s2  }
0x97: {  	_ =	strace $0x8FFFFFFF  }
0x98: {  	s18 =	sld [smem:$0x3FDB];
	_ =	sdelay $0x1  }
0x99: {  	s19 =	simm.s32 $_scs_section_size  }
0x9a: {  	s4 =	simm.s32 $_size__tile_overlayer_lowered;
	s5 =	simm.s32 $_tile_overlayer_lowered  }
0x9b: {  	s22 =	simm.s32 $0x1BFF;
	s21 =	sshll.u32 s5, $0x1;
	s2 =	sadd.s32 s19, s18  }
0x9c: {  	s6 =	simm.s32 $0x0;
	s20 =	sshll.u32 s4, $0x1;
	s4 =	sadd.s32 s21, s2  }
0x9d: {  	[timem:s6], [sflag:s22] =	dma.local [hbm:s4], s20  }
0x9e: {  	_ =	swait.ge [sflag:s22], s20  }
0x9f: {  	s3 =	ssub.s32 $0x0, s20;
	[sflag:s22] =	ssyncset.done $0x0  }
0xa0: {  	[sflag:s22] =	ssyncadd.s32 s3;
	_ =	sdelay $0x1  }
0xa1: {  	s23 =	simm.s32 $0x1B8B  }
0xa2: {  	_ =	swait.ge [sflag:s23], $0x1  }
0xa3: {  	[sflag:s23] =	ssyncset.done $0x0  }
0xa4: {  	s25 =	simm.s32 $0x1B8E;
	s24 =	sld [smem:$0x3FFE];
	[sflag:s23] =	ssyncadd.s32 $0xFFFFFFFF  }
0xa5: {  	s26 =	simm.s32 $execute0_lowered;
	[smem:$0x3FD2] =	sst s25  }
0xa6: {  	s4 =	sshll.u32 s26, $0x1;
	_ =	strace $0x80000055;
	[dreg:$0x1] =	wrdreg $0xFFFFFFFF  }
0xa7: {  	s28 =	simm.s32 $_size_execute0_lowered;
	s2 =	sadd.s32 s2, s4;
	[dreg:$0x0] =	wrdreg $0x0  }
0xa8: {  	s4 =	sshll.u32 s28, $0x1;
	[dreg:$0x2] =	wrdreg s2  }
0xa9: {  	[dreg:$0x3] =	wrdreg s4  }
0xaa: {  	[dreg:$0x4] =	wrdreg $0xC0  }
0xab: {  	_ =	task [dreg:s6], $0x5FFFF  }
0xac: {  	[dreg:$0x1] =	wrdreg $0xFFFFFFFF  }
0xad: {  	[dreg:$0x0] =	wrdreg $0x60  }
0xae: {  	[dreg:$0x2] =	wrdreg s24  }
0xaf: {  	[dreg:$0x3] =	wrdreg $0x60000  }
0xb0: {  	[dreg:$0x4] =	wrdreg $0x9  }
0xb1: {  	_ =	task.clear_ibuf [dreg:s6], $0x5FFFF;
	_ =	strace $0x90000055  }
0xb2: {  	s29 =	simm.s32 $0x9;
	_ =	strace $0x80000057  }
0xb3: {  	_ =	swait.ge [sflag:s29], $0x1  }
0xb4: {  	[sflag:s29] =	ssyncadd.s32 $0xFFFFFFFF  }
0xb5: {  	_ =	strace $0x90000057  }
0xb6: {  	_ =	sfence  }
0xb7: {  	s30 =	sld [smem:$0x0];
	_ =	sdelay $0x2  }
0xb8: {  	s31 =	sshll.u32 s1, $0xD;
	s1 =	sshrl.u32 s1, $0x2  }
0xb9: {  	s3 =	sand.u32 $0x4000, s31;
	s1 =	sadd.s32 s1, s30  }
0xba: {  	s0 =	sor.u32 s3, s0;
	s1 =	sshll.u32 s1, $0x11  }
0xbb: {  	s0 =	sor.u32 s1, s0  }
0xbc: {  	s0 =	sadd.s32 $0x8F2B, s0  }
0xbd: {  	[sflag:s0] =	ssyncadd.remote.s32 $0x1  }
0xbe: {  	_ =	sfence.sel $0xFFFF  }
0xbf: {  	[dreg:$0x0] =	wrdreg $0xFFFFFFFF;
	(pc) =	sbr.abs _section_cstart, $3  }
0xc0: {  	[dreg:$0x1] =	wrdreg $0xFFFFFFFF  }
0xc1: {  	_ =	task.clear_ibuf [dreg:s6], $0x2FFFF;
	_ =	strace $0x9FFFFFFF  }
0xc2: {  	(tm) =	ssettm $0x7FFFFFFF  }
0xc3: {  	_ =	shalt  }
tec
execute0_lowered:
.L_overlay_start_1:
0x0: {  	(tag) =	ssettag $0x1  }
0x1: {  	s1 =	srdreg.scid;
	s6 =	rddreg [dreg:$0x0]  }
0x2: {  	s0 =	stileid.u32;
	s2 =	rddreg [dreg:$0x1];
	s3 =	simm.s32 $0x0  }
0x3: {  	s14 =	simm.s32 $0x80;
	s15 =	simm.s32 $0x5000;
	s16 =	simm.s32 $0x5800  }
0x4: {  	s17 =	simm.s32 $0x1;
	s18 =	simm.s32 $0x2;
	s19 =	simm.s32 $0x2780  }
0x5: {  	s20 =	simm.s32 $0x4F00;
	s21 =	simm.s32 $0x4F80;
	s22 =	simm.s32 $0x0  }
0x6: {  	s5 =	sand.u32 $0x1, s1;
	s26 =	sshll.u32 s0, $0x1;
	s8 =	smul.u32 $0x2800, s0  }
0x7: {  	[smem:$0x7FF] =	sst s3;
	s4 =	sadd.s32 $0xE200, s6;
	s31 =	sshll.u32 s0, $0x6  }
0x8: {  	s1 =	sor.u32 s5, s26;
	s9 =	smul.u32 $0x28000, s5;
	s5 =	ssub.s32 $0x2, s5  }
0x9: {  	s7 =	smul.u32 $0x500, s1;
	s1 =	rddreg [dreg:$0x2];
	_ =	strace $0x80000056  }
0xa: {  	s29 =	sshrl.u32 s8, $0x3;
	s30 =	sshrl.u32 s5, $0x1;
	s13 =	sadd.s32 s8, s2  }
0xb: {  	s28 =	sadd.s32 s8, s9;
	s9 =	sadd.s32 s29, s6;
	s12 =	ssub.s32 s5, s30  }
0xc: {  	s10 =	sadd.s32 s7, s6;
	s7 =	sshrl.u32 s28, $0x3;
	s5 =	sadd.s32 $0x13200, s9  }
0xd: {  	s11 =	sadd.s32 s7, s6;
	s6 =	sor.u32 $0x1C03, s31;
	s7 =	sadd.s32 $0x22200, s10  }
0xe: {  	s8 =	sadd.s32 $0x4200, s10;
	s10 =	smax.u32 s12, $0x1;
	s12 =	simm.s32 $0x3  }
0xf: {  	s9 =	sadd.s32 $0x18200, s11;
	s11 =	sshrl.u32 s13, $0x3;
	s13 =	simm.s32 $0x2800  }
.LBB2_1:
0x10: {  	[spmem:s11], [sflag:s6] =	dma.local [hbm:s5], $0x500  }
0x11: {  	_ =	swait.ge [sflag:s12], $0x500  }
0x12: {  	[sflag:s12] =	ssyncset.done $0x0  }
0x13: {  	[sflag:s12] =	ssyncadd.s32 $0xFFFFFB00  }
0x14: {  	[bflag:$0x0] =	sbarrier.arrive $0xFFFF  }
0x15: {  	[tilespmem:s3], [sflag:$0x3] =	stream.linear.gather [hbm4b:s7+s3], $0x2800, $0x38;
	[tilespmem:$0x8800] =	vst v63  }
0x16: {  	_ =	swait.ge [sflag:s12], $0x2800  }
0x17: {  	[sflag:s12] =	ssyncset.done $0x0  }
0x18: {  	[sflag:s12] =	ssyncadd.s32 $0xFFFFD800  }
0x19: {  	[tilespmem:s13], [sflag:$0x3] =	stream.linear.gather [hbm4b:s8+s3], $0x2800, $0x38;
	[tilespmem:$0x8800] =	vst v63  }
0x1a: {  	_ =	swait.ge [sflag:s12], $0x2800  }
0x1b: {  	[sflag:s12] =	ssyncset.done $0x0  }
0x1c: {  	[sflag:s12] =	ssyncadd.s32 $0xFFFFD800  }
0x1d: {  	[tilespmem:s15], [sflag:$0x1] =	stream.indirect.gather [hbm4b:s4+s14], $0x10, s3, s14, $0xb8;
	[tilespmem:$0x8800] =	vst v63  }
0x1e: {  	s23 =	simm.s32 $0x80  }
0x1f: {  	[tilespmem:s16], [sflag:$0x2] =	stream.indirect.gather [hbm4b:s4+s14], $0x10, s23, s14, $0xb8;
	[tilespmem:$0x8800] =	vst v63  }
0x20: {  	_ =	swait.ge [sflag:s17], $0x800  }
0x21: {  	[sflag:s17] =	ssyncset.done $0x0  }
0x22: {  	s29 =	simm.s32 $0x2800;
	[sflag:s17] =	ssyncadd.s32 $0xFFFFF800  }
0x23: {  	[spmem:s2] =	stream.indirect.scatter.add.f32 [tilespmem:s15], [sflag:$0x3], $0x10, s29, s14, $0xb8;
	[tilespmem:$0x8800] =	vst v63  }
0x24: {  	_ =	swait.ge [sflag:s12], $0x800  }
0x25: {  	[sflag:s12] =	ssyncset.done $0x0  }
0x26: {  	s30 =	simm.s32 $0x100;
	[sflag:s12] =	ssyncadd.s32 $0xFFFFF800  }
0x27: {  	[tilespmem:s15], [sflag:$0x1] =	stream.indirect.gather [hbm4b:s4+s14], $0x10, s30, s14, $0xb8;
	[tilespmem:$0x8800] =	vst v63  }
0x28: {  	_ =	swait.ge [sflag:s18], $0x800  }
0x29: {  	[sflag:s18] =	ssyncset.done $0x0  }
0x2a: {  	s31 =	simm.s32 $0x2880;
	[sflag:s18] =	ssyncadd.s32 $0xFFFFF800  }
0x2b: {  	[spmem:s2] =	stream.indirect.scatter.add.f32 [tilespmem:s16], [sflag:$0x3], $0x10, s31, s14, $0xb8;
	[tilespmem:$0x8800] =	vst v63  }
0x2c: {  	_ =	swait.ge [sflag:s12], $0x800  }
0x2d: {  	s24 =	simm.s32 $0x800;
	s23 =	simm.s32 $0x100;
	[sflag:s12] =	ssyncset.done $0x0  }
.LBB2_2:
0x2e: {  	s25 =	sadd.s32 $0x80, s23  }
0x2f: {  	[sflag:s12] =	ssyncadd.s32 $0xFFFFF800;
	s26 =	smov.u32 s24;
	s28 =	sadd.s32 $0x400, s24  }
0x30: {  	[tilespmem:s16], [sflag:$0x2] =	stream.indirect.gather [hbm4b:s4+s14], $0x10, s25, s14, $0xb8;
	[tilespmem:$0x8800] =	vst v63  }
0x31: {  	p0 =	sne.s32 s24, $0x9800;
	_ =	swait.ge [sflag:s17], $0x800  }
0x32: {  	[sflag:s17] =	ssyncset.done $0x0  }
0x33: {  	s24 =	sadd.s32 $0x2800, s23;
	[sflag:s17] =	ssyncadd.s32 $0xFFFFF800  }
0x34: {  	[spmem:s2] =	stream.indirect.scatter.add.f32 [tilespmem:s15], [sflag:$0x3], $0x10, s24, s14, $0xb8;
	[tilespmem:$0x8800] =	vst v63  }
0x35: {  	_ =	swait.ge [sflag:s12], $0x800  }
0x36: {  	[sflag:s12] =	ssyncset.done $0x0  }
0x37: {  	s24 =	sadd.s32 $0x100, s23;
	[sflag:s12] =	ssyncadd.s32 $0xFFFFF800  }
0x38: {  	[tilespmem:s15], [sflag:$0x1] =	stream.indirect.gather [hbm4b:s4+s14], $0x10, s24, s14, $0xb8;
	[tilespmem:$0x8800] =	vst v63  }
0x39: {  	_ =	swait.ge [sflag:s18], $0x800  }
.Ltmp0:
0x3a: {  	[sflag:s18] =	ssyncset.done $0x0;
	(pc) =	sbr.rel @p0 .LBB2_2-.Ltmp0, $4  }
0x3b: {  	s23 =	sadd.s32 $0x2880, s23;
	[sflag:s18] =	ssyncadd.s32 $0xFFFFF800  }
0x3c: {  	[spmem:s2] =	stream.indirect.scatter.add.f32 [tilespmem:s16], [sflag:$0x3], $0x10, s23, s14, $0xb8;
	[tilespmem:$0x8800] =	vst v63  }
0x3d: {  	_ =	swait.ge [sflag:s12], $0x800  }
0x3e: {  	s24 =	smov.u32 s28;
	s23 =	sshra.s32 s26, $0x2;
	[sflag:s12] =	ssyncset.done $0x0  }
0x3f: {  	s24 =	sadd.s32 $0x80, s23;
	[sflag:s12] =	ssyncadd.s32 $0xFFFFF800  }
0x40: {  	[tilespmem:s16], [sflag:$0x2] =	stream.indirect.gather [hbm4b:s4+s14], $0x10, s24, s14, $0xb8;
	[tilespmem:$0x8800] =	vst v63  }
0x41: {  	_ =	swait.ge [sflag:s17], $0x800  }
0x42: {  	[sflag:s17] =	ssyncset.done $0x0  }
0x43: {  	s29 =	sadd.s32 $0x2800, s23;
	[sflag:s17] =	ssyncadd.s32 $0xFFFFF800  }
0x44: {  	[spmem:s2] =	stream.indirect.scatter.add.f32 [tilespmem:s15], [sflag:$0x3], $0x10, s29, s14, $0xb8;
	[tilespmem:$0x8800] =	vst v63  }
0x45: {  	_ =	swait.ge [sflag:s12], $0x800  }
0x46: {  	[sflag:s12] =	ssyncset.done $0x0  }
0x47: {  	s30 =	sadd.s32 $0x100, s23;
	[sflag:s12] =	ssyncadd.s32 $0xFFFFF800  }
0x48: {  	[tilespmem:s15], [sflag:$0x1] =	stream.indirect.gather [hbm4b:s4+s14], $0x10, s30, s14, $0xb8;
	[tilespmem:$0x8800] =	vst v63  }
0x49: {  	_ =	swait.ge [sflag:s18], $0x800  }
0x4a: {  	[sflag:s18] =	ssyncset.done $0x0  }
0x4b: {  	s31 =	sadd.s32 $0x2880, s23;
	[sflag:s18] =	ssyncadd.s32 $0xFFFFF800  }
0x4c: {  	[spmem:s2] =	stream.indirect.scatter.add.f32 [tilespmem:s16], [sflag:$0x3], $0x10, s31, s14, $0xb8;
	[tilespmem:$0x8800] =	vst v63  }
0x4d: {  	_ =	swait.ge [sflag:s12], $0x800  }
0x4e: {  	[sflag:s12] =	ssyncset.done $0x0  }
0x4f: {  	[sflag:s12] =	ssyncadd.s32 $0xFFFFF800  }
0x50: {  	[tilespmem:s16], [sflag:$0x2] =	stream.indirect.gather [hbm4b:s4+s14], $0x10, s19, s14, $0xb8;
	[tilespmem:$0x8800] =	vst v63  }
0x51: {  	_ =	swait.ge [sflag:s17], $0x800  }
0x52: {  	[sflag:s17] =	ssyncset.done $0x0  }
0x53: {  	[sflag:s17] =	ssyncadd.s32 $0xFFFFF800  }
0x54: {  	[spmem:s2] =	stream.indirect.scatter.add.f32 [tilespmem:s15], [sflag:$0x3], $0x10, s20, s14, $0xb8;
	[tilespmem:$0x8800] =	vst v63  }
0x55: {  	_ =	swait.ge [sflag:s12], $0x800  }
0x56: {  	[sflag:s12] =	ssyncset.done $0x0  }
0x57: {  	[sflag:s12] =	ssyncadd.s32 $0xFFFFF800  }
0x58: {  	_ =	swait.ge [sflag:s18], $0x800  }
0x59: {  	[sflag:s18] =	ssyncset.done $0x0  }
0x5a: {  	[sflag:s18] =	ssyncadd.s32 $0xFFFFF800  }
0x5b: {  	[spmem:s2] =	stream.indirect.scatter.add.f32 [tilespmem:s16], [sflag:$0x3], $0x10, s21, s14, $0xb8;
	[tilespmem:$0x8800] =	vst v63  }
0x5c: {  	_ =	swait.ge [sflag:s12], $0x800  }
0x5d: {  	s22 =	sadd.s32 $0x1, s22;
	[sflag:s12] =	ssyncset.done $0x0  }
0x5e: {  	p0 =	sne.s32 s22, s10;
	[sflag:s12] =	ssyncadd.s32 $0xFFFFF800  }
.Ltmp1:
0x5f: {  	[bflag:$0x0] =	sbarrier.arrive $0xFFFF;
	(pc) =	sbr.rel @p0 .LBB2_1-.Ltmp1, $4  }
0x60: {  	[hbm:s9], [sflag:s6] =	dma.local [spmem:s11], $0x500  }
0x61: {  	_ =	swait.ge [sflag:s12], $0x500  }
0x62: {  	[sflag:s12] =	ssyncset.done $0x0  }
0x63: {  	[sflag:s12] =	ssyncadd.s32 $0xFFFFFB00  }
0x64: {  	_ =	sfence.sel $0x180000  }
0x65: {  	[bflag:$0x0] =	sbarrier.arrive $0xFFFF  }
0x66: {  	p0 =	sne.s32 s0, $0x0;
	_ =	strace $0x90000056  }
0x67: {  	s0 =	sadd.s32 @!p0 $0x100000, s1;
	[bflag:$0x2] =	sbarrier.arrive $0xFFFF  }
0x68: {  	[sflag:s0] =	ssyncadd.tile.s32 @!p0 $0x1;
	_ =	shalt  }
.Lfunc_end2:
_tile_overlayer_lowered:
.L_overlay_start_2:
0x69: {  	(tag) =	ssettag $0x2  }
0x6a: {  	s0 =	rddreg [dreg:$0x0];
	s2 =	stileid.u32  }
0x6b: {  	s1 =	rddreg [dreg:$0x1];
	p0 =	sne.s32 s2, $0x0  }
0x6c: {  	s3 =	rddreg [dreg:$0x2];
	[bflag:$0x3] =	sbarrier.arrive $0xFFFF;
	s2 =	simm.s32 @!p0 $0x1C03  }
0x6d: {  	[timem:s3], [sflag:s2] =	dma.local @!p0 [hbm:s0], s1  }
0x6e: {  	s0 =	simm.s32 @!p0 $0x3  }
0x6f: {  	_ =	swait.ge @!p0 [sflag:s0], s1  }
0x70: {  	s1 =	ssub.s32 @!p0 $0x0, s1;
	[sflag:s0] =	ssyncset.done @!p0 $0x0  }
0x71: {  	[sflag:s0] =	ssyncadd.s32 @!p0 s1  }
0x72: {  	[bflag:$0x3] =	sbarrier.arrive $0xFFFF  }
0x73: {  	_ =	shalt  }

</sc_bundles>
